<compile_context>
chip_gen: v7x
topology: tpu7x:2x2x1
jax: 0.10.2.dev20260603
libtpu: 0.0.44.dev20260713+nightly
codegen_flags: <defaults>
</compile_context>

<pallas_src>
import functools

import jax
import jax.numpy as jnp
from jax import lax
from jax.experimental import pallas as pl
from jax.experimental.pallas import tpu as pltpu
from jax.experimental.pallas import tpu_sc as plsc

N_T = 10000
NP = 10240
NA = 10112
H = 128
L = 20
E = 160000
NW = 32
CH = 128
TOK = NP * L
GCH = TOK // NW // CH
GNB = 5
EP_T = 10112
EPAD = 16 * EP_T
ECH = EP_T // CH
RPT = NA // 16
TRASH = N_T
BB = 1024
BD = 1000
F32 = jnp.float32


def _mesh():
    return plsc.VectorSubcoreMesh(core_axis_name="c", subcore_axis_name="s")


def _sc_gather(table, idx3):

    @functools.partial(
        pl.kernel,
        mesh=_mesh(),
        out_type=jax.ShapeDtypeStruct((TOK, H), F32),
        scratch_types=(
            [pltpu.VMEM((GCH, CH), jnp.int32)]
            + [pltpu.VMEM((CH, H), F32) for _ in range(GNB)]
            + [pltpu.SemaphoreType.DMA for _ in range(GNB)]
        ),
    )
    def k(table_hbm, idx_hbm, out_hbm, idx_v, *rest):
        rows = rest[:GNB]
        sems = rest[GNB:]
        wid = lax.axis_index("s") * 2 + lax.axis_index("c")
        pltpu.sync_copy(idx_hbm.at[wid], idx_v)
        base = wid * (GCH * CH)

        for b in range(GNB):
            pltpu.async_copy(table_hbm.at[idx_v.at[b]], rows[b], sems[b])

        def outer(o, _):
            for b in range(GNB):
                c = o * GNB + b
                pltpu.make_async_copy(
                    table_hbm.at[pl.ds(0, CH)], rows[b], sems[b]).wait()
                pltpu.sync_copy(rows[b], out_hbm.at[pl.ds(base + c * CH, CH)])
                pltpu.async_copy(table_hbm.at[idx_v.at[c + GNB]], rows[b],
                                 sems[b])
            return 0

        lax.fori_loop(0, GCH // GNB - 1, outer, 0)
        for b in range(GNB):
            c = GCH - GNB + b
            pltpu.make_async_copy(
                table_hbm.at[pl.ds(0, CH)], rows[b], sems[b]).wait()
            pltpu.sync_copy(rows[b], out_hbm.at[pl.ds(base + c * CH, CH)])

    return k(table, idx3)


def _sc_segsum(x, enc3, z128):

    @functools.partial(
        pl.kernel,
        mesh=_mesh(),
        out_type=jax.ShapeDtypeStruct((2, NA, H), F32),
        scratch_types=[
            pltpu.VMEM((ECH, CH), jnp.int32),
            pltpu.VMEM((2, CH), jnp.int32),
            pltpu.VMEM((2, CH), jnp.int32),
            pltpu.VMEM((CH, H), F32),
            pltpu.VMEM((CH, H), F32),
            pltpu.SemaphoreType.DMA,
            pltpu.SemaphoreType.DMA,
            pltpu.VMEM_SHARED((NA, H), F32),
        ],
    )
    def k(x_hbm, enc_hbm, z_hbm, agg_hbm, enc_v, src_v, dst_v, rows0, rows1,
          sem0, sem1, acc):
        rows = (rows0, rows1)
        sems = (sem0, sem1)
        ci = lax.axis_index("c")
        sid = lax.axis_index("s")
        pltpu.sync_copy(z_hbm, acc.at[pl.ds(sid * RPT, RPT)])
        pltpu.sync_copy(enc_hbm.at[sid], enc_v)
        plsc.subcore_barrier()

        def decode(c, s):
            def d16(j, _):
                o = j * 16
                e16 = enc_v[c, pl.ds(o, 16)]
                src_v[s, pl.ds(o, 16)] = e16 & 16383
                d = (e16 >> 14) & 16383
                dst_v[s, pl.ds(o, 16)] = jnp.where((e16 >> 28) == ci, d,
                                                   TRASH)
                return 0

            lax.fori_loop(0, CH // 16, d16, 0)

        def issue(s):
            pltpu.async_copy(x_hbm.at[src_v.at[s]], rows[s], sems[s])

        def wait(s):
            pltpu.make_async_copy(
                x_hbm.at[pl.ds(0, CH)], rows[s], sems[s]).wait()

        def scatter(s):
            pltpu.sync_copy(rows[s], acc.at[dst_v.at[s]], add=True)

        decode(0, 0)
        issue(0)

        def pair(p, _):
            c0 = 2 * p
            decode(c0 + 1, 1)
            issue(1)
            wait(0)
            scatter(0)
            decode(c0 + 2, 0)
            issue(0)
            wait(1)
            scatter(1)
            return 0

        lax.fori_loop(0, (ECH - 1) // 2, pair, 0)
        wait(0)
        scatter(0)

        plsc.subcore_barrier()
        sl = pl.ds(sid * RPT, RPT)
        pltpu.sync_copy(acc.at[sl], agg_hbm.at[ci, sl])

    return k(x, enc3, z128)


def _sc_counts(enc3, z128, o128):

    @functools.partial(
        pl.kernel,
        mesh=_mesh(),
        out_type=jax.ShapeDtypeStruct((2, NA, H), F32),
        scratch_types=[
            pltpu.VMEM((ECH, CH), jnp.int32),
            pltpu.VMEM((ECH, CH), jnp.int32),
            pltpu.VMEM((CH, H), F32),
            pltpu.SemaphoreType.DMA,
            pltpu.VMEM_SHARED((NA, H), F32),
        ],
    )
    def k(enc_hbm, z_hbm, o_hbm, cnt_hbm, enc_v, dst_v, ones_v, sem, cacc):
        ci = lax.axis_index("c")
        sid = lax.axis_index("s")
        pltpu.sync_copy(z_hbm, cacc.at[pl.ds(sid * RPT, RPT)])
        pltpu.sync_copy(o_hbm, ones_v)
        pltpu.sync_copy(enc_hbm.at[sid], enc_v)

        def fix_row(r, _):
            def fix16(j, _):
                o = j * 16
                e16 = enc_v[r, pl.ds(o, 16)]
                d16 = (e16 >> 14) & 16383
                t16 = e16 >> 28
                dst_v[r, pl.ds(o, 16)] = jnp.where(t16 == ci, d16,
                                                   TRASH + (e16 & 63))
                return 0

            lax.fori_loop(0, CH // 16, fix16, 0)
            return 0

        lax.fori_loop(0, ECH, fix_row, 0)
        plsc.subcore_barrier()

        def chunk(i, _):
            pltpu.sync_copy(ones_v, cacc.at[dst_v.at[i]], add=True)
            return 0

        lax.fori_loop(0, ECH, chunk, 0)
        plsc.subcore_barrier()
        sl = pl.ds(sid * RPT, RPT)
        pltpu.sync_copy(cacc.at[sl], cnt_hbm.at[ci, sl])

    return k(enc3, z128, o128)


def _lstm(x, lens_b, wih_t, whh_t, bias2):

    def body(x_ref, len_ref, wi_ref, wh_ref, b_ref, out_ref):
        h = jnp.zeros((BB, H), F32)
        c = jnp.zeros((BB, H), F32)
        hl = jnp.zeros((BB, H), F32)
        lens = len_ref[:]
        wi = wi_ref[:]
        wh = wh_ref[:]
        b = b_ref[:]
        for t in range(L):
            xt = x_ref[:, t * H:(t + 1) * H]
            g = (jnp.dot(xt, wi, preferred_element_type=F32)
                 + jnp.dot(h, wh, preferred_element_type=F32) + b)
            i_g = jax.nn.sigmoid(g[:, 0:H])
            f_g = jax.nn.sigmoid(g[:, H:2 * H])
            g_g = jnp.tanh(g[:, 2 * H:3 * H])
            o_g = jax.nn.sigmoid(g[:, 3 * H:4 * H])
            c = f_g * c + i_g * g_g
            h = o_g * jnp.tanh(c)
            hl = jnp.where(lens == t + 1, h, hl)
        out_ref[:] = hl

    return pl.pallas_call(
        body,
        grid=(NP // BB,),
        in_specs=[
            pl.BlockSpec((BB, L * H), lambda i: (i, 0)),
            pl.BlockSpec((BB, H), lambda i: (i, 0)),
            pl.BlockSpec((H, 4 * H), lambda i: (0, 0)),
            pl.BlockSpec((H, 4 * H), lambda i: (0, 0)),
            pl.BlockSpec((1, 4 * H), lambda i: (0, 0)),
        ],
        out_specs=pl.BlockSpec((BB, H), lambda i: (i, 0)),
        out_shape=jax.ShapeDtypeStruct((NP, H), F32),
    )(x, lens_b, wih_t, whh_t, bias2)


def _dense1(a0, a1, c0, c1, x, w0, w1, wroot, bias):

    def body(a0r, a1r, c0r, c1r, xr, w0r, w1r, wrr, br, outr):
        m0 = a0r[:] / jnp.maximum(c0r[:, 0:1], 1.0)
        m1 = a1r[:] / jnp.maximum(c1r[:, 0:1], 1.0)
        outr[:] = (jnp.dot(m0, w0r[:], preferred_element_type=F32)
                   + jnp.dot(m1, w1r[:], preferred_element_type=F32)
                   + jnp.dot(xr[:], wrr[:], preferred_element_type=F32)
                   + br[:])

    return pl.pallas_call(
        body,
        grid=(N_T // BD,),
        in_specs=[
            pl.BlockSpec((BD, H), lambda i: (i, 0)),
            pl.BlockSpec((BD, H), lambda i: (i, 0)),
            pl.BlockSpec((BD, H), lambda i: (i, 0)),
            pl.BlockSpec((BD, H), lambda i: (i, 0)),
            pl.BlockSpec((BD, H), lambda i: (i, 0)),
            pl.BlockSpec((H, H), lambda i: (0, 0)),
            pl.BlockSpec((H, H), lambda i: (0, 0)),
            pl.BlockSpec((H, H), lambda i: (0, 0)),
            pl.BlockSpec((1, H), lambda i: (0, 0)),
        ],
        out_specs=pl.BlockSpec((BD, H), lambda i: (i, 0)),
        out_shape=jax.ShapeDtypeStruct((N_T, H), F32),
    )(a0, a1, c0, c1, x, w0, w1, wroot, bias)


def _final(a0, a1, c0, c1, t1, seq, w0, w1, wroot, bias, wpa, wpb, bp, n_users):

    def body(a0r, a1r, c0r, c1r, t1r, seqr, w0r, w1r, wrr, br, wpar, wpbr, bpr,
             outr):
        m0 = a0r[:] / jnp.maximum(c0r[:, 0:1], 1.0)
        m1 = a1r[:] / jnp.maximum(c1r[:, 0:1], 1.0)
        t2 = (jnp.dot(m0, w0r[:], preferred_element_type=F32)
              + jnp.dot(m1, w1r[:], preferred_element_type=F32)
              + jnp.dot(t1r[:], wrr[:], preferred_element_type=F32)
              + br[:])
        outr[:] = (jnp.dot(t2, wpar[:], preferred_element_type=F32)
                   + jnp.dot(seqr[:], wpbr[:], preferred_element_type=F32)
                   + bpr[:])

    return pl.pallas_call(
        body,
        grid=(N_T // BD,),
        in_specs=[
            pl.BlockSpec((BD, H), lambda i: (i, 0)),
            pl.BlockSpec((BD, H), lambda i: (i, 0)),
            pl.BlockSpec((BD, H), lambda i: (i, 0)),
            pl.BlockSpec((BD, H), lambda i: (i, 0)),
            pl.BlockSpec((BD, H), lambda i: (i, 0)),
            pl.BlockSpec((BD, H), lambda i: (i, 0)),
            pl.BlockSpec((H, H), lambda i: (0, 0)),
            pl.BlockSpec((H, H), lambda i: (0, 0)),
            pl.BlockSpec((H, H), lambda i: (0, 0)),
            pl.BlockSpec((1, H), lambda i: (0, 0)),
            pl.BlockSpec((H, n_users), lambda i: (0, 0)),
            pl.BlockSpec((H, n_users), lambda i: (0, 0)),
            pl.BlockSpec((1, n_users), lambda i: (0, 0)),
        ],
        out_specs=pl.BlockSpec((BD, n_users), lambda i: (i, 0)),
        out_shape=jax.ShapeDtypeStruct((N_T, n_users), F32),
    )(a0, a1, c0, c1, t1, seq, w0, w1, wroot, bias, wpa, wpb, bp)


def kernel(padded_trajs, trajs_len, edge_index, edge_type, loc_emb, traj_emb,
           W_ih, W_hh, b_ih, b_hh, r1_Wrel, r1_Wroot, r1_b,
           r2_Wrel, r2_Wroot, r2_b, W_pred, b_pred):
    padded_trajs = padded_trajs.astype(jnp.int32)
    trajs_len = trajs_len.astype(jnp.int32)
    edge_index = edge_index.astype(jnp.int32)
    edge_type = edge_type.astype(jnp.int32)
    n_users = W_pred.shape[0]

    tok = jnp.pad(padded_trajs, ((0, NP - N_T), (0, 0)))
    idx3 = tok.reshape(NW, GCH, CH)
    xg = _sc_gather(loc_emb, idx3)
    xseq = xg.reshape(NP, L * H)
    lens_b = jnp.broadcast_to(
        jnp.pad(trajs_len, (0, NP - N_T), constant_values=1).reshape(NP, 1),
        (NP, H))
    seq = _lstm(xseq, lens_b, W_ih.T, W_hh.T, (b_ih + b_hh).reshape(1, -1))

    src = jnp.pad(edge_index[0], (0, EPAD - E))
    dst = jnp.pad(edge_index[1], (0, EPAD - E))
    typ = jnp.pad(edge_type, (0, EPAD - E), constant_values=3)
    enc3 = (src | (dst << 14) | (typ << 28)).reshape(16, ECH, CH)
    z128 = jnp.zeros((RPT, H), F32)
    o128 = jnp.ones((CH, H), F32)

    cnt = _sc_counts(enc3, z128, o128)
    agg1 = _sc_segsum(traj_emb, enc3, z128)
    t1 = _dense1(agg1[0, :N_T], agg1[1, :N_T], cnt[0, :N_T], cnt[1, :N_T],
                 traj_emb, r1_Wrel[0], r1_Wrel[1], r1_Wroot,
                 r1_b.reshape(1, -1))
    agg2 = _sc_segsum(t1, enc3, z128)
    wp = W_pred.T
    logits = _final(agg2[0, :N_T], agg2[1, :N_T], cnt[0, :N_T], cnt[1, :N_T],
                    t1, seq[:N_T], r2_Wrel[0], r2_Wrel[1], r2_Wroot,
                    r2_b.reshape(1, -1), wp[:H], wp[H:],
                    b_pred.reshape(1, -1), n_users)
    return logits

# --- scband reference (transcript-rebuilt; emitter-appended) ---
"""Pipeline reference for scband-bi-lstmconcat-global-tul-46986942218297 (READ-ONLY COPY).

The authoritative reference and input builder live on the scoring server;
editing this copy changes nothing except your own understanding.
"""

import jax, jax.numpy as jnp
import numpy as np

N_TRAJS = 10000
H = 128
N_VOCABS = 100000
N_USERS = 1000
L = 20
E = 160000


def setup_inputs(seed: int = 0) -> dict:
    key = jax.random.key(seed)
    ks = jax.random.split(key, 16)
    s = 0.05
    inp = {}
    inp["padded_trajs"] = jax.random.randint(ks[0], (N_TRAJS, L), 0, N_VOCABS)
    inp["trajs_len"] = jax.random.randint(ks[1], (N_TRAJS,), 1, L + 1)
    inp["edge_index"] = jax.random.randint(ks[2], (2, E), 0, N_TRAJS)
    inp["edge_type"] = jax.random.randint(ks[3], (E,), 0, 2)
    inp["loc_emb"] = jax.random.normal(ks[4], (N_VOCABS, H), dtype=jnp.float32) * s
    inp["traj_emb"] = jax.random.normal(ks[5], (N_TRAJS, H), dtype=jnp.float32) * s
    inp["W_ih"] = jax.random.normal(ks[6], (4 * H, H), dtype=jnp.float32) * s
    inp["W_hh"] = jax.random.normal(ks[7], (4 * H, H), dtype=jnp.float32) * s
    inp["b_ih"] = jnp.zeros((4 * H,), dtype=jnp.float32)
    inp["b_hh"] = jnp.zeros((4 * H,), dtype=jnp.float32)
    inp["r1_Wrel"] = jax.random.normal(ks[8], (2, H, H), dtype=jnp.float32) * s
    inp["r1_Wroot"] = jax.random.normal(ks[9], (H, H), dtype=jnp.float32) * s
    inp["r1_b"] = jnp.zeros((H,), dtype=jnp.float32)
    inp["r2_Wrel"] = jax.random.normal(ks[10], (2, H, H), dtype=jnp.float32) * s
    inp["r2_Wroot"] = jax.random.normal(ks[11], (H, H), dtype=jnp.float32) * s
    inp["r2_b"] = jnp.zeros((H,), dtype=jnp.float32)
    inp["W_pred"] = jax.random.normal(ks[12], (N_USERS, 2 * H), dtype=jnp.float32) * s
    inp["b_pred"] = jnp.zeros((N_USERS,), dtype=jnp.float32)
    return inp


def _lstm_last_hidden(x, lens, W_ih, W_hh, b_ih, b_hh):
    # Emulates nn.LSTM over pack_padded_sequence: h_n[b] is the hidden state at
    # timestep lens[b]-1 (states up to lens[b]-1 never depend on padding).
    B = x.shape[0]
    Hh = W_hh.shape[1]

    def step(carry, x_t):
        h, c = carry
        gates = x_t @ W_ih.T + h @ W_hh.T + b_ih + b_hh
        i, f, g, o = jnp.split(gates, 4, axis=-1)
        i = jax.nn.sigmoid(i)
        f = jax.nn.sigmoid(f)
        g = jnp.tanh(g)
        o = jax.nn.sigmoid(o)
        c = f * c + i * g
        h = o * jnp.tanh(c)
        return (h, c), h

    h0 = jnp.zeros((B, Hh), dtype=x.dtype)
    c0 = jnp.zeros((B, Hh), dtype=x.dtype)
    _, hs = jax.lax.scan(step, (h0, c0), jnp.swapaxes(x, 0, 1))  # hs: [L, B, H]
    return hs[lens - 1, jnp.arange(B)]


def _rgcn(x, edge_index, edge_type, Wrel, Wroot, b):
    # PyG RGCNConv with aggr='mean': x_i' = x_i @ root + sum_r mean_{j in N_r(i)} x_j @ W_r + b
    src, dst = edge_index[0], edge_index[1]
    N = x.shape[0]
    out = jnp.zeros((N, Wrel.shape[2]), dtype=x.dtype)
    xj = x[src]
    for r in range(Wrel.shape[0]):
        mask = (edge_type == r).astype(x.dtype)
        msg = (xj @ Wrel[r]) * mask[:, None]
        agg = jnp.zeros((N, Wrel.shape[2]), dtype=x.dtype).at[dst].add(msg)
        cnt = jnp.zeros((N,), dtype=x.dtype).at[dst].add(mask)
        out = out + agg / jnp.maximum(cnt, 1.0)[:, None]
    return out + x @ Wroot + b


def reference(padded_trajs, trajs_len, edge_index, edge_type, loc_emb, traj_emb,
              W_ih, W_hh, b_ih, b_hh, r1_Wrel, r1_Wroot, r1_b,
              r2_Wrel, r2_Wroot, r2_b, W_pred, b_pred):
    x = loc_emb[padded_trajs]  # [B, L, H] embedding gather
    seq_output = _lstm_last_hidden(x, trajs_len, W_ih, W_hh, b_ih, b_hh)  # [B, H]
    t1 = _rgcn(traj_emb, edge_index, edge_type, r1_Wrel, r1_Wroot, r1_b)
    t2 = _rgcn(t1, edge_index, edge_type, r2_Wrel, r2_Wroot, r2_b)
    # dropout is identity in eval mode
    feat = jnp.concatenate([t2, seq_output], axis=-1)  # [B, 2H]
    return feat @ W_pred.T + b_pred  # [B, n_users]

if __name__ == "__main__":
    import jax
    _d = setup_inputs()
    print(jax.jit(kernel)(*tuple(_d.values())))

</pallas_src>

<mosaic_0001>
#map = affine_map<(d0, d1) -> (0, 0)>
#map1 = affine_map<(d0, d1) -> (0, 0, 0)>
module attributes {stable_mosaic.version = 14 : i64} {
  func.func @k(%arg0: i32, %arg1: i32, %arg2: memref<10000x128xf32, #tpu.memory_space<hbm>>, %arg3: memref<16x79x128xi32, #tpu.memory_space<hbm>>, %arg4: memref<632x128xf32, #tpu.memory_space<hbm>>, %arg5: memref<2x10112x128xf32, #tpu.memory_space<hbm>>, %arg6: memref<79x128xi32, #tpu.memory_space<vmem>>, %arg7: memref<2x128xi32, #tpu.memory_space<vmem>>, %arg8: memref<2x128xi32, #tpu.memory_space<vmem>>, %arg9: memref<128x128xf32, #tpu.memory_space<vmem>>, %arg10: memref<128x128xf32, #tpu.memory_space<vmem>>, %arg11: memref<!tpu.dma_semaphore, #tpu.memory_space<semaphore_mem>>, %arg12: memref<!tpu.dma_semaphore, #tpu.memory_space<semaphore_mem>>, %arg13: memref<10112x128xf32, #tpu.memory_space<vmem_shared>>) attributes {dimension_semantics = [#tpu.dimension_semantics<core_parallel>, #tpu.dimension_semantics<subcore_parallel>], iteration_bounds = array<i64: 2, 16>, scalar_prefetch = 0 : i64, scratch_operands = 8 : i64, tpu.core_type = #tpu.core_type<sc_vector_subcore>, window_params = [{transform_indices = #map}, {transform_indices = #map1}, {transform_indices = #map}, {transform_indices = #map1}]} {
    %mul3A = arith.constant 632 : i32
    %mul3A_0 = arith.muli %arg1, %mul3A : i32
    "tpu.region"() ({
      %run_scoped3A_28 = tpu.sem_alloc : memref<!tpu.dma_semaphore, #tpu.memory_space<semaphore_mem>>
      %dma_start3A_29 = arith.constant 0 : i32
      %dma_start3A_30 = tpu.memref_slice %arg13[%mul3A_0, %dma_start3A_29] : memref<10112x128xf32, #tpu.memory_space<vmem_shared>> -> memref<632x128xf32, #tpu.memory_space<vmem_shared>>
      tpu.enqueue_dma source(%arg4 : memref<632x128xf32, #tpu.memory_space<hbm>>) target(%dma_start3A_30 : memref<632x128xf32, #tpu.memory_space<vmem_shared>>) target_semaphore(%run_scoped3A_28 : memref<!tpu.dma_semaphore, #tpu.memory_space<semaphore_mem>>)
      %dma_wait3A_31 = arith.constant 0 : i32
      %dma_wait3A_32 = tpu.memref_slice %arg13[%mul3A_0, %dma_wait3A_31] : memref<10112x128xf32, #tpu.memory_space<vmem_shared>> -> memref<632x128xf32, #tpu.memory_space<vmem_shared>>
      tpu.wait_dma2 semaphore(%run_scoped3A_28 : memref<!tpu.dma_semaphore, #tpu.memory_space<semaphore_mem>>) src(%arg4 : memref<632x128xf32, #tpu.memory_space<hbm>>) dst(%dma_wait3A_32 : memref<632x128xf32, #tpu.memory_space<vmem_shared>>)
      tpu.yield
    }) : () -> ()
    "tpu.region"() ({
      %run_scoped3A_28 = tpu.sem_alloc : memref<!tpu.dma_semaphore, #tpu.memory_space<semaphore_mem>>
      %dma_start3A_29 = arith.constant 0 : i32
      %dma_start3A_30 = arith.constant 0 : i32
      %dma_start3A_31 = tpu.memref_slice %arg3[%arg1, %dma_start3A_29, %dma_start3A_30] : memref<16x79x128xi32, #tpu.memory_space<hbm>> -> memref<1x79x128xi32, #tpu.memory_space<hbm>>
      %dma_start3A_32 = tpu.memref_squeeze %dma_start3A_31 : memref<1x79x128xi32, #tpu.memory_space<hbm>> -> memref<79x128xi32, #tpu.memory_space<hbm>>
      %dma_start3A_33 = arith.constant 0 : i32
      %dma_start3A_34 = arith.constant 0 : i32
      %dma_start3A_35 = tpu.memref_slice %arg3[%arg1, %dma_start3A_33, %dma_start3A_34] : memref<16x79x128xi32, #tpu.memory_space<hbm>> -> memref<1x79x128xi32, #tpu.memory_space<hbm>>
      %dma_start3A_36 = tpu.memref_squeeze %dma_start3A_35 : memref<1x79x128xi32, #tpu.memory_space<hbm>> -> memref<79x128xi32, #tpu.memory_space<hbm>>
      tpu.enqueue_dma source(%dma_start3A_36 : memref<79x128xi32, #tpu.memory_space<hbm>>) target(%arg6 : memref<79x128xi32, #tpu.memory_space<vmem>>) target_semaphore(%run_scoped3A_28 : memref<!tpu.dma_semaphore, #tpu.memory_space<semaphore_mem>>)
      %dma_wait3A_37 = arith.constant 0 : i32
      %dma_wait3A_38 = arith.constant 0 : i32
      %dma_wait3A_39 = tpu.memref_slice %arg3[%arg1, %dma_wait3A_37, %dma_wait3A_38] : memref<16x79x128xi32, #tpu.memory_space<hbm>> -> memref<1x79x128xi32, #tpu.memory_space<hbm>>
      %dma_wait3A_40 = tpu.memref_squeeze %dma_wait3A_39 : memref<1x79x128xi32, #tpu.memory_space<hbm>> -> memref<79x128xi32, #tpu.memory_space<hbm>>
      %dma_wait3A_41 = arith.constant 0 : i32
      %dma_wait3A_42 = arith.constant 0 : i32
      %dma_wait3A_43 = tpu.memref_slice %arg3[%arg1, %dma_wait3A_41, %dma_wait3A_42] : memref<16x79x128xi32, #tpu.memory_space<hbm>> -> memref<1x79x128xi32, #tpu.memory_space<hbm>>
      %dma_wait3A_44 = tpu.memref_squeeze %dma_wait3A_43 : memref<1x79x128xi32, #tpu.memory_space<hbm>> -> memref<79x128xi32, #tpu.memory_space<hbm>>
      tpu.wait_dma2 semaphore(%run_scoped3A_28 : memref<!tpu.dma_semaphore, #tpu.memory_space<semaphore_mem>>) src(%dma_wait3A_44 : memref<79x128xi32, #tpu.memory_space<hbm>>) dst(%arg6 : memref<79x128xi32, #tpu.memory_space<vmem>>)
      tpu.yield
    }) : () -> ()
    %barrier3A = arith.constant 0 : index
    tpu.barrier barrier_id(%barrier3A)
    %scan3A = arith.constant 0 : i32
    %scan3A_1 = arith.constant 0 : i32
    %scan3A_2 = arith.constant 8 : i32
    %scan3A_3 = arith.addi %scan3A_1, %scan3A_2 : i32
    %scan3A_4 = arith.constant 1 : i32
    %scan3A_5 = scf.for %scan3A_28 = %scan3A_1 to %scan3A_3 step %scan3A_4 iter_args(%scan3A_29 = %scan3A) -> (i32)  : i32 {
      %mul3A_30 = arith.constant 16 : i32
      %mul3A_31 = arith.muli %scan3A_28, %mul3A_30 : i32
      %get3A = arith.constant 0 : i32
      %get3A_32 = arith.index_cast %get3A : i32 to index
      %get3A_33 = arith.index_cast %mul3A_31 : i32 to index
      %get3A_34 = tpu.vector_load %arg6[%get3A_32, %get3A_33] {strides = array<i32>} : memref<79x128xi32, #tpu.memory_space<vmem>>, vector<1x16xi32>,
      %get3A_35 = vector.shape_cast %get3A_34 : vector<1x16xi32> to vector<16xi32>
      %and3A = arith.constant 16383 : i32
      %and3A_36 = vector.broadcast %and3A : i32 to vector<16xi32>
      %and3A_37 = arith.andi %get3A_35, %and3A_36 : vector<16xi32>
      %swap3A = arith.constant 0 : i32
      %swap3A_38 = arith.index_cast %swap3A : i32 to index
      %swap3A_39 = arith.index_cast %mul3A_31 : i32 to index
      %swap3A_40 = tpu.vector_load %arg7[%swap3A_38, %swap3A_39] {strides = array<i32>} : memref<2x128xi32, #tpu.memory_space<vmem>>, vector<1x16xi32>,
      %swap3A_41 = vector.shape_cast %swap3A_40 : vector<1x16xi32> to vector<16xi32>
      %swap3A_42 = vector.shape_cast %and3A_37 : vector<16xi32> to vector<1x16xi32>
      tpu.vector_store %arg7[%swap3A_38, %swap3A_39], %swap3A_42 {strides = array<i32>} : memref<2x128xi32, #tpu.memory_space<vmem>>, vector<1x16xi32>,
      %shift_right_arithmetic3A = arith.constant 14 : i32
      %shift_right_arithmetic3A_43 = vector.broadcast %shift_right_arithmetic3A : i32 to vector<16xi32>
      %shift_right_arithmetic3A_44 = arith.shrsi %get3A_35, %shift_right_arithmetic3A_43 : vector<16xi32>
      %and3A_45 = arith.constant 16383 : i32
      %and3A_46 = vector.broadcast %and3A_45 : i32 to vector<16xi32>
      %and3A_47 = arith.andi %shift_right_arithmetic3A_44, %and3A_46 : vector<16xi32>
      %shift_right_arithmetic3A_48 = arith.constant 28 : i32
      %shift_right_arithmetic3A_49 = vector.broadcast %shift_right_arithmetic3A_48 : i32 to vector<16xi32>
      %shift_right_arithmetic3A_50 = arith.shrsi %get3A_35, %shift_right_arithmetic3A_49 : vector<16xi32>
      %eq3A = vector.broadcast %arg0 : i32 to vector<16xi32>
      %eq3A_51 = arith.cmpi eq, %shift_right_arithmetic3A_50, %eq3A : vector<16xi32>
      %jit3A = arith.constant 10000 : i32
      %broadcast_in_dim3A = vector.broadcast %jit3A : i32 to vector<16xi32>
      %select_n3A = arith.select %eq3A_51, %and3A_47, %broadcast_in_dim3A : vector<16xi1>, vector<16xi32>
      %swap3A_52 = arith.constant 0 : i32
      %swap3A_53 = arith.index_cast %swap3A_52 : i32 to index
      %swap3A_54 = arith.index_cast %mul3A_31 : i32 to index
      %swap3A_55 = tpu.vector_load %arg8[%swap3A_53, %swap3A_54] {strides = array<i32>} : memref<2x128xi32, #tpu.memory_space<vmem>>, vector<1x16xi32>,
      %swap3A_56 = vector.shape_cast %swap3A_55 : vector<1x16xi32> to vector<16xi32>
      %swap3A_57 = vector.shape_cast %select_n3A : vector<16xi32> to vector<1x16xi32>
      tpu.vector_store %arg8[%swap3A_53, %swap3A_54], %swap3A_57 {strides = array<i32>} : memref<2x128xi32, #tpu.memory_space<vmem>>, vector<1x16xi32>,
      %scan3A_58 = arith.constant 0 : i32
      scf.yield %scan3A_58 : i32
    }
    %scan3A_6 = arith.constant 8 : i32
    %dma_start3A = arith.constant 0 : i32
    %dma_start3A_7 = arith.constant 0 : i32
    %dma_start3A_8 = tpu.memref_slice %arg7[%dma_start3A, %dma_start3A_7] : memref<2x128xi32, #tpu.memory_space<vmem>> -> memref<1x128xi32, #tpu.memory_space<vmem>>
    %dma_start3A_9 = tpu.memref_squeeze %dma_start3A_8 : memref<1x128xi32, #tpu.memory_space<vmem>> -> memref<128xi32, #tpu.memory_space<vmem>>
    %dma_start3A_10 = arith.constant 0 : i32
    %dma_start3A_11 = arith.constant 0 : i32
    %dma_start3A_12 = tpu.memref_slice %arg2[%dma_start3A_10, %dma_start3A_11] : memref<10000x128xf32, #tpu.memory_space<hbm>> -> memref<10000x128xf32, #tpu.memory_space<hbm>>
    tpu.enqueue_indirect_dma source(%dma_start3A_12 : memref<10000x128xf32, #tpu.memory_space<hbm>>) target(%arg9 : memref<128x128xf32, #tpu.memory_space<vmem>>) offsets(%dma_start3A_9 : memref<128xi32, #tpu.memory_space<vmem>>) semaphore(%arg11 : memref<!tpu.dma_semaphore, #tpu.memory_space<semaphore_mem>>)
    %scan3A_13 = arith.constant 0 : i32
    %scan3A_14 = arith.constant 0 : i32
    %scan3A_15 = arith.constant 39 : i32
    %scan3A_16 = arith.addi %scan3A_14, %scan3A_15 : i32
    %scan3A_17 = arith.constant 1 : i32
    %scan3A_18 = scf.for %scan3A_28 = %scan3A_14 to %scan3A_16 step %scan3A_17 iter_args(%scan3A_29 = %scan3A_13) -> (i32)  : i32 {
      %mul3A_30 = arith.constant 2 : i32
      %mul3A_31 = arith.muli %mul3A_30, %scan3A_28 : i32
      %add3A = arith.constant 1 : i32
      %add3A_32 = arith.addi %mul3A_31, %add3A : i32
      %scan3A_33 = arith.constant 0 : i32
      %scan3A_34 = arith.constant 0 : i32
      %scan3A_35 = arith.constant 8 : i32
      %scan3A_36 = arith.addi %scan3A_34, %scan3A_35 : i32
      %scan3A_37 = arith.constant 1 : i32
      %scan3A_38 = scf.for %scan3A_78 = %scan3A_34 to %scan3A_36 step %scan3A_37 iter_args(%scan3A_79 = %scan3A_33) -> (i32)  : i32 {
        %mul3A_80 = arith.constant 16 : i32
        %mul3A_81 = arith.muli %scan3A_78, %mul3A_80 : i32
        %get3A = arith.index_cast %add3A_32 : i32 to index
        %get3A_82 = arith.index_cast %mul3A_81 : i32 to index
        %get3A_83 = tpu.vector_load %arg6[%get3A, %get3A_82] {strides = array<i32>} : memref<79x128xi32, #tpu.memory_space<vmem>>, vector<1x16xi32>,
        %get3A_84 = vector.shape_cast %get3A_83 : vector<1x16xi32> to vector<16xi32>
        %and3A = arith.constant 16383 : i32
        %and3A_85 = vector.broadcast %and3A : i32 to vector<16xi32>
        %and3A_86 = arith.andi %get3A_84, %and3A_85 : vector<16xi32>
        %swap3A = arith.constant 1 : i32
        %swap3A_87 = arith.index_cast %swap3A : i32 to index
        %swap3A_88 = arith.index_cast %mul3A_81 : i32 to index
        %swap3A_89 = tpu.vector_load %arg7[%swap3A_87, %swap3A_88] {strides = array<i32>} : memref<2x128xi32, #tpu.memory_space<vmem>>, vector<1x16xi32>,
        %swap3A_90 = vector.shape_cast %swap3A_89 : vector<1x16xi32> to vector<16xi32>
        %swap3A_91 = vector.shape_cast %and3A_86 : vector<16xi32> to vector<1x16xi32>
        tpu.vector_store %arg7[%swap3A_87, %swap3A_88], %swap3A_91 {strides = array<i32>} : memref<2x128xi32, #tpu.memory_space<vmem>>, vector<1x16xi32>,
        %shift_right_arithmetic3A = arith.constant 14 : i32
        %shift_right_arithmetic3A_92 = vector.broadcast %shift_right_arithmetic3A : i32 to vector<16xi32>
        %shift_right_arithmetic3A_93 = arith.shrsi %get3A_84, %shift_right_arithmetic3A_92 : vector<16xi32>
        %and3A_94 = arith.constant 16383 : i32
        %and3A_95 = vector.broadcast %and3A_94 : i32 to vector<16xi32>
        %and3A_96 = arith.andi %shift_right_arithmetic3A_93, %and3A_95 : vector<16xi32>
        %shift_right_arithmetic3A_97 = arith.constant 28 : i32
        %shift_right_arithmetic3A_98 = vector.broadcast %shift_right_arithmetic3A_97 : i32 to vector<16xi32>
        %shift_right_arithmetic3A_99 = arith.shrsi %get3A_84, %shift_right_arithmetic3A_98 : vector<16xi32>
        %eq3A = vector.broadcast %arg0 : i32 to vector<16xi32>
        %eq3A_100 = arith.cmpi eq, %shift_right_arithmetic3A_99, %eq3A : vector<16xi32>
        %jit3A = arith.constant 10000 : i32
        %broadcast_in_dim3A = vector.broadcast %jit3A : i32 to vector<16xi32>
        %select_n3A = arith.select %eq3A_100, %and3A_96, %broadcast_in_dim3A : vector<16xi1>, vector<16xi32>
        %swap3A_101 = arith.constant 1 : i32
        %swap3A_102 = arith.index_cast %swap3A_101 : i32 to index
        %swap3A_103 = arith.index_cast %mul3A_81 : i32 to index
        %swap3A_104 = tpu.vector_load %arg8[%swap3A_102, %swap3A_103] {strides = array<i32>} : memref<2x128xi32, #tpu.memory_space<vmem>>, vector<1x16xi32>,
        %swap3A_105 = vector.shape_cast %swap3A_104 : vector<1x16xi32> to vector<16xi32>
        %swap3A_106 = vector.shape_cast %select_n3A : vector<16xi32> to vector<1x16xi32>
        tpu.vector_store %arg8[%swap3A_102, %swap3A_103], %swap3A_106 {strides = array<i32>} : memref<2x128xi32, #tpu.memory_space<vmem>>, vector<1x16xi32>,
        %scan3A_107 = arith.constant 0 : i32
        scf.yield %scan3A_107 : i32
      }
      %scan3A_39 = arith.constant 8 : i32
      %dma_start3A_40 = arith.constant 1 : i32
      %dma_start3A_41 = arith.constant 0 : i32
      %dma_start3A_42 = tpu.memref_slice %arg7[%dma_start3A_40, %dma_start3A_41] : memref<2x128xi32, #tpu.memory_space<vmem>> -> memref<1x128xi32, #tpu.memory_space<vmem>>
      %dma_start3A_43 = tpu.memref_squeeze %dma_start3A_42 : memref<1x128xi32, #tpu.memory_space<vmem>> -> memref<128xi32, #tpu.memory_space<vmem>>
      %dma_start3A_44 = arith.constant 0 : i32
      %dma_start3A_45 = arith.constant 0 : i32
      %dma_start3A_46 = tpu.memref_slice %arg2[%dma_start3A_44, %dma_start3A_45] : memref<10000x128xf32, #tpu.memory_space<hbm>> -> memref<10000x128xf32, #tpu.memory_space<hbm>>
      tpu.enqueue_indirect_dma source(%dma_start3A_46 : memref<10000x128xf32, #tpu.memory_space<hbm>>) target(%arg10 : memref<128x128xf32, #tpu.memory_space<vmem>>) offsets(%dma_start3A_43 : memref<128xi32, #tpu.memory_space<vmem>>) semaphore(%arg12 : memref<!tpu.dma_semaphore, #tpu.memory_space<semaphore_mem>>)
      %dma_wait3A_47 = arith.constant 0 : i32
      %dma_wait3A_48 = arith.constant 0 : i32
      %dma_wait3A_49 = tpu.memref_slice %arg2[%dma_wait3A_47, %dma_wait3A_48] : memref<10000x128xf32, #tpu.memory_space<hbm>> -> memref<128x128xf32, #tpu.memory_space<hbm>>
      %dma_wait3A_50 = arith.constant 0 : i32
      %dma_wait3A_51 = arith.constant 0 : i32
      %dma_wait3A_52 = tpu.memref_slice %arg2[%dma_wait3A_50, %dma_wait3A_51] : memref<10000x128xf32, #tpu.memory_space<hbm>> -> memref<128x128xf32, #tpu.memory_space<hbm>>
      tpu.wait_dma2 semaphore(%arg11 : memref<!tpu.dma_semaphore, #tpu.memory_space<semaphore_mem>>) src(%dma_wait3A_52 : memref<128x128xf32, #tpu.memory_space<hbm>>) dst(%arg9 : memref<128x128xf32, #tpu.memory_space<vmem>>)
      %run_scoped3A_53 = arith.constant 0 : i32
      "tpu.region"() ({
        %run_scoped3A_78 = tpu.sem_alloc : memref<!tpu.dma_semaphore, #tpu.memory_space<semaphore_mem>>
        %dma_start3A_79 = arith.constant 0 : i32
        %dma_start3A_80 = tpu.memref_slice %arg8[%run_scoped3A_53, %dma_start3A_79] : memref<2x128xi32, #tpu.memory_space<vmem>> -> memref<1x128xi32, #tpu.memory_space<vmem>>
        %dma_start3A_81 = tpu.memref_squeeze %dma_start3A_80 : memref<1x128xi32, #tpu.memory_space<vmem>> -> memref<128xi32, #tpu.memory_space<vmem>>
        %dma_start3A_82 = arith.constant 0 : i32
        %dma_start3A_83 = arith.constant 0 : i32
        %dma_start3A_84 = tpu.memref_slice %arg13[%dma_start3A_82, %dma_start3A_83] : memref<10112x128xf32, #tpu.memory_space<vmem_shared>> -> memref<10112x128xf32, #tpu.memory_space<vmem_shared>>
        tpu.enqueue_indirect_dma source(%arg9 : memref<128x128xf32, #tpu.memory_space<vmem>>) target(%dma_start3A_84 : memref<10112x128xf32, #tpu.memory_space<vmem_shared>>) offsets(%dma_start3A_81 : memref<128xi32, #tpu.memory_space<vmem>>) semaphore(%run_scoped3A_78 : memref<!tpu.dma_semaphore, #tpu.memory_space<semaphore_mem>>) {add = true}
        %dma_wait3A_85 = arith.constant 0 : i32
        %dma_wait3A_86 = tpu.memref_slice %arg8[%run_scoped3A_53, %dma_wait3A_85] : memref<2x128xi32, #tpu.memory_space<vmem>> -> memref<1x128xi32, #tpu.memory_space<vmem>>
        %dma_wait3A_87 = tpu.memref_squeeze %dma_wait3A_86 : memref<1x128xi32, #tpu.memory_space<vmem>> -> memref<128xi32, #tpu.memory_space<vmem>>
        %dma_wait3A_88 = arith.constant 0 : i32
        %dma_wait3A_89 = arith.constant 0 : i32
        %dma_wait3A_90 = tpu.memref_slice %arg13[%dma_wait3A_88, %dma_wait3A_89] : memref<10112x128xf32, #tpu.memory_space<vmem_shared>> -> memref<10112x128xf32, #tpu.memory_space<vmem_shared>>
        tpu.wait_indirect_dma semaphore(%run_scoped3A_78 : memref<!tpu.dma_semaphore, #tpu.memory_space<semaphore_mem>>) src(%arg9 : memref<128x128xf32, #tpu.memory_space<vmem>>) dst(%dma_wait3A_90 : memref<10112x128xf32, #tpu.memory_space<vmem_shared>>)
        tpu.yield
      }) : () -> ()
      %add3A_54 = arith.constant 2 : i32
      %add3A_55 = arith.addi %mul3A_31, %add3A_54 : i32
      %scan3A_56 = arith.constant 0 : i32
      %scan3A_57 = arith.constant 0 : i32
      %scan3A_58 = arith.constant 8 : i32
      %scan3A_59 = arith.addi %scan3A_57, %scan3A_58 : i32
      %scan3A_60 = arith.constant 1 : i32
      %scan3A_61 = scf.for %scan3A_78 = %scan3A_57 to %scan3A_59 step %scan3A_60 iter_args(%scan3A_79 = %scan3A_56) -> (i32)  : i32 {
        %mul3A_80 = arith.constant 16 : i32
        %mul3A_81 = arith.muli %scan3A_78, %mul3A_80 : i32
        %get3A = arith.index_cast %add3A_55 : i32 to index
        %get3A_82 = arith.index_cast %mul3A_81 : i32 to index
        %get3A_83 = tpu.vector_load %arg6[%get3A, %get3A_82] {strides = array<i32>} : memref<79x128xi32, #tpu.memory_space<vmem>>, vector<1x16xi32>,
        %get3A_84 = vector.shape_cast %get3A_83 : vector<1x16xi32> to vector<16xi32>
        %and3A = arith.constant 16383 : i32
        %and3A_85 = vector.broadcast %and3A : i32 to vector<16xi32>
        %and3A_86 = arith.andi %get3A_84, %and3A_85 : vector<16xi32>
        %swap3A = arith.constant 0 : i32
        %swap3A_87 = arith.index_cast %swap3A : i32 to index
        %swap3A_88 = arith.index_cast %mul3A_81 : i32 to index
        %swap3A_89 = tpu.vector_load %arg7[%swap3A_87, %swap3A_88] {strides = array<i32>} : memref<2x128xi32, #tpu.memory_space<vmem>>, vector<1x16xi32>,
        %swap3A_90 = vector.shape_cast %swap3A_89 : vector<1x16xi32> to vector<16xi32>
        %swap3A_91 = vector.shape_cast %and3A_86 : vector<16xi32> to vector<1x16xi32>
        tpu.vector_store %arg7[%swap3A_87, %swap3A_88], %swap3A_91 {strides = array<i32>} : memref<2x128xi32, #tpu.memory_space<vmem>>, vector<1x16xi32>,
        %shift_right_arithmetic3A = arith.constant 14 : i32
        %shift_right_arithmetic3A_92 = vector.broadcast %shift_right_arithmetic3A : i32 to vector<16xi32>
        %shift_right_arithmetic3A_93 = arith.shrsi %get3A_84, %shift_right_arithmetic3A_92 : vector<16xi32>
        %and3A_94 = arith.constant 16383 : i32
        %and3A_95 = vector.broadcast %and3A_94 : i32 to vector<16xi32>
        %and3A_96 = arith.andi %shift_right_arithmetic3A_93, %and3A_95 : vector<16xi32>
        %shift_right_arithmetic3A_97 = arith.constant 28 : i32
        %shift_right_arithmetic3A_98 = vector.broadcast %shift_right_arithmetic3A_97 : i32 to vector<16xi32>
        %shift_right_arithmetic3A_99 = arith.shrsi %get3A_84, %shift_right_arithmetic3A_98 : vector<16xi32>
        %eq3A = vector.broadcast %arg0 : i32 to vector<16xi32>
        %eq3A_100 = arith.cmpi eq, %shift_right_arithmetic3A_99, %eq3A : vector<16xi32>
        %jit3A = arith.constant 10000 : i32
        %broadcast_in_dim3A = vector.broadcast %jit3A : i32 to vector<16xi32>
        %select_n3A = arith.select %eq3A_100, %and3A_96, %broadcast_in_dim3A : vector<16xi1>, vector<16xi32>
        %swap3A_101 = arith.constant 0 : i32
        %swap3A_102 = arith.index_cast %swap3A_101 : i32 to index
        %swap3A_103 = arith.index_cast %mul3A_81 : i32 to index
        %swap3A_104 = tpu.vector_load %arg8[%swap3A_102, %swap3A_103] {strides = array<i32>} : memref<2x128xi32, #tpu.memory_space<vmem>>, vector<1x16xi32>,
        %swap3A_105 = vector.shape_cast %swap3A_104 : vector<1x16xi32> to vector<16xi32>
        %swap3A_106 = vector.shape_cast %select_n3A : vector<16xi32> to vector<1x16xi32>
        tpu.vector_store %arg8[%swap3A_102, %swap3A_103], %swap3A_106 {strides = array<i32>} : memref<2x128xi32, #tpu.memory_space<vmem>>, vector<1x16xi32>,
        %scan3A_107 = arith.constant 0 : i32
        scf.yield %scan3A_107 : i32
      }
      %scan3A_62 = arith.constant 8 : i32
      %dma_start3A_63 = arith.constant 0 : i32
      %dma_start3A_64 = arith.constant 0 : i32
      %dma_start3A_65 = tpu.memref_slice %arg7[%dma_start3A_63, %dma_start3A_64] : memref<2x128xi32, #tpu.memory_space<vmem>> -> memref<1x128xi32, #tpu.memory_space<vmem>>
      %dma_start3A_66 = tpu.memref_squeeze %dma_start3A_65 : memref<1x128xi32, #tpu.memory_space<vmem>> -> memref<128xi32, #tpu.memory_space<vmem>>
      %dma_start3A_67 = arith.constant 0 : i32
      %dma_start3A_68 = arith.constant 0 : i32
      %dma_start3A_69 = tpu.memref_slice %arg2[%dma_start3A_67, %dma_start3A_68] : memref<10000x128xf32, #tpu.memory_space<hbm>> -> memref<10000x128xf32, #tpu.memory_space<hbm>>
      tpu.enqueue_indirect_dma source(%dma_start3A_69 : memref<10000x128xf32, #tpu.memory_space<hbm>>) target(%arg9 : memref<128x128xf32, #tpu.memory_space<vmem>>) offsets(%dma_start3A_66 : memref<128xi32, #tpu.memory_space<vmem>>) semaphore(%arg11 : memref<!tpu.dma_semaphore, #tpu.memory_space<semaphore_mem>>)
      %dma_wait3A_70 = arith.constant 0 : i32
      %dma_wait3A_71 = arith.constant 0 : i32
      %dma_wait3A_72 = tpu.memref_slice %arg2[%dma_wait3A_70, %dma_wait3A_71] : memref<10000x128xf32, #tpu.memory_space<hbm>> -> memref<128x128xf32, #tpu.memory_space<hbm>>
      %dma_wait3A_73 = arith.constant 0 : i32
      %dma_wait3A_74 = arith.constant 0 : i32
      %dma_wait3A_75 = tpu.memref_slice %arg2[%dma_wait3A_73, %dma_wait3A_74] : memref<10000x128xf32, #tpu.memory_space<hbm>> -> memref<128x128xf32, #tpu.memory_space<hbm>>
      tpu.wait_dma2 semaphore(%arg12 : memref<!tpu.dma_semaphore, #tpu.memory_space<semaphore_mem>>) src(%dma_wait3A_75 : memref<128x128xf32, #tpu.memory_space<hbm>>) dst(%arg10 : memref<128x128xf32, #tpu.memory_space<vmem>>)
      %run_scoped3A_76 = arith.constant 1 : i32
      "tpu.region"() ({
        %run_scoped3A_78 = tpu.sem_alloc : memref<!tpu.dma_semaphore, #tpu.memory_space<semaphore_mem>>
        %dma_start3A_79 = arith.constant 0 : i32
        %dma_start3A_80 = tpu.memref_slice %arg8[%run_scoped3A_76, %dma_start3A_79] : memref<2x128xi32, #tpu.memory_space<vmem>> -> memref<1x128xi32, #tpu.memory_space<vmem>>
        %dma_start3A_81 = tpu.memref_squeeze %dma_start3A_80 : memref<1x128xi32, #tpu.memory_space<vmem>> -> memref<128xi32, #tpu.memory_space<vmem>>
        %dma_start3A_82 = arith.constant 0 : i32
        %dma_start3A_83 = arith.constant 0 : i32
        %dma_start3A_84 = tpu.memref_slice %arg13[%dma_start3A_82, %dma_start3A_83] : memref<10112x128xf32, #tpu.memory_space<vmem_shared>> -> memref<10112x128xf32, #tpu.memory_space<vmem_shared>>
        tpu.enqueue_indirect_dma source(%arg10 : memref<128x128xf32, #tpu.memory_space<vmem>>) target(%dma_start3A_84 : memref<10112x128xf32, #tpu.memory_space<vmem_shared>>) offsets(%dma_start3A_81 : memref<128xi32, #tpu.memory_space<vmem>>) semaphore(%run_scoped3A_78 : memref<!tpu.dma_semaphore, #tpu.memory_space<semaphore_mem>>) {add = true}
        %dma_wait3A_85 = arith.constant 0 : i32
        %dma_wait3A_86 = tpu.memref_slice %arg8[%run_scoped3A_76, %dma_wait3A_85] : memref<2x128xi32, #tpu.memory_space<vmem>> -> memref<1x128xi32, #tpu.memory_space<vmem>>
        %dma_wait3A_87 = tpu.memref_squeeze %dma_wait3A_86 : memref<1x128xi32, #tpu.memory_space<vmem>> -> memref<128xi32, #tpu.memory_space<vmem>>
        %dma_wait3A_88 = arith.constant 0 : i32
        %dma_wait3A_89 = arith.constant 0 : i32
        %dma_wait3A_90 = tpu.memref_slice %arg13[%dma_wait3A_88, %dma_wait3A_89] : memref<10112x128xf32, #tpu.memory_space<vmem_shared>> -> memref<10112x128xf32, #tpu.memory_space<vmem_shared>>
        tpu.wait_indirect_dma semaphore(%run_scoped3A_78 : memref<!tpu.dma_semaphore, #tpu.memory_space<semaphore_mem>>) src(%arg10 : memref<128x128xf32, #tpu.memory_space<vmem>>) dst(%dma_wait3A_90 : memref<10112x128xf32, #tpu.memory_space<vmem_shared>>)
        tpu.yield
      }) : () -> ()
      %scan3A_77 = arith.constant 0 : i32
      scf.yield %scan3A_77 : i32
    }
    %scan3A_19 = arith.constant 39 : i32
    %dma_wait3A = arith.constant 0 : i32
    %dma_wait3A_20 = arith.constant 0 : i32
    %dma_wait3A_21 = tpu.memref_slice %arg2[%dma_wait3A, %dma_wait3A_20] : memref<10000x128xf32, #tpu.memory_space<hbm>> -> memref<128x128xf32, #tpu.memory_space<hbm>>
    %dma_wait3A_22 = arith.constant 0 : i32
    %dma_wait3A_23 = arith.constant 0 : i32
    %dma_wait3A_24 = tpu.memref_slice %arg2[%dma_wait3A_22, %dma_wait3A_23] : memref<10000x128xf32, #tpu.memory_space<hbm>> -> memref<128x128xf32, #tpu.memory_space<hbm>>
    tpu.wait_dma2 semaphore(%arg11 : memref<!tpu.dma_semaphore, #tpu.memory_space<semaphore_mem>>) src(%dma_wait3A_24 : memref<128x128xf32, #tpu.memory_space<hbm>>) dst(%arg9 : memref<128x128xf32, #tpu.memory_space<vmem>>)
    %run_scoped3A = arith.constant 0 : i32
    "tpu.region"() ({
      %run_scoped3A_28 = tpu.sem_alloc : memref<!tpu.dma_semaphore, #tpu.memory_space<semaphore_mem>>
      %dma_start3A_29 = arith.constant 0 : i32
      %dma_start3A_30 = tpu.memref_slice %arg8[%run_scoped3A, %dma_start3A_29] : memref<2x128xi32, #tpu.memory_space<vmem>> -> memref<1x128xi32, #tpu.memory_space<vmem>>
      %dma_start3A_31 = tpu.memref_squeeze %dma_start3A_30 : memref<1x128xi32, #tpu.memory_space<vmem>> -> memref<128xi32, #tpu.memory_space<vmem>>
      %dma_start3A_32 = arith.constant 0 : i32
      %dma_start3A_33 = arith.constant 0 : i32
      %dma_start3A_34 = tpu.memref_slice %arg13[%dma_start3A_32, %dma_start3A_33] : memref<10112x128xf32, #tpu.memory_space<vmem_shared>> -> memref<10112x128xf32, #tpu.memory_space<vmem_shared>>
      tpu.enqueue_indirect_dma source(%arg9 : memref<128x128xf32, #tpu.memory_space<vmem>>) target(%dma_start3A_34 : memref<10112x128xf32, #tpu.memory_space<vmem_shared>>) offsets(%dma_start3A_31 : memref<128xi32, #tpu.memory_space<vmem>>) semaphore(%run_scoped3A_28 : memref<!tpu.dma_semaphore, #tpu.memory_space<semaphore_mem>>) {add = true}
      %dma_wait3A_35 = arith.constant 0 : i32
      %dma_wait3A_36 = tpu.memref_slice %arg8[%run_scoped3A, %dma_wait3A_35] : memref<2x128xi32, #tpu.memory_space<vmem>> -> memref<1x128xi32, #tpu.memory_space<vmem>>
      %dma_wait3A_37 = tpu.memref_squeeze %dma_wait3A_36 : memref<1x128xi32, #tpu.memory_space<vmem>> -> memref<128xi32, #tpu.memory_space<vmem>>
      %dma_wait3A_38 = arith.constant 0 : i32
      %dma_wait3A_39 = arith.constant 0 : i32
      %dma_wait3A_40 = tpu.memref_slice %arg13[%dma_wait3A_38, %dma_wait3A_39] : memref<10112x128xf32, #tpu.memory_space<vmem_shared>> -> memref<10112x128xf32, #tpu.memory_space<vmem_shared>>
      tpu.wait_indirect_dma semaphore(%run_scoped3A_28 : memref<!tpu.dma_semaphore, #tpu.memory_space<semaphore_mem>>) src(%arg9 : memref<128x128xf32, #tpu.memory_space<vmem>>) dst(%dma_wait3A_40 : memref<10112x128xf32, #tpu.memory_space<vmem_shared>>)
      tpu.yield
    }) : () -> ()
    %barrier3A_25 = arith.constant 0 : index
    tpu.barrier barrier_id(%barrier3A_25)
    %mul3A_26 = arith.constant 632 : i32
    %mul3A_27 = arith.muli %arg1, %mul3A_26 : i32
    "tpu.region"() ({
      %run_scoped3A_28 = tpu.sem_alloc : memref<!tpu.dma_semaphore, #tpu.memory_space<semaphore_mem>>
      %dma_start3A_29 = arith.constant 0 : i32
      %dma_start3A_30 = tpu.memref_slice %arg5[%arg0, %mul3A_27, %dma_start3A_29] : memref<2x10112x128xf32, #tpu.memory_space<hbm>> -> memref<1x632x128xf32, #tpu.memory_space<hbm>>
      %dma_start3A_31 = tpu.memref_squeeze %dma_start3A_30 : memref<1x632x128xf32, #tpu.memory_space<hbm>> -> memref<632x128xf32, #tpu.memory_space<hbm>>
      %dma_start3A_32 = arith.constant 0 : i32
      %dma_start3A_33 = tpu.memref_slice %arg13[%mul3A_27, %dma_start3A_32] : memref<10112x128xf32, #tpu.memory_space<vmem_shared>> -> memref<632x128xf32, #tpu.memory_space<vmem_shared>>
      tpu.enqueue_dma source(%dma_start3A_33 : memref<632x128xf32, #tpu.memory_space<vmem_shared>>) target(%dma_start3A_31 : memref<632x128xf32, #tpu.memory_space<hbm>>) target_semaphore(%run_scoped3A_28 : memref<!tpu.dma_semaphore, #tpu.memory_space<semaphore_mem>>)
      %dma_wait3A_34 = arith.constant 0 : i32
      %dma_wait3A_35 = tpu.memref_slice %arg5[%arg0, %mul3A_27, %dma_wait3A_34] : memref<2x10112x128xf32, #tpu.memory_space<hbm>> -> memref<1x632x128xf32, #tpu.memory_space<hbm>>
      %dma_wait3A_36 = tpu.memref_squeeze %dma_wait3A_35 : memref<1x632x128xf32, #tpu.memory_space<hbm>> -> memref<632x128xf32, #tpu.memory_space<hbm>>
      %dma_wait3A_37 = arith.constant 0 : i32
      %dma_wait3A_38 = tpu.memref_slice %arg13[%mul3A_27, %dma_wait3A_37] : memref<10112x128xf32, #tpu.memory_space<vmem_shared>> -> memref<632x128xf32, #tpu.memory_space<vmem_shared>>
      tpu.wait_dma2 semaphore(%run_scoped3A_28 : memref<!tpu.dma_semaphore, #tpu.memory_space<semaphore_mem>>) src(%dma_wait3A_38 : memref<632x128xf32, #tpu.memory_space<vmem_shared>>) dst(%dma_wait3A_36 : memref<632x128xf32, #tpu.memory_space<hbm>>)
      tpu.yield
    }) : () -> ()
    return
  }
}

#map = affine_map<(d0, d1) -> (0, 0, 0)>
#map1 = affine_map<(d0, d1) -> (0, 0)>
module attributes {stable_mosaic.version = 14 : i64} {
  func.func @k(%arg0: i32, %arg1: i32, %arg2: memref<16x79x128xi32, #tpu.memory_space<hbm>>, %arg3: memref<632x128xf32, #tpu.memory_space<hbm>>, %arg4: memref<128x128xf32, #tpu.memory_space<hbm>>, %arg5: memref<2x10112x128xf32, #tpu.memory_space<hbm>>, %arg6: memref<79x128xi32, #tpu.memory_space<vmem>>, %arg7: memref<79x128xi32, #tpu.memory_space<vmem>>, %arg8: memref<128x128xf32, #tpu.memory_space<vmem>>, %arg9: memref<!tpu.dma_semaphore, #tpu.memory_space<semaphore_mem>>, %arg10: memref<10112x128xf32, #tpu.memory_space<vmem_shared>>) attributes {dimension_semantics = [#tpu.dimension_semantics<core_parallel>, #tpu.dimension_semantics<subcore_parallel>], iteration_bounds = array<i64: 2, 16>, scalar_prefetch = 0 : i64, scratch_operands = 5 : i64, tpu.core_type = #tpu.core_type<sc_vector_subcore>, window_params = [{transform_indices = #map}, {transform_indices = #map1}, {transform_indices = #map1}, {transform_indices = #map}]} {
    %mul3A = arith.constant 632 : i32
    %mul3A_0 = arith.muli %arg1, %mul3A : i32
    "tpu.region"() ({
      %run_scoped3A = tpu.sem_alloc : memref<!tpu.dma_semaphore, #tpu.memory_space<semaphore_mem>>
      %dma_start3A = arith.constant 0 : i32
      %dma_start3A_17 = tpu.memref_slice %arg10[%mul3A_0, %dma_start3A] : memref<10112x128xf32, #tpu.memory_space<vmem_shared>> -> memref<632x128xf32, #tpu.memory_space<vmem_shared>>
      tpu.enqueue_dma source(%arg3 : memref<632x128xf32, #tpu.memory_space<hbm>>) target(%dma_start3A_17 : memref<632x128xf32, #tpu.memory_space<vmem_shared>>) target_semaphore(%run_scoped3A : memref<!tpu.dma_semaphore, #tpu.memory_space<semaphore_mem>>)
      %dma_wait3A = arith.constant 0 : i32
      %dma_wait3A_18 = tpu.memref_slice %arg10[%mul3A_0, %dma_wait3A] : memref<10112x128xf32, #tpu.memory_space<vmem_shared>> -> memref<632x128xf32, #tpu.memory_space<vmem_shared>>
      tpu.wait_dma2 semaphore(%run_scoped3A : memref<!tpu.dma_semaphore, #tpu.memory_space<semaphore_mem>>) src(%arg3 : memref<632x128xf32, #tpu.memory_space<hbm>>) dst(%dma_wait3A_18 : memref<632x128xf32, #tpu.memory_space<vmem_shared>>)
      tpu.yield
    }) : () -> ()
    "tpu.region"() ({
      %run_scoped3A = tpu.sem_alloc : memref<!tpu.dma_semaphore, #tpu.memory_space<semaphore_mem>>
      tpu.enqueue_dma source(%arg4 : memref<128x128xf32, #tpu.memory_space<hbm>>) target(%arg8 : memref<128x128xf32, #tpu.memory_space<vmem>>) target_semaphore(%run_scoped3A : memref<!tpu.dma_semaphore, #tpu.memory_space<semaphore_mem>>)
      tpu.wait_dma2 semaphore(%run_scoped3A : memref<!tpu.dma_semaphore, #tpu.memory_space<semaphore_mem>>) src(%arg4 : memref<128x128xf32, #tpu.memory_space<hbm>>) dst(%arg8 : memref<128x128xf32, #tpu.memory_space<vmem>>)
      tpu.yield
    }) : () -> ()
    "tpu.region"() ({
      %run_scoped3A = tpu.sem_alloc : memref<!tpu.dma_semaphore, #tpu.memory_space<semaphore_mem>>
      %dma_start3A = arith.constant 0 : i32
      %dma_start3A_17 = arith.constant 0 : i32
      %dma_start3A_18 = tpu.memref_slice %arg2[%arg1, %dma_start3A, %dma_start3A_17] : memref<16x79x128xi32, #tpu.memory_space<hbm>> -> memref<1x79x128xi32, #tpu.memory_space<hbm>>
      %dma_start3A_19 = tpu.memref_squeeze %dma_start3A_18 : memref<1x79x128xi32, #tpu.memory_space<hbm>> -> memref<79x128xi32, #tpu.memory_space<hbm>>
      %dma_start3A_20 = arith.constant 0 : i32
      %dma_start3A_21 = arith.constant 0 : i32
      %dma_start3A_22 = tpu.memref_slice %arg2[%arg1, %dma_start3A_20, %dma_start3A_21] : memref<16x79x128xi32, #tpu.memory_space<hbm>> -> memref<1x79x128xi32, #tpu.memory_space<hbm>>
      %dma_start3A_23 = tpu.memref_squeeze %dma_start3A_22 : memref<1x79x128xi32, #tpu.memory_space<hbm>> -> memref<79x128xi32, #tpu.memory_space<hbm>>
      tpu.enqueue_dma source(%dma_start3A_23 : memref<79x128xi32, #tpu.memory_space<hbm>>) target(%arg6 : memref<79x128xi32, #tpu.memory_space<vmem>>) target_semaphore(%run_scoped3A : memref<!tpu.dma_semaphore, #tpu.memory_space<semaphore_mem>>)
      %dma_wait3A = arith.constant 0 : i32
      %dma_wait3A_24 = arith.constant 0 : i32
      %dma_wait3A_25 = tpu.memref_slice %arg2[%arg1, %dma_wait3A, %dma_wait3A_24] : memref<16x79x128xi32, #tpu.memory_space<hbm>> -> memref<1x79x128xi32, #tpu.memory_space<hbm>>
      %dma_wait3A_26 = tpu.memref_squeeze %dma_wait3A_25 : memref<1x79x128xi32, #tpu.memory_space<hbm>> -> memref<79x128xi32, #tpu.memory_space<hbm>>
      %dma_wait3A_27 = arith.constant 0 : i32
      %dma_wait3A_28 = arith.constant 0 : i32
      %dma_wait3A_29 = tpu.memref_slice %arg2[%arg1, %dma_wait3A_27, %dma_wait3A_28] : memref<16x79x128xi32, #tpu.memory_space<hbm>> -> memref<1x79x128xi32, #tpu.memory_space<hbm>>
      %dma_wait3A_30 = tpu.memref_squeeze %dma_wait3A_29 : memref<1x79x128xi32, #tpu.memory_space<hbm>> -> memref<79x128xi32, #tpu.memory_space<hbm>>
      tpu.wait_dma2 semaphore(%run_scoped3A : memref<!tpu.dma_semaphore, #tpu.memory_space<semaphore_mem>>) src(%dma_wait3A_30 : memref<79x128xi32, #tpu.memory_space<hbm>>) dst(%arg6 : memref<79x128xi32, #tpu.memory_space<vmem>>)
      tpu.yield
    }) : () -> ()
    %scan3A = arith.constant 0 : i32
    %scan3A_1 = arith.constant 0 : i32
    %scan3A_2 = arith.constant 79 : i32
    %scan3A_3 = arith.addi %scan3A_1, %scan3A_2 : i32
    %scan3A_4 = arith.constant 1 : i32
    %scan3A_5 = scf.for %scan3A_17 = %scan3A_1 to %scan3A_3 step %scan3A_4 iter_args(%scan3A_18 = %scan3A) -> (i32)  : i32 {
      %scan3A_19 = arith.constant 0 : i32
      %scan3A_20 = arith.constant 0 : i32
      %scan3A_21 = arith.constant 8 : i32
      %scan3A_22 = arith.addi %scan3A_20, %scan3A_21 : i32
      %scan3A_23 = arith.constant 1 : i32
      %scan3A_24 = scf.for %scan3A_27 = %scan3A_20 to %scan3A_22 step %scan3A_23 iter_args(%scan3A_28 = %scan3A_19) -> (i32)  : i32 {
        %mul3A_29 = arith.constant 16 : i32
        %mul3A_30 = arith.muli %scan3A_27, %mul3A_29 : i32
        %get3A = arith.index_cast %scan3A_17 : i32 to index
        %get3A_31 = arith.index_cast %mul3A_30 : i32 to index
        %get3A_32 = tpu.vector_load %arg6[%get3A, %get3A_31] {strides = array<i32>} : memref<79x128xi32, #tpu.memory_space<vmem>>, vector<1x16xi32>,
        %get3A_33 = vector.shape_cast %get3A_32 : vector<1x16xi32> to vector<16xi32>
        %shift_right_arithmetic3A = arith.constant 14 : i32
        %shift_right_arithmetic3A_34 = vector.broadcast %shift_right_arithmetic3A : i32 to vector<16xi32>
        %shift_right_arithmetic3A_35 = arith.shrsi %get3A_33, %shift_right_arithmetic3A_34 : vector<16xi32>
        %and3A = arith.constant 16383 : i32
        %and3A_36 = vector.broadcast %and3A : i32 to vector<16xi32>
        %and3A_37 = arith.andi %shift_right_arithmetic3A_35, %and3A_36 : vector<16xi32>
        %shift_right_arithmetic3A_38 = arith.constant 28 : i32
        %shift_right_arithmetic3A_39 = vector.broadcast %shift_right_arithmetic3A_38 : i32 to vector<16xi32>
        %shift_right_arithmetic3A_40 = arith.shrsi %get3A_33, %shift_right_arithmetic3A_39 : vector<16xi32>
        %eq3A = vector.broadcast %arg0 : i32 to vector<16xi32>
        %eq3A_41 = arith.cmpi eq, %shift_right_arithmetic3A_40, %eq3A : vector<16xi32>
        %and3A_42 = arith.constant 63 : i32
        %and3A_43 = vector.broadcast %and3A_42 : i32 to vector<16xi32>
        %and3A_44 = arith.andi %get3A_33, %and3A_43 : vector<16xi32>
        %add3A = arith.constant 10000 : i32
        %add3A_45 = vector.broadcast %add3A : i32 to vector<16xi32>
        %add3A_46 = arith.addi %add3A_45, %and3A_44 : vector<16xi32>
        %select_n3A = arith.select %eq3A_41, %and3A_37, %add3A_46 : vector<16xi1>, vector<16xi32>
        %swap3A = arith.index_cast %scan3A_17 : i32 to index
        %swap3A_47 = arith.index_cast %mul3A_30 : i32 to index
        %swap3A_48 = tpu.vector_load %arg7[%swap3A, %swap3A_47] {strides = array<i32>} : memref<79x128xi32, #tpu.memory_space<vmem>>, vector<1x16xi32>,
        %swap3A_49 = vector.shape_cast %swap3A_48 : vector<1x16xi32> to vector<16xi32>
        %swap3A_50 = vector.shape_cast %select_n3A : vector<16xi32> to vector<1x16xi32>
        tpu.vector_store %arg7[%swap3A, %swap3A_47], %swap3A_50 {strides = array<i32>} : memref<79x128xi32, #tpu.memory_space<vmem>>, vector<1x16xi32>,
        %scan3A_51 = arith.constant 0 : i32
        scf.yield %scan3A_51 : i32
      }
      %scan3A_25 = arith.constant 8 : i32
      %scan3A_26 = arith.constant 0 : i32
      scf.yield %scan3A_26 : i32
    }
    %scan3A_6 = arith.constant 79 : i32
    %barrier3A = arith.constant 0 : index
    tpu.barrier barrier_id(%barrier3A)
    %scan3A_7 = arith.constant 0 : i32
    %scan3A_8 = arith.constant 0 : i32
    %scan3A_9 = arith.constant 79 : i32
    %scan3A_10 = arith.addi %scan3A_8, %scan3A_9 : i32
    %scan3A_11 = arith.constant 1 : i32
    %scan3A_12 = scf.for %scan3A_17 = %scan3A_8 to %scan3A_10 step %scan3A_11 iter_args(%scan3A_18 = %scan3A_7) -> (i32)  : i32 {
      "tpu.region"() ({
        %run_scoped3A = tpu.sem_alloc : memref<!tpu.dma_semaphore, #tpu.memory_space<semaphore_mem>>
        %dma_start3A = arith.constant 0 : i32
        %dma_start3A_20 = tpu.memref_slice %arg7[%scan3A_17, %dma_start3A] : memref<79x128xi32, #tpu.memory_space<vmem>> -> memref<1x128xi32, #tpu.memory_space<vmem>>
        %dma_start3A_21 = tpu.memref_squeeze %dma_start3A_20 : memref<1x128xi32, #tpu.memory_space<vmem>> -> memref<128xi32, #tpu.memory_space<vmem>>
        %dma_start3A_22 = arith.constant 0 : i32
        %dma_start3A_23 = arith.constant 0 : i32
        %dma_start3A_24 = tpu.memref_slice %arg10[%dma_start3A_22, %dma_start3A_23] : memref<10112x128xf32, #tpu.memory_space<vmem_shared>> -> memref<10112x128xf32, #tpu.memory_space<vmem_shared>>
        tpu.enqueue_indirect_dma source(%arg8 : memref<128x128xf32, #tpu.memory_space<vmem>>) target(%dma_start3A_24 : memref<10112x128xf32, #tpu.memory_space<vmem_shared>>) offsets(%dma_start3A_21 : memref<128xi32, #tpu.memory_space<vmem>>) semaphore(%run_scoped3A : memref<!tpu.dma_semaphore, #tpu.memory_space<semaphore_mem>>) {add = true}
        %dma_wait3A = arith.constant 0 : i32
        %dma_wait3A_25 = tpu.memref_slice %arg7[%scan3A_17, %dma_wait3A] : memref<79x128xi32, #tpu.memory_space<vmem>> -> memref<1x128xi32, #tpu.memory_space<vmem>>
        %dma_wait3A_26 = tpu.memref_squeeze %dma_wait3A_25 : memref<1x128xi32, #tpu.memory_space<vmem>> -> memref<128xi32, #tpu.memory_space<vmem>>
        %dma_wait3A_27 = arith.constant 0 : i32
        %dma_wait3A_28 = arith.constant 0 : i32
        %dma_wait3A_29 = tpu.memref_slice %arg10[%dma_wait3A_27, %dma_wait3A_28] : memref<10112x128xf32, #tpu.memory_space<vmem_shared>> -> memref<10112x128xf32, #tpu.memory_space<vmem_shared>>
        tpu.wait_indirect_dma semaphore(%run_scoped3A : memref<!tpu.dma_semaphore, #tpu.memory_space<semaphore_mem>>) src(%arg8 : memref<128x128xf32, #tpu.memory_space<vmem>>) dst(%dma_wait3A_29 : memref<10112x128xf32, #tpu.memory_space<vmem_shared>>)
        tpu.yield
      }) : () -> ()
      %scan3A_19 = arith.constant 0 : i32
      scf.yield %scan3A_19 : i32
    }
    %scan3A_13 = arith.constant 79 : i32
    %barrier3A_14 = arith.constant 0 : index
    tpu.barrier barrier_id(%barrier3A_14)
    %mul3A_15 = arith.constant 632 : i32
    %mul3A_16 = arith.muli %arg1, %mul3A_15 : i32
    "tpu.region"() ({
      %run_scoped3A = tpu.sem_alloc : memref<!tpu.dma_semaphore, #tpu.memory_space<semaphore_mem>>
      %dma_start3A = arith.constant 0 : i32
      %dma_start3A_17 = tpu.memref_slice %arg5[%arg0, %mul3A_16, %dma_start3A] : memref<2x10112x128xf32, #tpu.memory_space<hbm>> -> memref<1x632x128xf32, #tpu.memory_space<hbm>>
      %dma_start3A_18 = tpu.memref_squeeze %dma_start3A_17 : memref<1x632x128xf32, #tpu.memory_space<hbm>> -> memref<632x128xf32, #tpu.memory_space<hbm>>
      %dma_start3A_19 = arith.constant 0 : i32
      %dma_start3A_20 = tpu.memref_slice %arg10[%mul3A_16, %dma_start3A_19] : memref<10112x128xf32, #tpu.memory_space<vmem_shared>> -> memref<632x128xf32, #tpu.memory_space<vmem_shared>>
      tpu.enqueue_dma source(%dma_start3A_20 : memref<632x128xf32, #tpu.memory_space<vmem_shared>>) target(%dma_start3A_18 : memref<632x128xf32, #tpu.memory_space<hbm>>) target_semaphore(%run_scoped3A : memref<!tpu.dma_semaphore, #tpu.memory_space<semaphore_mem>>)
      %dma_wait3A = arith.constant 0 : i32
      %dma_wait3A_21 = tpu.memref_slice %arg5[%arg0, %mul3A_16, %dma_wait3A] : memref<2x10112x128xf32, #tpu.memory_space<hbm>> -> memref<1x632x128xf32, #tpu.memory_space<hbm>>
      %dma_wait3A_22 = tpu.memref_squeeze %dma_wait3A_21 : memref<1x632x128xf32, #tpu.memory_space<hbm>> -> memref<632x128xf32, #tpu.memory_space<hbm>>
      %dma_wait3A_23 = arith.constant 0 : i32
      %dma_wait3A_24 = tpu.memref_slice %arg10[%mul3A_16, %dma_wait3A_23] : memref<10112x128xf32, #tpu.memory_space<vmem_shared>> -> memref<632x128xf32, #tpu.memory_space<vmem_shared>>
      tpu.wait_dma2 semaphore(%run_scoped3A : memref<!tpu.dma_semaphore, #tpu.memory_space<semaphore_mem>>) src(%dma_wait3A_24 : memref<632x128xf32, #tpu.memory_space<vmem_shared>>) dst(%dma_wait3A_22 : memref<632x128xf32, #tpu.memory_space<hbm>>)
      tpu.yield
    }) : () -> ()
    return
  }
}

#map = affine_map<(d0, d1) -> (0, 0)>
#map1 = affine_map<(d0, d1) -> (0, 0, 0)>
module attributes {stable_mosaic.version = 14 : i64} {
  func.func @k(%arg0: i32, %arg1: i32, %arg2: memref<10000x128xf32, #tpu.memory_space<hbm>>, %arg3: memref<16x79x128xi32, #tpu.memory_space<hbm>>, %arg4: memref<632x128xf32, #tpu.memory_space<hbm>>, %arg5: memref<2x10112x128xf32, #tpu.memory_space<hbm>>, %arg6: memref<79x128xi32, #tpu.memory_space<vmem>>, %arg7: memref<2x128xi32, #tpu.memory_space<vmem>>, %arg8: memref<2x128xi32, #tpu.memory_space<vmem>>, %arg9: memref<128x128xf32, #tpu.memory_space<vmem>>, %arg10: memref<128x128xf32, #tpu.memory_space<vmem>>, %arg11: memref<!tpu.dma_semaphore, #tpu.memory_space<semaphore_mem>>, %arg12: memref<!tpu.dma_semaphore, #tpu.memory_space<semaphore_mem>>, %arg13: memref<10112x128xf32, #tpu.memory_space<vmem_shared>>) attributes {dimension_semantics = [#tpu.dimension_semantics<core_parallel>, #tpu.dimension_semantics<subcore_parallel>], iteration_bounds = array<i64: 2, 16>, scalar_prefetch = 0 : i64, scratch_operands = 8 : i64, tpu.core_type = #tpu.core_type<sc_vector_subcore>, window_params = [{transform_indices = #map}, {transform_indices = #map1}, {transform_indices = #map}, {transform_indices = #map1}]} {
    %mul3A = arith.constant 632 : i32
    %mul3A_0 = arith.muli %arg1, %mul3A : i32
    "tpu.region"() ({
      %run_scoped3A_28 = tpu.sem_alloc : memref<!tpu.dma_semaphore, #tpu.memory_space<semaphore_mem>>
      %dma_start3A_29 = arith.constant 0 : i32
      %dma_start3A_30 = tpu.memref_slice %arg13[%mul3A_0, %dma_start3A_29] : memref<10112x128xf32, #tpu.memory_space<vmem_shared>> -> memref<632x128xf32, #tpu.memory_space<vmem_shared>>
      tpu.enqueue_dma source(%arg4 : memref<632x128xf32, #tpu.memory_space<hbm>>) target(%dma_start3A_30 : memref<632x128xf32, #tpu.memory_space<vmem_shared>>) target_semaphore(%run_scoped3A_28 : memref<!tpu.dma_semaphore, #tpu.memory_space<semaphore_mem>>)
      %dma_wait3A_31 = arith.constant 0 : i32
      %dma_wait3A_32 = tpu.memref_slice %arg13[%mul3A_0, %dma_wait3A_31] : memref<10112x128xf32, #tpu.memory_space<vmem_shared>> -> memref<632x128xf32, #tpu.memory_space<vmem_shared>>
      tpu.wait_dma2 semaphore(%run_scoped3A_28 : memref<!tpu.dma_semaphore, #tpu.memory_space<semaphore_mem>>) src(%arg4 : memref<632x128xf32, #tpu.memory_space<hbm>>) dst(%dma_wait3A_32 : memref<632x128xf32, #tpu.memory_space<vmem_shared>>)
      tpu.yield
    }) : () -> ()
    "tpu.region"() ({
      %run_scoped3A_28 = tpu.sem_alloc : memref<!tpu.dma_semaphore, #tpu.memory_space<semaphore_mem>>
      %dma_start3A_29 = arith.constant 0 : i32
      %dma_start3A_30 = arith.constant 0 : i32
      %dma_start3A_31 = tpu.memref_slice %arg3[%arg1, %dma_start3A_29, %dma_start3A_30] : memref<16x79x128xi32, #tpu.memory_space<hbm>> -> memref<1x79x128xi32, #tpu.memory_space<hbm>>
      %dma_start3A_32 = tpu.memref_squeeze %dma_start3A_31 : memref<1x79x128xi32, #tpu.memory_space<hbm>> -> memref<79x128xi32, #tpu.memory_space<hbm>>
      %dma_start3A_33 = arith.constant 0 : i32
      %dma_start3A_34 = arith.constant 0 : i32
      %dma_start3A_35 = tpu.memref_slice %arg3[%arg1, %dma_start3A_33, %dma_start3A_34] : memref<16x79x128xi32, #tpu.memory_space<hbm>> -> memref<1x79x128xi32, #tpu.memory_space<hbm>>
      %dma_start3A_36 = tpu.memref_squeeze %dma_start3A_35 : memref<1x79x128xi32, #tpu.memory_space<hbm>> -> memref<79x128xi32, #tpu.memory_space<hbm>>
      tpu.enqueue_dma source(%dma_start3A_36 : memref<79x128xi32, #tpu.memory_space<hbm>>) target(%arg6 : memref<79x128xi32, #tpu.memory_space<vmem>>) target_semaphore(%run_scoped3A_28 : memref<!tpu.dma_semaphore, #tpu.memory_space<semaphore_mem>>)
      %dma_wait3A_37 = arith.constant 0 : i32
      %dma_wait3A_38 = arith.constant 0 : i32
      %dma_wait3A_39 = tpu.memref_slice %arg3[%arg1, %dma_wait3A_37, %dma_wait3A_38] : memref<16x79x128xi32, #tpu.memory_space<hbm>> -> memref<1x79x128xi32, #tpu.memory_space<hbm>>
      %dma_wait3A_40 = tpu.memref_squeeze %dma_wait3A_39 : memref<1x79x128xi32, #tpu.memory_space<hbm>> -> memref<79x128xi32, #tpu.memory_space<hbm>>
      %dma_wait3A_41 = arith.constant 0 : i32
      %dma_wait3A_42 = arith.constant 0 : i32
      %dma_wait3A_43 = tpu.memref_slice %arg3[%arg1, %dma_wait3A_41, %dma_wait3A_42] : memref<16x79x128xi32, #tpu.memory_space<hbm>> -> memref<1x79x128xi32, #tpu.memory_space<hbm>>
      %dma_wait3A_44 = tpu.memref_squeeze %dma_wait3A_43 : memref<1x79x128xi32, #tpu.memory_space<hbm>> -> memref<79x128xi32, #tpu.memory_space<hbm>>
      tpu.wait_dma2 semaphore(%run_scoped3A_28 : memref<!tpu.dma_semaphore, #tpu.memory_space<semaphore_mem>>) src(%dma_wait3A_44 : memref<79x128xi32, #tpu.memory_space<hbm>>) dst(%arg6 : memref<79x128xi32, #tpu.memory_space<vmem>>)
      tpu.yield
    }) : () -> ()
    %barrier3A = arith.constant 0 : index
    tpu.barrier barrier_id(%barrier3A)
    %scan3A = arith.constant 0 : i32
    %scan3A_1 = arith.constant 0 : i32
    %scan3A_2 = arith.constant 8 : i32
    %scan3A_3 = arith.addi %scan3A_1, %scan3A_2 : i32
    %scan3A_4 = arith.constant 1 : i32
    %scan3A_5 = scf.for %scan3A_28 = %scan3A_1 to %scan3A_3 step %scan3A_4 iter_args(%scan3A_29 = %scan3A) -> (i32)  : i32 {
      %mul3A_30 = arith.constant 16 : i32
      %mul3A_31 = arith.muli %scan3A_28, %mul3A_30 : i32
      %get3A = arith.constant 0 : i32
      %get3A_32 = arith.index_cast %get3A : i32 to index
      %get3A_33 = arith.index_cast %mul3A_31 : i32 to index
      %get3A_34 = tpu.vector_load %arg6[%get3A_32, %get3A_33] {strides = array<i32>} : memref<79x128xi32, #tpu.memory_space<vmem>>, vector<1x16xi32>,
      %get3A_35 = vector.shape_cast %get3A_34 : vector<1x16xi32> to vector<16xi32>
      %and3A = arith.constant 16383 : i32
      %and3A_36 = vector.broadcast %and3A : i32 to vector<16xi32>
      %and3A_37 = arith.andi %get3A_35, %and3A_36 : vector<16xi32>
      %swap3A = arith.constant 0 : i32
      %swap3A_38 = arith.index_cast %swap3A : i32 to index
      %swap3A_39 = arith.index_cast %mul3A_31 : i32 to index
      %swap3A_40 = tpu.vector_load %arg7[%swap3A_38, %swap3A_39] {strides = array<i32>} : memref<2x128xi32, #tpu.memory_space<vmem>>, vector<1x16xi32>,
      %swap3A_41 = vector.shape_cast %swap3A_40 : vector<1x16xi32> to vector<16xi32>
      %swap3A_42 = vector.shape_cast %and3A_37 : vector<16xi32> to vector<1x16xi32>
      tpu.vector_store %arg7[%swap3A_38, %swap3A_39], %swap3A_42 {strides = array<i32>} : memref<2x128xi32, #tpu.memory_space<vmem>>, vector<1x16xi32>,
      %shift_right_arithmetic3A = arith.constant 14 : i32
      %shift_right_arithmetic3A_43 = vector.broadcast %shift_right_arithmetic3A : i32 to vector<16xi32>
      %shift_right_arithmetic3A_44 = arith.shrsi %get3A_35, %shift_right_arithmetic3A_43 : vector<16xi32>
      %and3A_45 = arith.constant 16383 : i32
      %and3A_46 = vector.broadcast %and3A_45 : i32 to vector<16xi32>
      %and3A_47 = arith.andi %shift_right_arithmetic3A_44, %and3A_46 : vector<16xi32>
      %shift_right_arithmetic3A_48 = arith.constant 28 : i32
      %shift_right_arithmetic3A_49 = vector.broadcast %shift_right_arithmetic3A_48 : i32 to vector<16xi32>
      %shift_right_arithmetic3A_50 = arith.shrsi %get3A_35, %shift_right_arithmetic3A_49 : vector<16xi32>
      %eq3A = vector.broadcast %arg0 : i32 to vector<16xi32>
      %eq3A_51 = arith.cmpi eq, %shift_right_arithmetic3A_50, %eq3A : vector<16xi32>
      %jit3A = arith.constant 10000 : i32
      %broadcast_in_dim3A = vector.broadcast %jit3A : i32 to vector<16xi32>
      %select_n3A = arith.select %eq3A_51, %and3A_47, %broadcast_in_dim3A : vector<16xi1>, vector<16xi32>
      %swap3A_52 = arith.constant 0 : i32
      %swap3A_53 = arith.index_cast %swap3A_52 : i32 to index
      %swap3A_54 = arith.index_cast %mul3A_31 : i32 to index
      %swap3A_55 = tpu.vector_load %arg8[%swap3A_53, %swap3A_54] {strides = array<i32>} : memref<2x128xi32, #tpu.memory_space<vmem>>, vector<1x16xi32>,
      %swap3A_56 = vector.shape_cast %swap3A_55 : vector<1x16xi32> to vector<16xi32>
      %swap3A_57 = vector.shape_cast %select_n3A : vector<16xi32> to vector<1x16xi32>
      tpu.vector_store %arg8[%swap3A_53, %swap3A_54], %swap3A_57 {strides = array<i32>} : memref<2x128xi32, #tpu.memory_space<vmem>>, vector<1x16xi32>,
      %scan3A_58 = arith.constant 0 : i32
      scf.yield %scan3A_58 : i32
    }
    %scan3A_6 = arith.constant 8 : i32
    %dma_start3A = arith.constant 0 : i32
    %dma_start3A_7 = arith.constant 0 : i32
    %dma_start3A_8 = tpu.memref_slice %arg7[%dma_start3A, %dma_start3A_7] : memref<2x128xi32, #tpu.memory_space<vmem>> -> memref<1x128xi32, #tpu.memory_space<vmem>>
    %dma_start3A_9 = tpu.memref_squeeze %dma_start3A_8 : memref<1x128xi32, #tpu.memory_space<vmem>> -> memref<128xi32, #tpu.memory_space<vmem>>
    %dma_start3A_10 = arith.constant 0 : i32
    %dma_start3A_11 = arith.constant 0 : i32
    %dma_start3A_12 = tpu.memref_slice %arg2[%dma_start3A_10, %dma_start3A_11] : memref<10000x128xf32, #tpu.memory_space<hbm>> -> memref<10000x128xf32, #tpu.memory_space<hbm>>
    tpu.enqueue_indirect_dma source(%dma_start3A_12 : memref<10000x128xf32, #tpu.memory_space<hbm>>) target(%arg9 : memref<128x128xf32, #tpu.memory_space<vmem>>) offsets(%dma_start3A_9 : memref<128xi32, #tpu.memory_space<vmem>>) semaphore(%arg11 : memref<!tpu.dma_semaphore, #tpu.memory_space<semaphore_mem>>)
    %scan3A_13 = arith.constant 0 : i32
    %scan3A_14 = arith.constant 0 : i32
    %scan3A_15 = arith.constant 39 : i32
    %scan3A_16 = arith.addi %scan3A_14, %scan3A_15 : i32
    %scan3A_17 = arith.constant 1 : i32
    %scan3A_18 = scf.for %scan3A_28 = %scan3A_14 to %scan3A_16 step %scan3A_17 iter_args(%scan3A_29 = %scan3A_13) -> (i32)  : i32 {
      %mul3A_30 = arith.constant 2 : i32
      %mul3A_31 = arith.muli %mul3A_30, %scan3A_28 : i32
      %add3A = arith.constant 1 : i32
      %add3A_32 = arith.addi %mul3A_31, %add3A : i32
      %scan3A_33 = arith.constant 0 : i32
      %scan3A_34 = arith.constant 0 : i32
      %scan3A_35 = arith.constant 8 : i32
      %scan3A_36 = arith.addi %scan3A_34, %scan3A_35 : i32
      %scan3A_37 = arith.constant 1 : i32
      %scan3A_38 = scf.for %scan3A_78 = %scan3A_34 to %scan3A_36 step %scan3A_37 iter_args(%scan3A_79 = %scan3A_33) -> (i32)  : i32 {
        %mul3A_80 = arith.constant 16 : i32
        %mul3A_81 = arith.muli %scan3A_78, %mul3A_80 : i32
        %get3A = arith.index_cast %add3A_32 : i32 to index
        %get3A_82 = arith.index_cast %mul3A_81 : i32 to index
        %get3A_83 = tpu.vector_load %arg6[%get3A, %get3A_82] {strides = array<i32>} : memref<79x128xi32, #tpu.memory_space<vmem>>, vector<1x16xi32>,
        %get3A_84 = vector.shape_cast %get3A_83 : vector<1x16xi32> to vector<16xi32>
        %and3A = arith.constant 16383 : i32
        %and3A_85 = vector.broadcast %and3A : i32 to vector<16xi32>
        %and3A_86 = arith.andi %get3A_84, %and3A_85 : vector<16xi32>
        %swap3A = arith.constant 1 : i32
        %swap3A_87 = arith.index_cast %swap3A : i32 to index
        %swap3A_88 = arith.index_cast %mul3A_81 : i32 to index
        %swap3A_89 = tpu.vector_load %arg7[%swap3A_87, %swap3A_88] {strides = array<i32>} : memref<2x128xi32, #tpu.memory_space<vmem>>, vector<1x16xi32>,
        %swap3A_90 = vector.shape_cast %swap3A_89 : vector<1x16xi32> to vector<16xi32>
        %swap3A_91 = vector.shape_cast %and3A_86 : vector<16xi32> to vector<1x16xi32>
        tpu.vector_store %arg7[%swap3A_87, %swap3A_88], %swap3A_91 {strides = array<i32>} : memref<2x128xi32, #tpu.memory_space<vmem>>, vector<1x16xi32>,
        %shift_right_arithmetic3A = arith.constant 14 : i32
        %shift_right_arithmetic3A_92 = vector.broadcast %shift_right_arithmetic3A : i32 to vector<16xi32>
        %shift_right_arithmetic3A_93 = arith.shrsi %get3A_84, %shift_right_arithmetic3A_92 : vector<16xi32>
        %and3A_94 = arith.constant 16383 : i32
        %and3A_95 = vector.broadcast %and3A_94 : i32 to vector<16xi32>
        %and3A_96 = arith.andi %shift_right_arithmetic3A_93, %and3A_95 : vector<16xi32>
        %shift_right_arithmetic3A_97 = arith.constant 28 : i32
        %shift_right_arithmetic3A_98 = vector.broadcast %shift_right_arithmetic3A_97 : i32 to vector<16xi32>
        %shift_right_arithmetic3A_99 = arith.shrsi %get3A_84, %shift_right_arithmetic3A_98 : vector<16xi32>
        %eq3A = vector.broadcast %arg0 : i32 to vector<16xi32>
        %eq3A_100 = arith.cmpi eq, %shift_right_arithmetic3A_99, %eq3A : vector<16xi32>
        %jit3A = arith.constant 10000 : i32
        %broadcast_in_dim3A = vector.broadcast %jit3A : i32 to vector<16xi32>
        %select_n3A = arith.select %eq3A_100, %and3A_96, %broadcast_in_dim3A : vector<16xi1>, vector<16xi32>
        %swap3A_101 = arith.constant 1 : i32
        %swap3A_102 = arith.index_cast %swap3A_101 : i32 to index
        %swap3A_103 = arith.index_cast %mul3A_81 : i32 to index
        %swap3A_104 = tpu.vector_load %arg8[%swap3A_102, %swap3A_103] {strides = array<i32>} : memref<2x128xi32, #tpu.memory_space<vmem>>, vector<1x16xi32>,
        %swap3A_105 = vector.shape_cast %swap3A_104 : vector<1x16xi32> to vector<16xi32>
        %swap3A_106 = vector.shape_cast %select_n3A : vector<16xi32> to vector<1x16xi32>
        tpu.vector_store %arg8[%swap3A_102, %swap3A_103], %swap3A_106 {strides = array<i32>} : memref<2x128xi32, #tpu.memory_space<vmem>>, vector<1x16xi32>,
        %scan3A_107 = arith.constant 0 : i32
        scf.yield %scan3A_107 : i32
      }
      %scan3A_39 = arith.constant 8 : i32
      %dma_start3A_40 = arith.constant 1 : i32
      %dma_start3A_41 = arith.constant 0 : i32
      %dma_start3A_42 = tpu.memref_slice %arg7[%dma_start3A_40, %dma_start3A_41] : memref<2x128xi32, #tpu.memory_space<vmem>> -> memref<1x128xi32, #tpu.memory_space<vmem>>
      %dma_start3A_43 = tpu.memref_squeeze %dma_start3A_42 : memref<1x128xi32, #tpu.memory_space<vmem>> -> memref<128xi32, #tpu.memory_space<vmem>>
      %dma_start3A_44 = arith.constant 0 : i32
      %dma_start3A_45 = arith.constant 0 : i32
      %dma_start3A_46 = tpu.memref_slice %arg2[%dma_start3A_44, %dma_start3A_45] : memref<10000x128xf32, #tpu.memory_space<hbm>> -> memref<10000x128xf32, #tpu.memory_space<hbm>>
      tpu.enqueue_indirect_dma source(%dma_start3A_46 : memref<10000x128xf32, #tpu.memory_space<hbm>>) target(%arg10 : memref<128x128xf32, #tpu.memory_space<vmem>>) offsets(%dma_start3A_43 : memref<128xi32, #tpu.memory_space<vmem>>) semaphore(%arg12 : memref<!tpu.dma_semaphore, #tpu.memory_space<semaphore_mem>>)
      %dma_wait3A_47 = arith.constant 0 : i32
      %dma_wait3A_48 = arith.constant 0 : i32
      %dma_wait3A_49 = tpu.memref_slice %arg2[%dma_wait3A_47, %dma_wait3A_48] : memref<10000x128xf32, #tpu.memory_space<hbm>> -> memref<128x128xf32, #tpu.memory_space<hbm>>
      %dma_wait3A_50 = arith.constant 0 : i32
      %dma_wait3A_51 = arith.constant 0 : i32
      %dma_wait3A_52 = tpu.memref_slice %arg2[%dma_wait3A_50, %dma_wait3A_51] : memref<10000x128xf32, #tpu.memory_space<hbm>> -> memref<128x128xf32, #tpu.memory_space<hbm>>
      tpu.wait_dma2 semaphore(%arg11 : memref<!tpu.dma_semaphore, #tpu.memory_space<semaphore_mem>>) src(%dma_wait3A_52 : memref<128x128xf32, #tpu.memory_space<hbm>>) dst(%arg9 : memref<128x128xf32, #tpu.memory_space<vmem>>)
      %run_scoped3A_53 = arith.constant 0 : i32
      "tpu.region"() ({
        %run_scoped3A_78 = tpu.sem_alloc : memref<!tpu.dma_semaphore, #tpu.memory_space<semaphore_mem>>
        %dma_start3A_79 = arith.constant 0 : i32
        %dma_start3A_80 = tpu.memref_slice %arg8[%run_scoped3A_53, %dma_start3A_79] : memref<2x128xi32, #tpu.memory_space<vmem>> -> memref<1x128xi32, #tpu.memory_space<vmem>>
        %dma_start3A_81 = tpu.memref_squeeze %dma_start3A_80 : memref<1x128xi32, #tpu.memory_space<vmem>> -> memref<128xi32, #tpu.memory_space<vmem>>
        %dma_start3A_82 = arith.constant 0 : i32
        %dma_start3A_83 = arith.constant 0 : i32
        %dma_start3A_84 = tpu.memref_slice %arg13[%dma_start3A_82, %dma_start3A_83] : memref<10112x128xf32, #tpu.memory_space<vmem_shared>> -> memref<10112x128xf32, #tpu.memory_space<vmem_shared>>
        tpu.enqueue_indirect_dma source(%arg9 : memref<128x128xf32, #tpu.memory_space<vmem>>) target(%dma_start3A_84 : memref<10112x128xf32, #tpu.memory_space<vmem_shared>>) offsets(%dma_start3A_81 : memref<128xi32, #tpu.memory_space<vmem>>) semaphore(%run_scoped3A_78 : memref<!tpu.dma_semaphore, #tpu.memory_space<semaphore_mem>>) {add = true}
        %dma_wait3A_85 = arith.constant 0 : i32
        %dma_wait3A_86 = tpu.memref_slice %arg8[%run_scoped3A_53, %dma_wait3A_85] : memref<2x128xi32, #tpu.memory_space<vmem>> -> memref<1x128xi32, #tpu.memory_space<vmem>>
        %dma_wait3A_87 = tpu.memref_squeeze %dma_wait3A_86 : memref<1x128xi32, #tpu.memory_space<vmem>> -> memref<128xi32, #tpu.memory_space<vmem>>
        %dma_wait3A_88 = arith.constant 0 : i32
        %dma_wait3A_89 = arith.constant 0 : i32
        %dma_wait3A_90 = tpu.memref_slice %arg13[%dma_wait3A_88, %dma_wait3A_89] : memref<10112x128xf32, #tpu.memory_space<vmem_shared>> -> memref<10112x128xf32, #tpu.memory_space<vmem_shared>>
        tpu.wait_indirect_dma semaphore(%run_scoped3A_78 : memref<!tpu.dma_semaphore, #tpu.memory_space<semaphore_mem>>) src(%arg9 : memref<128x128xf32, #tpu.memory_space<vmem>>) dst(%dma_wait3A_90 : memref<10112x128xf32, #tpu.memory_space<vmem_shared>>)
        tpu.yield
      }) : () -> ()
      %add3A_54 = arith.constant 2 : i32
      %add3A_55 = arith.addi %mul3A_31, %add3A_54 : i32
      %scan3A_56 = arith.constant 0 : i32
      %scan3A_57 = arith.constant 0 : i32
      %scan3A_58 = arith.constant 8 : i32
      %scan3A_59 = arith.addi %scan3A_57, %scan3A_58 : i32
      %scan3A_60 = arith.constant 1 : i32
      %scan3A_61 = scf.for %scan3A_78 = %scan3A_57 to %scan3A_59 step %scan3A_60 iter_args(%scan3A_79 = %scan3A_56) -> (i32)  : i32 {
        %mul3A_80 = arith.constant 16 : i32
        %mul3A_81 = arith.muli %scan3A_78, %mul3A_80 : i32
        %get3A = arith.index_cast %add3A_55 : i32 to index
        %get3A_82 = arith.index_cast %mul3A_81 : i32 to index
        %get3A_83 = tpu.vector_load %arg6[%get3A, %get3A_82] {strides = array<i32>} : memref<79x128xi32, #tpu.memory_space<vmem>>, vector<1x16xi32>,
        %get3A_84 = vector.shape_cast %get3A_83 : vector<1x16xi32> to vector<16xi32>
        %and3A = arith.constant 16383 : i32
        %and3A_85 = vector.broadcast %and3A : i32 to vector<16xi32>
        %and3A_86 = arith.andi %get3A_84, %and3A_85 : vector<16xi32>
        %swap3A = arith.constant 0 : i32
        %swap3A_87 = arith.index_cast %swap3A : i32 to index
        %swap3A_88 = arith.index_cast %mul3A_81 : i32 to index
        %swap3A_89 = tpu.vector_load %arg7[%swap3A_87, %swap3A_88] {strides = array<i32>} : memref<2x128xi32, #tpu.memory_space<vmem>>, vector<1x16xi32>,
        %swap3A_90 = vector.shape_cast %swap3A_89 : vector<1x16xi32> to vector<16xi32>
        %swap3A_91 = vector.shape_cast %and3A_86 : vector<16xi32> to vector<1x16xi32>
        tpu.vector_store %arg7[%swap3A_87, %swap3A_88], %swap3A_91 {strides = array<i32>} : memref<2x128xi32, #tpu.memory_space<vmem>>, vector<1x16xi32>,
        %shift_right_arithmetic3A = arith.constant 14 : i32
        %shift_right_arithmetic3A_92 = vector.broadcast %shift_right_arithmetic3A : i32 to vector<16xi32>
        %shift_right_arithmetic3A_93 = arith.shrsi %get3A_84, %shift_right_arithmetic3A_92 : vector<16xi32>
        %and3A_94 = arith.constant 16383 : i32
        %and3A_95 = vector.broadcast %and3A_94 : i32 to vector<16xi32>
        %and3A_96 = arith.andi %shift_right_arithmetic3A_93, %and3A_95 : vector<16xi32>
        %shift_right_arithmetic3A_97 = arith.constant 28 : i32
        %shift_right_arithmetic3A_98 = vector.broadcast %shift_right_arithmetic3A_97 : i32 to vector<16xi32>
        %shift_right_arithmetic3A_99 = arith.shrsi %get3A_84, %shift_right_arithmetic3A_98 : vector<16xi32>
        %eq3A = vector.broadcast %arg0 : i32 to vector<16xi32>
        %eq3A_100 = arith.cmpi eq, %shift_right_arithmetic3A_99, %eq3A : vector<16xi32>
        %jit3A = arith.constant 10000 : i32
        %broadcast_in_dim3A = vector.broadcast %jit3A : i32 to vector<16xi32>
        %select_n3A = arith.select %eq3A_100, %and3A_96, %broadcast_in_dim3A : vector<16xi1>, vector<16xi32>
        %swap3A_101 = arith.constant 0 : i32
        %swap3A_102 = arith.index_cast %swap3A_101 : i32 to index
        %swap3A_103 = arith.index_cast %mul3A_81 : i32 to index
        %swap3A_104 = tpu.vector_load %arg8[%swap3A_102, %swap3A_103] {strides = array<i32>} : memref<2x128xi32, #tpu.memory_space<vmem>>, vector<1x16xi32>,
        %swap3A_105 = vector.shape_cast %swap3A_104 : vector<1x16xi32> to vector<16xi32>
        %swap3A_106 = vector.shape_cast %select_n3A : vector<16xi32> to vector<1x16xi32>
        tpu.vector_store %arg8[%swap3A_102, %swap3A_103], %swap3A_106 {strides = array<i32>} : memref<2x128xi32, #tpu.memory_space<vmem>>, vector<1x16xi32>,
        %scan3A_107 = arith.constant 0 : i32
        scf.yield %scan3A_107 : i32
      }
      %scan3A_62 = arith.constant 8 : i32
      %dma_start3A_63 = arith.constant 0 : i32
      %dma_start3A_64 = arith.constant 0 : i32
      %dma_start3A_65 = tpu.memref_slice %arg7[%dma_start3A_63, %dma_start3A_64] : memref<2x128xi32, #tpu.memory_space<vmem>> -> memref<1x128xi32, #tpu.memory_space<vmem>>
      %dma_start3A_66 = tpu.memref_squeeze %dma_start3A_65 : memref<1x128xi32, #tpu.memory_space<vmem>> -> memref<128xi32, #tpu.memory_space<vmem>>
      %dma_start3A_67 = arith.constant 0 : i32
      %dma_start3A_68 = arith.constant 0 : i32
      %dma_start3A_69 = tpu.memref_slice %arg2[%dma_start3A_67, %dma_start3A_68] : memref<10000x128xf32, #tpu.memory_space<hbm>> -> memref<10000x128xf32, #tpu.memory_space<hbm>>
      tpu.enqueue_indirect_dma source(%dma_start3A_69 : memref<10000x128xf32, #tpu.memory_space<hbm>>) target(%arg9 : memref<128x128xf32, #tpu.memory_space<vmem>>) offsets(%dma_start3A_66 : memref<128xi32, #tpu.memory_space<vmem>>) semaphore(%arg11 : memref<!tpu.dma_semaphore, #tpu.memory_space<semaphore_mem>>)
      %dma_wait3A_70 = arith.constant 0 : i32
      %dma_wait3A_71 = arith.constant 0 : i32
      %dma_wait3A_72 = tpu.memref_slice %arg2[%dma_wait3A_70, %dma_wait3A_71] : memref<10000x128xf32, #tpu.memory_space<hbm>> -> memref<128x128xf32, #tpu.memory_space<hbm>>
      %dma_wait3A_73 = arith.constant 0 : i32
      %dma_wait3A_74 = arith.constant 0 : i32
      %dma_wait3A_75 = tpu.memref_slice %arg2[%dma_wait3A_73, %dma_wait3A_74] : memref<10000x128xf32, #tpu.memory_space<hbm>> -> memref<128x128xf32, #tpu.memory_space<hbm>>
      tpu.wait_dma2 semaphore(%arg12 : memref<!tpu.dma_semaphore, #tpu.memory_space<semaphore_mem>>) src(%dma_wait3A_75 : memref<128x128xf32, #tpu.memory_space<hbm>>) dst(%arg10 : memref<128x128xf32, #tpu.memory_space<vmem>>)
      %run_scoped3A_76 = arith.constant 1 : i32
      "tpu.region"() ({
        %run_scoped3A_78 = tpu.sem_alloc : memref<!tpu.dma_semaphore, #tpu.memory_space<semaphore_mem>>
        %dma_start3A_79 = arith.constant 0 : i32
        %dma_start3A_80 = tpu.memref_slice %arg8[%run_scoped3A_76, %dma_start3A_79] : memref<2x128xi32, #tpu.memory_space<vmem>> -> memref<1x128xi32, #tpu.memory_space<vmem>>
        %dma_start3A_81 = tpu.memref_squeeze %dma_start3A_80 : memref<1x128xi32, #tpu.memory_space<vmem>> -> memref<128xi32, #tpu.memory_space<vmem>>
        %dma_start3A_82 = arith.constant 0 : i32
        %dma_start3A_83 = arith.constant 0 : i32
        %dma_start3A_84 = tpu.memref_slice %arg13[%dma_start3A_82, %dma_start3A_83] : memref<10112x128xf32, #tpu.memory_space<vmem_shared>> -> memref<10112x128xf32, #tpu.memory_space<vmem_shared>>
        tpu.enqueue_indirect_dma source(%arg10 : memref<128x128xf32, #tpu.memory_space<vmem>>) target(%dma_start3A_84 : memref<10112x128xf32, #tpu.memory_space<vmem_shared>>) offsets(%dma_start3A_81 : memref<128xi32, #tpu.memory_space<vmem>>) semaphore(%run_scoped3A_78 : memref<!tpu.dma_semaphore, #tpu.memory_space<semaphore_mem>>) {add = true}
        %dma_wait3A_85 = arith.constant 0 : i32
        %dma_wait3A_86 = tpu.memref_slice %arg8[%run_scoped3A_76, %dma_wait3A_85] : memref<2x128xi32, #tpu.memory_space<vmem>> -> memref<1x128xi32, #tpu.memory_space<vmem>>
        %dma_wait3A_87 = tpu.memref_squeeze %dma_wait3A_86 : memref<1x128xi32, #tpu.memory_space<vmem>> -> memref<128xi32, #tpu.memory_space<vmem>>
        %dma_wait3A_88 = arith.constant 0 : i32
        %dma_wait3A_89 = arith.constant 0 : i32
        %dma_wait3A_90 = tpu.memref_slice %arg13[%dma_wait3A_88, %dma_wait3A_89] : memref<10112x128xf32, #tpu.memory_space<vmem_shared>> -> memref<10112x128xf32, #tpu.memory_space<vmem_shared>>
        tpu.wait_indirect_dma semaphore(%run_scoped3A_78 : memref<!tpu.dma_semaphore, #tpu.memory_space<semaphore_mem>>) src(%arg10 : memref<128x128xf32, #tpu.memory_space<vmem>>) dst(%dma_wait3A_90 : memref<10112x128xf32, #tpu.memory_space<vmem_shared>>)
        tpu.yield
      }) : () -> ()
      %scan3A_77 = arith.constant 0 : i32
      scf.yield %scan3A_77 : i32
    }
    %scan3A_19 = arith.constant 39 : i32
    %dma_wait3A = arith.constant 0 : i32
    %dma_wait3A_20 = arith.constant 0 : i32
    %dma_wait3A_21 = tpu.memref_slice %arg2[%dma_wait3A, %dma_wait3A_20] : memref<10000x128xf32, #tpu.memory_space<hbm>> -> memref<128x128xf32, #tpu.memory_space<hbm>>
    %dma_wait3A_22 = arith.constant 0 : i32
    %dma_wait3A_23 = arith.constant 0 : i32
    %dma_wait3A_24 = tpu.memref_slice %arg2[%dma_wait3A_22, %dma_wait3A_23] : memref<10000x128xf32, #tpu.memory_space<hbm>> -> memref<128x128xf32, #tpu.memory_space<hbm>>
    tpu.wait_dma2 semaphore(%arg11 : memref<!tpu.dma_semaphore, #tpu.memory_space<semaphore_mem>>) src(%dma_wait3A_24 : memref<128x128xf32, #tpu.memory_space<hbm>>) dst(%arg9 : memref<128x128xf32, #tpu.memory_space<vmem>>)
    %run_scoped3A = arith.constant 0 : i32
    "tpu.region"() ({
      %run_scoped3A_28 = tpu.sem_alloc : memref<!tpu.dma_semaphore, #tpu.memory_space<semaphore_mem>>
      %dma_start3A_29 = arith.constant 0 : i32
      %dma_start3A_30 = tpu.memref_slice %arg8[%run_scoped3A, %dma_start3A_29] : memref<2x128xi32, #tpu.memory_space<vmem>> -> memref<1x128xi32, #tpu.memory_space<vmem>>
      %dma_start3A_31 = tpu.memref_squeeze %dma_start3A_30 : memref<1x128xi32, #tpu.memory_space<vmem>> -> memref<128xi32, #tpu.memory_space<vmem>>
      %dma_start3A_32 = arith.constant 0 : i32
      %dma_start3A_33 = arith.constant 0 : i32
      %dma_start3A_34 = tpu.memref_slice %arg13[%dma_start3A_32, %dma_start3A_33] : memref<10112x128xf32, #tpu.memory_space<vmem_shared>> -> memref<10112x128xf32, #tpu.memory_space<vmem_shared>>
      tpu.enqueue_indirect_dma source(%arg9 : memref<128x128xf32, #tpu.memory_space<vmem>>) target(%dma_start3A_34 : memref<10112x128xf32, #tpu.memory_space<vmem_shared>>) offsets(%dma_start3A_31 : memref<128xi32, #tpu.memory_space<vmem>>) semaphore(%run_scoped3A_28 : memref<!tpu.dma_semaphore, #tpu.memory_space<semaphore_mem>>) {add = true}
      %dma_wait3A_35 = arith.constant 0 : i32
      %dma_wait3A_36 = tpu.memref_slice %arg8[%run_scoped3A, %dma_wait3A_35] : memref<2x128xi32, #tpu.memory_space<vmem>> -> memref<1x128xi32, #tpu.memory_space<vmem>>
      %dma_wait3A_37 = tpu.memref_squeeze %dma_wait3A_36 : memref<1x128xi32, #tpu.memory_space<vmem>> -> memref<128xi32, #tpu.memory_space<vmem>>
      %dma_wait3A_38 = arith.constant 0 : i32
      %dma_wait3A_39 = arith.constant 0 : i32
      %dma_wait3A_40 = tpu.memref_slice %arg13[%dma_wait3A_38, %dma_wait3A_39] : memref<10112x128xf32, #tpu.memory_space<vmem_shared>> -> memref<10112x128xf32, #tpu.memory_space<vmem_shared>>
      tpu.wait_indirect_dma semaphore(%run_scoped3A_28 : memref<!tpu.dma_semaphore, #tpu.memory_space<semaphore_mem>>) src(%arg9 : memref<128x128xf32, #tpu.memory_space<vmem>>) dst(%dma_wait3A_40 : memref<10112x128xf32, #tpu.memory_space<vmem_shared>>)
      tpu.yield
    }) : () -> ()
    %barrier3A_25 = arith.constant 0 : index
    tpu.barrier barrier_id(%barrier3A_25)
    %mul3A_26 = arith.constant 632 : i32
    %mul3A_27 = arith.muli %arg1, %mul3A_26 : i32
    "tpu.region"() ({
      %run_scoped3A_28 = tpu.sem_alloc : memref<!tpu.dma_semaphore, #tpu.memory_space<semaphore_mem>>
      %dma_start3A_29 = arith.constant 0 : i32
      %dma_start3A_30 = tpu.memref_slice %arg5[%arg0, %mul3A_27, %dma_start3A_29] : memref<2x10112x128xf32, #tpu.memory_space<hbm>> -> memref<1x632x128xf32, #tpu.memory_space<hbm>>
      %dma_start3A_31 = tpu.memref_squeeze %dma_start3A_30 : memref<1x632x128xf32, #tpu.memory_space<hbm>> -> memref<632x128xf32, #tpu.memory_space<hbm>>
      %dma_start3A_32 = arith.constant 0 : i32
      %dma_start3A_33 = tpu.memref_slice %arg13[%mul3A_27, %dma_start3A_32] : memref<10112x128xf32, #tpu.memory_space<vmem_shared>> -> memref<632x128xf32, #tpu.memory_space<vmem_shared>>
      tpu.enqueue_dma source(%dma_start3A_33 : memref<632x128xf32, #tpu.memory_space<vmem_shared>>) target(%dma_start3A_31 : memref<632x128xf32, #tpu.memory_space<hbm>>) target_semaphore(%run_scoped3A_28 : memref<!tpu.dma_semaphore, #tpu.memory_space<semaphore_mem>>)
      %dma_wait3A_34 = arith.constant 0 : i32
      %dma_wait3A_35 = tpu.memref_slice %arg5[%arg0, %mul3A_27, %dma_wait3A_34] : memref<2x10112x128xf32, #tpu.memory_space<hbm>> -> memref<1x632x128xf32, #tpu.memory_space<hbm>>
      %dma_wait3A_36 = tpu.memref_squeeze %dma_wait3A_35 : memref<1x632x128xf32, #tpu.memory_space<hbm>> -> memref<632x128xf32, #tpu.memory_space<hbm>>
      %dma_wait3A_37 = arith.constant 0 : i32
      %dma_wait3A_38 = tpu.memref_slice %arg13[%mul3A_27, %dma_wait3A_37] : memref<10112x128xf32, #tpu.memory_space<vmem_shared>> -> memref<632x128xf32, #tpu.memory_space<vmem_shared>>
      tpu.wait_dma2 semaphore(%run_scoped3A_28 : memref<!tpu.dma_semaphore, #tpu.memory_space<semaphore_mem>>) src(%dma_wait3A_38 : memref<632x128xf32, #tpu.memory_space<vmem_shared>>) dst(%dma_wait3A_36 : memref<632x128xf32, #tpu.memory_space<hbm>>)
      tpu.yield
    }) : () -> ()
    return
  }
}

#map = affine_map<(d0, d1) -> (0, 0)>
#map1 = affine_map<(d0, d1) -> (0, 0, 0)>
module attributes {stable_mosaic.version = 14 : i64} {
  func.func @k(%arg0: i32, %arg1: i32, %arg2: memref<100000x128xf32, #tpu.memory_space<hbm>>, %arg3: memref<32x50x128xi32, #tpu.memory_space<hbm>>, %arg4: memref<204800x128xf32, #tpu.memory_space<hbm>>, %arg5: memref<50x128xi32, #tpu.memory_space<vmem>>, %arg6: memref<128x128xf32, #tpu.memory_space<vmem>>, %arg7: memref<128x128xf32, #tpu.memory_space<vmem>>, %arg8: memref<128x128xf32, #tpu.memory_space<vmem>>, %arg9: memref<128x128xf32, #tpu.memory_space<vmem>>, %arg10: memref<128x128xf32, #tpu.memory_space<vmem>>, %arg11: memref<!tpu.dma_semaphore, #tpu.memory_space<semaphore_mem>>, %arg12: memref<!tpu.dma_semaphore, #tpu.memory_space<semaphore_mem>>, %arg13: memref<!tpu.dma_semaphore, #tpu.memory_space<semaphore_mem>>, %arg14: memref<!tpu.dma_semaphore, #tpu.memory_space<semaphore_mem>>, %arg15: memref<!tpu.dma_semaphore, #tpu.memory_space<semaphore_mem>>) attributes {dimension_semantics = [#tpu.dimension_semantics<core_parallel>, #tpu.dimension_semantics<subcore_parallel>], iteration_bounds = array<i64: 2, 16>, scalar_prefetch = 0 : i64, scratch_operands = 11 : i64, tpu.core_type = #tpu.core_type<sc_vector_subcore>, window_params = [{transform_indices = #map}, {transform_indices = #map1}, {transform_indices = #map}]} {
    %mul3A = arith.constant 2 : i32
    %mul3A_0 = arith.muli %arg1, %mul3A : i32
    %add3A = arith.addi %mul3A_0, %arg0 : i32
    "tpu.region"() ({
      %run_scoped3A = tpu.sem_alloc : memref<!tpu.dma_semaphore, #tpu.memory_space<semaphore_mem>>
      %dma_start3A_82 = arith.constant 0 : i32
      %dma_start3A_83 = arith.constant 0 : i32
      %dma_start3A_84 = tpu.memref_slice %arg3[%add3A, %dma_start3A_82, %dma_start3A_83] : memref<32x50x128xi32, #tpu.memory_space<hbm>> -> memref<1x50x128xi32, #tpu.memory_space<hbm>>
      %dma_start3A_85 = tpu.memref_squeeze %dma_start3A_84 : memref<1x50x128xi32, #tpu.memory_space<hbm>> -> memref<50x128xi32, #tpu.memory_space<hbm>>
      %dma_start3A_86 = arith.constant 0 : i32
      %dma_start3A_87 = arith.constant 0 : i32
      %dma_start3A_88 = tpu.memref_slice %arg3[%add3A, %dma_start3A_86, %dma_start3A_87] : memref<32x50x128xi32, #tpu.memory_space<hbm>> -> memref<1x50x128xi32, #tpu.memory_space<hbm>>
      %dma_start3A_89 = tpu.memref_squeeze %dma_start3A_88 : memref<1x50x128xi32, #tpu.memory_space<hbm>> -> memref<50x128xi32, #tpu.memory_space<hbm>>
      tpu.enqueue_dma source(%dma_start3A_89 : memref<50x128xi32, #tpu.memory_space<hbm>>) target(%arg5 : memref<50x128xi32, #tpu.memory_space<vmem>>) target_semaphore(%run_scoped3A : memref<!tpu.dma_semaphore, #tpu.memory_space<semaphore_mem>>)
      %dma_wait3A_90 = arith.constant 0 : i32
      %dma_wait3A_91 = arith.constant 0 : i32
      %dma_wait3A_92 = tpu.memref_slice %arg3[%add3A, %dma_wait3A_90, %dma_wait3A_91] : memref<32x50x128xi32, #tpu.memory_space<hbm>> -> memref<1x50x128xi32, #tpu.memory_space<hbm>>
      %dma_wait3A_93 = tpu.memref_squeeze %dma_wait3A_92 : memref<1x50x128xi32, #tpu.memory_space<hbm>> -> memref<50x128xi32, #tpu.memory_space<hbm>>
      %dma_wait3A_94 = arith.constant 0 : i32
      %dma_wait3A_95 = arith.constant 0 : i32
      %dma_wait3A_96 = tpu.memref_slice %arg3[%add3A, %dma_wait3A_94, %dma_wait3A_95] : memref<32x50x128xi32, #tpu.memory_space<hbm>> -> memref<1x50x128xi32, #tpu.memory_space<hbm>>
      %dma_wait3A_97 = tpu.memref_squeeze %dma_wait3A_96 : memref<1x50x128xi32, #tpu.memory_space<hbm>> -> memref<50x128xi32, #tpu.memory_space<hbm>>
      tpu.wait_dma2 semaphore(%run_scoped3A : memref<!tpu.dma_semaphore, #tpu.memory_space<semaphore_mem>>) src(%dma_wait3A_97 : memref<50x128xi32, #tpu.memory_space<hbm>>) dst(%arg5 : memref<50x128xi32, #tpu.memory_space<vmem>>)
      tpu.yield
    }) : () -> ()
    %mul3A_1 = arith.constant 6400 : i32
    %mul3A_2 = arith.muli %add3A, %mul3A_1 : i32
    %dma_start3A = arith.constant 0 : i32
    %dma_start3A_3 = arith.constant 0 : i32
    %dma_start3A_4 = tpu.memref_slice %arg5[%dma_start3A, %dma_start3A_3] : memref<50x128xi32, #tpu.memory_space<vmem>> -> memref<1x128xi32, #tpu.memory_space<vmem>>
    %dma_start3A_5 = tpu.memref_squeeze %dma_start3A_4 : memref<1x128xi32, #tpu.memory_space<vmem>> -> memref<128xi32, #tpu.memory_space<vmem>>
    %dma_start3A_6 = arith.constant 0 : i32
    %dma_start3A_7 = arith.constant 0 : i32
    %dma_start3A_8 = tpu.memref_slice %arg2[%dma_start3A_6, %dma_start3A_7] : memref<100000x128xf32, #tpu.memory_space<hbm>> -> memref<100000x128xf32, #tpu.memory_space<hbm>>
    tpu.enqueue_indirect_dma source(%dma_start3A_8 : memref<100000x128xf32, #tpu.memory_space<hbm>>) target(%arg6 : memref<128x128xf32, #tpu.memory_space<vmem>>) offsets(%dma_start3A_5 : memref<128xi32, #tpu.memory_space<vmem>>) semaphore(%arg11 : memref<!tpu.dma_semaphore, #tpu.memory_space<semaphore_mem>>)
    %dma_start3A_9 = arith.constant 1 : i32
    %dma_start3A_10 = arith.constant 0 : i32
    %dma_start3A_11 = tpu.memref_slice %arg5[%dma_start3A_9, %dma_start3A_10] : memref<50x128xi32, #tpu.memory_space<vmem>> -> memref<1x128xi32, #tpu.memory_space<vmem>>
    %dma_start3A_12 = tpu.memref_squeeze %dma_start3A_11 : memref<1x128xi32, #tpu.memory_space<vmem>> -> memref<128xi32, #tpu.memory_space<vmem>>
    %dma_start3A_13 = arith.constant 0 : i32
    %dma_start3A_14 = arith.constant 0 : i32
    %dma_start3A_15 = tpu.memref_slice %arg2[%dma_start3A_13, %dma_start3A_14] : memref<100000x128xf32, #tpu.memory_space<hbm>> -> memref<100000x128xf32, #tpu.memory_space<hbm>>
    tpu.enqueue_indirect_dma source(%dma_start3A_15 : memref<100000x128xf32, #tpu.memory_space<hbm>>) target(%arg7 : memref<128x128xf32, #tpu.memory_space<vmem>>) offsets(%dma_start3A_12 : memref<128xi32, #tpu.memory_space<vmem>>) semaphore(%arg12 : memref<!tpu.dma_semaphore, #tpu.memory_space<semaphore_mem>>)
    %dma_start3A_16 = arith.constant 2 : i32
    %dma_start3A_17 = arith.constant 0 : i32
    %dma_start3A_18 = tpu.memref_slice %arg5[%dma_start3A_16, %dma_start3A_17] : memref<50x128xi32, #tpu.memory_space<vmem>> -> memref<1x128xi32, #tpu.memory_space<vmem>>
    %dma_start3A_19 = tpu.memref_squeeze %dma_start3A_18 : memref<1x128xi32, #tpu.memory_space<vmem>> -> memref<128xi32, #tpu.memory_space<vmem>>
    %dma_start3A_20 = arith.constant 0 : i32
    %dma_start3A_21 = arith.constant 0 : i32
    %dma_start3A_22 = tpu.memref_slice %arg2[%dma_start3A_20, %dma_start3A_21] : memref<100000x128xf32, #tpu.memory_space<hbm>> -> memref<100000x128xf32, #tpu.memory_space<hbm>>
    tpu.enqueue_indirect_dma source(%dma_start3A_22 : memref<100000x128xf32, #tpu.memory_space<hbm>>) target(%arg8 : memref<128x128xf32, #tpu.memory_space<vmem>>) offsets(%dma_start3A_19 : memref<128xi32, #tpu.memory_space<vmem>>) semaphore(%arg13 : memref<!tpu.dma_semaphore, #tpu.memory_space<semaphore_mem>>)
    %dma_start3A_23 = arith.constant 3 : i32
    %dma_start3A_24 = arith.constant 0 : i32
    %dma_start3A_25 = tpu.memref_slice %arg5[%dma_start3A_23, %dma_start3A_24] : memref<50x128xi32, #tpu.memory_space<vmem>> -> memref<1x128xi32, #tpu.memory_space<vmem>>
    %dma_start3A_26 = tpu.memref_squeeze %dma_start3A_25 : memref<1x128xi32, #tpu.memory_space<vmem>> -> memref<128xi32, #tpu.memory_space<vmem>>
    %dma_start3A_27 = arith.constant 0 : i32
    %dma_start3A_28 = arith.constant 0 : i32
    %dma_start3A_29 = tpu.memref_slice %arg2[%dma_start3A_27, %dma_start3A_28] : memref<100000x128xf32, #tpu.memory_space<hbm>> -> memref<100000x128xf32, #tpu.memory_space<hbm>>
    tpu.enqueue_indirect_dma source(%dma_start3A_29 : memref<100000x128xf32, #tpu.memory_space<hbm>>) target(%arg9 : memref<128x128xf32, #tpu.memory_space<vmem>>) offsets(%dma_start3A_26 : memref<128xi32, #tpu.memory_space<vmem>>) semaphore(%arg14 : memref<!tpu.dma_semaphore, #tpu.memory_space<semaphore_mem>>)
    %dma_start3A_30 = arith.constant 4 : i32
    %dma_start3A_31 = arith.constant 0 : i32
    %dma_start3A_32 = tpu.memref_slice %arg5[%dma_start3A_30, %dma_start3A_31] : memref<50x128xi32, #tpu.memory_space<vmem>> -> memref<1x128xi32, #tpu.memory_space<vmem>>
    %dma_start3A_33 = tpu.memref_squeeze %dma_start3A_32 : memref<1x128xi32, #tpu.memory_space<vmem>> -> memref<128xi32, #tpu.memory_space<vmem>>
    %dma_start3A_34 = arith.constant 0 : i32
    %dma_start3A_35 = arith.constant 0 : i32
    %dma_start3A_36 = tpu.memref_slice %arg2[%dma_start3A_34, %dma_start3A_35] : memref<100000x128xf32, #tpu.memory_space<hbm>> -> memref<100000x128xf32, #tpu.memory_space<hbm>>
    tpu.enqueue_indirect_dma source(%dma_start3A_36 : memref<100000x128xf32, #tpu.memory_space<hbm>>) target(%arg10 : memref<128x128xf32, #tpu.memory_space<vmem>>) offsets(%dma_start3A_33 : memref<128xi32, #tpu.memory_space<vmem>>) semaphore(%arg15 : memref<!tpu.dma_semaphore, #tpu.memory_space<semaphore_mem>>)
    %scan3A = arith.constant 0 : i32
    %scan3A_37 = arith.constant 0 : i32
    %scan3A_38 = arith.constant 9 : i32
    %scan3A_39 = arith.addi %scan3A_37, %scan3A_38 : i32
    %scan3A_40 = arith.constant 1 : i32
    %scan3A_41 = scf.for %scan3A_82 = %scan3A_37 to %scan3A_39 step %scan3A_40 iter_args(%scan3A_83 = %scan3A) -> (i32)  : i32 {
      %mul3A_84 = arith.constant 5 : i32
      %mul3A_85 = arith.muli %scan3A_82, %mul3A_84 : i32
      %add3A_86 = arith.constant 0 : i32
      %add3A_87 = arith.addi %mul3A_85, %add3A_86 : i32
      %dma_wait3A_88 = arith.constant 0 : i32
      %dma_wait3A_89 = arith.constant 0 : i32
      %dma_wait3A_90 = tpu.memref_slice %arg2[%dma_wait3A_88, %dma_wait3A_89] : memref<100000x128xf32, #tpu.memory_space<hbm>> -> memref<128x128xf32, #tpu.memory_space<hbm>>
      %dma_wait3A_91 = arith.constant 0 : i32
      %dma_wait3A_92 = arith.constant 0 : i32
      %dma_wait3A_93 = tpu.memref_slice %arg2[%dma_wait3A_91, %dma_wait3A_92] : memref<100000x128xf32, #tpu.memory_space<hbm>> -> memref<128x128xf32, #tpu.memory_space<hbm>>
      tpu.wait_dma2 semaphore(%arg11 : memref<!tpu.dma_semaphore, #tpu.memory_space<semaphore_mem>>) src(%dma_wait3A_93 : memref<128x128xf32, #tpu.memory_space<hbm>>) dst(%arg6 : memref<128x128xf32, #tpu.memory_space<vmem>>)
      %mul3A_94 = arith.constant 128 : i32
      %mul3A_95 = arith.muli %add3A_87, %mul3A_94 : i32
      %add3A_96 = arith.addi %mul3A_2, %mul3A_95 : i32
      "tpu.region"() ({
        %run_scoped3A = tpu.sem_alloc : memref<!tpu.dma_semaphore, #tpu.memory_space<semaphore_mem>>
        %dma_start3A_190 = arith.constant 0 : i32
        %dma_start3A_191 = tpu.memref_slice %arg4[%add3A_96, %dma_start3A_190] : memref<204800x128xf32, #tpu.memory_space<hbm>> -> memref<128x128xf32, #tpu.memory_space<hbm>>
        %dma_start3A_192 = arith.constant 0 : i32
        %dma_start3A_193 = tpu.memref_slice %arg4[%add3A_96, %dma_start3A_192] : memref<204800x128xf32, #tpu.memory_space<hbm>> -> memref<128x128xf32, #tpu.memory_space<hbm>>
        tpu.enqueue_dma source(%arg6 : memref<128x128xf32, #tpu.memory_space<vmem>>) target(%dma_start3A_193 : memref<128x128xf32, #tpu.memory_space<hbm>>) target_semaphore(%run_scoped3A : memref<!tpu.dma_semaphore, #tpu.memory_space<semaphore_mem>>)
        %dma_wait3A_194 = arith.constant 0 : i32
        %dma_wait3A_195 = tpu.memref_slice %arg4[%add3A_96, %dma_wait3A_194] : memref<204800x128xf32, #tpu.memory_space<hbm>> -> memref<128x128xf32, #tpu.memory_space<hbm>>
        %dma_wait3A_196 = arith.constant 0 : i32
        %dma_wait3A_197 = tpu.memref_slice %arg4[%add3A_96, %dma_wait3A_196] : memref<204800x128xf32, #tpu.memory_space<hbm>> -> memref<128x128xf32, #tpu.memory_space<hbm>>
        tpu.wait_dma2 semaphore(%run_scoped3A : memref<!tpu.dma_semaphore, #tpu.memory_space<semaphore_mem>>) src(%arg6 : memref<128x128xf32, #tpu.memory_space<vmem>>) dst(%dma_wait3A_197 : memref<128x128xf32, #tpu.memory_space<hbm>>)
        tpu.yield
      }) : () -> ()
      %add3A_97 = arith.constant 5 : i32
      %add3A_98 = arith.addi %add3A_87, %add3A_97 : i32
      %dma_start3A_99 = arith.constant 0 : i32
      %dma_start3A_100 = tpu.memref_slice %arg5[%add3A_98, %dma_start3A_99] : memref<50x128xi32, #tpu.memory_space<vmem>> -> memref<1x128xi32, #tpu.memory_space<vmem>>
      %dma_start3A_101 = tpu.memref_squeeze %dma_start3A_100 : memref<1x128xi32, #tpu.memory_space<vmem>> -> memref<128xi32, #tpu.memory_space<vmem>>
      %dma_start3A_102 = arith.constant 0 : i32
      %dma_start3A_103 = arith.constant 0 : i32
      %dma_start3A_104 = tpu.memref_slice %arg2[%dma_start3A_102, %dma_start3A_103] : memref<100000x128xf32, #tpu.memory_space<hbm>> -> memref<100000x128xf32, #tpu.memory_space<hbm>>
      tpu.enqueue_indirect_dma source(%dma_start3A_104 : memref<100000x128xf32, #tpu.memory_space<hbm>>) target(%arg6 : memref<128x128xf32, #tpu.memory_space<vmem>>) offsets(%dma_start3A_101 : memref<128xi32, #tpu.memory_space<vmem>>) semaphore(%arg11 : memref<!tpu.dma_semaphore, #tpu.memory_space<semaphore_mem>>)
      %mul3A_105 = arith.constant 5 : i32
      %mul3A_106 = arith.muli %scan3A_82, %mul3A_105 : i32
      %add3A_107 = arith.constant 1 : i32
      %add3A_108 = arith.addi %mul3A_106, %add3A_107 : i32
      %dma_wait3A_109 = arith.constant 0 : i32
      %dma_wait3A_110 = arith.constant 0 : i32
      %dma_wait3A_111 = tpu.memref_slice %arg2[%dma_wait3A_109, %dma_wait3A_110] : memref<100000x128xf32, #tpu.memory_space<hbm>> -> memref<128x128xf32, #tpu.memory_space<hbm>>
      %dma_wait3A_112 = arith.constant 0 : i32
      %dma_wait3A_113 = arith.constant 0 : i32
      %dma_wait3A_114 = tpu.memref_slice %arg2[%dma_wait3A_112, %dma_wait3A_113] : memref<100000x128xf32, #tpu.memory_space<hbm>> -> memref<128x128xf32, #tpu.memory_space<hbm>>
      tpu.wait_dma2 semaphore(%arg12 : memref<!tpu.dma_semaphore, #tpu.memory_space<semaphore_mem>>) src(%dma_wait3A_114 : memref<128x128xf32, #tpu.memory_space<hbm>>) dst(%arg7 : memref<128x128xf32, #tpu.memory_space<vmem>>)
      %mul3A_115 = arith.constant 128 : i32
      %mul3A_116 = arith.muli %add3A_108, %mul3A_115 : i32
      %add3A_117 = arith.addi %mul3A_2, %mul3A_116 : i32
      "tpu.region"() ({
        %run_scoped3A = tpu.sem_alloc : memref<!tpu.dma_semaphore, #tpu.memory_space<semaphore_mem>>
        %dma_start3A_190 = arith.constant 0 : i32
        %dma_start3A_191 = tpu.memref_slice %arg4[%add3A_117, %dma_start3A_190] : memref<204800x128xf32, #tpu.memory_space<hbm>> -> memref<128x128xf32, #tpu.memory_space<hbm>>
        %dma_start3A_192 = arith.constant 0 : i32
        %dma_start3A_193 = tpu.memref_slice %arg4[%add3A_117, %dma_start3A_192] : memref<204800x128xf32, #tpu.memory_space<hbm>> -> memref<128x128xf32, #tpu.memory_space<hbm>>
        tpu.enqueue_dma source(%arg7 : memref<128x128xf32, #tpu.memory_space<vmem>>) target(%dma_start3A_193 : memref<128x128xf32, #tpu.memory_space<hbm>>) target_semaphore(%run_scoped3A : memref<!tpu.dma_semaphore, #tpu.memory_space<semaphore_mem>>)
        %dma_wait3A_194 = arith.constant 0 : i32
        %dma_wait3A_195 = tpu.memref_slice %arg4[%add3A_117, %dma_wait3A_194] : memref<204800x128xf32, #tpu.memory_space<hbm>> -> memref<128x128xf32, #tpu.memory_space<hbm>>
        %dma_wait3A_196 = arith.constant 0 : i32
        %dma_wait3A_197 = tpu.memref_slice %arg4[%add3A_117, %dma_wait3A_196] : memref<204800x128xf32, #tpu.memory_space<hbm>> -> memref<128x128xf32, #tpu.memory_space<hbm>>
        tpu.wait_dma2 semaphore(%run_scoped3A : memref<!tpu.dma_semaphore, #tpu.memory_space<semaphore_mem>>) src(%arg7 : memref<128x128xf32, #tpu.memory_space<vmem>>) dst(%dma_wait3A_197 : memref<128x128xf32, #tpu.memory_space<hbm>>)
        tpu.yield
      }) : () -> ()
      %add3A_118 = arith.constant 5 : i32
      %add3A_119 = arith.addi %add3A_108, %add3A_118 : i32
      %dma_start3A_120 = arith.constant 0 : i32
      %dma_start3A_121 = tpu.memref_slice %arg5[%add3A_119, %dma_start3A_120] : memref<50x128xi32, #tpu.memory_space<vmem>> -> memref<1x128xi32, #tpu.memory_space<vmem>>
      %dma_start3A_122 = tpu.memref_squeeze %dma_start3A_121 : memref<1x128xi32, #tpu.memory_space<vmem>> -> memref<128xi32, #tpu.memory_space<vmem>>
      %dma_start3A_123 = arith.constant 0 : i32
      %dma_start3A_124 = arith.constant 0 : i32
      %dma_start3A_125 = tpu.memref_slice %arg2[%dma_start3A_123, %dma_start3A_124] : memref<100000x128xf32, #tpu.memory_space<hbm>> -> memref<100000x128xf32, #tpu.memory_space<hbm>>
      tpu.enqueue_indirect_dma source(%dma_start3A_125 : memref<100000x128xf32, #tpu.memory_space<hbm>>) target(%arg7 : memref<128x128xf32, #tpu.memory_space<vmem>>) offsets(%dma_start3A_122 : memref<128xi32, #tpu.memory_space<vmem>>) semaphore(%arg12 : memref<!tpu.dma_semaphore, #tpu.memory_space<semaphore_mem>>)
      %mul3A_126 = arith.constant 5 : i32
      %mul3A_127 = arith.muli %scan3A_82, %mul3A_126 : i32
      %add3A_128 = arith.constant 2 : i32
      %add3A_129 = arith.addi %mul3A_127, %add3A_128 : i32
      %dma_wait3A_130 = arith.constant 0 : i32
      %dma_wait3A_131 = arith.constant 0 : i32
      %dma_wait3A_132 = tpu.memref_slice %arg2[%dma_wait3A_130, %dma_wait3A_131] : memref<100000x128xf32, #tpu.memory_space<hbm>> -> memref<128x128xf32, #tpu.memory_space<hbm>>
      %dma_wait3A_133 = arith.constant 0 : i32
      %dma_wait3A_134 = arith.constant 0 : i32
      %dma_wait3A_135 = tpu.memref_slice %arg2[%dma_wait3A_133, %dma_wait3A_134] : memref<100000x128xf32, #tpu.memory_space<hbm>> -> memref<128x128xf32, #tpu.memory_space<hbm>>
      tpu.wait_dma2 semaphore(%arg13 : memref<!tpu.dma_semaphore, #tpu.memory_space<semaphore_mem>>) src(%dma_wait3A_135 : memref<128x128xf32, #tpu.memory_space<hbm>>) dst(%arg8 : memref<128x128xf32, #tpu.memory_space<vmem>>)
      %mul3A_136 = arith.constant 128 : i32
      %mul3A_137 = arith.muli %add3A_129, %mul3A_136 : i32
      %add3A_138 = arith.addi %mul3A_2, %mul3A_137 : i32
      "tpu.region"() ({
        %run_scoped3A = tpu.sem_alloc : memref<!tpu.dma_semaphore, #tpu.memory_space<semaphore_mem>>
        %dma_start3A_190 = arith.constant 0 : i32
        %dma_start3A_191 = tpu.memref_slice %arg4[%add3A_138, %dma_start3A_190] : memref<204800x128xf32, #tpu.memory_space<hbm>> -> memref<128x128xf32, #tpu.memory_space<hbm>>
        %dma_start3A_192 = arith.constant 0 : i32
        %dma_start3A_193 = tpu.memref_slice %arg4[%add3A_138, %dma_start3A_192] : memref<204800x128xf32, #tpu.memory_space<hbm>> -> memref<128x128xf32, #tpu.memory_space<hbm>>
        tpu.enqueue_dma source(%arg8 : memref<128x128xf32, #tpu.memory_space<vmem>>) target(%dma_start3A_193 : memref<128x128xf32, #tpu.memory_space<hbm>>) target_semaphore(%run_scoped3A : memref<!tpu.dma_semaphore, #tpu.memory_space<semaphore_mem>>)
        %dma_wait3A_194 = arith.constant 0 : i32
        %dma_wait3A_195 = tpu.memref_slice %arg4[%add3A_138, %dma_wait3A_194] : memref<204800x128xf32, #tpu.memory_space<hbm>> -> memref<128x128xf32, #tpu.memory_space<hbm>>
        %dma_wait3A_196 = arith.constant 0 : i32
        %dma_wait3A_197 = tpu.memref_slice %arg4[%add3A_138, %dma_wait3A_196] : memref<204800x128xf32, #tpu.memory_space<hbm>> -> memref<128x128xf32, #tpu.memory_space<hbm>>
        tpu.wait_dma2 semaphore(%run_scoped3A : memref<!tpu.dma_semaphore, #tpu.memory_space<semaphore_mem>>) src(%arg8 : memref<128x128xf32, #tpu.memory_space<vmem>>) dst(%dma_wait3A_197 : memref<128x128xf32, #tpu.memory_space<hbm>>)
        tpu.yield
      }) : () -> ()
      %add3A_139 = arith.constant 5 : i32
      %add3A_140 = arith.addi %add3A_129, %add3A_139 : i32
      %dma_start3A_141 = arith.constant 0 : i32
      %dma_start3A_142 = tpu.memref_slice %arg5[%add3A_140, %dma_start3A_141] : memref<50x128xi32, #tpu.memory_space<vmem>> -> memref<1x128xi32, #tpu.memory_space<vmem>>
      %dma_start3A_143 = tpu.memref_squeeze %dma_start3A_142 : memref<1x128xi32, #tpu.memory_space<vmem>> -> memref<128xi32, #tpu.memory_space<vmem>>
      %dma_start3A_144 = arith.constant 0 : i32
      %dma_start3A_145 = arith.constant 0 : i32
      %dma_start3A_146 = tpu.memref_slice %arg2[%dma_start3A_144, %dma_start3A_145] : memref<100000x128xf32, #tpu.memory_space<hbm>> -> memref<100000x128xf32, #tpu.memory_space<hbm>>
      tpu.enqueue_indirect_dma source(%dma_start3A_146 : memref<100000x128xf32, #tpu.memory_space<hbm>>) target(%arg8 : memref<128x128xf32, #tpu.memory_space<vmem>>) offsets(%dma_start3A_143 : memref<128xi32, #tpu.memory_space<vmem>>) semaphore(%arg13 : memref<!tpu.dma_semaphore, #tpu.memory_space<semaphore_mem>>)
      %mul3A_147 = arith.constant 5 : i32
      %mul3A_148 = arith.muli %scan3A_82, %mul3A_147 : i32
      %add3A_149 = arith.constant 3 : i32
      %add3A_150 = arith.addi %mul3A_148, %add3A_149 : i32
      %dma_wait3A_151 = arith.constant 0 : i32
      %dma_wait3A_152 = arith.constant 0 : i32
      %dma_wait3A_153 = tpu.memref_slice %arg2[%dma_wait3A_151, %dma_wait3A_152] : memref<100000x128xf32, #tpu.memory_space<hbm>> -> memref<128x128xf32, #tpu.memory_space<hbm>>
      %dma_wait3A_154 = arith.constant 0 : i32
      %dma_wait3A_155 = arith.constant 0 : i32
      %dma_wait3A_156 = tpu.memref_slice %arg2[%dma_wait3A_154, %dma_wait3A_155] : memref<100000x128xf32, #tpu.memory_space<hbm>> -> memref<128x128xf32, #tpu.memory_space<hbm>>
      tpu.wait_dma2 semaphore(%arg14 : memref<!tpu.dma_semaphore, #tpu.memory_space<semaphore_mem>>) src(%dma_wait3A_156 : memref<128x128xf32, #tpu.memory_space<hbm>>) dst(%arg9 : memref<128x128xf32, #tpu.memory_space<vmem>>)
      %mul3A_157 = arith.constant 128 : i32
      %mul3A_158 = arith.muli %add3A_150, %mul3A_157 : i32
      %add3A_159 = arith.addi %mul3A_2, %mul3A_158 : i32
      "tpu.region"() ({
        %run_scoped3A = tpu.sem_alloc : memref<!tpu.dma_semaphore, #tpu.memory_space<semaphore_mem>>
        %dma_start3A_190 = arith.constant 0 : i32
        %dma_start3A_191 = tpu.memref_slice %arg4[%add3A_159, %dma_start3A_190] : memref<204800x128xf32, #tpu.memory_space<hbm>> -> memref<128x128xf32, #tpu.memory_space<hbm>>
        %dma_start3A_192 = arith.constant 0 : i32
        %dma_start3A_193 = tpu.memref_slice %arg4[%add3A_159, %dma_start3A_192] : memref<204800x128xf32, #tpu.memory_space<hbm>> -> memref<128x128xf32, #tpu.memory_space<hbm>>
        tpu.enqueue_dma source(%arg9 : memref<128x128xf32, #tpu.memory_space<vmem>>) target(%dma_start3A_193 : memref<128x128xf32, #tpu.memory_space<hbm>>) target_semaphore(%run_scoped3A : memref<!tpu.dma_semaphore, #tpu.memory_space<semaphore_mem>>)
        %dma_wait3A_194 = arith.constant 0 : i32
        %dma_wait3A_195 = tpu.memref_slice %arg4[%add3A_159, %dma_wait3A_194] : memref<204800x128xf32, #tpu.memory_space<hbm>> -> memref<128x128xf32, #tpu.memory_space<hbm>>
        %dma_wait3A_196 = arith.constant 0 : i32
        %dma_wait3A_197 = tpu.memref_slice %arg4[%add3A_159, %dma_wait3A_196] : memref<204800x128xf32, #tpu.memory_space<hbm>> -> memref<128x128xf32, #tpu.memory_space<hbm>>
        tpu.wait_dma2 semaphore(%run_scoped3A : memref<!tpu.dma_semaphore, #tpu.memory_space<semaphore_mem>>) src(%arg9 : memref<128x128xf32, #tpu.memory_space<vmem>>) dst(%dma_wait3A_197 : memref<128x128xf32, #tpu.memory_space<hbm>>)
        tpu.yield
      }) : () -> ()
      %add3A_160 = arith.constant 5 : i32
      %add3A_161 = arith.addi %add3A_150, %add3A_160 : i32
      %dma_start3A_162 = arith.constant 0 : i32
      %dma_start3A_163 = tpu.memref_slice %arg5[%add3A_161, %dma_start3A_162] : memref<50x128xi32, #tpu.memory_space<vmem>> -> memref<1x128xi32, #tpu.memory_space<vmem>>
      %dma_start3A_164 = tpu.memref_squeeze %dma_start3A_163 : memref<1x128xi32, #tpu.memory_space<vmem>> -> memref<128xi32, #tpu.memory_space<vmem>>
      %dma_start3A_165 = arith.constant 0 : i32
      %dma_start3A_166 = arith.constant 0 : i32
      %dma_start3A_167 = tpu.memref_slice %arg2[%dma_start3A_165, %dma_start3A_166] : memref<100000x128xf32, #tpu.memory_space<hbm>> -> memref<100000x128xf32, #tpu.memory_space<hbm>>
      tpu.enqueue_indirect_dma source(%dma_start3A_167 : memref<100000x128xf32, #tpu.memory_space<hbm>>) target(%arg9 : memref<128x128xf32, #tpu.memory_space<vmem>>) offsets(%dma_start3A_164 : memref<128xi32, #tpu.memory_space<vmem>>) semaphore(%arg14 : memref<!tpu.dma_semaphore, #tpu.memory_space<semaphore_mem>>)
      %mul3A_168 = arith.constant 5 : i32
      %mul3A_169 = arith.muli %scan3A_82, %mul3A_168 : i32
      %add3A_170 = arith.constant 4 : i32
      %add3A_171 = arith.addi %mul3A_169, %add3A_170 : i32
      %dma_wait3A_172 = arith.constant 0 : i32
      %dma_wait3A_173 = arith.constant 0 : i32
      %dma_wait3A_174 = tpu.memref_slice %arg2[%dma_wait3A_172, %dma_wait3A_173] : memref<100000x128xf32, #tpu.memory_space<hbm>> -> memref<128x128xf32, #tpu.memory_space<hbm>>
      %dma_wait3A_175 = arith.constant 0 : i32
      %dma_wait3A_176 = arith.constant 0 : i32
      %dma_wait3A_177 = tpu.memref_slice %arg2[%dma_wait3A_175, %dma_wait3A_176] : memref<100000x128xf32, #tpu.memory_space<hbm>> -> memref<128x128xf32, #tpu.memory_space<hbm>>
      tpu.wait_dma2 semaphore(%arg15 : memref<!tpu.dma_semaphore, #tpu.memory_space<semaphore_mem>>) src(%dma_wait3A_177 : memref<128x128xf32, #tpu.memory_space<hbm>>) dst(%arg10 : memref<128x128xf32, #tpu.memory_space<vmem>>)
      %mul3A_178 = arith.constant 128 : i32
      %mul3A_179 = arith.muli %add3A_171, %mul3A_178 : i32
      %add3A_180 = arith.addi %mul3A_2, %mul3A_179 : i32
      "tpu.region"() ({
        %run_scoped3A = tpu.sem_alloc : memref<!tpu.dma_semaphore, #tpu.memory_space<semaphore_mem>>
        %dma_start3A_190 = arith.constant 0 : i32
        %dma_start3A_191 = tpu.memref_slice %arg4[%add3A_180, %dma_start3A_190] : memref<204800x128xf32, #tpu.memory_space<hbm>> -> memref<128x128xf32, #tpu.memory_space<hbm>>
        %dma_start3A_192 = arith.constant 0 : i32
        %dma_start3A_193 = tpu.memref_slice %arg4[%add3A_180, %dma_start3A_192] : memref<204800x128xf32, #tpu.memory_space<hbm>> -> memref<128x128xf32, #tpu.memory_space<hbm>>
        tpu.enqueue_dma source(%arg10 : memref<128x128xf32, #tpu.memory_space<vmem>>) target(%dma_start3A_193 : memref<128x128xf32, #tpu.memory_space<hbm>>) target_semaphore(%run_scoped3A : memref<!tpu.dma_semaphore, #tpu.memory_space<semaphore_mem>>)
        %dma_wait3A_194 = arith.constant 0 : i32
        %dma_wait3A_195 = tpu.memref_slice %arg4[%add3A_180, %dma_wait3A_194] : memref<204800x128xf32, #tpu.memory_space<hbm>> -> memref<128x128xf32, #tpu.memory_space<hbm>>
        %dma_wait3A_196 = arith.constant 0 : i32
        %dma_wait3A_197 = tpu.memref_slice %arg4[%add3A_180, %dma_wait3A_196] : memref<204800x128xf32, #tpu.memory_space<hbm>> -> memref<128x128xf32, #tpu.memory_space<hbm>>
        tpu.wait_dma2 semaphore(%run_scoped3A : memref<!tpu.dma_semaphore, #tpu.memory_space<semaphore_mem>>) src(%arg10 : memref<128x128xf32, #tpu.memory_space<vmem>>) dst(%dma_wait3A_197 : memref<128x128xf32, #tpu.memory_space<hbm>>)
        tpu.yield
      }) : () -> ()
      %add3A_181 = arith.constant 5 : i32
      %add3A_182 = arith.addi %add3A_171, %add3A_181 : i32
      %dma_start3A_183 = arith.constant 0 : i32
      %dma_start3A_184 = tpu.memref_slice %arg5[%add3A_182, %dma_start3A_183] : memref<50x128xi32, #tpu.memory_space<vmem>> -> memref<1x128xi32, #tpu.memory_space<vmem>>
      %dma_start3A_185 = tpu.memref_squeeze %dma_start3A_184 : memref<1x128xi32, #tpu.memory_space<vmem>> -> memref<128xi32, #tpu.memory_space<vmem>>
      %dma_start3A_186 = arith.constant 0 : i32
      %dma_start3A_187 = arith.constant 0 : i32
      %dma_start3A_188 = tpu.memref_slice %arg2[%dma_start3A_186, %dma_start3A_187] : memref<100000x128xf32, #tpu.memory_space<hbm>> -> memref<100000x128xf32, #tpu.memory_space<hbm>>
      tpu.enqueue_indirect_dma source(%dma_start3A_188 : memref<100000x128xf32, #tpu.memory_space<hbm>>) target(%arg10 : memref<128x128xf32, #tpu.memory_space<vmem>>) offsets(%dma_start3A_185 : memref<128xi32, #tpu.memory_space<vmem>>) semaphore(%arg15 : memref<!tpu.dma_semaphore, #tpu.memory_space<semaphore_mem>>)
      %scan3A_189 = arith.constant 0 : i32
      scf.yield %scan3A_189 : i32
    }
    %scan3A_42 = arith.constant 9 : i32
    %dma_wait3A = arith.constant 0 : i32
    %dma_wait3A_43 = arith.constant 0 : i32
    %dma_wait3A_44 = tpu.memref_slice %arg2[%dma_wait3A, %dma_wait3A_43] : memref<100000x128xf32, #tpu.memory_space<hbm>> -> memref<128x128xf32, #tpu.memory_space<hbm>>
    %dma_wait3A_45 = arith.constant 0 : i32
    %dma_wait3A_46 = arith.constant 0 : i32
    %dma_wait3A_47 = tpu.memref_slice %arg2[%dma_wait3A_45, %dma_wait3A_46] : memref<100000x128xf32, #tpu.memory_space<hbm>> -> memref<128x128xf32, #tpu.memory_space<hbm>>
    tpu.wait_dma2 semaphore(%arg11 : memref<!tpu.dma_semaphore, #tpu.memory_space<semaphore_mem>>) src(%dma_wait3A_47 : memref<128x128xf32, #tpu.memory_space<hbm>>) dst(%arg6 : memref<128x128xf32, #tpu.memory_space<vmem>>)
    %add3A_48 = arith.constant 5760 : i32
    %add3A_49 = arith.addi %mul3A_2, %add3A_48 : i32
    "tpu.region"() ({
      %run_scoped3A = tpu.sem_alloc : memref<!tpu.dma_semaphore, #tpu.memory_space<semaphore_mem>>
      %dma_start3A_82 = arith.constant 0 : i32
      %dma_start3A_83 = tpu.memref_slice %arg4[%add3A_49, %dma_start3A_82] : memref<204800x128xf32, #tpu.memory_space<hbm>> -> memref<128x128xf32, #tpu.memory_space<hbm>>
      %dma_start3A_84 = arith.constant 0 : i32
      %dma_start3A_85 = tpu.memref_slice %arg4[%add3A_49, %dma_start3A_84] : memref<204800x128xf32, #tpu.memory_space<hbm>> -> memref<128x128xf32, #tpu.memory_space<hbm>>
      tpu.enqueue_dma source(%arg6 : memref<128x128xf32, #tpu.memory_space<vmem>>) target(%dma_start3A_85 : memref<128x128xf32, #tpu.memory_space<hbm>>) target_semaphore(%run_scoped3A : memref<!tpu.dma_semaphore, #tpu.memory_space<semaphore_mem>>)
      %dma_wait3A_86 = arith.constant 0 : i32
      %dma_wait3A_87 = tpu.memref_slice %arg4[%add3A_49, %dma_wait3A_86] : memref<204800x128xf32, #tpu.memory_space<hbm>> -> memref<128x128xf32, #tpu.memory_space<hbm>>
      %dma_wait3A_88 = arith.constant 0 : i32
      %dma_wait3A_89 = tpu.memref_slice %arg4[%add3A_49, %dma_wait3A_88] : memref<204800x128xf32, #tpu.memory_space<hbm>> -> memref<128x128xf32, #tpu.memory_space<hbm>>
      tpu.wait_dma2 semaphore(%run_scoped3A : memref<!tpu.dma_semaphore, #tpu.memory_space<semaphore_mem>>) src(%arg6 : memref<128x128xf32, #tpu.memory_space<vmem>>) dst(%dma_wait3A_89 : memref<128x128xf32, #tpu.memory_space<hbm>>)
      tpu.yield
    }) : () -> ()
    %dma_wait3A_50 = arith.constant 0 : i32
    %dma_wait3A_51 = arith.constant 0 : i32
    %dma_wait3A_52 = tpu.memref_slice %arg2[%dma_wait3A_50, %dma_wait3A_51] : memref<100000x128xf32, #tpu.memory_space<hbm>> -> memref<128x128xf32, #tpu.memory_space<hbm>>
    %dma_wait3A_53 = arith.constant 0 : i32
    %dma_wait3A_54 = arith.constant 0 : i32
    %dma_wait3A_55 = tpu.memref_slice %arg2[%dma_wait3A_53, %dma_wait3A_54] : memref<100000x128xf32, #tpu.memory_space<hbm>> -> memref<128x128xf32, #tpu.memory_space<hbm>>
    tpu.wait_dma2 semaphore(%arg12 : memref<!tpu.dma_semaphore, #tpu.memory_space<semaphore_mem>>) src(%dma_wait3A_55 : memref<128x128xf32, #tpu.memory_space<hbm>>) dst(%arg7 : memref<128x128xf32, #tpu.memory_space<vmem>>)
    %add3A_56 = arith.constant 5888 : i32
    %add3A_57 = arith.addi %mul3A_2, %add3A_56 : i32
    "tpu.region"() ({
      %run_scoped3A = tpu.sem_alloc : memref<!tpu.dma_semaphore, #tpu.memory_space<semaphore_mem>>
      %dma_start3A_82 = arith.constant 0 : i32
      %dma_start3A_83 = tpu.memref_slice %arg4[%add3A_57, %dma_start3A_82] : memref<204800x128xf32, #tpu.memory_space<hbm>> -> memref<128x128xf32, #tpu.memory_space<hbm>>
      %dma_start3A_84 = arith.constant 0 : i32
      %dma_start3A_85 = tpu.memref_slice %arg4[%add3A_57, %dma_start3A_84] : memref<204800x128xf32, #tpu.memory_space<hbm>> -> memref<128x128xf32, #tpu.memory_space<hbm>>
      tpu.enqueue_dma source(%arg7 : memref<128x128xf32, #tpu.memory_space<vmem>>) target(%dma_start3A_85 : memref<128x128xf32, #tpu.memory_space<hbm>>) target_semaphore(%run_scoped3A : memref<!tpu.dma_semaphore, #tpu.memory_space<semaphore_mem>>)
      %dma_wait3A_86 = arith.constant 0 : i32
      %dma_wait3A_87 = tpu.memref_slice %arg4[%add3A_57, %dma_wait3A_86] : memref<204800x128xf32, #tpu.memory_space<hbm>> -> memref<128x128xf32, #tpu.memory_space<hbm>>
      %dma_wait3A_88 = arith.constant 0 : i32
      %dma_wait3A_89 = tpu.memref_slice %arg4[%add3A_57, %dma_wait3A_88] : memref<204800x128xf32, #tpu.memory_space<hbm>> -> memref<128x128xf32, #tpu.memory_space<hbm>>
      tpu.wait_dma2 semaphore(%run_scoped3A : memref<!tpu.dma_semaphore, #tpu.memory_space<semaphore_mem>>) src(%arg7 : memref<128x128xf32, #tpu.memory_space<vmem>>) dst(%dma_wait3A_89 : memref<128x128xf32, #tpu.memory_space<hbm>>)
      tpu.yield
    }) : () -> ()
    %dma_wait3A_58 = arith.constant 0 : i32
    %dma_wait3A_59 = arith.constant 0 : i32
    %dma_wait3A_60 = tpu.memref_slice %arg2[%dma_wait3A_58, %dma_wait3A_59] : memref<100000x128xf32, #tpu.memory_space<hbm>> -> memref<128x128xf32, #tpu.memory_space<hbm>>
    %dma_wait3A_61 = arith.constant 0 : i32
    %dma_wait3A_62 = arith.constant 0 : i32
    %dma_wait3A_63 = tpu.memref_slice %arg2[%dma_wait3A_61, %dma_wait3A_62] : memref<100000x128xf32, #tpu.memory_space<hbm>> -> memref<128x128xf32, #tpu.memory_space<hbm>>
    tpu.wait_dma2 semaphore(%arg13 : memref<!tpu.dma_semaphore, #tpu.memory_space<semaphore_mem>>) src(%dma_wait3A_63 : memref<128x128xf32, #tpu.memory_space<hbm>>) dst(%arg8 : memref<128x128xf32, #tpu.memory_space<vmem>>)
    %add3A_64 = arith.constant 6016 : i32
    %add3A_65 = arith.addi %mul3A_2, %add3A_64 : i32
    "tpu.region"() ({
      %run_scoped3A = tpu.sem_alloc : memref<!tpu.dma_semaphore, #tpu.memory_space<semaphore_mem>>
      %dma_start3A_82 = arith.constant 0 : i32
      %dma_start3A_83 = tpu.memref_slice %arg4[%add3A_65, %dma_start3A_82] : memref<204800x128xf32, #tpu.memory_space<hbm>> -> memref<128x128xf32, #tpu.memory_space<hbm>>
      %dma_start3A_84 = arith.constant 0 : i32
      %dma_start3A_85 = tpu.memref_slice %arg4[%add3A_65, %dma_start3A_84] : memref<204800x128xf32, #tpu.memory_space<hbm>> -> memref<128x128xf32, #tpu.memory_space<hbm>>
      tpu.enqueue_dma source(%arg8 : memref<128x128xf32, #tpu.memory_space<vmem>>) target(%dma_start3A_85 : memref<128x128xf32, #tpu.memory_space<hbm>>) target_semaphore(%run_scoped3A : memref<!tpu.dma_semaphore, #tpu.memory_space<semaphore_mem>>)
      %dma_wait3A_86 = arith.constant 0 : i32
      %dma_wait3A_87 = tpu.memref_slice %arg4[%add3A_65, %dma_wait3A_86] : memref<204800x128xf32, #tpu.memory_space<hbm>> -> memref<128x128xf32, #tpu.memory_space<hbm>>
      %dma_wait3A_88 = arith.constant 0 : i32
      %dma_wait3A_89 = tpu.memref_slice %arg4[%add3A_65, %dma_wait3A_88] : memref<204800x128xf32, #tpu.memory_space<hbm>> -> memref<128x128xf32, #tpu.memory_space<hbm>>
      tpu.wait_dma2 semaphore(%run_scoped3A : memref<!tpu.dma_semaphore, #tpu.memory_space<semaphore_mem>>) src(%arg8 : memref<128x128xf32, #tpu.memory_space<vmem>>) dst(%dma_wait3A_89 : memref<128x128xf32, #tpu.memory_space<hbm>>)
      tpu.yield
    }) : () -> ()
    %dma_wait3A_66 = arith.constant 0 : i32
    %dma_wait3A_67 = arith.constant 0 : i32
    %dma_wait3A_68 = tpu.memref_slice %arg2[%dma_wait3A_66, %dma_wait3A_67] : memref<100000x128xf32, #tpu.memory_space<hbm>> -> memref<128x128xf32, #tpu.memory_space<hbm>>
    %dma_wait3A_69 = arith.constant 0 : i32
    %dma_wait3A_70 = arith.constant 0 : i32
    %dma_wait3A_71 = tpu.memref_slice %arg2[%dma_wait3A_69, %dma_wait3A_70] : memref<100000x128xf32, #tpu.memory_space<hbm>> -> memref<128x128xf32, #tpu.memory_space<hbm>>
    tpu.wait_dma2 semaphore(%arg14 : memref<!tpu.dma_semaphore, #tpu.memory_space<semaphore_mem>>) src(%dma_wait3A_71 : memref<128x128xf32, #tpu.memory_space<hbm>>) dst(%arg9 : memref<128x128xf32, #tpu.memory_space<vmem>>)
    %add3A_72 = arith.constant 6144 : i32
    %add3A_73 = arith.addi %mul3A_2, %add3A_72 : i32
    "tpu.region"() ({
      %run_scoped3A = tpu.sem_alloc : memref<!tpu.dma_semaphore, #tpu.memory_space<semaphore_mem>>
      %dma_start3A_82 = arith.constant 0 : i32
      %dma_start3A_83 = tpu.memref_slice %arg4[%add3A_73, %dma_start3A_82] : memref<204800x128xf32, #tpu.memory_space<hbm>> -> memref<128x128xf32, #tpu.memory_space<hbm>>
      %dma_start3A_84 = arith.constant 0 : i32
      %dma_start3A_85 = tpu.memref_slice %arg4[%add3A_73, %dma_start3A_84] : memref<204800x128xf32, #tpu.memory_space<hbm>> -> memref<128x128xf32, #tpu.memory_space<hbm>>
      tpu.enqueue_dma source(%arg9 : memref<128x128xf32, #tpu.memory_space<vmem>>) target(%dma_start3A_85 : memref<128x128xf32, #tpu.memory_space<hbm>>) target_semaphore(%run_scoped3A : memref<!tpu.dma_semaphore, #tpu.memory_space<semaphore_mem>>)
      %dma_wait3A_86 = arith.constant 0 : i32
      %dma_wait3A_87 = tpu.memref_slice %arg4[%add3A_73, %dma_wait3A_86] : memref<204800x128xf32, #tpu.memory_space<hbm>> -> memref<128x128xf32, #tpu.memory_space<hbm>>
      %dma_wait3A_88 = arith.constant 0 : i32
      %dma_wait3A_89 = tpu.memref_slice %arg4[%add3A_73, %dma_wait3A_88] : memref<204800x128xf32, #tpu.memory_space<hbm>> -> memref<128x128xf32, #tpu.memory_space<hbm>>
      tpu.wait_dma2 semaphore(%run_scoped3A : memref<!tpu.dma_semaphore, #tpu.memory_space<semaphore_mem>>) src(%arg9 : memref<128x128xf32, #tpu.memory_space<vmem>>) dst(%dma_wait3A_89 : memref<128x128xf32, #tpu.memory_space<hbm>>)
      tpu.yield
    }) : () -> ()
    %dma_wait3A_74 = arith.constant 0 : i32
    %dma_wait3A_75 = arith.constant 0 : i32
    %dma_wait3A_76 = tpu.memref_slice %arg2[%dma_wait3A_74, %dma_wait3A_75] : memref<100000x128xf32, #tpu.memory_space<hbm>> -> memref<128x128xf32, #tpu.memory_space<hbm>>
    %dma_wait3A_77 = arith.constant 0 : i32
    %dma_wait3A_78 = arith.constant 0 : i32
    %dma_wait3A_79 = tpu.memref_slice %arg2[%dma_wait3A_77, %dma_wait3A_78] : memref<100000x128xf32, #tpu.memory_space<hbm>> -> memref<128x128xf32, #tpu.memory_space<hbm>>
    tpu.wait_dma2 semaphore(%arg15 : memref<!tpu.dma_semaphore, #tpu.memory_space<semaphore_mem>>) src(%dma_wait3A_79 : memref<128x128xf32, #tpu.memory_space<hbm>>) dst(%arg10 : memref<128x128xf32, #tpu.memory_space<vmem>>)
    %add3A_80 = arith.constant 6272 : i32
    %add3A_81 = arith.addi %mul3A_2, %add3A_80 : i32
    "tpu.region"() ({
      %run_scoped3A = tpu.sem_alloc : memref<!tpu.dma_semaphore, #tpu.memory_space<semaphore_mem>>
      %dma_start3A_82 = arith.constant 0 : i32
      %dma_start3A_83 = tpu.memref_slice %arg4[%add3A_81, %dma_start3A_82] : memref<204800x128xf32, #tpu.memory_space<hbm>> -> memref<128x128xf32, #tpu.memory_space<hbm>>
      %dma_start3A_84 = arith.constant 0 : i32
      %dma_start3A_85 = tpu.memref_slice %arg4[%add3A_81, %dma_start3A_84] : memref<204800x128xf32, #tpu.memory_space<hbm>> -> memref<128x128xf32, #tpu.memory_space<hbm>>
      tpu.enqueue_dma source(%arg10 : memref<128x128xf32, #tpu.memory_space<vmem>>) target(%dma_start3A_85 : memref<128x128xf32, #tpu.memory_space<hbm>>) target_semaphore(%run_scoped3A : memref<!tpu.dma_semaphore, #tpu.memory_space<semaphore_mem>>)
      %dma_wait3A_86 = arith.constant 0 : i32
      %dma_wait3A_87 = tpu.memref_slice %arg4[%add3A_81, %dma_wait3A_86] : memref<204800x128xf32, #tpu.memory_space<hbm>> -> memref<128x128xf32, #tpu.memory_space<hbm>>
      %dma_wait3A_88 = arith.constant 0 : i32
      %dma_wait3A_89 = tpu.memref_slice %arg4[%add3A_81, %dma_wait3A_88] : memref<204800x128xf32, #tpu.memory_space<hbm>> -> memref<128x128xf32, #tpu.memory_space<hbm>>
      tpu.wait_dma2 semaphore(%run_scoped3A : memref<!tpu.dma_semaphore, #tpu.memory_space<semaphore_mem>>) src(%arg10 : memref<128x128xf32, #tpu.memory_space<vmem>>) dst(%dma_wait3A_89 : memref<128x128xf32, #tpu.memory_space<hbm>>)
      tpu.yield
    }) : () -> ()
    return
  }
}

module attributes {stable_mosaic.version = 14 : i64} {
  func.func @body(%arg0: i32, %arg1: memref<1000x128xf32, #tpu.memory_space<vmem>>, %arg2: memref<1000x128xf32, #tpu.memory_space<vmem>>, %arg3: memref<1000x128xf32, #tpu.memory_space<vmem>>, %arg4: memref<1000x128xf32, #tpu.memory_space<vmem>>, %arg5: memref<1000x128xf32, #tpu.memory_space<vmem>>, %arg6: memref<128x128xf32, #tpu.memory_space<vmem>>, %arg7: memref<128x128xf32, #tpu.memory_space<vmem>>, %arg8: memref<128x128xf32, #tpu.memory_space<vmem>>, %arg9: memref<1x128xf32, #tpu.memory_space<vmem>>, %arg10: memref<1000x128xf32, #tpu.memory_space<vmem>>) attributes {dimension_semantics = [#tpu.dimension_semantics<arbitrary>], iteration_bounds = array<i64: 10>, scalar_prefetch = 0 : i64, scratch_operands = 0 : i64, tpu.core_type = #tpu.core_type<tc>, window_params = [{transform_indices = @transform_0, window_bounds = array<i64: 1000, 128>}, {transform_indices = @transform_1, window_bounds = array<i64: 1000, 128>}, {transform_indices = @transform_2, window_bounds = array<i64: 1000, 128>}, {transform_indices = @transform_3, window_bounds = array<i64: 1000, 128>}, {transform_indices = @transform_4, window_bounds = array<i64: 1000, 128>}, {pipeline_mode = #tpu.pipeline_mode<synchronous>, transform_indices = @transform_5, window_bounds = array<i64: 128, 128>}, {pipeline_mode = #tpu.pipeline_mode<synchronous>, transform_indices = @transform_6, window_bounds = array<i64: 128, 128>}, {pipeline_mode = #tpu.pipeline_mode<synchronous>, transform_indices = @transform_7, window_bounds = array<i64: 128, 128>}, {pipeline_mode = #tpu.pipeline_mode<synchronous>, transform_indices = @transform_8, window_bounds = array<i64: 1, 128>}, {transform_indices = @transform_9, window_bounds = array<i64: 1000, 128>}]} {
    %get3A = arith.constant 0 : index
    %get3A_0 = arith.constant 0 : index
    %get3A_1 = vector.load %arg1[%get3A, %get3A_0] : memref<1000x128xf32, #tpu.memory_space<vmem>>, vector<1000x128xf32>
    %get3A_2 = arith.constant 0 : index
    %get3A_3 = arith.constant 0 : index
    %get3A_4 = vector.load %arg3[%get3A_2, %get3A_3] : memref<1000x128xf32, #tpu.memory_space<vmem>>, vector<1000x1xf32>
    %max3A = arith.constant 1.000000e+00 : f32
    %max3A_5 = vector.broadcast %max3A : f32 to vector<1000x1xf32>
    %max3A_6 = arith.maximumf %get3A_4, %max3A_5 : vector<1000x1xf32>
    %div3A = vector.broadcast %max3A_6 : vector<1000x1xf32> to vector<1000x128xf32>
    %div3A_7 = arith.divf %get3A_1, %div3A : vector<1000x128xf32>
    %get3A_8 = arith.constant 0 : index
    %get3A_9 = arith.constant 0 : index
    %get3A_10 = vector.load %arg2[%get3A_8, %get3A_9] : memref<1000x128xf32, #tpu.memory_space<vmem>>, vector<1000x128xf32>
    %get3A_11 = arith.constant 0 : index
    %get3A_12 = arith.constant 0 : index
    %get3A_13 = vector.load %arg4[%get3A_11, %get3A_12] : memref<1000x128xf32, #tpu.memory_space<vmem>>, vector<1000x1xf32>
    %max3A_14 = arith.constant 1.000000e+00 : f32
    %max3A_15 = vector.broadcast %max3A_14 : f32 to vector<1000x1xf32>
    %max3A_16 = arith.maximumf %get3A_13, %max3A_15 : vector<1000x1xf32>
    %div3A_17 = vector.broadcast %max3A_16 : vector<1000x1xf32> to vector<1000x128xf32>
    %div3A_18 = arith.divf %get3A_10, %div3A_17 : vector<1000x128xf32>
    %get3A_19 = arith.constant 0 : index
    %get3A_20 = arith.constant 0 : index
    %get3A_21 = vector.load %arg6[%get3A_19, %get3A_20] : memref<128x128xf32, #tpu.memory_space<vmem>>, vector<128x128xf32>
    %dot_general3A = arith.constant dense<0.000000e+00> : vector<1000x128xf32>
    %dot_general3A_22 = tpu.matmul %div3A_7, %get3A_21, %dot_general3A {dimension_numbers = #tpu.dot_dimension_numbers<[1], [0], [0], [1], [0, 0, 1, 1], [], []>, transpose_lhs_hint = false} : vector<1000x128xf32>, vector<128x128xf32>, vector<1000x128xf32> -> vector<1000x128xf32>
    %get3A_23 = arith.constant 0 : index
    %get3A_24 = arith.constant 0 : index
    %get3A_25 = vector.load %arg7[%get3A_23, %get3A_24] : memref<128x128xf32, #tpu.memory_space<vmem>>, vector<128x128xf32>
    %dot_general3A_26 = arith.constant dense<0.000000e+00> : vector<1000x128xf32>
    %dot_general3A_27 = tpu.matmul %div3A_18, %get3A_25, %dot_general3A_26 {dimension_numbers = #tpu.dot_dimension_numbers<[1], [0], [0], [1], [0, 0, 1, 1], [], []>, transpose_lhs_hint = false} : vector<1000x128xf32>, vector<128x128xf32>, vector<1000x128xf32> -> vector<1000x128xf32>
    %add3A = arith.addf %dot_general3A_22, %dot_general3A_27 : vector<1000x128xf32>
    %get3A_28 = arith.constant 0 : index
    %get3A_29 = arith.constant 0 : index
    %get3A_30 = vector.load %arg5[%get3A_28, %get3A_29] : memref<1000x128xf32, #tpu.memory_space<vmem>>, vector<1000x128xf32>
    %get3A_31 = arith.constant 0 : index
    %get3A_32 = arith.constant 0 : index
    %get3A_33 = vector.load %arg8[%get3A_31, %get3A_32] : memref<128x128xf32, #tpu.memory_space<vmem>>, vector<128x128xf32>
    %dot_general3A_34 = arith.constant dense<0.000000e+00> : vector<1000x128xf32>
    %dot_general3A_35 = tpu.matmul %get3A_30, %get3A_33, %dot_general3A_34 {dimension_numbers = #tpu.dot_dimension_numbers<[1], [0], [0], [1], [0, 0, 1, 1], [], []>, transpose_lhs_hint = false} : vector<1000x128xf32>, vector<128x128xf32>, vector<1000x128xf32> -> vector<1000x128xf32>
    %add3A_36 = arith.addf %add3A, %dot_general3A_35 : vector<1000x128xf32>
    %get3A_37 = arith.constant 0 : index
    %get3A_38 = arith.constant 0 : index
    %get3A_39 = vector.load %arg9[%get3A_37, %get3A_38] : memref<1x128xf32, #tpu.memory_space<vmem>>, vector<1x128xf32>
    %add3A_40 = vector.broadcast %get3A_39 : vector<1x128xf32> to vector<1000x128xf32>
    %add3A_41 = arith.addf %add3A_36, %add3A_40 : vector<1000x128xf32>
    %swap3A = arith.constant 0 : index
    %swap3A_42 = arith.constant 0 : index
    %swap3A_43 = vector.load %arg10[%swap3A, %swap3A_42] : memref<1000x128xf32, #tpu.memory_space<vmem>>, vector<1000x128xf32>
    tpu.vector_store %arg10[%swap3A, %swap3A_42], %add3A_41 {strides = array<i32>} : memref<1000x128xf32, #tpu.memory_space<vmem>>, vector<1000x128xf32>,
    return
  }
  func.func @transform_0(%arg0: i32) -> (i32, i32) {
    %c0_i32 = arith.constant 0 : i32
    %c0_i32_0 = arith.constant 0 : i32
    return %arg0, %c0_i32 : i32, i32
  }
  func.func @transform_1(%arg0: i32) -> (i32, i32) {
    %c0_i32 = arith.constant 0 : i32
    %c0_i32_0 = arith.constant 0 : i32
    return %arg0, %c0_i32 : i32, i32
  }
  func.func @transform_2(%arg0: i32) -> (i32, i32) {
    %c0_i32 = arith.constant 0 : i32
    %c0_i32_0 = arith.constant 0 : i32
    return %arg0, %c0_i32 : i32, i32
  }
  func.func @transform_3(%arg0: i32) -> (i32, i32) {
    %c0_i32 = arith.constant 0 : i32
    %c0_i32_0 = arith.constant 0 : i32
    return %arg0, %c0_i32 : i32, i32
  }
  func.func @transform_4(%arg0: i32) -> (i32, i32) {
    %c0_i32 = arith.constant 0 : i32
    %c0_i32_0 = arith.constant 0 : i32
    return %arg0, %c0_i32 : i32, i32
  }
  func.func @transform_5(%arg0: i32) -> (i32, i32) {
    %c0_i32 = arith.constant 0 : i32
    %c0_i32_0 = arith.constant 0 : i32
    %c0_i32_1 = arith.constant 0 : i32
    return %c0_i32, %c0_i32_0 : i32, i32
  }
  func.func @transform_6(%arg0: i32) -> (i32, i32) {
    %c0_i32 = arith.constant 0 : i32
    %c0_i32_0 = arith.constant 0 : i32
    %c0_i32_1 = arith.constant 0 : i32
    return %c0_i32, %c0_i32_0 : i32, i32
  }
  func.func @transform_7(%arg0: i32) -> (i32, i32) {
    %c0_i32 = arith.constant 0 : i32
    %c0_i32_0 = arith.constant 0 : i32
    %c0_i32_1 = arith.constant 0 : i32
    return %c0_i32, %c0_i32_0 : i32, i32
  }
  func.func @transform_8(%arg0: i32) -> (i32, i32) {
    %c0_i32 = arith.constant 0 : i32
    %c0_i32_0 = arith.constant 0 : i32
    %c0_i32_1 = arith.constant 0 : i32
    return %c0_i32, %c0_i32_0 : i32, i32
  }
  func.func @transform_9(%arg0: i32) -> (i32, i32) {
    %c0_i32 = arith.constant 0 : i32
    %c0_i32_0 = arith.constant 0 : i32
    return %arg0, %c0_i32 : i32, i32
  }
}

module attributes {stable_mosaic.version = 14 : i64} {
  func.func @body(%arg0: i32, %arg1: memref<1024x2560xf32, #tpu.memory_space<vmem>>, %arg2: memref<1024x128xi32, #tpu.memory_space<vmem>>, %arg3: memref<128x512xf32, #tpu.memory_space<vmem>>, %arg4: memref<128x512xf32, #tpu.memory_space<vmem>>, %arg5: memref<1x512xf32, #tpu.memory_space<vmem>>, %arg6: memref<1024x128xf32, #tpu.memory_space<vmem>>) attributes {dimension_semantics = [#tpu.dimension_semantics<arbitrary>], iteration_bounds = array<i64: 10>, scalar_prefetch = 0 : i64, scratch_operands = 0 : i64, tpu.core_type = #tpu.core_type<tc>, window_params = [{transform_indices = @transform_0, window_bounds = array<i64: 1024, 2560>}, {transform_indices = @transform_1, window_bounds = array<i64: 1024, 128>}, {pipeline_mode = #tpu.pipeline_mode<synchronous>, transform_indices = @transform_2, window_bounds = array<i64: 128, 512>}, {pipeline_mode = #tpu.pipeline_mode<synchronous>, transform_indices = @transform_3, window_bounds = array<i64: 128, 512>}, {pipeline_mode = #tpu.pipeline_mode<synchronous>, transform_indices = @transform_4, window_bounds = array<i64: 1, 512>}, {transform_indices = @transform_5, window_bounds = array<i64: 1024, 128>}]} {
    %broadcast_in_dim3A = arith.constant 0.000000e+00 : f32
    %broadcast_in_dim3A_0 = vector.broadcast %broadcast_in_dim3A : f32 to vector<1024x128xf32>
    %broadcast_in_dim3A_1 = arith.constant 0.000000e+00 : f32
    %broadcast_in_dim3A_2 = vector.broadcast %broadcast_in_dim3A_1 : f32 to vector<1024x128xf32>
    %broadcast_in_dim3A_3 = arith.constant 0.000000e+00 : f32
    %broadcast_in_dim3A_4 = vector.broadcast %broadcast_in_dim3A_3 : f32 to vector<1024x128xf32>
    %get3A = arith.constant 0 : index
    %get3A_5 = arith.constant 0 : index
    %get3A_6 = vector.load %arg2[%get3A, %get3A_5] : memref<1024x128xi32, #tpu.memory_space<vmem>>, vector<1024x128xi32>
    %get3A_7 = arith.constant 0 : index
    %get3A_8 = arith.constant 0 : index
    %get3A_9 = vector.load %arg3[%get3A_7, %get3A_8] : memref<128x512xf32, #tpu.memory_space<vmem>>, vector<128x512xf32>
    %get3A_10 = arith.constant 0 : index
    %get3A_11 = arith.constant 0 : index
    %get3A_12 = vector.load %arg4[%get3A_10, %get3A_11] : memref<128x512xf32, #tpu.memory_space<vmem>>, vector<128x512xf32>
    %get3A_13 = arith.constant 0 : index
    %get3A_14 = arith.constant 0 : index
    %get3A_15 = vector.load %arg5[%get3A_13, %get3A_14] : memref<1x512xf32, #tpu.memory_space<vmem>>, vector<1x512xf32>
    %get3A_16 = arith.constant 0 : index
    %get3A_17 = arith.constant 0 : index
    %get3A_18 = vector.load %arg1[%get3A_16, %get3A_17] : memref<1024x2560xf32, #tpu.memory_space<vmem>>, vector<1024x128xf32>
    %dot_general3A = arith.constant dense<0.000000e+00> : vector<1024x512xf32>
    %dot_general3A_19 = tpu.matmul %get3A_18, %get3A_9, %dot_general3A {dimension_numbers = #tpu.dot_dimension_numbers<[1], [0], [0], [1], [0, 0, 1, 1], [], []>, transpose_lhs_hint = false} : vector<1024x128xf32>, vector<128x512xf32>, vector<1024x512xf32> -> vector<1024x512xf32>
    %dot_general3A_20 = arith.constant dense<0.000000e+00> : vector<1024x512xf32>
    %dot_general3A_21 = tpu.matmul %broadcast_in_dim3A_0, %get3A_12, %dot_general3A_20 {dimension_numbers = #tpu.dot_dimension_numbers<[1], [0], [0], [1], [0, 0, 1, 1], [], []>, transpose_lhs_hint = false} : vector<1024x128xf32>, vector<128x512xf32>, vector<1024x512xf32> -> vector<1024x512xf32>
    %add3A = arith.addf %dot_general3A_19, %dot_general3A_21 : vector<1024x512xf32>
    %add3A_22 = vector.broadcast %get3A_15 : vector<1x512xf32> to vector<1024x512xf32>
    %add3A_23 = arith.addf %add3A, %add3A_22 : vector<1024x512xf32>
    %slice3A = vector.extract_strided_slice %add3A_23 {offsets = [0, 0], sizes = [1024, 128], strides = [1, 1]} : vector<1024x512xf32> to vector<1024x128xf32>
    %logistic3A = arith.negf %slice3A : vector<1024x128xf32>
    %logistic3A_24 = math.exp %logistic3A : vector<1024x128xf32>
    %logistic3A_25 = arith.constant 1.000000e+00 : f32
    %logistic3A_26 = vector.broadcast %logistic3A_25 : f32 to vector<1024x128xf32>
    %logistic3A_27 = arith.addf %logistic3A_26, %logistic3A_24 : vector<1024x128xf32>
    %logistic3A_28 = arith.divf %logistic3A_26, %logistic3A_27 : vector<1024x128xf32>
    %slice3A_29 = vector.extract_strided_slice %add3A_23 {offsets = [0, 128], sizes = [1024, 128], strides = [1, 1]} : vector<1024x512xf32> to vector<1024x128xf32>
    %logistic3A_30 = arith.negf %slice3A_29 : vector<1024x128xf32>
    %logistic3A_31 = math.exp %logistic3A_30 : vector<1024x128xf32>
    %logistic3A_32 = arith.constant 1.000000e+00 : f32
    %logistic3A_33 = vector.broadcast %logistic3A_32 : f32 to vector<1024x128xf32>
    %logistic3A_34 = arith.addf %logistic3A_33, %logistic3A_31 : vector<1024x128xf32>
    %logistic3A_35 = arith.divf %logistic3A_33, %logistic3A_34 : vector<1024x128xf32>
    %slice3A_36 = vector.extract_strided_slice %add3A_23 {offsets = [0, 256], sizes = [1024, 128], strides = [1, 1]} : vector<1024x512xf32> to vector<1024x128xf32>
    %tanh3A = math.tanh %slice3A_36 : vector<1024x128xf32>
    %slice3A_37 = vector.extract_strided_slice %add3A_23 {offsets = [0, 384], sizes = [1024, 128], strides = [1, 1]} : vector<1024x512xf32> to vector<1024x128xf32>
    %logistic3A_38 = arith.negf %slice3A_37 : vector<1024x128xf32>
    %logistic3A_39 = math.exp %logistic3A_38 : vector<1024x128xf32>
    %logistic3A_40 = arith.constant 1.000000e+00 : f32
    %logistic3A_41 = vector.broadcast %logistic3A_40 : f32 to vector<1024x128xf32>
    %logistic3A_42 = arith.addf %logistic3A_41, %logistic3A_39 : vector<1024x128xf32>
    %logistic3A_43 = arith.divf %logistic3A_41, %logistic3A_42 : vector<1024x128xf32>
    %mul3A = arith.mulf %logistic3A_35, %broadcast_in_dim3A_2 : vector<1024x128xf32>
    %mul3A_44 = arith.mulf %logistic3A_28, %tanh3A : vector<1024x128xf32>
    %add3A_45 = arith.addf %mul3A, %mul3A_44 : vector<1024x128xf32>
    %tanh3A_46 = math.tanh %add3A_45 : vector<1024x128xf32>
    %mul3A_47 = arith.mulf %logistic3A_43, %tanh3A_46 : vector<1024x128xf32>
    %eq3A = arith.constant 1 : i32
    %eq3A_48 = vector.broadcast %eq3A : i32 to vector<1024x128xi32>
    %eq3A_49 = arith.cmpi eq, %get3A_6, %eq3A_48 : vector<1024x128xi32>
    %select_n3A = arith.select %eq3A_49, %mul3A_47, %broadcast_in_dim3A_4 : vector<1024x128xi1>, vector<1024x128xf32>
    %get3A_50 = arith.constant 0 : index
    %get3A_51 = arith.constant 128 : index
    %get3A_52 = vector.load %arg1[%get3A_50, %get3A_51] : memref<1024x2560xf32, #tpu.memory_space<vmem>>, vector<1024x128xf32>
    %dot_general3A_53 = arith.constant dense<0.000000e+00> : vector<1024x512xf32>
    %dot_general3A_54 = tpu.matmul %get3A_52, %get3A_9, %dot_general3A_53 {dimension_numbers = #tpu.dot_dimension_numbers<[1], [0], [0], [1], [0, 0, 1, 1], [], []>, transpose_lhs_hint = false} : vector<1024x128xf32>, vector<128x512xf32>, vector<1024x512xf32> -> vector<1024x512xf32>
    %dot_general3A_55 = arith.constant dense<0.000000e+00> : vector<1024x512xf32>
    %dot_general3A_56 = tpu.matmul %mul3A_47, %get3A_12, %dot_general3A_55 {dimension_numbers = #tpu.dot_dimension_numbers<[1], [0], [0], [1], [0, 0, 1, 1], [], []>, transpose_lhs_hint = false} : vector<1024x128xf32>, vector<128x512xf32>, vector<1024x512xf32> -> vector<1024x512xf32>
    %add3A_57 = arith.addf %dot_general3A_54, %dot_general3A_56 : vector<1024x512xf32>
    %add3A_58 = vector.broadcast %get3A_15 : vector<1x512xf32> to vector<1024x512xf32>
    %add3A_59 = arith.addf %add3A_57, %add3A_58 : vector<1024x512xf32>
    %slice3A_60 = vector.extract_strided_slice %add3A_59 {offsets = [0, 0], sizes = [1024, 128], strides = [1, 1]} : vector<1024x512xf32> to vector<1024x128xf32>
    %logistic3A_61 = arith.negf %slice3A_60 : vector<1024x128xf32>
    %logistic3A_62 = math.exp %logistic3A_61 : vector<1024x128xf32>
    %logistic3A_63 = arith.constant 1.000000e+00 : f32
    %logistic3A_64 = vector.broadcast %logistic3A_63 : f32 to vector<1024x128xf32>
    %logistic3A_65 = arith.addf %logistic3A_64, %logistic3A_62 : vector<1024x128xf32>
    %logistic3A_66 = arith.divf %logistic3A_64, %logistic3A_65 : vector<1024x128xf32>
    %slice3A_67 = vector.extract_strided_slice %add3A_59 {offsets = [0, 128], sizes = [1024, 128], strides = [1, 1]} : vector<1024x512xf32> to vector<1024x128xf32>
    %logistic3A_68 = arith.negf %slice3A_67 : vector<1024x128xf32>
    %logistic3A_69 = math.exp %logistic3A_68 : vector<1024x128xf32>
    %logistic3A_70 = arith.constant 1.000000e+00 : f32
    %logistic3A_71 = vector.broadcast %logistic3A_70 : f32 to vector<1024x128xf32>
    %logistic3A_72 = arith.addf %logistic3A_71, %logistic3A_69 : vector<1024x128xf32>
    %logistic3A_73 = arith.divf %logistic3A_71, %logistic3A_72 : vector<1024x128xf32>
    %slice3A_74 = vector.extract_strided_slice %add3A_59 {offsets = [0, 256], sizes = [1024, 128], strides = [1, 1]} : vector<1024x512xf32> to vector<1024x128xf32>
    %tanh3A_75 = math.tanh %slice3A_74 : vector<1024x128xf32>
    %slice3A_76 = vector.extract_strided_slice %add3A_59 {offsets = [0, 384], sizes = [1024, 128], strides = [1, 1]} : vector<1024x512xf32> to vector<1024x128xf32>
    %logistic3A_77 = arith.negf %slice3A_76 : vector<1024x128xf32>
    %logistic3A_78 = math.exp %logistic3A_77 : vector<1024x128xf32>
    %logistic3A_79 = arith.constant 1.000000e+00 : f32
    %logistic3A_80 = vector.broadcast %logistic3A_79 : f32 to vector<1024x128xf32>
    %logistic3A_81 = arith.addf %logistic3A_80, %logistic3A_78 : vector<1024x128xf32>
    %logistic3A_82 = arith.divf %logistic3A_80, %logistic3A_81 : vector<1024x128xf32>
    %mul3A_83 = arith.mulf %logistic3A_73, %add3A_45 : vector<1024x128xf32>
    %mul3A_84 = arith.mulf %logistic3A_66, %tanh3A_75 : vector<1024x128xf32>
    %add3A_85 = arith.addf %mul3A_83, %mul3A_84 : vector<1024x128xf32>
    %tanh3A_86 = math.tanh %add3A_85 : vector<1024x128xf32>
    %mul3A_87 = arith.mulf %logistic3A_82, %tanh3A_86 : vector<1024x128xf32>
    %eq3A_88 = arith.constant 2 : i32
    %eq3A_89 = vector.broadcast %eq3A_88 : i32 to vector<1024x128xi32>
    %eq3A_90 = arith.cmpi eq, %get3A_6, %eq3A_89 : vector<1024x128xi32>
    %select_n3A_91 = arith.select %eq3A_90, %mul3A_87, %select_n3A : vector<1024x128xi1>, vector<1024x128xf32>
    %get3A_92 = arith.constant 0 : index
    %get3A_93 = arith.constant 256 : index
    %get3A_94 = vector.load %arg1[%get3A_92, %get3A_93] : memref<1024x2560xf32, #tpu.memory_space<vmem>>, vector<1024x128xf32>
    %dot_general3A_95 = arith.constant dense<0.000000e+00> : vector<1024x512xf32>
    %dot_general3A_96 = tpu.matmul %get3A_94, %get3A_9, %dot_general3A_95 {dimension_numbers = #tpu.dot_dimension_numbers<[1], [0], [0], [1], [0, 0, 1, 1], [], []>, transpose_lhs_hint = false} : vector<1024x128xf32>, vector<128x512xf32>, vector<1024x512xf32> -> vector<1024x512xf32>
    %dot_general3A_97 = arith.constant dense<0.000000e+00> : vector<1024x512xf32>
    %dot_general3A_98 = tpu.matmul %mul3A_87, %get3A_12, %dot_general3A_97 {dimension_numbers = #tpu.dot_dimension_numbers<[1], [0], [0], [1], [0, 0, 1, 1], [], []>, transpose_lhs_hint = false} : vector<1024x128xf32>, vector<128x512xf32>, vector<1024x512xf32> -> vector<1024x512xf32>
    %add3A_99 = arith.addf %dot_general3A_96, %dot_general3A_98 : vector<1024x512xf32>
    %add3A_100 = vector.broadcast %get3A_15 : vector<1x512xf32> to vector<1024x512xf32>
    %add3A_101 = arith.addf %add3A_99, %add3A_100 : vector<1024x512xf32>
    %slice3A_102 = vector.extract_strided_slice %add3A_101 {offsets = [0, 0], sizes = [1024, 128], strides = [1, 1]} : vector<1024x512xf32> to vector<1024x128xf32>
    %logistic3A_103 = arith.negf %slice3A_102 : vector<1024x128xf32>
    %logistic3A_104 = math.exp %logistic3A_103 : vector<1024x128xf32>
    %logistic3A_105 = arith.constant 1.000000e+00 : f32
    %logistic3A_106 = vector.broadcast %logistic3A_105 : f32 to vector<1024x128xf32>
    %logistic3A_107 = arith.addf %logistic3A_106, %logistic3A_104 : vector<1024x128xf32>
    %logistic3A_108 = arith.divf %logistic3A_106, %logistic3A_107 : vector<1024x128xf32>
    %slice3A_109 = vector.extract_strided_slice %add3A_101 {offsets = [0, 128], sizes = [1024, 128], strides = [1, 1]} : vector<1024x512xf32> to vector<1024x128xf32>
    %logistic3A_110 = arith.negf %slice3A_109 : vector<1024x128xf32>
    %logistic3A_111 = math.exp %logistic3A_110 : vector<1024x128xf32>
    %logistic3A_112 = arith.constant 1.000000e+00 : f32
    %logistic3A_113 = vector.broadcast %logistic3A_112 : f32 to vector<1024x128xf32>
    %logistic3A_114 = arith.addf %logistic3A_113, %logistic3A_111 : vector<1024x128xf32>
    %logistic3A_115 = arith.divf %logistic3A_113, %logistic3A_114 : vector<1024x128xf32>
    %slice3A_116 = vector.extract_strided_slice %add3A_101 {offsets = [0, 256], sizes = [1024, 128], strides = [1, 1]} : vector<1024x512xf32> to vector<1024x128xf32>
    %tanh3A_117 = math.tanh %slice3A_116 : vector<1024x128xf32>
    %slice3A_118 = vector.extract_strided_slice %add3A_101 {offsets = [0, 384], sizes = [1024, 128], strides = [1, 1]} : vector<1024x512xf32> to vector<1024x128xf32>
    %logistic3A_119 = arith.negf %slice3A_118 : vector<1024x128xf32>
    %logistic3A_120 = math.exp %logistic3A_119 : vector<1024x128xf32>
    %logistic3A_121 = arith.constant 1.000000e+00 : f32
    %logistic3A_122 = vector.broadcast %logistic3A_121 : f32 to vector<1024x128xf32>
    %logistic3A_123 = arith.addf %logistic3A_122, %logistic3A_120 : vector<1024x128xf32>
    %logistic3A_124 = arith.divf %logistic3A_122, %logistic3A_123 : vector<1024x128xf32>
    %mul3A_125 = arith.mulf %logistic3A_115, %add3A_85 : vector<1024x128xf32>
    %mul3A_126 = arith.mulf %logistic3A_108, %tanh3A_117 : vector<1024x128xf32>
    %add3A_127 = arith.addf %mul3A_125, %mul3A_126 : vector<1024x128xf32>
    %tanh3A_128 = math.tanh %add3A_127 : vector<1024x128xf32>
    %mul3A_129 = arith.mulf %logistic3A_124, %tanh3A_128 : vector<1024x128xf32>
    %eq3A_130 = arith.constant 3 : i32
    %eq3A_131 = vector.broadcast %eq3A_130 : i32 to vector<1024x128xi32>
    %eq3A_132 = arith.cmpi eq, %get3A_6, %eq3A_131 : vector<1024x128xi32>
    %select_n3A_133 = arith.select %eq3A_132, %mul3A_129, %select_n3A_91 : vector<1024x128xi1>, vector<1024x128xf32>
    %get3A_134 = arith.constant 0 : index
    %get3A_135 = arith.constant 384 : index
    %get3A_136 = vector.load %arg1[%get3A_134, %get3A_135] : memref<1024x2560xf32, #tpu.memory_space<vmem>>, vector<1024x128xf32>
    %dot_general3A_137 = arith.constant dense<0.000000e+00> : vector<1024x512xf32>
    %dot_general3A_138 = tpu.matmul %get3A_136, %get3A_9, %dot_general3A_137 {dimension_numbers = #tpu.dot_dimension_numbers<[1], [0], [0], [1], [0, 0, 1, 1], [], []>, transpose_lhs_hint = false} : vector<1024x128xf32>, vector<128x512xf32>, vector<1024x512xf32> -> vector<1024x512xf32>
    %dot_general3A_139 = arith.constant dense<0.000000e+00> : vector<1024x512xf32>
    %dot_general3A_140 = tpu.matmul %mul3A_129, %get3A_12, %dot_general3A_139 {dimension_numbers = #tpu.dot_dimension_numbers<[1], [0], [0], [1], [0, 0, 1, 1], [], []>, transpose_lhs_hint = false} : vector<1024x128xf32>, vector<128x512xf32>, vector<1024x512xf32> -> vector<1024x512xf32>
    %add3A_141 = arith.addf %dot_general3A_138, %dot_general3A_140 : vector<1024x512xf32>
    %add3A_142 = vector.broadcast %get3A_15 : vector<1x512xf32> to vector<1024x512xf32>
    %add3A_143 = arith.addf %add3A_141, %add3A_142 : vector<1024x512xf32>
    %slice3A_144 = vector.extract_strided_slice %add3A_143 {offsets = [0, 0], sizes = [1024, 128], strides = [1, 1]} : vector<1024x512xf32> to vector<1024x128xf32>
    %logistic3A_145 = arith.negf %slice3A_144 : vector<1024x128xf32>
    %logistic3A_146 = math.exp %logistic3A_145 : vector<1024x128xf32>
    %logistic3A_147 = arith.constant 1.000000e+00 : f32
    %logistic3A_148 = vector.broadcast %logistic3A_147 : f32 to vector<1024x128xf32>
    %logistic3A_149 = arith.addf %logistic3A_148, %logistic3A_146 : vector<1024x128xf32>
    %logistic3A_150 = arith.divf %logistic3A_148, %logistic3A_149 : vector<1024x128xf32>
    %slice3A_151 = vector.extract_strided_slice %add3A_143 {offsets = [0, 128], sizes = [1024, 128], strides = [1, 1]} : vector<1024x512xf32> to vector<1024x128xf32>
    %logistic3A_152 = arith.negf %slice3A_151 : vector<1024x128xf32>
    %logistic3A_153 = math.exp %logistic3A_152 : vector<1024x128xf32>
    %logistic3A_154 = arith.constant 1.000000e+00 : f32
    %logistic3A_155 = vector.broadcast %logistic3A_154 : f32 to vector<1024x128xf32>
    %logistic3A_156 = arith.addf %logistic3A_155, %logistic3A_153 : vector<1024x128xf32>
    %logistic3A_157 = arith.divf %logistic3A_155, %logistic3A_156 : vector<1024x128xf32>
    %slice3A_158 = vector.extract_strided_slice %add3A_143 {offsets = [0, 256], sizes = [1024, 128], strides = [1, 1]} : vector<1024x512xf32> to vector<1024x128xf32>
    %tanh3A_159 = math.tanh %slice3A_158 : vector<1024x128xf32>
    %slice3A_160 = vector.extract_strided_slice %add3A_143 {offsets = [0, 384], sizes = [1024, 128], strides = [1, 1]} : vector<1024x512xf32> to vector<1024x128xf32>
    %logistic3A_161 = arith.negf %slice3A_160 : vector<1024x128xf32>
    %logistic3A_162 = math.exp %logistic3A_161 : vector<1024x128xf32>
    %logistic3A_163 = arith.constant 1.000000e+00 : f32
    %logistic3A_164 = vector.broadcast %logistic3A_163 : f32 to vector<1024x128xf32>
    %logistic3A_165 = arith.addf %logistic3A_164, %logistic3A_162 : vector<1024x128xf32>
    %logistic3A_166 = arith.divf %logistic3A_164, %logistic3A_165 : vector<1024x128xf32>
    %mul3A_167 = arith.mulf %logistic3A_157, %add3A_127 : vector<1024x128xf32>
    %mul3A_168 = arith.mulf %logistic3A_150, %tanh3A_159 : vector<1024x128xf32>
    %add3A_169 = arith.addf %mul3A_167, %mul3A_168 : vector<1024x128xf32>
    %tanh3A_170 = math.tanh %add3A_169 : vector<1024x128xf32>
    %mul3A_171 = arith.mulf %logistic3A_166, %tanh3A_170 : vector<1024x128xf32>
    %eq3A_172 = arith.constant 4 : i32
    %eq3A_173 = vector.broadcast %eq3A_172 : i32 to vector<1024x128xi32>
    %eq3A_174 = arith.cmpi eq, %get3A_6, %eq3A_173 : vector<1024x128xi32>
    %select_n3A_175 = arith.select %eq3A_174, %mul3A_171, %select_n3A_133 : vector<1024x128xi1>, vector<1024x128xf32>
    %get3A_176 = arith.constant 0 : index
    %get3A_177 = arith.constant 512 : index
    %get3A_178 = vector.load %arg1[%get3A_176, %get3A_177] : memref<1024x2560xf32, #tpu.memory_space<vmem>>, vector<1024x128xf32>
    %dot_general3A_179 = arith.constant dense<0.000000e+00> : vector<1024x512xf32>
    %dot_general3A_180 = tpu.matmul %get3A_178, %get3A_9, %dot_general3A_179 {dimension_numbers = #tpu.dot_dimension_numbers<[1], [0], [0], [1], [0, 0, 1, 1], [], []>, transpose_lhs_hint = false} : vector<1024x128xf32>, vector<128x512xf32>, vector<1024x512xf32> -> vector<1024x512xf32>
    %dot_general3A_181 = arith.constant dense<0.000000e+00> : vector<1024x512xf32>
    %dot_general3A_182 = tpu.matmul %mul3A_171, %get3A_12, %dot_general3A_181 {dimension_numbers = #tpu.dot_dimension_numbers<[1], [0], [0], [1], [0, 0, 1, 1], [], []>, transpose_lhs_hint = false} : vector<1024x128xf32>, vector<128x512xf32>, vector<1024x512xf32> -> vector<1024x512xf32>
    %add3A_183 = arith.addf %dot_general3A_180, %dot_general3A_182 : vector<1024x512xf32>
    %add3A_184 = vector.broadcast %get3A_15 : vector<1x512xf32> to vector<1024x512xf32>
    %add3A_185 = arith.addf %add3A_183, %add3A_184 : vector<1024x512xf32>
    %slice3A_186 = vector.extract_strided_slice %add3A_185 {offsets = [0, 0], sizes = [1024, 128], strides = [1, 1]} : vector<1024x512xf32> to vector<1024x128xf32>
    %logistic3A_187 = arith.negf %slice3A_186 : vector<1024x128xf32>
    %logistic3A_188 = math.exp %logistic3A_187 : vector<1024x128xf32>
    %logistic3A_189 = arith.constant 1.000000e+00 : f32
    %logistic3A_190 = vector.broadcast %logistic3A_189 : f32 to vector<1024x128xf32>
    %logistic3A_191 = arith.addf %logistic3A_190, %logistic3A_188 : vector<1024x128xf32>
    %logistic3A_192 = arith.divf %logistic3A_190, %logistic3A_191 : vector<1024x128xf32>
    %slice3A_193 = vector.extract_strided_slice %add3A_185 {offsets = [0, 128], sizes = [1024, 128], strides = [1, 1]} : vector<1024x512xf32> to vector<1024x128xf32>
    %logistic3A_194 = arith.negf %slice3A_193 : vector<1024x128xf32>
    %logistic3A_195 = math.exp %logistic3A_194 : vector<1024x128xf32>
    %logistic3A_196 = arith.constant 1.000000e+00 : f32
    %logistic3A_197 = vector.broadcast %logistic3A_196 : f32 to vector<1024x128xf32>
    %logistic3A_198 = arith.addf %logistic3A_197, %logistic3A_195 : vector<1024x128xf32>
    %logistic3A_199 = arith.divf %logistic3A_197, %logistic3A_198 : vector<1024x128xf32>
    %slice3A_200 = vector.extract_strided_slice %add3A_185 {offsets = [0, 256], sizes = [1024, 128], strides = [1, 1]} : vector<1024x512xf32> to vector<1024x128xf32>
    %tanh3A_201 = math.tanh %slice3A_200 : vector<1024x128xf32>
    %slice3A_202 = vector.extract_strided_slice %add3A_185 {offsets = [0, 384], sizes = [1024, 128], strides = [1, 1]} : vector<1024x512xf32> to vector<1024x128xf32>
    %logistic3A_203 = arith.negf %slice3A_202 : vector<1024x128xf32>
    %logistic3A_204 = math.exp %logistic3A_203 : vector<1024x128xf32>
    %logistic3A_205 = arith.constant 1.000000e+00 : f32
    %logistic3A_206 = vector.broadcast %logistic3A_205 : f32 to vector<1024x128xf32>
    %logistic3A_207 = arith.addf %logistic3A_206, %logistic3A_204 : vector<1024x128xf32>
    %logistic3A_208 = arith.divf %logistic3A_206, %logistic3A_207 : vector<1024x128xf32>
    %mul3A_209 = arith.mulf %logistic3A_199, %add3A_169 : vector<1024x128xf32>
    %mul3A_210 = arith.mulf %logistic3A_192, %tanh3A_201 : vector<1024x128xf32>
    %add3A_211 = arith.addf %mul3A_209, %mul3A_210 : vector<1024x128xf32>
    %tanh3A_212 = math.tanh %add3A_211 : vector<1024x128xf32>
    %mul3A_213 = arith.mulf %logistic3A_208, %tanh3A_212 : vector<1024x128xf32>
    %eq3A_214 = arith.constant 5 : i32
    %eq3A_215 = vector.broadcast %eq3A_214 : i32 to vector<1024x128xi32>
    %eq3A_216 = arith.cmpi eq, %get3A_6, %eq3A_215 : vector<1024x128xi32>
    %select_n3A_217 = arith.select %eq3A_216, %mul3A_213, %select_n3A_175 : vector<1024x128xi1>, vector<1024x128xf32>
    %get3A_218 = arith.constant 0 : index
    %get3A_219 = arith.constant 640 : index
    %get3A_220 = vector.load %arg1[%get3A_218, %get3A_219] : memref<1024x2560xf32, #tpu.memory_space<vmem>>, vector<1024x128xf32>
    %dot_general3A_221 = arith.constant dense<0.000000e+00> : vector<1024x512xf32>
    %dot_general3A_222 = tpu.matmul %get3A_220, %get3A_9, %dot_general3A_221 {dimension_numbers = #tpu.dot_dimension_numbers<[1], [0], [0], [1], [0, 0, 1, 1], [], []>, transpose_lhs_hint = false} : vector<1024x128xf32>, vector<128x512xf32>, vector<1024x512xf32> -> vector<1024x512xf32>
    %dot_general3A_223 = arith.constant dense<0.000000e+00> : vector<1024x512xf32>
    %dot_general3A_224 = tpu.matmul %mul3A_213, %get3A_12, %dot_general3A_223 {dimension_numbers = #tpu.dot_dimension_numbers<[1], [0], [0], [1], [0, 0, 1, 1], [], []>, transpose_lhs_hint = false} : vector<1024x128xf32>, vector<128x512xf32>, vector<1024x512xf32> -> vector<1024x512xf32>
    %add3A_225 = arith.addf %dot_general3A_222, %dot_general3A_224 : vector<1024x512xf32>
    %add3A_226 = vector.broadcast %get3A_15 : vector<1x512xf32> to vector<1024x512xf32>
    %add3A_227 = arith.addf %add3A_225, %add3A_226 : vector<1024x512xf32>
    %slice3A_228 = vector.extract_strided_slice %add3A_227 {offsets = [0, 0], sizes = [1024, 128], strides = [1, 1]} : vector<1024x512xf32> to vector<1024x128xf32>
    %logistic3A_229 = arith.negf %slice3A_228 : vector<1024x128xf32>
    %logistic3A_230 = math.exp %logistic3A_229 : vector<1024x128xf32>
    %logistic3A_231 = arith.constant 1.000000e+00 : f32
    %logistic3A_232 = vector.broadcast %logistic3A_231 : f32 to vector<1024x128xf32>
    %logistic3A_233 = arith.addf %logistic3A_232, %logistic3A_230 : vector<1024x128xf32>
    %logistic3A_234 = arith.divf %logistic3A_232, %logistic3A_233 : vector<1024x128xf32>
    %slice3A_235 = vector.extract_strided_slice %add3A_227 {offsets = [0, 128], sizes = [1024, 128], strides = [1, 1]} : vector<1024x512xf32> to vector<1024x128xf32>
    %logistic3A_236 = arith.negf %slice3A_235 : vector<1024x128xf32>
    %logistic3A_237 = math.exp %logistic3A_236 : vector<1024x128xf32>
    %logistic3A_238 = arith.constant 1.000000e+00 : f32
    %logistic3A_239 = vector.broadcast %logistic3A_238 : f32 to vector<1024x128xf32>
    %logistic3A_240 = arith.addf %logistic3A_239, %logistic3A_237 : vector<1024x128xf32>
    %logistic3A_241 = arith.divf %logistic3A_239, %logistic3A_240 : vector<1024x128xf32>
    %slice3A_242 = vector.extract_strided_slice %add3A_227 {offsets = [0, 256], sizes = [1024, 128], strides = [1, 1]} : vector<1024x512xf32> to vector<1024x128xf32>
    %tanh3A_243 = math.tanh %slice3A_242 : vector<1024x128xf32>
    %slice3A_244 = vector.extract_strided_slice %add3A_227 {offsets = [0, 384], sizes = [1024, 128], strides = [1, 1]} : vector<1024x512xf32> to vector<1024x128xf32>
    %logistic3A_245 = arith.negf %slice3A_244 : vector<1024x128xf32>
    %logistic3A_246 = math.exp %logistic3A_245 : vector<1024x128xf32>
    %logistic3A_247 = arith.constant 1.000000e+00 : f32
    %logistic3A_248 = vector.broadcast %logistic3A_247 : f32 to vector<1024x128xf32>
    %logistic3A_249 = arith.addf %logistic3A_248, %logistic3A_246 : vector<1024x128xf32>
    %logistic3A_250 = arith.divf %logistic3A_248, %logistic3A_249 : vector<1024x128xf32>
    %mul3A_251 = arith.mulf %logistic3A_241, %add3A_211 : vector<1024x128xf32>
    %mul3A_252 = arith.mulf %logistic3A_234, %tanh3A_243 : vector<1024x128xf32>
    %add3A_253 = arith.addf %mul3A_251, %mul3A_252 : vector<1024x128xf32>
    %tanh3A_254 = math.tanh %add3A_253 : vector<1024x128xf32>
    %mul3A_255 = arith.mulf %logistic3A_250, %tanh3A_254 : vector<1024x128xf32>
    %eq3A_256 = arith.constant 6 : i32
    %eq3A_257 = vector.broadcast %eq3A_256 : i32 to vector<1024x128xi32>
    %eq3A_258 = arith.cmpi eq, %get3A_6, %eq3A_257 : vector<1024x128xi32>
    %select_n3A_259 = arith.select %eq3A_258, %mul3A_255, %select_n3A_217 : vector<1024x128xi1>, vector<1024x128xf32>
    %get3A_260 = arith.constant 0 : index
    %get3A_261 = arith.constant 768 : index
    %get3A_262 = vector.load %arg1[%get3A_260, %get3A_261] : memref<1024x2560xf32, #tpu.memory_space<vmem>>, vector<1024x128xf32>
    %dot_general3A_263 = arith.constant dense<0.000000e+00> : vector<1024x512xf32>
    %dot_general3A_264 = tpu.matmul %get3A_262, %get3A_9, %dot_general3A_263 {dimension_numbers = #tpu.dot_dimension_numbers<[1], [0], [0], [1], [0, 0, 1, 1], [], []>, transpose_lhs_hint = false} : vector<1024x128xf32>, vector<128x512xf32>, vector<1024x512xf32> -> vector<1024x512xf32>
    %dot_general3A_265 = arith.constant dense<0.000000e+00> : vector<1024x512xf32>
    %dot_general3A_266 = tpu.matmul %mul3A_255, %get3A_12, %dot_general3A_265 {dimension_numbers = #tpu.dot_dimension_numbers<[1], [0], [0], [1], [0, 0, 1, 1], [], []>, transpose_lhs_hint = false} : vector<1024x128xf32>, vector<128x512xf32>, vector<1024x512xf32> -> vector<1024x512xf32>
    %add3A_267 = arith.addf %dot_general3A_264, %dot_general3A_266 : vector<1024x512xf32>
    %add3A_268 = vector.broadcast %get3A_15 : vector<1x512xf32> to vector<1024x512xf32>
    %add3A_269 = arith.addf %add3A_267, %add3A_268 : vector<1024x512xf32>
    %slice3A_270 = vector.extract_strided_slice %add3A_269 {offsets = [0, 0], sizes = [1024, 128], strides = [1, 1]} : vector<1024x512xf32> to vector<1024x128xf32>
    %logistic3A_271 = arith.negf %slice3A_270 : vector<1024x128xf32>
    %logistic3A_272 = math.exp %logistic3A_271 : vector<1024x128xf32>
    %logistic3A_273 = arith.constant 1.000000e+00 : f32
    %logistic3A_274 = vector.broadcast %logistic3A_273 : f32 to vector<1024x128xf32>
    %logistic3A_275 = arith.addf %logistic3A_274, %logistic3A_272 : vector<1024x128xf32>
    %logistic3A_276 = arith.divf %logistic3A_274, %logistic3A_275 : vector<1024x128xf32>
    %slice3A_277 = vector.extract_strided_slice %add3A_269 {offsets = [0, 128], sizes = [1024, 128], strides = [1, 1]} : vector<1024x512xf32> to vector<1024x128xf32>
    %logistic3A_278 = arith.negf %slice3A_277 : vector<1024x128xf32>
    %logistic3A_279 = math.exp %logistic3A_278 : vector<1024x128xf32>
    %logistic3A_280 = arith.constant 1.000000e+00 : f32
    %logistic3A_281 = vector.broadcast %logistic3A_280 : f32 to vector<1024x128xf32>
    %logistic3A_282 = arith.addf %logistic3A_281, %logistic3A_279 : vector<1024x128xf32>
    %logistic3A_283 = arith.divf %logistic3A_281, %logistic3A_282 : vector<1024x128xf32>
    %slice3A_284 = vector.extract_strided_slice %add3A_269 {offsets = [0, 256], sizes = [1024, 128], strides = [1, 1]} : vector<1024x512xf32> to vector<1024x128xf32>
    %tanh3A_285 = math.tanh %slice3A_284 : vector<1024x128xf32>
    %slice3A_286 = vector.extract_strided_slice %add3A_269 {offsets = [0, 384], sizes = [1024, 128], strides = [1, 1]} : vector<1024x512xf32> to vector<1024x128xf32>
    %logistic3A_287 = arith.negf %slice3A_286 : vector<1024x128xf32>
    %logistic3A_288 = math.exp %logistic3A_287 : vector<1024x128xf32>
    %logistic3A_289 = arith.constant 1.000000e+00 : f32
    %logistic3A_290 = vector.broadcast %logistic3A_289 : f32 to vector<1024x128xf32>
    %logistic3A_291 = arith.addf %logistic3A_290, %logistic3A_288 : vector<1024x128xf32>
    %logistic3A_292 = arith.divf %logistic3A_290, %logistic3A_291 : vector<1024x128xf32>
    %mul3A_293 = arith.mulf %logistic3A_283, %add3A_253 : vector<1024x128xf32>
    %mul3A_294 = arith.mulf %logistic3A_276, %tanh3A_285 : vector<1024x128xf32>
    %add3A_295 = arith.addf %mul3A_293, %mul3A_294 : vector<1024x128xf32>
    %tanh3A_296 = math.tanh %add3A_295 : vector<1024x128xf32>
    %mul3A_297 = arith.mulf %logistic3A_292, %tanh3A_296 : vector<1024x128xf32>
    %eq3A_298 = arith.constant 7 : i32
    %eq3A_299 = vector.broadcast %eq3A_298 : i32 to vector<1024x128xi32>
    %eq3A_300 = arith.cmpi eq, %get3A_6, %eq3A_299 : vector<1024x128xi32>
    %select_n3A_301 = arith.select %eq3A_300, %mul3A_297, %select_n3A_259 : vector<1024x128xi1>, vector<1024x128xf32>
    %get3A_302 = arith.constant 0 : index
    %get3A_303 = arith.constant 896 : index
    %get3A_304 = vector.load %arg1[%get3A_302, %get3A_303] : memref<1024x2560xf32, #tpu.memory_space<vmem>>, vector<1024x128xf32>
    %dot_general3A_305 = arith.constant dense<0.000000e+00> : vector<1024x512xf32>
    %dot_general3A_306 = tpu.matmul %get3A_304, %get3A_9, %dot_general3A_305 {dimension_numbers = #tpu.dot_dimension_numbers<[1], [0], [0], [1], [0, 0, 1, 1], [], []>, transpose_lhs_hint = false} : vector<1024x128xf32>, vector<128x512xf32>, vector<1024x512xf32> -> vector<1024x512xf32>
    %dot_general3A_307 = arith.constant dense<0.000000e+00> : vector<1024x512xf32>
    %dot_general3A_308 = tpu.matmul %mul3A_297, %get3A_12, %dot_general3A_307 {dimension_numbers = #tpu.dot_dimension_numbers<[1], [0], [0], [1], [0, 0, 1, 1], [], []>, transpose_lhs_hint = false} : vector<1024x128xf32>, vector<128x512xf32>, vector<1024x512xf32> -> vector<1024x512xf32>
    %add3A_309 = arith.addf %dot_general3A_306, %dot_general3A_308 : vector<1024x512xf32>
    %add3A_310 = vector.broadcast %get3A_15 : vector<1x512xf32> to vector<1024x512xf32>
    %add3A_311 = arith.addf %add3A_309, %add3A_310 : vector<1024x512xf32>
    %slice3A_312 = vector.extract_strided_slice %add3A_311 {offsets = [0, 0], sizes = [1024, 128], strides = [1, 1]} : vector<1024x512xf32> to vector<1024x128xf32>
    %logistic3A_313 = arith.negf %slice3A_312 : vector<1024x128xf32>
    %logistic3A_314 = math.exp %logistic3A_313 : vector<1024x128xf32>
    %logistic3A_315 = arith.constant 1.000000e+00 : f32
    %logistic3A_316 = vector.broadcast %logistic3A_315 : f32 to vector<1024x128xf32>
    %logistic3A_317 = arith.addf %logistic3A_316, %logistic3A_314 : vector<1024x128xf32>
    %logistic3A_318 = arith.divf %logistic3A_316, %logistic3A_317 : vector<1024x128xf32>
    %slice3A_319 = vector.extract_strided_slice %add3A_311 {offsets = [0, 128], sizes = [1024, 128], strides = [1, 1]} : vector<1024x512xf32> to vector<1024x128xf32>
    %logistic3A_320 = arith.negf %slice3A_319 : vector<1024x128xf32>
    %logistic3A_321 = math.exp %logistic3A_320 : vector<1024x128xf32>
    %logistic3A_322 = arith.constant 1.000000e+00 : f32
    %logistic3A_323 = vector.broadcast %logistic3A_322 : f32 to vector<1024x128xf32>
    %logistic3A_324 = arith.addf %logistic3A_323, %logistic3A_321 : vector<1024x128xf32>
    %logistic3A_325 = arith.divf %logistic3A_323, %logistic3A_324 : vector<1024x128xf32>
    %slice3A_326 = vector.extract_strided_slice %add3A_311 {offsets = [0, 256], sizes = [1024, 128], strides = [1, 1]} : vector<1024x512xf32> to vector<1024x128xf32>
    %tanh3A_327 = math.tanh %slice3A_326 : vector<1024x128xf32>
    %slice3A_328 = vector.extract_strided_slice %add3A_311 {offsets = [0, 384], sizes = [1024, 128], strides = [1, 1]} : vector<1024x512xf32> to vector<1024x128xf32>
    %logistic3A_329 = arith.negf %slice3A_328 : vector<1024x128xf32>
    %logistic3A_330 = math.exp %logistic3A_329 : vector<1024x128xf32>
    %logistic3A_331 = arith.constant 1.000000e+00 : f32
    %logistic3A_332 = vector.broadcast %logistic3A_331 : f32 to vector<1024x128xf32>
    %logistic3A_333 = arith.addf %logistic3A_332, %logistic3A_330 : vector<1024x128xf32>
    %logistic3A_334 = arith.divf %logistic3A_332, %logistic3A_333 : vector<1024x128xf32>
    %mul3A_335 = arith.mulf %logistic3A_325, %add3A_295 : vector<1024x128xf32>
    %mul3A_336 = arith.mulf %logistic3A_318, %tanh3A_327 : vector<1024x128xf32>
    %add3A_337 = arith.addf %mul3A_335, %mul3A_336 : vector<1024x128xf32>
    %tanh3A_338 = math.tanh %add3A_337 : vector<1024x128xf32>
    %mul3A_339 = arith.mulf %logistic3A_334, %tanh3A_338 : vector<1024x128xf32>
    %eq3A_340 = arith.constant 8 : i32
    %eq3A_341 = vector.broadcast %eq3A_340 : i32 to vector<1024x128xi32>
    %eq3A_342 = arith.cmpi eq, %get3A_6, %eq3A_341 : vector<1024x128xi32>
    %select_n3A_343 = arith.select %eq3A_342, %mul3A_339, %select_n3A_301 : vector<1024x128xi1>, vector<1024x128xf32>
    %get3A_344 = arith.constant 0 : index
    %get3A_345 = arith.constant 1024 : index
    %get3A_346 = vector.load %arg1[%get3A_344, %get3A_345] : memref<1024x2560xf32, #tpu.memory_space<vmem>>, vector<1024x128xf32>
    %dot_general3A_347 = arith.constant dense<0.000000e+00> : vector<1024x512xf32>
    %dot_general3A_348 = tpu.matmul %get3A_346, %get3A_9, %dot_general3A_347 {dimension_numbers = #tpu.dot_dimension_numbers<[1], [0], [0], [1], [0, 0, 1, 1], [], []>, transpose_lhs_hint = false} : vector<1024x128xf32>, vector<128x512xf32>, vector<1024x512xf32> -> vector<1024x512xf32>
    %dot_general3A_349 = arith.constant dense<0.000000e+00> : vector<1024x512xf32>
    %dot_general3A_350 = tpu.matmul %mul3A_339, %get3A_12, %dot_general3A_349 {dimension_numbers = #tpu.dot_dimension_numbers<[1], [0], [0], [1], [0, 0, 1, 1], [], []>, transpose_lhs_hint = false} : vector<1024x128xf32>, vector<128x512xf32>, vector<1024x512xf32> -> vector<1024x512xf32>
    %add3A_351 = arith.addf %dot_general3A_348, %dot_general3A_350 : vector<1024x512xf32>
    %add3A_352 = vector.broadcast %get3A_15 : vector<1x512xf32> to vector<1024x512xf32>
    %add3A_353 = arith.addf %add3A_351, %add3A_352 : vector<1024x512xf32>
    %slice3A_354 = vector.extract_strided_slice %add3A_353 {offsets = [0, 0], sizes = [1024, 128], strides = [1, 1]} : vector<1024x512xf32> to vector<1024x128xf32>
    %logistic3A_355 = arith.negf %slice3A_354 : vector<1024x128xf32>
    %logistic3A_356 = math.exp %logistic3A_355 : vector<1024x128xf32>
    %logistic3A_357 = arith.constant 1.000000e+00 : f32
    %logistic3A_358 = vector.broadcast %logistic3A_357 : f32 to vector<1024x128xf32>
    %logistic3A_359 = arith.addf %logistic3A_358, %logistic3A_356 : vector<1024x128xf32>
    %logistic3A_360 = arith.divf %logistic3A_358, %logistic3A_359 : vector<1024x128xf32>
    %slice3A_361 = vector.extract_strided_slice %add3A_353 {offsets = [0, 128], sizes = [1024, 128], strides = [1, 1]} : vector<1024x512xf32> to vector<1024x128xf32>
    %logistic3A_362 = arith.negf %slice3A_361 : vector<1024x128xf32>
    %logistic3A_363 = math.exp %logistic3A_362 : vector<1024x128xf32>
    %logistic3A_364 = arith.constant 1.000000e+00 : f32
    %logistic3A_365 = vector.broadcast %logistic3A_364 : f32 to vector<1024x128xf32>
    %logistic3A_366 = arith.addf %logistic3A_365, %logistic3A_363 : vector<1024x128xf32>
    %logistic3A_367 = arith.divf %logistic3A_365, %logistic3A_366 : vector<1024x128xf32>
    %slice3A_368 = vector.extract_strided_slice %add3A_353 {offsets = [0, 256], sizes = [1024, 128], strides = [1, 1]} : vector<1024x512xf32> to vector<1024x128xf32>
    %tanh3A_369 = math.tanh %slice3A_368 : vector<1024x128xf32>
    %slice3A_370 = vector.extract_strided_slice %add3A_353 {offsets = [0, 384], sizes = [1024, 128], strides = [1, 1]} : vector<1024x512xf32> to vector<1024x128xf32>
    %logistic3A_371 = arith.negf %slice3A_370 : vector<1024x128xf32>
    %logistic3A_372 = math.exp %logistic3A_371 : vector<1024x128xf32>
    %logistic3A_373 = arith.constant 1.000000e+00 : f32
    %logistic3A_374 = vector.broadcast %logistic3A_373 : f32 to vector<1024x128xf32>
    %logistic3A_375 = arith.addf %logistic3A_374, %logistic3A_372 : vector<1024x128xf32>
    %logistic3A_376 = arith.divf %logistic3A_374, %logistic3A_375 : vector<1024x128xf32>
    %mul3A_377 = arith.mulf %logistic3A_367, %add3A_337 : vector<1024x128xf32>
    %mul3A_378 = arith.mulf %logistic3A_360, %tanh3A_369 : vector<1024x128xf32>
    %add3A_379 = arith.addf %mul3A_377, %mul3A_378 : vector<1024x128xf32>
    %tanh3A_380 = math.tanh %add3A_379 : vector<1024x128xf32>
    %mul3A_381 = arith.mulf %logistic3A_376, %tanh3A_380 : vector<1024x128xf32>
    %eq3A_382 = arith.constant 9 : i32
    %eq3A_383 = vector.broadcast %eq3A_382 : i32 to vector<1024x128xi32>
    %eq3A_384 = arith.cmpi eq, %get3A_6, %eq3A_383 : vector<1024x128xi32>
    %select_n3A_385 = arith.select %eq3A_384, %mul3A_381, %select_n3A_343 : vector<1024x128xi1>, vector<1024x128xf32>
    %get3A_386 = arith.constant 0 : index
    %get3A_387 = arith.constant 1152 : index
    %get3A_388 = vector.load %arg1[%get3A_386, %get3A_387] : memref<1024x2560xf32, #tpu.memory_space<vmem>>, vector<1024x128xf32>
    %dot_general3A_389 = arith.constant dense<0.000000e+00> : vector<1024x512xf32>
    %dot_general3A_390 = tpu.matmul %get3A_388, %get3A_9, %dot_general3A_389 {dimension_numbers = #tpu.dot_dimension_numbers<[1], [0], [0], [1], [0, 0, 1, 1], [], []>, transpose_lhs_hint = false} : vector<1024x128xf32>, vector<128x512xf32>, vector<1024x512xf32> -> vector<1024x512xf32>
    %dot_general3A_391 = arith.constant dense<0.000000e+00> : vector<1024x512xf32>
    %dot_general3A_392 = tpu.matmul %mul3A_381, %get3A_12, %dot_general3A_391 {dimension_numbers = #tpu.dot_dimension_numbers<[1], [0], [0], [1], [0, 0, 1, 1], [], []>, transpose_lhs_hint = false} : vector<1024x128xf32>, vector<128x512xf32>, vector<1024x512xf32> -> vector<1024x512xf32>
    %add3A_393 = arith.addf %dot_general3A_390, %dot_general3A_392 : vector<1024x512xf32>
    %add3A_394 = vector.broadcast %get3A_15 : vector<1x512xf32> to vector<1024x512xf32>
    %add3A_395 = arith.addf %add3A_393, %add3A_394 : vector<1024x512xf32>
    %slice3A_396 = vector.extract_strided_slice %add3A_395 {offsets = [0, 0], sizes = [1024, 128], strides = [1, 1]} : vector<1024x512xf32> to vector<1024x128xf32>
    %logistic3A_397 = arith.negf %slice3A_396 : vector<1024x128xf32>
    %logistic3A_398 = math.exp %logistic3A_397 : vector<1024x128xf32>
    %logistic3A_399 = arith.constant 1.000000e+00 : f32
    %logistic3A_400 = vector.broadcast %logistic3A_399 : f32 to vector<1024x128xf32>
    %logistic3A_401 = arith.addf %logistic3A_400, %logistic3A_398 : vector<1024x128xf32>
    %logistic3A_402 = arith.divf %logistic3A_400, %logistic3A_401 : vector<1024x128xf32>
    %slice3A_403 = vector.extract_strided_slice %add3A_395 {offsets = [0, 128], sizes = [1024, 128], strides = [1, 1]} : vector<1024x512xf32> to vector<1024x128xf32>
    %logistic3A_404 = arith.negf %slice3A_403 : vector<1024x128xf32>
    %logistic3A_405 = math.exp %logistic3A_404 : vector<1024x128xf32>
    %logistic3A_406 = arith.constant 1.000000e+00 : f32
    %logistic3A_407 = vector.broadcast %logistic3A_406 : f32 to vector<1024x128xf32>
    %logistic3A_408 = arith.addf %logistic3A_407, %logistic3A_405 : vector<1024x128xf32>
    %logistic3A_409 = arith.divf %logistic3A_407, %logistic3A_408 : vector<1024x128xf32>
    %slice3A_410 = vector.extract_strided_slice %add3A_395 {offsets = [0, 256], sizes = [1024, 128], strides = [1, 1]} : vector<1024x512xf32> to vector<1024x128xf32>
    %tanh3A_411 = math.tanh %slice3A_410 : vector<1024x128xf32>
    %slice3A_412 = vector.extract_strided_slice %add3A_395 {offsets = [0, 384], sizes = [1024, 128], strides = [1, 1]} : vector<1024x512xf32> to vector<1024x128xf32>
    %logistic3A_413 = arith.negf %slice3A_412 : vector<1024x128xf32>
    %logistic3A_414 = math.exp %logistic3A_413 : vector<1024x128xf32>
    %logistic3A_415 = arith.constant 1.000000e+00 : f32
    %logistic3A_416 = vector.broadcast %logistic3A_415 : f32 to vector<1024x128xf32>
    %logistic3A_417 = arith.addf %logistic3A_416, %logistic3A_414 : vector<1024x128xf32>
    %logistic3A_418 = arith.divf %logistic3A_416, %logistic3A_417 : vector<1024x128xf32>
    %mul3A_419 = arith.mulf %logistic3A_409, %add3A_379 : vector<1024x128xf32>
    %mul3A_420 = arith.mulf %logistic3A_402, %tanh3A_411 : vector<1024x128xf32>
    %add3A_421 = arith.addf %mul3A_419, %mul3A_420 : vector<1024x128xf32>
    %tanh3A_422 = math.tanh %add3A_421 : vector<1024x128xf32>
    %mul3A_423 = arith.mulf %logistic3A_418, %tanh3A_422 : vector<1024x128xf32>
    %eq3A_424 = arith.constant 10 : i32
    %eq3A_425 = vector.broadcast %eq3A_424 : i32 to vector<1024x128xi32>
    %eq3A_426 = arith.cmpi eq, %get3A_6, %eq3A_425 : vector<1024x128xi32>
    %select_n3A_427 = arith.select %eq3A_426, %mul3A_423, %select_n3A_385 : vector<1024x128xi1>, vector<1024x128xf32>
    %get3A_428 = arith.constant 0 : index
    %get3A_429 = arith.constant 1280 : index
    %get3A_430 = vector.load %arg1[%get3A_428, %get3A_429] : memref<1024x2560xf32, #tpu.memory_space<vmem>>, vector<1024x128xf32>
    %dot_general3A_431 = arith.constant dense<0.000000e+00> : vector<1024x512xf32>
    %dot_general3A_432 = tpu.matmul %get3A_430, %get3A_9, %dot_general3A_431 {dimension_numbers = #tpu.dot_dimension_numbers<[1], [0], [0], [1], [0, 0, 1, 1], [], []>, transpose_lhs_hint = false} : vector<1024x128xf32>, vector<128x512xf32>, vector<1024x512xf32> -> vector<1024x512xf32>
    %dot_general3A_433 = arith.constant dense<0.000000e+00> : vector<1024x512xf32>
    %dot_general3A_434 = tpu.matmul %mul3A_423, %get3A_12, %dot_general3A_433 {dimension_numbers = #tpu.dot_dimension_numbers<[1], [0], [0], [1], [0, 0, 1, 1], [], []>, transpose_lhs_hint = false} : vector<1024x128xf32>, vector<128x512xf32>, vector<1024x512xf32> -> vector<1024x512xf32>
    %add3A_435 = arith.addf %dot_general3A_432, %dot_general3A_434 : vector<1024x512xf32>
    %add3A_436 = vector.broadcast %get3A_15 : vector<1x512xf32> to vector<1024x512xf32>
    %add3A_437 = arith.addf %add3A_435, %add3A_436 : vector<1024x512xf32>
    %slice3A_438 = vector.extract_strided_slice %add3A_437 {offsets = [0, 0], sizes = [1024, 128], strides = [1, 1]} : vector<1024x512xf32> to vector<1024x128xf32>
    %logistic3A_439 = arith.negf %slice3A_438 : vector<1024x128xf32>
    %logistic3A_440 = math.exp %logistic3A_439 : vector<1024x128xf32>
    %logistic3A_441 = arith.constant 1.000000e+00 : f32
    %logistic3A_442 = vector.broadcast %logistic3A_441 : f32 to vector<1024x128xf32>
    %logistic3A_443 = arith.addf %logistic3A_442, %logistic3A_440 : vector<1024x128xf32>
    %logistic3A_444 = arith.divf %logistic3A_442, %logistic3A_443 : vector<1024x128xf32>
    %slice3A_445 = vector.extract_strided_slice %add3A_437 {offsets = [0, 128], sizes = [1024, 128], strides = [1, 1]} : vector<1024x512xf32> to vector<1024x128xf32>
    %logistic3A_446 = arith.negf %slice3A_445 : vector<1024x128xf32>
    %logistic3A_447 = math.exp %logistic3A_446 : vector<1024x128xf32>
    %logistic3A_448 = arith.constant 1.000000e+00 : f32
    %logistic3A_449 = vector.broadcast %logistic3A_448 : f32 to vector<1024x128xf32>
    %logistic3A_450 = arith.addf %logistic3A_449, %logistic3A_447 : vector<1024x128xf32>
    %logistic3A_451 = arith.divf %logistic3A_449, %logistic3A_450 : vector<1024x128xf32>
    %slice3A_452 = vector.extract_strided_slice %add3A_437 {offsets = [0, 256], sizes = [1024, 128], strides = [1, 1]} : vector<1024x512xf32> to vector<1024x128xf32>
    %tanh3A_453 = math.tanh %slice3A_452 : vector<1024x128xf32>
    %slice3A_454 = vector.extract_strided_slice %add3A_437 {offsets = [0, 384], sizes = [1024, 128], strides = [1, 1]} : vector<1024x512xf32> to vector<1024x128xf32>
    %logistic3A_455 = arith.negf %slice3A_454 : vector<1024x128xf32>
    %logistic3A_456 = math.exp %logistic3A_455 : vector<1024x128xf32>
    %logistic3A_457 = arith.constant 1.000000e+00 : f32
    %logistic3A_458 = vector.broadcast %logistic3A_457 : f32 to vector<1024x128xf32>
    %logistic3A_459 = arith.addf %logistic3A_458, %logistic3A_456 : vector<1024x128xf32>
    %logistic3A_460 = arith.divf %logistic3A_458, %logistic3A_459 : vector<1024x128xf32>
    %mul3A_461 = arith.mulf %logistic3A_451, %add3A_421 : vector<1024x128xf32>
    %mul3A_462 = arith.mulf %logistic3A_444, %tanh3A_453 : vector<1024x128xf32>
    %add3A_463 = arith.addf %mul3A_461, %mul3A_462 : vector<1024x128xf32>
    %tanh3A_464 = math.tanh %add3A_463 : vector<1024x128xf32>
    %mul3A_465 = arith.mulf %logistic3A_460, %tanh3A_464 : vector<1024x128xf32>
    %eq3A_466 = arith.constant 11 : i32
    %eq3A_467 = vector.broadcast %eq3A_466 : i32 to vector<1024x128xi32>
    %eq3A_468 = arith.cmpi eq, %get3A_6, %eq3A_467 : vector<1024x128xi32>
    %select_n3A_469 = arith.select %eq3A_468, %mul3A_465, %select_n3A_427 : vector<1024x128xi1>, vector<1024x128xf32>
    %get3A_470 = arith.constant 0 : index
    %get3A_471 = arith.constant 1408 : index
    %get3A_472 = vector.load %arg1[%get3A_470, %get3A_471] : memref<1024x2560xf32, #tpu.memory_space<vmem>>, vector<1024x128xf32>
    %dot_general3A_473 = arith.constant dense<0.000000e+00> : vector<1024x512xf32>
    %dot_general3A_474 = tpu.matmul %get3A_472, %get3A_9, %dot_general3A_473 {dimension_numbers = #tpu.dot_dimension_numbers<[1], [0], [0], [1], [0, 0, 1, 1], [], []>, transpose_lhs_hint = false} : vector<1024x128xf32>, vector<128x512xf32>, vector<1024x512xf32> -> vector<1024x512xf32>
    %dot_general3A_475 = arith.constant dense<0.000000e+00> : vector<1024x512xf32>
    %dot_general3A_476 = tpu.matmul %mul3A_465, %get3A_12, %dot_general3A_475 {dimension_numbers = #tpu.dot_dimension_numbers<[1], [0], [0], [1], [0, 0, 1, 1], [], []>, transpose_lhs_hint = false} : vector<1024x128xf32>, vector<128x512xf32>, vector<1024x512xf32> -> vector<1024x512xf32>
    %add3A_477 = arith.addf %dot_general3A_474, %dot_general3A_476 : vector<1024x512xf32>
    %add3A_478 = vector.broadcast %get3A_15 : vector<1x512xf32> to vector<1024x512xf32>
    %add3A_479 = arith.addf %add3A_477, %add3A_478 : vector<1024x512xf32>
    %slice3A_480 = vector.extract_strided_slice %add3A_479 {offsets = [0, 0], sizes = [1024, 128], strides = [1, 1]} : vector<1024x512xf32> to vector<1024x128xf32>
    %logistic3A_481 = arith.negf %slice3A_480 : vector<1024x128xf32>
    %logistic3A_482 = math.exp %logistic3A_481 : vector<1024x128xf32>
    %logistic3A_483 = arith.constant 1.000000e+00 : f32
    %logistic3A_484 = vector.broadcast %logistic3A_483 : f32 to vector<1024x128xf32>
    %logistic3A_485 = arith.addf %logistic3A_484, %logistic3A_482 : vector<1024x128xf32>
    %logistic3A_486 = arith.divf %logistic3A_484, %logistic3A_485 : vector<1024x128xf32>
    %slice3A_487 = vector.extract_strided_slice %add3A_479 {offsets = [0, 128], sizes = [1024, 128], strides = [1, 1]} : vector<1024x512xf32> to vector<1024x128xf32>
    %logistic3A_488 = arith.negf %slice3A_487 : vector<1024x128xf32>
    %logistic3A_489 = math.exp %logistic3A_488 : vector<1024x128xf32>
    %logistic3A_490 = arith.constant 1.000000e+00 : f32
    %logistic3A_491 = vector.broadcast %logistic3A_490 : f32 to vector<1024x128xf32>
    %logistic3A_492 = arith.addf %logistic3A_491, %logistic3A_489 : vector<1024x128xf32>
    %logistic3A_493 = arith.divf %logistic3A_491, %logistic3A_492 : vector<1024x128xf32>
    %slice3A_494 = vector.extract_strided_slice %add3A_479 {offsets = [0, 256], sizes = [1024, 128], strides = [1, 1]} : vector<1024x512xf32> to vector<1024x128xf32>
    %tanh3A_495 = math.tanh %slice3A_494 : vector<1024x128xf32>
    %slice3A_496 = vector.extract_strided_slice %add3A_479 {offsets = [0, 384], sizes = [1024, 128], strides = [1, 1]} : vector<1024x512xf32> to vector<1024x128xf32>
    %logistic3A_497 = arith.negf %slice3A_496 : vector<1024x128xf32>
    %logistic3A_498 = math.exp %logistic3A_497 : vector<1024x128xf32>
    %logistic3A_499 = arith.constant 1.000000e+00 : f32
    %logistic3A_500 = vector.broadcast %logistic3A_499 : f32 to vector<1024x128xf32>
    %logistic3A_501 = arith.addf %logistic3A_500, %logistic3A_498 : vector<1024x128xf32>
    %logistic3A_502 = arith.divf %logistic3A_500, %logistic3A_501 : vector<1024x128xf32>
    %mul3A_503 = arith.mulf %logistic3A_493, %add3A_463 : vector<1024x128xf32>
    %mul3A_504 = arith.mulf %logistic3A_486, %tanh3A_495 : vector<1024x128xf32>
    %add3A_505 = arith.addf %mul3A_503, %mul3A_504 : vector<1024x128xf32>
    %tanh3A_506 = math.tanh %add3A_505 : vector<1024x128xf32>
    %mul3A_507 = arith.mulf %logistic3A_502, %tanh3A_506 : vector<1024x128xf32>
    %eq3A_508 = arith.constant 12 : i32
    %eq3A_509 = vector.broadcast %eq3A_508 : i32 to vector<1024x128xi32>
    %eq3A_510 = arith.cmpi eq, %get3A_6, %eq3A_509 : vector<1024x128xi32>
    %select_n3A_511 = arith.select %eq3A_510, %mul3A_507, %select_n3A_469 : vector<1024x128xi1>, vector<1024x128xf32>
    %get3A_512 = arith.constant 0 : index
    %get3A_513 = arith.constant 1536 : index
    %get3A_514 = vector.load %arg1[%get3A_512, %get3A_513] : memref<1024x2560xf32, #tpu.memory_space<vmem>>, vector<1024x128xf32>
    %dot_general3A_515 = arith.constant dense<0.000000e+00> : vector<1024x512xf32>
    %dot_general3A_516 = tpu.matmul %get3A_514, %get3A_9, %dot_general3A_515 {dimension_numbers = #tpu.dot_dimension_numbers<[1], [0], [0], [1], [0, 0, 1, 1], [], []>, transpose_lhs_hint = false} : vector<1024x128xf32>, vector<128x512xf32>, vector<1024x512xf32> -> vector<1024x512xf32>
    %dot_general3A_517 = arith.constant dense<0.000000e+00> : vector<1024x512xf32>
    %dot_general3A_518 = tpu.matmul %mul3A_507, %get3A_12, %dot_general3A_517 {dimension_numbers = #tpu.dot_dimension_numbers<[1], [0], [0], [1], [0, 0, 1, 1], [], []>, transpose_lhs_hint = false} : vector<1024x128xf32>, vector<128x512xf32>, vector<1024x512xf32> -> vector<1024x512xf32>
    %add3A_519 = arith.addf %dot_general3A_516, %dot_general3A_518 : vector<1024x512xf32>
    %add3A_520 = vector.broadcast %get3A_15 : vector<1x512xf32> to vector<1024x512xf32>
    %add3A_521 = arith.addf %add3A_519, %add3A_520 : vector<1024x512xf32>
    %slice3A_522 = vector.extract_strided_slice %add3A_521 {offsets = [0, 0], sizes = [1024, 128], strides = [1, 1]} : vector<1024x512xf32> to vector<1024x128xf32>
    %logistic3A_523 = arith.negf %slice3A_522 : vector<1024x128xf32>
    %logistic3A_524 = math.exp %logistic3A_523 : vector<1024x128xf32>
    %logistic3A_525 = arith.constant 1.000000e+00 : f32
    %logistic3A_526 = vector.broadcast %logistic3A_525 : f32 to vector<1024x128xf32>
    %logistic3A_527 = arith.addf %logistic3A_526, %logistic3A_524 : vector<1024x128xf32>
    %logistic3A_528 = arith.divf %logistic3A_526, %logistic3A_527 : vector<1024x128xf32>
    %slice3A_529 = vector.extract_strided_slice %add3A_521 {offsets = [0, 128], sizes = [1024, 128], strides = [1, 1]} : vector<1024x512xf32> to vector<1024x128xf32>
    %logistic3A_530 = arith.negf %slice3A_529 : vector<1024x128xf32>
    %logistic3A_531 = math.exp %logistic3A_530 : vector<1024x128xf32>
    %logistic3A_532 = arith.constant 1.000000e+00 : f32
    %logistic3A_533 = vector.broadcast %logistic3A_532 : f32 to vector<1024x128xf32>
    %logistic3A_534 = arith.addf %logistic3A_533, %logistic3A_531 : vector<1024x128xf32>
    %logistic3A_535 = arith.divf %logistic3A_533, %logistic3A_534 : vector<1024x128xf32>
    %slice3A_536 = vector.extract_strided_slice %add3A_521 {offsets = [0, 256], sizes = [1024, 128], strides = [1, 1]} : vector<1024x512xf32> to vector<1024x128xf32>
    %tanh3A_537 = math.tanh %slice3A_536 : vector<1024x128xf32>
    %slice3A_538 = vector.extract_strided_slice %add3A_521 {offsets = [0, 384], sizes = [1024, 128], strides = [1, 1]} : vector<1024x512xf32> to vector<1024x128xf32>
    %logistic3A_539 = arith.negf %slice3A_538 : vector<1024x128xf32>
    %logistic3A_540 = math.exp %logistic3A_539 : vector<1024x128xf32>
    %logistic3A_541 = arith.constant 1.000000e+00 : f32
    %logistic3A_542 = vector.broadcast %logistic3A_541 : f32 to vector<1024x128xf32>
    %logistic3A_543 = arith.addf %logistic3A_542, %logistic3A_540 : vector<1024x128xf32>
    %logistic3A_544 = arith.divf %logistic3A_542, %logistic3A_543 : vector<1024x128xf32>
    %mul3A_545 = arith.mulf %logistic3A_535, %add3A_505 : vector<1024x128xf32>
    %mul3A_546 = arith.mulf %logistic3A_528, %tanh3A_537 : vector<1024x128xf32>
    %add3A_547 = arith.addf %mul3A_545, %mul3A_546 : vector<1024x128xf32>
    %tanh3A_548 = math.tanh %add3A_547 : vector<1024x128xf32>
    %mul3A_549 = arith.mulf %logistic3A_544, %tanh3A_548 : vector<1024x128xf32>
    %eq3A_550 = arith.constant 13 : i32
    %eq3A_551 = vector.broadcast %eq3A_550 : i32 to vector<1024x128xi32>
    %eq3A_552 = arith.cmpi eq, %get3A_6, %eq3A_551 : vector<1024x128xi32>
    %select_n3A_553 = arith.select %eq3A_552, %mul3A_549, %select_n3A_511 : vector<1024x128xi1>, vector<1024x128xf32>
    %get3A_554 = arith.constant 0 : index
    %get3A_555 = arith.constant 1664 : index
    %get3A_556 = vector.load %arg1[%get3A_554, %get3A_555] : memref<1024x2560xf32, #tpu.memory_space<vmem>>, vector<1024x128xf32>
    %dot_general3A_557 = arith.constant dense<0.000000e+00> : vector<1024x512xf32>
    %dot_general3A_558 = tpu.matmul %get3A_556, %get3A_9, %dot_general3A_557 {dimension_numbers = #tpu.dot_dimension_numbers<[1], [0], [0], [1], [0, 0, 1, 1], [], []>, transpose_lhs_hint = false} : vector<1024x128xf32>, vector<128x512xf32>, vector<1024x512xf32> -> vector<1024x512xf32>
    %dot_general3A_559 = arith.constant dense<0.000000e+00> : vector<1024x512xf32>
    %dot_general3A_560 = tpu.matmul %mul3A_549, %get3A_12, %dot_general3A_559 {dimension_numbers = #tpu.dot_dimension_numbers<[1], [0], [0], [1], [0, 0, 1, 1], [], []>, transpose_lhs_hint = false} : vector<1024x128xf32>, vector<128x512xf32>, vector<1024x512xf32> -> vector<1024x512xf32>
    %add3A_561 = arith.addf %dot_general3A_558, %dot_general3A_560 : vector<1024x512xf32>
    %add3A_562 = vector.broadcast %get3A_15 : vector<1x512xf32> to vector<1024x512xf32>
    %add3A_563 = arith.addf %add3A_561, %add3A_562 : vector<1024x512xf32>
    %slice3A_564 = vector.extract_strided_slice %add3A_563 {offsets = [0, 0], sizes = [1024, 128], strides = [1, 1]} : vector<1024x512xf32> to vector<1024x128xf32>
    %logistic3A_565 = arith.negf %slice3A_564 : vector<1024x128xf32>
    %logistic3A_566 = math.exp %logistic3A_565 : vector<1024x128xf32>
    %logistic3A_567 = arith.constant 1.000000e+00 : f32
    %logistic3A_568 = vector.broadcast %logistic3A_567 : f32 to vector<1024x128xf32>
    %logistic3A_569 = arith.addf %logistic3A_568, %logistic3A_566 : vector<1024x128xf32>
    %logistic3A_570 = arith.divf %logistic3A_568, %logistic3A_569 : vector<1024x128xf32>
    %slice3A_571 = vector.extract_strided_slice %add3A_563 {offsets = [0, 128], sizes = [1024, 128], strides = [1, 1]} : vector<1024x512xf32> to vector<1024x128xf32>
    %logistic3A_572 = arith.negf %slice3A_571 : vector<1024x128xf32>
    %logistic3A_573 = math.exp %logistic3A_572 : vector<1024x128xf32>
    %logistic3A_574 = arith.constant 1.000000e+00 : f32
    %logistic3A_575 = vector.broadcast %logistic3A_574 : f32 to vector<1024x128xf32>
    %logistic3A_576 = arith.addf %logistic3A_575, %logistic3A_573 : vector<1024x128xf32>
    %logistic3A_577 = arith.divf %logistic3A_575, %logistic3A_576 : vector<1024x128xf32>
    %slice3A_578 = vector.extract_strided_slice %add3A_563 {offsets = [0, 256], sizes = [1024, 128], strides = [1, 1]} : vector<1024x512xf32> to vector<1024x128xf32>
    %tanh3A_579 = math.tanh %slice3A_578 : vector<1024x128xf32>
    %slice3A_580 = vector.extract_strided_slice %add3A_563 {offsets = [0, 384], sizes = [1024, 128], strides = [1, 1]} : vector<1024x512xf32> to vector<1024x128xf32>
    %logistic3A_581 = arith.negf %slice3A_580 : vector<1024x128xf32>
    %logistic3A_582 = math.exp %logistic3A_581 : vector<1024x128xf32>
    %logistic3A_583 = arith.constant 1.000000e+00 : f32
    %logistic3A_584 = vector.broadcast %logistic3A_583 : f32 to vector<1024x128xf32>
    %logistic3A_585 = arith.addf %logistic3A_584, %logistic3A_582 : vector<1024x128xf32>
    %logistic3A_586 = arith.divf %logistic3A_584, %logistic3A_585 : vector<1024x128xf32>
    %mul3A_587 = arith.mulf %logistic3A_577, %add3A_547 : vector<1024x128xf32>
    %mul3A_588 = arith.mulf %logistic3A_570, %tanh3A_579 : vector<1024x128xf32>
    %add3A_589 = arith.addf %mul3A_587, %mul3A_588 : vector<1024x128xf32>
    %tanh3A_590 = math.tanh %add3A_589 : vector<1024x128xf32>
    %mul3A_591 = arith.mulf %logistic3A_586, %tanh3A_590 : vector<1024x128xf32>
    %eq3A_592 = arith.constant 14 : i32
    %eq3A_593 = vector.broadcast %eq3A_592 : i32 to vector<1024x128xi32>
    %eq3A_594 = arith.cmpi eq, %get3A_6, %eq3A_593 : vector<1024x128xi32>
    %select_n3A_595 = arith.select %eq3A_594, %mul3A_591, %select_n3A_553 : vector<1024x128xi1>, vector<1024x128xf32>
    %get3A_596 = arith.constant 0 : index
    %get3A_597 = arith.constant 1792 : index
    %get3A_598 = vector.load %arg1[%get3A_596, %get3A_597] : memref<1024x2560xf32, #tpu.memory_space<vmem>>, vector<1024x128xf32>
    %dot_general3A_599 = arith.constant dense<0.000000e+00> : vector<1024x512xf32>
    %dot_general3A_600 = tpu.matmul %get3A_598, %get3A_9, %dot_general3A_599 {dimension_numbers = #tpu.dot_dimension_numbers<[1], [0], [0], [1], [0, 0, 1, 1], [], []>, transpose_lhs_hint = false} : vector<1024x128xf32>, vector<128x512xf32>, vector<1024x512xf32> -> vector<1024x512xf32>
    %dot_general3A_601 = arith.constant dense<0.000000e+00> : vector<1024x512xf32>
    %dot_general3A_602 = tpu.matmul %mul3A_591, %get3A_12, %dot_general3A_601 {dimension_numbers = #tpu.dot_dimension_numbers<[1], [0], [0], [1], [0, 0, 1, 1], [], []>, transpose_lhs_hint = false} : vector<1024x128xf32>, vector<128x512xf32>, vector<1024x512xf32> -> vector<1024x512xf32>
    %add3A_603 = arith.addf %dot_general3A_600, %dot_general3A_602 : vector<1024x512xf32>
    %add3A_604 = vector.broadcast %get3A_15 : vector<1x512xf32> to vector<1024x512xf32>
    %add3A_605 = arith.addf %add3A_603, %add3A_604 : vector<1024x512xf32>
    %slice3A_606 = vector.extract_strided_slice %add3A_605 {offsets = [0, 0], sizes = [1024, 128], strides = [1, 1]} : vector<1024x512xf32> to vector<1024x128xf32>
    %logistic3A_607 = arith.negf %slice3A_606 : vector<1024x128xf32>
    %logistic3A_608 = math.exp %logistic3A_607 : vector<1024x128xf32>
    %logistic3A_609 = arith.constant 1.000000e+00 : f32
    %logistic3A_610 = vector.broadcast %logistic3A_609 : f32 to vector<1024x128xf32>
    %logistic3A_611 = arith.addf %logistic3A_610, %logistic3A_608 : vector<1024x128xf32>
    %logistic3A_612 = arith.divf %logistic3A_610, %logistic3A_611 : vector<1024x128xf32>
    %slice3A_613 = vector.extract_strided_slice %add3A_605 {offsets = [0, 128], sizes = [1024, 128], strides = [1, 1]} : vector<1024x512xf32> to vector<1024x128xf32>
    %logistic3A_614 = arith.negf %slice3A_613 : vector<1024x128xf32>
    %logistic3A_615 = math.exp %logistic3A_614 : vector<1024x128xf32>
    %logistic3A_616 = arith.constant 1.000000e+00 : f32
    %logistic3A_617 = vector.broadcast %logistic3A_616 : f32 to vector<1024x128xf32>
    %logistic3A_618 = arith.addf %logistic3A_617, %logistic3A_615 : vector<1024x128xf32>
    %logistic3A_619 = arith.divf %logistic3A_617, %logistic3A_618 : vector<1024x128xf32>
    %slice3A_620 = vector.extract_strided_slice %add3A_605 {offsets = [0, 256], sizes = [1024, 128], strides = [1, 1]} : vector<1024x512xf32> to vector<1024x128xf32>
    %tanh3A_621 = math.tanh %slice3A_620 : vector<1024x128xf32>
    %slice3A_622 = vector.extract_strided_slice %add3A_605 {offsets = [0, 384], sizes = [1024, 128], strides = [1, 1]} : vector<1024x512xf32> to vector<1024x128xf32>
    %logistic3A_623 = arith.negf %slice3A_622 : vector<1024x128xf32>
    %logistic3A_624 = math.exp %logistic3A_623 : vector<1024x128xf32>
    %logistic3A_625 = arith.constant 1.000000e+00 : f32
    %logistic3A_626 = vector.broadcast %logistic3A_625 : f32 to vector<1024x128xf32>
    %logistic3A_627 = arith.addf %logistic3A_626, %logistic3A_624 : vector<1024x128xf32>
    %logistic3A_628 = arith.divf %logistic3A_626, %logistic3A_627 : vector<1024x128xf32>
    %mul3A_629 = arith.mulf %logistic3A_619, %add3A_589 : vector<1024x128xf32>
    %mul3A_630 = arith.mulf %logistic3A_612, %tanh3A_621 : vector<1024x128xf32>
    %add3A_631 = arith.addf %mul3A_629, %mul3A_630 : vector<1024x128xf32>
    %tanh3A_632 = math.tanh %add3A_631 : vector<1024x128xf32>
    %mul3A_633 = arith.mulf %logistic3A_628, %tanh3A_632 : vector<1024x128xf32>
    %eq3A_634 = arith.constant 15 : i32
    %eq3A_635 = vector.broadcast %eq3A_634 : i32 to vector<1024x128xi32>
    %eq3A_636 = arith.cmpi eq, %get3A_6, %eq3A_635 : vector<1024x128xi32>
    %select_n3A_637 = arith.select %eq3A_636, %mul3A_633, %select_n3A_595 : vector<1024x128xi1>, vector<1024x128xf32>
    %get3A_638 = arith.constant 0 : index
    %get3A_639 = arith.constant 1920 : index
    %get3A_640 = vector.load %arg1[%get3A_638, %get3A_639] : memref<1024x2560xf32, #tpu.memory_space<vmem>>, vector<1024x128xf32>
    %dot_general3A_641 = arith.constant dense<0.000000e+00> : vector<1024x512xf32>
    %dot_general3A_642 = tpu.matmul %get3A_640, %get3A_9, %dot_general3A_641 {dimension_numbers = #tpu.dot_dimension_numbers<[1], [0], [0], [1], [0, 0, 1, 1], [], []>, transpose_lhs_hint = false} : vector<1024x128xf32>, vector<128x512xf32>, vector<1024x512xf32> -> vector<1024x512xf32>
    %dot_general3A_643 = arith.constant dense<0.000000e+00> : vector<1024x512xf32>
    %dot_general3A_644 = tpu.matmul %mul3A_633, %get3A_12, %dot_general3A_643 {dimension_numbers = #tpu.dot_dimension_numbers<[1], [0], [0], [1], [0, 0, 1, 1], [], []>, transpose_lhs_hint = false} : vector<1024x128xf32>, vector<128x512xf32>, vector<1024x512xf32> -> vector<1024x512xf32>
    %add3A_645 = arith.addf %dot_general3A_642, %dot_general3A_644 : vector<1024x512xf32>
    %add3A_646 = vector.broadcast %get3A_15 : vector<1x512xf32> to vector<1024x512xf32>
    %add3A_647 = arith.addf %add3A_645, %add3A_646 : vector<1024x512xf32>
    %slice3A_648 = vector.extract_strided_slice %add3A_647 {offsets = [0, 0], sizes = [1024, 128], strides = [1, 1]} : vector<1024x512xf32> to vector<1024x128xf32>
    %logistic3A_649 = arith.negf %slice3A_648 : vector<1024x128xf32>
    %logistic3A_650 = math.exp %logistic3A_649 : vector<1024x128xf32>
    %logistic3A_651 = arith.constant 1.000000e+00 : f32
    %logistic3A_652 = vector.broadcast %logistic3A_651 : f32 to vector<1024x128xf32>
    %logistic3A_653 = arith.addf %logistic3A_652, %logistic3A_650 : vector<1024x128xf32>
    %logistic3A_654 = arith.divf %logistic3A_652, %logistic3A_653 : vector<1024x128xf32>
    %slice3A_655 = vector.extract_strided_slice %add3A_647 {offsets = [0, 128], sizes = [1024, 128], strides = [1, 1]} : vector<1024x512xf32> to vector<1024x128xf32>
    %logistic3A_656 = arith.negf %slice3A_655 : vector<1024x128xf32>
    %logistic3A_657 = math.exp %logistic3A_656 : vector<1024x128xf32>
    %logistic3A_658 = arith.constant 1.000000e+00 : f32
    %logistic3A_659 = vector.broadcast %logistic3A_658 : f32 to vector<1024x128xf32>
    %logistic3A_660 = arith.addf %logistic3A_659, %logistic3A_657 : vector<1024x128xf32>
    %logistic3A_661 = arith.divf %logistic3A_659, %logistic3A_660 : vector<1024x128xf32>
    %slice3A_662 = vector.extract_strided_slice %add3A_647 {offsets = [0, 256], sizes = [1024, 128], strides = [1, 1]} : vector<1024x512xf32> to vector<1024x128xf32>
    %tanh3A_663 = math.tanh %slice3A_662 : vector<1024x128xf32>
    %slice3A_664 = vector.extract_strided_slice %add3A_647 {offsets = [0, 384], sizes = [1024, 128], strides = [1, 1]} : vector<1024x512xf32> to vector<1024x128xf32>
    %logistic3A_665 = arith.negf %slice3A_664 : vector<1024x128xf32>
    %logistic3A_666 = math.exp %logistic3A_665 : vector<1024x128xf32>
    %logistic3A_667 = arith.constant 1.000000e+00 : f32
    %logistic3A_668 = vector.broadcast %logistic3A_667 : f32 to vector<1024x128xf32>
    %logistic3A_669 = arith.addf %logistic3A_668, %logistic3A_666 : vector<1024x128xf32>
    %logistic3A_670 = arith.divf %logistic3A_668, %logistic3A_669 : vector<1024x128xf32>
    %mul3A_671 = arith.mulf %logistic3A_661, %add3A_631 : vector<1024x128xf32>
    %mul3A_672 = arith.mulf %logistic3A_654, %tanh3A_663 : vector<1024x128xf32>
    %add3A_673 = arith.addf %mul3A_671, %mul3A_672 : vector<1024x128xf32>
    %tanh3A_674 = math.tanh %add3A_673 : vector<1024x128xf32>
    %mul3A_675 = arith.mulf %logistic3A_670, %tanh3A_674 : vector<1024x128xf32>
    %eq3A_676 = arith.constant 16 : i32
    %eq3A_677 = vector.broadcast %eq3A_676 : i32 to vector<1024x128xi32>
    %eq3A_678 = arith.cmpi eq, %get3A_6, %eq3A_677 : vector<1024x128xi32>
    %select_n3A_679 = arith.select %eq3A_678, %mul3A_675, %select_n3A_637 : vector<1024x128xi1>, vector<1024x128xf32>
    %get3A_680 = arith.constant 0 : index
    %get3A_681 = arith.constant 2048 : index
    %get3A_682 = vector.load %arg1[%get3A_680, %get3A_681] : memref<1024x2560xf32, #tpu.memory_space<vmem>>, vector<1024x128xf32>
    %dot_general3A_683 = arith.constant dense<0.000000e+00> : vector<1024x512xf32>
    %dot_general3A_684 = tpu.matmul %get3A_682, %get3A_9, %dot_general3A_683 {dimension_numbers = #tpu.dot_dimension_numbers<[1], [0], [0], [1], [0, 0, 1, 1], [], []>, transpose_lhs_hint = false} : vector<1024x128xf32>, vector<128x512xf32>, vector<1024x512xf32> -> vector<1024x512xf32>
    %dot_general3A_685 = arith.constant dense<0.000000e+00> : vector<1024x512xf32>
    %dot_general3A_686 = tpu.matmul %mul3A_675, %get3A_12, %dot_general3A_685 {dimension_numbers = #tpu.dot_dimension_numbers<[1], [0], [0], [1], [0, 0, 1, 1], [], []>, transpose_lhs_hint = false} : vector<1024x128xf32>, vector<128x512xf32>, vector<1024x512xf32> -> vector<1024x512xf32>
    %add3A_687 = arith.addf %dot_general3A_684, %dot_general3A_686 : vector<1024x512xf32>
    %add3A_688 = vector.broadcast %get3A_15 : vector<1x512xf32> to vector<1024x512xf32>
    %add3A_689 = arith.addf %add3A_687, %add3A_688 : vector<1024x512xf32>
    %slice3A_690 = vector.extract_strided_slice %add3A_689 {offsets = [0, 0], sizes = [1024, 128], strides = [1, 1]} : vector<1024x512xf32> to vector<1024x128xf32>
    %logistic3A_691 = arith.negf %slice3A_690 : vector<1024x128xf32>
    %logistic3A_692 = math.exp %logistic3A_691 : vector<1024x128xf32>
    %logistic3A_693 = arith.constant 1.000000e+00 : f32
    %logistic3A_694 = vector.broadcast %logistic3A_693 : f32 to vector<1024x128xf32>
    %logistic3A_695 = arith.addf %logistic3A_694, %logistic3A_692 : vector<1024x128xf32>
    %logistic3A_696 = arith.divf %logistic3A_694, %logistic3A_695 : vector<1024x128xf32>
    %slice3A_697 = vector.extract_strided_slice %add3A_689 {offsets = [0, 128], sizes = [1024, 128], strides = [1, 1]} : vector<1024x512xf32> to vector<1024x128xf32>
    %logistic3A_698 = arith.negf %slice3A_697 : vector<1024x128xf32>
    %logistic3A_699 = math.exp %logistic3A_698 : vector<1024x128xf32>
    %logistic3A_700 = arith.constant 1.000000e+00 : f32
    %logistic3A_701 = vector.broadcast %logistic3A_700 : f32 to vector<1024x128xf32>
    %logistic3A_702 = arith.addf %logistic3A_701, %logistic3A_699 : vector<1024x128xf32>
    %logistic3A_703 = arith.divf %logistic3A_701, %logistic3A_702 : vector<1024x128xf32>
    %slice3A_704 = vector.extract_strided_slice %add3A_689 {offsets = [0, 256], sizes = [1024, 128], strides = [1, 1]} : vector<1024x512xf32> to vector<1024x128xf32>
    %tanh3A_705 = math.tanh %slice3A_704 : vector<1024x128xf32>
    %slice3A_706 = vector.extract_strided_slice %add3A_689 {offsets = [0, 384], sizes = [1024, 128], strides = [1, 1]} : vector<1024x512xf32> to vector<1024x128xf32>
    %logistic3A_707 = arith.negf %slice3A_706 : vector<1024x128xf32>
    %logistic3A_708 = math.exp %logistic3A_707 : vector<1024x128xf32>
    %logistic3A_709 = arith.constant 1.000000e+00 : f32
    %logistic3A_710 = vector.broadcast %logistic3A_709 : f32 to vector<1024x128xf32>
    %logistic3A_711 = arith.addf %logistic3A_710, %logistic3A_708 : vector<1024x128xf32>
    %logistic3A_712 = arith.divf %logistic3A_710, %logistic3A_711 : vector<1024x128xf32>
    %mul3A_713 = arith.mulf %logistic3A_703, %add3A_673 : vector<1024x128xf32>
    %mul3A_714 = arith.mulf %logistic3A_696, %tanh3A_705 : vector<1024x128xf32>
    %add3A_715 = arith.addf %mul3A_713, %mul3A_714 : vector<1024x128xf32>
    %tanh3A_716 = math.tanh %add3A_715 : vector<1024x128xf32>
    %mul3A_717 = arith.mulf %logistic3A_712, %tanh3A_716 : vector<1024x128xf32>
    %eq3A_718 = arith.constant 17 : i32
    %eq3A_719 = vector.broadcast %eq3A_718 : i32 to vector<1024x128xi32>
    %eq3A_720 = arith.cmpi eq, %get3A_6, %eq3A_719 : vector<1024x128xi32>
    %select_n3A_721 = arith.select %eq3A_720, %mul3A_717, %select_n3A_679 : vector<1024x128xi1>, vector<1024x128xf32>
    %get3A_722 = arith.constant 0 : index
    %get3A_723 = arith.constant 2176 : index
    %get3A_724 = vector.load %arg1[%get3A_722, %get3A_723] : memref<1024x2560xf32, #tpu.memory_space<vmem>>, vector<1024x128xf32>
    %dot_general3A_725 = arith.constant dense<0.000000e+00> : vector<1024x512xf32>
    %dot_general3A_726 = tpu.matmul %get3A_724, %get3A_9, %dot_general3A_725 {dimension_numbers = #tpu.dot_dimension_numbers<[1], [0], [0], [1], [0, 0, 1, 1], [], []>, transpose_lhs_hint = false} : vector<1024x128xf32>, vector<128x512xf32>, vector<1024x512xf32> -> vector<1024x512xf32>
    %dot_general3A_727 = arith.constant dense<0.000000e+00> : vector<1024x512xf32>
    %dot_general3A_728 = tpu.matmul %mul3A_717, %get3A_12, %dot_general3A_727 {dimension_numbers = #tpu.dot_dimension_numbers<[1], [0], [0], [1], [0, 0, 1, 1], [], []>, transpose_lhs_hint = false} : vector<1024x128xf32>, vector<128x512xf32>, vector<1024x512xf32> -> vector<1024x512xf32>
    %add3A_729 = arith.addf %dot_general3A_726, %dot_general3A_728 : vector<1024x512xf32>
    %add3A_730 = vector.broadcast %get3A_15 : vector<1x512xf32> to vector<1024x512xf32>
    %add3A_731 = arith.addf %add3A_729, %add3A_730 : vector<1024x512xf32>
    %slice3A_732 = vector.extract_strided_slice %add3A_731 {offsets = [0, 0], sizes = [1024, 128], strides = [1, 1]} : vector<1024x512xf32> to vector<1024x128xf32>
    %logistic3A_733 = arith.negf %slice3A_732 : vector<1024x128xf32>
    %logistic3A_734 = math.exp %logistic3A_733 : vector<1024x128xf32>
    %logistic3A_735 = arith.constant 1.000000e+00 : f32
    %logistic3A_736 = vector.broadcast %logistic3A_735 : f32 to vector<1024x128xf32>
    %logistic3A_737 = arith.addf %logistic3A_736, %logistic3A_734 : vector<1024x128xf32>
    %logistic3A_738 = arith.divf %logistic3A_736, %logistic3A_737 : vector<1024x128xf32>
    %slice3A_739 = vector.extract_strided_slice %add3A_731 {offsets = [0, 128], sizes = [1024, 128], strides = [1, 1]} : vector<1024x512xf32> to vector<1024x128xf32>
    %logistic3A_740 = arith.negf %slice3A_739 : vector<1024x128xf32>
    %logistic3A_741 = math.exp %logistic3A_740 : vector<1024x128xf32>
    %logistic3A_742 = arith.constant 1.000000e+00 : f32
    %logistic3A_743 = vector.broadcast %logistic3A_742 : f32 to vector<1024x128xf32>
    %logistic3A_744 = arith.addf %logistic3A_743, %logistic3A_741 : vector<1024x128xf32>
    %logistic3A_745 = arith.divf %logistic3A_743, %logistic3A_744 : vector<1024x128xf32>
    %slice3A_746 = vector.extract_strided_slice %add3A_731 {offsets = [0, 256], sizes = [1024, 128], strides = [1, 1]} : vector<1024x512xf32> to vector<1024x128xf32>
    %tanh3A_747 = math.tanh %slice3A_746 : vector<1024x128xf32>
    %slice3A_748 = vector.extract_strided_slice %add3A_731 {offsets = [0, 384], sizes = [1024, 128], strides = [1, 1]} : vector<1024x512xf32> to vector<1024x128xf32>
    %logistic3A_749 = arith.negf %slice3A_748 : vector<1024x128xf32>
    %logistic3A_750 = math.exp %logistic3A_749 : vector<1024x128xf32>
    %logistic3A_751 = arith.constant 1.000000e+00 : f32
    %logistic3A_752 = vector.broadcast %logistic3A_751 : f32 to vector<1024x128xf32>
    %logistic3A_753 = arith.addf %logistic3A_752, %logistic3A_750 : vector<1024x128xf32>
    %logistic3A_754 = arith.divf %logistic3A_752, %logistic3A_753 : vector<1024x128xf32>
    %mul3A_755 = arith.mulf %logistic3A_745, %add3A_715 : vector<1024x128xf32>
    %mul3A_756 = arith.mulf %logistic3A_738, %tanh3A_747 : vector<1024x128xf32>
    %add3A_757 = arith.addf %mul3A_755, %mul3A_756 : vector<1024x128xf32>
    %tanh3A_758 = math.tanh %add3A_757 : vector<1024x128xf32>
    %mul3A_759 = arith.mulf %logistic3A_754, %tanh3A_758 : vector<1024x128xf32>
    %eq3A_760 = arith.constant 18 : i32
    %eq3A_761 = vector.broadcast %eq3A_760 : i32 to vector<1024x128xi32>
    %eq3A_762 = arith.cmpi eq, %get3A_6, %eq3A_761 : vector<1024x128xi32>
    %select_n3A_763 = arith.select %eq3A_762, %mul3A_759, %select_n3A_721 : vector<1024x128xi1>, vector<1024x128xf32>
    %get3A_764 = arith.constant 0 : index
    %get3A_765 = arith.constant 2304 : index
    %get3A_766 = vector.load %arg1[%get3A_764, %get3A_765] : memref<1024x2560xf32, #tpu.memory_space<vmem>>, vector<1024x128xf32>
    %dot_general3A_767 = arith.constant dense<0.000000e+00> : vector<1024x512xf32>
    %dot_general3A_768 = tpu.matmul %get3A_766, %get3A_9, %dot_general3A_767 {dimension_numbers = #tpu.dot_dimension_numbers<[1], [0], [0], [1], [0, 0, 1, 1], [], []>, transpose_lhs_hint = false} : vector<1024x128xf32>, vector<128x512xf32>, vector<1024x512xf32> -> vector<1024x512xf32>
    %dot_general3A_769 = arith.constant dense<0.000000e+00> : vector<1024x512xf32>
    %dot_general3A_770 = tpu.matmul %mul3A_759, %get3A_12, %dot_general3A_769 {dimension_numbers = #tpu.dot_dimension_numbers<[1], [0], [0], [1], [0, 0, 1, 1], [], []>, transpose_lhs_hint = false} : vector<1024x128xf32>, vector<128x512xf32>, vector<1024x512xf32> -> vector<1024x512xf32>
    %add3A_771 = arith.addf %dot_general3A_768, %dot_general3A_770 : vector<1024x512xf32>
    %add3A_772 = vector.broadcast %get3A_15 : vector<1x512xf32> to vector<1024x512xf32>
    %add3A_773 = arith.addf %add3A_771, %add3A_772 : vector<1024x512xf32>
    %slice3A_774 = vector.extract_strided_slice %add3A_773 {offsets = [0, 0], sizes = [1024, 128], strides = [1, 1]} : vector<1024x512xf32> to vector<1024x128xf32>
    %logistic3A_775 = arith.negf %slice3A_774 : vector<1024x128xf32>
    %logistic3A_776 = math.exp %logistic3A_775 : vector<1024x128xf32>
    %logistic3A_777 = arith.constant 1.000000e+00 : f32
    %logistic3A_778 = vector.broadcast %logistic3A_777 : f32 to vector<1024x128xf32>
    %logistic3A_779 = arith.addf %logistic3A_778, %logistic3A_776 : vector<1024x128xf32>
    %logistic3A_780 = arith.divf %logistic3A_778, %logistic3A_779 : vector<1024x128xf32>
    %slice3A_781 = vector.extract_strided_slice %add3A_773 {offsets = [0, 128], sizes = [1024, 128], strides = [1, 1]} : vector<1024x512xf32> to vector<1024x128xf32>
    %logistic3A_782 = arith.negf %slice3A_781 : vector<1024x128xf32>
    %logistic3A_783 = math.exp %logistic3A_782 : vector<1024x128xf32>
    %logistic3A_784 = arith.constant 1.000000e+00 : f32
    %logistic3A_785 = vector.broadcast %logistic3A_784 : f32 to vector<1024x128xf32>
    %logistic3A_786 = arith.addf %logistic3A_785, %logistic3A_783 : vector<1024x128xf32>
    %logistic3A_787 = arith.divf %logistic3A_785, %logistic3A_786 : vector<1024x128xf32>
    %slice3A_788 = vector.extract_strided_slice %add3A_773 {offsets = [0, 256], sizes = [1024, 128], strides = [1, 1]} : vector<1024x512xf32> to vector<1024x128xf32>
    %tanh3A_789 = math.tanh %slice3A_788 : vector<1024x128xf32>
    %slice3A_790 = vector.extract_strided_slice %add3A_773 {offsets = [0, 384], sizes = [1024, 128], strides = [1, 1]} : vector<1024x512xf32> to vector<1024x128xf32>
    %logistic3A_791 = arith.negf %slice3A_790 : vector<1024x128xf32>
    %logistic3A_792 = math.exp %logistic3A_791 : vector<1024x128xf32>
    %logistic3A_793 = arith.constant 1.000000e+00 : f32
    %logistic3A_794 = vector.broadcast %logistic3A_793 : f32 to vector<1024x128xf32>
    %logistic3A_795 = arith.addf %logistic3A_794, %logistic3A_792 : vector<1024x128xf32>
    %logistic3A_796 = arith.divf %logistic3A_794, %logistic3A_795 : vector<1024x128xf32>
    %mul3A_797 = arith.mulf %logistic3A_787, %add3A_757 : vector<1024x128xf32>
    %mul3A_798 = arith.mulf %logistic3A_780, %tanh3A_789 : vector<1024x128xf32>
    %add3A_799 = arith.addf %mul3A_797, %mul3A_798 : vector<1024x128xf32>
    %tanh3A_800 = math.tanh %add3A_799 : vector<1024x128xf32>
    %mul3A_801 = arith.mulf %logistic3A_796, %tanh3A_800 : vector<1024x128xf32>
    %eq3A_802 = arith.constant 19 : i32
    %eq3A_803 = vector.broadcast %eq3A_802 : i32 to vector<1024x128xi32>
    %eq3A_804 = arith.cmpi eq, %get3A_6, %eq3A_803 : vector<1024x128xi32>
    %select_n3A_805 = arith.select %eq3A_804, %mul3A_801, %select_n3A_763 : vector<1024x128xi1>, vector<1024x128xf32>
    %get3A_806 = arith.constant 0 : index
    %get3A_807 = arith.constant 2432 : index
    %get3A_808 = vector.load %arg1[%get3A_806, %get3A_807] : memref<1024x2560xf32, #tpu.memory_space<vmem>>, vector<1024x128xf32>
    %dot_general3A_809 = arith.constant dense<0.000000e+00> : vector<1024x512xf32>
    %dot_general3A_810 = tpu.matmul %get3A_808, %get3A_9, %dot_general3A_809 {dimension_numbers = #tpu.dot_dimension_numbers<[1], [0], [0], [1], [0, 0, 1, 1], [], []>, transpose_lhs_hint = false} : vector<1024x128xf32>, vector<128x512xf32>, vector<1024x512xf32> -> vector<1024x512xf32>
    %dot_general3A_811 = arith.constant dense<0.000000e+00> : vector<1024x512xf32>
    %dot_general3A_812 = tpu.matmul %mul3A_801, %get3A_12, %dot_general3A_811 {dimension_numbers = #tpu.dot_dimension_numbers<[1], [0], [0], [1], [0, 0, 1, 1], [], []>, transpose_lhs_hint = false} : vector<1024x128xf32>, vector<128x512xf32>, vector<1024x512xf32> -> vector<1024x512xf32>
    %add3A_813 = arith.addf %dot_general3A_810, %dot_general3A_812 : vector<1024x512xf32>
    %add3A_814 = vector.broadcast %get3A_15 : vector<1x512xf32> to vector<1024x512xf32>
    %add3A_815 = arith.addf %add3A_813, %add3A_814 : vector<1024x512xf32>
    %slice3A_816 = vector.extract_strided_slice %add3A_815 {offsets = [0, 0], sizes = [1024, 128], strides = [1, 1]} : vector<1024x512xf32> to vector<1024x128xf32>
    %logistic3A_817 = arith.negf %slice3A_816 : vector<1024x128xf32>
    %logistic3A_818 = math.exp %logistic3A_817 : vector<1024x128xf32>
    %logistic3A_819 = arith.constant 1.000000e+00 : f32
    %logistic3A_820 = vector.broadcast %logistic3A_819 : f32 to vector<1024x128xf32>
    %logistic3A_821 = arith.addf %logistic3A_820, %logistic3A_818 : vector<1024x128xf32>
    %logistic3A_822 = arith.divf %logistic3A_820, %logistic3A_821 : vector<1024x128xf32>
    %slice3A_823 = vector.extract_strided_slice %add3A_815 {offsets = [0, 128], sizes = [1024, 128], strides = [1, 1]} : vector<1024x512xf32> to vector<1024x128xf32>
    %logistic3A_824 = arith.negf %slice3A_823 : vector<1024x128xf32>
    %logistic3A_825 = math.exp %logistic3A_824 : vector<1024x128xf32>
    %logistic3A_826 = arith.constant 1.000000e+00 : f32
    %logistic3A_827 = vector.broadcast %logistic3A_826 : f32 to vector<1024x128xf32>
    %logistic3A_828 = arith.addf %logistic3A_827, %logistic3A_825 : vector<1024x128xf32>
    %logistic3A_829 = arith.divf %logistic3A_827, %logistic3A_828 : vector<1024x128xf32>
    %slice3A_830 = vector.extract_strided_slice %add3A_815 {offsets = [0, 256], sizes = [1024, 128], strides = [1, 1]} : vector<1024x512xf32> to vector<1024x128xf32>
    %tanh3A_831 = math.tanh %slice3A_830 : vector<1024x128xf32>
    %slice3A_832 = vector.extract_strided_slice %add3A_815 {offsets = [0, 384], sizes = [1024, 128], strides = [1, 1]} : vector<1024x512xf32> to vector<1024x128xf32>
    %logistic3A_833 = arith.negf %slice3A_832 : vector<1024x128xf32>
    %logistic3A_834 = math.exp %logistic3A_833 : vector<1024x128xf32>
    %logistic3A_835 = arith.constant 1.000000e+00 : f32
    %logistic3A_836 = vector.broadcast %logistic3A_835 : f32 to vector<1024x128xf32>
    %logistic3A_837 = arith.addf %logistic3A_836, %logistic3A_834 : vector<1024x128xf32>
    %logistic3A_838 = arith.divf %logistic3A_836, %logistic3A_837 : vector<1024x128xf32>
    %mul3A_839 = arith.mulf %logistic3A_829, %add3A_799 : vector<1024x128xf32>
    %mul3A_840 = arith.mulf %logistic3A_822, %tanh3A_831 : vector<1024x128xf32>
    %add3A_841 = arith.addf %mul3A_839, %mul3A_840 : vector<1024x128xf32>
    %tanh3A_842 = math.tanh %add3A_841 : vector<1024x128xf32>
    %mul3A_843 = arith.mulf %logistic3A_838, %tanh3A_842 : vector<1024x128xf32>
    %eq3A_844 = arith.constant 20 : i32
    %eq3A_845 = vector.broadcast %eq3A_844 : i32 to vector<1024x128xi32>
    %eq3A_846 = arith.cmpi eq, %get3A_6, %eq3A_845 : vector<1024x128xi32>
    %select_n3A_847 = arith.select %eq3A_846, %mul3A_843, %select_n3A_805 : vector<1024x128xi1>, vector<1024x128xf32>
    %swap3A = arith.constant 0 : index
    %swap3A_848 = arith.constant 0 : index
    %swap3A_849 = vector.load %arg6[%swap3A, %swap3A_848] : memref<1024x128xf32, #tpu.memory_space<vmem>>, vector<1024x128xf32>
    tpu.vector_store %arg6[%swap3A, %swap3A_848], %select_n3A_847 {strides = array<i32>} : memref<1024x128xf32, #tpu.memory_space<vmem>>, vector<1024x128xf32>,
    return
  }
  func.func @transform_0(%arg0: i32) -> (i32, i32) {
    %c0_i32 = arith.constant 0 : i32
    %c0_i32_0 = arith.constant 0 : i32
    return %arg0, %c0_i32 : i32, i32
  }
  func.func @transform_1(%arg0: i32) -> (i32, i32) {
    %c0_i32 = arith.constant 0 : i32
    %c0_i32_0 = arith.constant 0 : i32
    return %arg0, %c0_i32 : i32, i32
  }
  func.func @transform_2(%arg0: i32) -> (i32, i32) {
    %c0_i32 = arith.constant 0 : i32
    %c0_i32_0 = arith.constant 0 : i32
    %c0_i32_1 = arith.constant 0 : i32
    return %c0_i32, %c0_i32_0 : i32, i32
  }
  func.func @transform_3(%arg0: i32) -> (i32, i32) {
    %c0_i32 = arith.constant 0 : i32
    %c0_i32_0 = arith.constant 0 : i32
    %c0_i32_1 = arith.constant 0 : i32
    return %c0_i32, %c0_i32_0 : i32, i32
  }
  func.func @transform_4(%arg0: i32) -> (i32, i32) {
    %c0_i32 = arith.constant 0 : i32
    %c0_i32_0 = arith.constant 0 : i32
    %c0_i32_1 = arith.constant 0 : i32
    return %c0_i32, %c0_i32_0 : i32, i32
  }
  func.func @transform_5(%arg0: i32) -> (i32, i32) {
    %c0_i32 = arith.constant 0 : i32
    %c0_i32_0 = arith.constant 0 : i32
    return %arg0, %c0_i32 : i32, i32
  }
}

module attributes {stable_mosaic.version = 14 : i64} {
  func.func @body(%arg0: i32, %arg1: memref<1000x128xf32, #tpu.memory_space<vmem>>, %arg2: memref<1000x128xf32, #tpu.memory_space<vmem>>, %arg3: memref<1000x128xf32, #tpu.memory_space<vmem>>, %arg4: memref<1000x128xf32, #tpu.memory_space<vmem>>, %arg5: memref<1000x128xf32, #tpu.memory_space<vmem>>, %arg6: memref<1000x128xf32, #tpu.memory_space<vmem>>, %arg7: memref<128x128xf32, #tpu.memory_space<vmem>>, %arg8: memref<128x128xf32, #tpu.memory_space<vmem>>, %arg9: memref<128x128xf32, #tpu.memory_space<vmem>>, %arg10: memref<1x128xf32, #tpu.memory_space<vmem>>, %arg11: memref<128x1000xf32, #tpu.memory_space<vmem>>, %arg12: memref<128x1000xf32, #tpu.memory_space<vmem>>, %arg13: memref<1x1000xf32, #tpu.memory_space<vmem>>, %arg14: memref<1000x1000xf32, #tpu.memory_space<vmem>>) attributes {dimension_semantics = [#tpu.dimension_semantics<arbitrary>], iteration_bounds = array<i64: 10>, scalar_prefetch = 0 : i64, scratch_operands = 0 : i64, tpu.core_type = #tpu.core_type<tc>, window_params = [{transform_indices = @transform_0, window_bounds = array<i64: 1000, 128>}, {transform_indices = @transform_1, window_bounds = array<i64: 1000, 128>}, {transform_indices = @transform_2, window_bounds = array<i64: 1000, 128>}, {transform_indices = @transform_3, window_bounds = array<i64: 1000, 128>}, {transform_indices = @transform_4, window_bounds = array<i64: 1000, 128>}, {transform_indices = @transform_5, window_bounds = array<i64: 1000, 128>}, {pipeline_mode = #tpu.pipeline_mode<synchronous>, transform_indices = @transform_6, window_bounds = array<i64: 128, 128>}, {pipeline_mode = #tpu.pipeline_mode<synchronous>, transform_indices = @transform_7, window_bounds = array<i64: 128, 128>}, {pipeline_mode = #tpu.pipeline_mode<synchronous>, transform_indices = @transform_8, window_bounds = array<i64: 128, 128>}, {pipeline_mode = #tpu.pipeline_mode<synchronous>, transform_indices = @transform_9, window_bounds = array<i64: 1, 128>}, {pipeline_mode = #tpu.pipeline_mode<synchronous>, transform_indices = @transform_10, window_bounds = array<i64: 128, 1000>}, {pipeline_mode = #tpu.pipeline_mode<synchronous>, transform_indices = @transform_11, window_bounds = array<i64: 128, 1000>}, {pipeline_mode = #tpu.pipeline_mode<synchronous>, transform_indices = @transform_12, window_bounds = array<i64: 1, 1000>}, {transform_indices = @transform_13, window_bounds = array<i64: 1000, 1000>}]} {
    %get3A = arith.constant 0 : index
    %get3A_0 = arith.constant 0 : index
    %get3A_1 = vector.load %arg1[%get3A, %get3A_0] : memref<1000x128xf32, #tpu.memory_space<vmem>>, vector<1000x128xf32>
    %get3A_2 = arith.constant 0 : index
    %get3A_3 = arith.constant 0 : index
    %get3A_4 = vector.load %arg3[%get3A_2, %get3A_3] : memref<1000x128xf32, #tpu.memory_space<vmem>>, vector<1000x1xf32>
    %max3A = arith.constant 1.000000e+00 : f32
    %max3A_5 = vector.broadcast %max3A : f32 to vector<1000x1xf32>
    %max3A_6 = arith.maximumf %get3A_4, %max3A_5 : vector<1000x1xf32>
    %div3A = vector.broadcast %max3A_6 : vector<1000x1xf32> to vector<1000x128xf32>
    %div3A_7 = arith.divf %get3A_1, %div3A : vector<1000x128xf32>
    %get3A_8 = arith.constant 0 : index
    %get3A_9 = arith.constant 0 : index
    %get3A_10 = vector.load %arg2[%get3A_8, %get3A_9] : memref<1000x128xf32, #tpu.memory_space<vmem>>, vector<1000x128xf32>
    %get3A_11 = arith.constant 0 : index
    %get3A_12 = arith.constant 0 : index
    %get3A_13 = vector.load %arg4[%get3A_11, %get3A_12] : memref<1000x128xf32, #tpu.memory_space<vmem>>, vector<1000x1xf32>
    %max3A_14 = arith.constant 1.000000e+00 : f32
    %max3A_15 = vector.broadcast %max3A_14 : f32 to vector<1000x1xf32>
    %max3A_16 = arith.maximumf %get3A_13, %max3A_15 : vector<1000x1xf32>
    %div3A_17 = vector.broadcast %max3A_16 : vector<1000x1xf32> to vector<1000x128xf32>
    %div3A_18 = arith.divf %get3A_10, %div3A_17 : vector<1000x128xf32>
    %get3A_19 = arith.constant 0 : index
    %get3A_20 = arith.constant 0 : index
    %get3A_21 = vector.load %arg7[%get3A_19, %get3A_20] : memref<128x128xf32, #tpu.memory_space<vmem>>, vector<128x128xf32>
    %dot_general3A = arith.constant dense<0.000000e+00> : vector<1000x128xf32>
    %dot_general3A_22 = tpu.matmul %div3A_7, %get3A_21, %dot_general3A {dimension_numbers = #tpu.dot_dimension_numbers<[1], [0], [0], [1], [0, 0, 1, 1], [], []>, transpose_lhs_hint = false} : vector<1000x128xf32>, vector<128x128xf32>, vector<1000x128xf32> -> vector<1000x128xf32>
    %get3A_23 = arith.constant 0 : index
    %get3A_24 = arith.constant 0 : index
    %get3A_25 = vector.load %arg8[%get3A_23, %get3A_24] : memref<128x128xf32, #tpu.memory_space<vmem>>, vector<128x128xf32>
    %dot_general3A_26 = arith.constant dense<0.000000e+00> : vector<1000x128xf32>
    %dot_general3A_27 = tpu.matmul %div3A_18, %get3A_25, %dot_general3A_26 {dimension_numbers = #tpu.dot_dimension_numbers<[1], [0], [0], [1], [0, 0, 1, 1], [], []>, transpose_lhs_hint = false} : vector<1000x128xf32>, vector<128x128xf32>, vector<1000x128xf32> -> vector<1000x128xf32>
    %add3A = arith.addf %dot_general3A_22, %dot_general3A_27 : vector<1000x128xf32>
    %get3A_28 = arith.constant 0 : index
    %get3A_29 = arith.constant 0 : index
    %get3A_30 = vector.load %arg5[%get3A_28, %get3A_29] : memref<1000x128xf32, #tpu.memory_space<vmem>>, vector<1000x128xf32>
    %get3A_31 = arith.constant 0 : index
    %get3A_32 = arith.constant 0 : index
    %get3A_33 = vector.load %arg9[%get3A_31, %get3A_32] : memref<128x128xf32, #tpu.memory_space<vmem>>, vector<128x128xf32>
    %dot_general3A_34 = arith.constant dense<0.000000e+00> : vector<1000x128xf32>
    %dot_general3A_35 = tpu.matmul %get3A_30, %get3A_33, %dot_general3A_34 {dimension_numbers = #tpu.dot_dimension_numbers<[1], [0], [0], [1], [0, 0, 1, 1], [], []>, transpose_lhs_hint = false} : vector<1000x128xf32>, vector<128x128xf32>, vector<1000x128xf32> -> vector<1000x128xf32>
    %add3A_36 = arith.addf %add3A, %dot_general3A_35 : vector<1000x128xf32>
    %get3A_37 = arith.constant 0 : index
    %get3A_38 = arith.constant 0 : index
    %get3A_39 = vector.load %arg10[%get3A_37, %get3A_38] : memref<1x128xf32, #tpu.memory_space<vmem>>, vector<1x128xf32>
    %add3A_40 = vector.broadcast %get3A_39 : vector<1x128xf32> to vector<1000x128xf32>
    %add3A_41 = arith.addf %add3A_36, %add3A_40 : vector<1000x128xf32>
    %get3A_42 = arith.constant 0 : index
    %get3A_43 = arith.constant 0 : index
    %get3A_44 = vector.load %arg11[%get3A_42, %get3A_43] : memref<128x1000xf32, #tpu.memory_space<vmem>>, vector<128x1000xf32>
    %dot_general3A_45 = arith.constant dense<0.000000e+00> : vector<1000x1000xf32>
    %dot_general3A_46 = tpu.matmul %add3A_41, %get3A_44, %dot_general3A_45 {dimension_numbers = #tpu.dot_dimension_numbers<[1], [0], [0], [1], [0, 0, 1, 1], [], []>, transpose_lhs_hint = false} : vector<1000x128xf32>, vector<128x1000xf32>, vector<1000x1000xf32> -> vector<1000x1000xf32>
    %get3A_47 = arith.constant 0 : index
    %get3A_48 = arith.constant 0 : index
    %get3A_49 = vector.load %arg6[%get3A_47, %get3A_48] : memref<1000x128xf32, #tpu.memory_space<vmem>>, vector<1000x128xf32>
    %get3A_50 = arith.constant 0 : index
    %get3A_51 = arith.constant 0 : index
    %get3A_52 = vector.load %arg12[%get3A_50, %get3A_51] : memref<128x1000xf32, #tpu.memory_space<vmem>>, vector<128x1000xf32>
    %dot_general3A_53 = arith.constant dense<0.000000e+00> : vector<1000x1000xf32>
    %dot_general3A_54 = tpu.matmul %get3A_49, %get3A_52, %dot_general3A_53 {dimension_numbers = #tpu.dot_dimension_numbers<[1], [0], [0], [1], [0, 0, 1, 1], [], []>, transpose_lhs_hint = false} : vector<1000x128xf32>, vector<128x1000xf32>, vector<1000x1000xf32> -> vector<1000x1000xf32>
    %add3A_55 = arith.addf %dot_general3A_46, %dot_general3A_54 : vector<1000x1000xf32>
    %get3A_56 = arith.constant 0 : index
    %get3A_57 = arith.constant 0 : index
    %get3A_58 = vector.load %arg13[%get3A_56, %get3A_57] : memref<1x1000xf32, #tpu.memory_space<vmem>>, vector<1x1000xf32>
    %add3A_59 = vector.broadcast %get3A_58 : vector<1x1000xf32> to vector<1000x1000xf32>
    %add3A_60 = arith.addf %add3A_55, %add3A_59 : vector<1000x1000xf32>
    %swap3A = arith.constant 0 : index
    %swap3A_61 = arith.constant 0 : index
    %swap3A_62 = vector.load %arg14[%swap3A, %swap3A_61] : memref<1000x1000xf32, #tpu.memory_space<vmem>>, vector<1000x1000xf32>
    tpu.vector_store %arg14[%swap3A, %swap3A_61], %add3A_60 {strides = array<i32>} : memref<1000x1000xf32, #tpu.memory_space<vmem>>, vector<1000x1000xf32>,
    return
  }
  func.func @transform_0(%arg0: i32) -> (i32, i32) {
    %c0_i32 = arith.constant 0 : i32
    %c0_i32_0 = arith.constant 0 : i32
    return %arg0, %c0_i32 : i32, i32
  }
  func.func @transform_1(%arg0: i32) -> (i32, i32) {
    %c0_i32 = arith.constant 0 : i32
    %c0_i32_0 = arith.constant 0 : i32
    return %arg0, %c0_i32 : i32, i32
  }
  func.func @transform_2(%arg0: i32) -> (i32, i32) {
    %c0_i32 = arith.constant 0 : i32
    %c0_i32_0 = arith.constant 0 : i32
    return %arg0, %c0_i32 : i32, i32
  }
  func.func @transform_3(%arg0: i32) -> (i32, i32) {
    %c0_i32 = arith.constant 0 : i32
    %c0_i32_0 = arith.constant 0 : i32
    return %arg0, %c0_i32 : i32, i32
  }
  func.func @transform_4(%arg0: i32) -> (i32, i32) {
    %c0_i32 = arith.constant 0 : i32
    %c0_i32_0 = arith.constant 0 : i32
    return %arg0, %c0_i32 : i32, i32
  }
  func.func @transform_5(%arg0: i32) -> (i32, i32) {
    %c0_i32 = arith.constant 0 : i32
    %c0_i32_0 = arith.constant 0 : i32
    return %arg0, %c0_i32 : i32, i32
  }
  func.func @transform_6(%arg0: i32) -> (i32, i32) {
    %c0_i32 = arith.constant 0 : i32
    %c0_i32_0 = arith.constant 0 : i32
    %c0_i32_1 = arith.constant 0 : i32
    return %c0_i32, %c0_i32_0 : i32, i32
  }
  func.func @transform_7(%arg0: i32) -> (i32, i32) {
    %c0_i32 = arith.constant 0 : i32
    %c0_i32_0 = arith.constant 0 : i32
    %c0_i32_1 = arith.constant 0 : i32
    return %c0_i32, %c0_i32_0 : i32, i32
  }
  func.func @transform_8(%arg0: i32) -> (i32, i32) {
    %c0_i32 = arith.constant 0 : i32
    %c0_i32_0 = arith.constant 0 : i32
    %c0_i32_1 = arith.constant 0 : i32
    return %c0_i32, %c0_i32_0 : i32, i32
  }
  func.func @transform_9(%arg0: i32) -> (i32, i32) {
    %c0_i32 = arith.constant 0 : i32
    %c0_i32_0 = arith.constant 0 : i32
    %c0_i32_1 = arith.constant 0 : i32
    return %c0_i32, %c0_i32_0 : i32, i32
  }
  func.func @transform_10(%arg0: i32) -> (i32, i32) {
    %c0_i32 = arith.constant 0 : i32
    %c0_i32_0 = arith.constant 0 : i32
    %c0_i32_1 = arith.constant 0 : i32
    return %c0_i32, %c0_i32_0 : i32, i32
  }
  func.func @transform_11(%arg0: i32) -> (i32, i32) {
    %c0_i32 = arith.constant 0 : i32
    %c0_i32_0 = arith.constant 0 : i32
    %c0_i32_1 = arith.constant 0 : i32
    return %c0_i32, %c0_i32_0 : i32, i32
  }
  func.func @transform_12(%arg0: i32) -> (i32, i32) {
    %c0_i32 = arith.constant 0 : i32
    %c0_i32_0 = arith.constant 0 : i32
    %c0_i32_1 = arith.constant 0 : i32
    return %c0_i32, %c0_i32_0 : i32, i32
  }
  func.func @transform_13(%arg0: i32) -> (i32, i32) {
    %c0_i32 = arith.constant 0 : i32
    %c0_i32_0 = arith.constant 0 : i32
    return %arg0, %c0_i32 : i32, i32
  }
}

</mosaic_0001>

<sc_bundles>
// kernel: kernel.12.cloned.1.call-start
scs
__scs_entry_jumppad:
0x0: {  	(pc) =	sbr.rel $0x88, $3  }
0x1: {  	(tag) =	ssettag $0x0;
	lr =	simm.s32 $0x1  }
0x2: {  	[smem:$0x3F8F] =	sst lr;
	_ =	strace $0xD0000000  }
0x3: {  	_ = 	snop  }
0x4: {  	_ = 	snop  }
0x5: {  	_ = 	snop  }
0x6: {  	_ = 	snop  }
0x7: {  	_ = 	snop  }
__scs_overlays_trampoline_lowered:
0x8: {  	[smem:$0x3F9E] =	sst s0  }
0x9: {  	[smem:$0x3F9F] =	sst s1  }
0xa: {  	[smem:$0x3FA0] =	sst s2  }
0xb: {  	[smem:$0x3FA1] =	sst s3  }
0xc: {  	[smem:$0x3FA2] =	sst s4  }
0xd: {  	[smem:$0x3FA3] =	sst s5  }
0xe: {  	[smem:$0x3FA4] =	sst s6  }
0xf: {  	[smem:$0x3FA5] =	sst s7  }
0x10: {  	[smem:$0x3FA6] =	sst s8  }
0x11: {  	[smem:$0x3FA7] =	sst s9;
	s0 =	simm.s32 @!p0 $0x0  }
0x12: {  	s1 =	sld [smem:$0x3F8D];
	s0 =	simm.s32 @p0 $0x1  }
0x13: {  	[smem:$0x3FA8] =	sst s0;
	s0 =	simm.s32 @!p1 $0x0  }
0x14: {  	s2 =	sld [smem:$0x3F8C];
	s0 =	simm.s32 @p1 $0x1  }
0x15: {  	[smem:$0x3FA9] =	sst s0;
	s0 =	simm.s32 @!p2 $0x0  }
0x16: {  	s3 =	sld [smem:$0x3FDB];
	s0 =	simm.s32 @p2 $0x1  }
0x17: {  	s4 =	simm.s32 $0x1BF5;
	[smem:$0x3FAB] =	sst s0  }
0x18: {  	s0 =	sld [smem:$0x3F8E];
	_ =	swait.ge [sflag:s4], $0x0  }
0x19: {  	s7 =	sld [smem:$0x3F8F]  }
0x1a: {  	s8 =	sadd.s32 $0xFFFFE003, lr  }
0x1b: {  	s9 =	sadd.s32 $0xFFFFFEF7, lr;
	s5 =	simm.s32 $0xFFFFFFFF;
	p2 =	slt.u32 s8, $0xFFFFF086  }
0x1c: {  	p1 =	slt.u32 s9, $0xF7A;
	s5 =	simm.s32 @!p2 $0x0  }
0x1d: {  	s5 =	simm.s32 @p1 $0x1;
	p0 =	seq.s32 s7, s2  }
0x1e: {  	s7 =	smul.u32 @!p0 $0xF7A, s2;
	p2 =	seq.s32 @!p0 s5, $0x0  }
0x1f: {  	s9 =	smul.u32 $0xF7A, s1;
	s8 =	simm.s32 @!p0 $0x1BF5;
	p2 =	por !p2, p0  }
0x20: {  	[sflag:s8] =	ssyncset.s32 @!p0 $0xFFFFF086;
	s6 =	sadd.s32 @!p0 s3, s7;
	s7 =	simm.s32 @!p0 $0x108  }
0x21: {  	s3 =	sadd.s32 s3, s9;
	s6 =	sadd.s32 @!p0 $0x88, s6;
	s7 =	simm.s32 @p2 $0x1082  }
0x22: {  	[simem:s7], [sflag:s8] =	dma.local @!p0 [hbm:s6], $0xF7A  }
0x23: {  	s9 =	sor.u32 $0xD0000000, s2;
	s6 =	simm.s32 $0x108;
	_ =	swait.ge @!p0 [sflag:s8], $0x0  }
0x24: {  	s3 =	sadd.s32 $0x88, s3;
	s6 =	simm.s32 @!p1 $0x1082;
	[sflag:s4] =	ssyncset.s32 $0xFFFFF086  }
0x25: {  	[simem:s6], [sflag:s4] =	dma.local [hbm:s3], $0xF7A  }
0x26: {  	[smem:$0x3F8F] =	sst s1;
	(tag) =	ssettag s2;
	_ =	strace s9  }
0x27: {  	s1 =	sld [smem:$0x3F9F]  }
0x28: {  	s2 =	sld [smem:$0x3FA0]  }
0x29: {  	s4 =	sld [smem:$0x3FA2]  }
0x2a: {  	p0 =	seq.s32 s5, $0x0;
	s5 =	sld [smem:$0x3FA3]  }
0x2b: {  	s6 =	sld [smem:$0x3FA4]  }
0x2c: {  	s7 =	sld [smem:$0x3FA5]  }
0x2d: {  	s3 =	simm.s32 $0x108;
	s8 =	sld [smem:$0x3FA6]  }
0x2e: {  	s3 =	simm.s32 @!p0 $0x1082;
	s9 =	sld [smem:$0x3FA7]  }
0x2f: {  	lr =	sadd.s32 s0, s3;
	s0 =	sld [smem:$0x3F9E]  }
0x30: {  	s3 =	sld [smem:$0x3FA1]  }
0x31: {  	[smem:$0x3FAA] =	sst s10  }
0x32: {  	s10 =	sld [smem:$0x3FA8];
	_ =	sdelay $0x3  }
0x33: {  	p0 =	seq.s32 s10, $0x1;
	s10 =	sld [smem:$0x3FAA];
	_ =	sdelay $0x3  }
0x34: {  	[smem:$0x3FAA] =	sst s10  }
0x35: {  	s10 =	sld [smem:$0x3FA9];
	_ =	sdelay $0x3  }
0x36: {  	p1 =	seq.s32 s10, $0x1;
	s10 =	sld [smem:$0x3FAA];
	_ =	sdelay $0x3  }
0x37: {  	[smem:$0x3FAA] =	sst s10  }
0x38: {  	s10 =	sld [smem:$0x3FAB]  }
0x39: {  	_ = 	snop;
	(pc) =	sbr.ind lr, $3  }
0x3a: {  	_ = 	snop  }
0x3b: {  	_ = 	snop  }
0x3c: {  	p2 =	seq.s32 s10, $0x1;
	s10 =	sld [smem:$0x3FAA]  }
0x3d: {  	_ =	shalt  }
0x3e: {  	_ =	shalt  }
0x3f: {  	_ =	shalt  }
0x40: {  	_ =	shalt  }
0x41: {  	_ =	shalt  }
0x42: {  	_ =	shalt  }
0x43: {  	_ =	shalt  }
0x44: {  	_ =	shalt  }
0x45: {  	_ =	shalt  }
0x46: {  	_ =	shalt  }
0x47: {  	_ =	shalt  }
0x48: {  	_ =	shalt  }
0x49: {  	_ =	shalt  }
0x4a: {  	_ =	shalt  }
0x4b: {  	_ =	shalt  }
0x4c: {  	_ =	shalt  }
0x4d: {  	_ =	shalt  }
0x4e: {  	_ =	shalt  }
0x4f: {  	_ =	shalt  }
0x50: {  	_ =	shalt  }
0x51: {  	_ =	shalt  }
0x52: {  	_ =	shalt  }
0x53: {  	_ =	shalt  }
0x54: {  	_ =	shalt  }
0x55: {  	_ =	shalt  }
0x56: {  	_ =	shalt  }
0x57: {  	_ =	shalt  }
0x58: {  	_ =	shalt  }
0x59: {  	_ =	shalt  }
0x5a: {  	_ =	shalt  }
0x5b: {  	_ =	shalt  }
0x5c: {  	_ =	shalt  }
0x5d: {  	_ =	shalt  }
0x5e: {  	_ =	shalt  }
0x5f: {  	_ =	shalt  }
0x60: {  	_ =	shalt  }
0x61: {  	_ =	shalt  }
0x62: {  	_ =	shalt  }
0x63: {  	_ =	shalt  }
0x64: {  	_ =	shalt  }
0x65: {  	_ =	shalt  }
0x66: {  	_ =	shalt  }
0x67: {  	_ =	shalt  }
0x68: {  	_ =	shalt  }
0x69: {  	_ =	shalt  }
0x6a: {  	_ =	shalt  }
0x6b: {  	_ =	shalt  }
0x6c: {  	_ =	shalt  }
0x6d: {  	_ =	shalt  }
0x6e: {  	_ =	shalt  }
0x6f: {  	_ =	shalt  }
0x70: {  	_ =	shalt  }
0x71: {  	_ =	shalt  }
0x72: {  	_ =	shalt  }
0x73: {  	_ =	shalt  }
0x74: {  	_ =	shalt  }
0x75: {  	_ =	shalt  }
0x76: {  	_ =	shalt  }
0x77: {  	_ =	shalt  }
0x78: {  	_ =	shalt  }
0x79: {  	_ =	shalt  }
0x7a: {  	_ =	shalt  }
0x7b: {  	_ =	shalt  }
0x7c: {  	_ =	shalt  }
0x7d: {  	_ =	shalt  }
0x7e: {  	_ =	shalt  }
0x7f: {  	_ =	shalt  }
0x80: {  	_ =	shalt  }
0x81: {  	_ =	shalt  }
0x82: {  	_ =	shalt  }
0x83: {  	_ =	shalt  }
0x84: {  	_ =	shalt  }
0x85: {  	_ =	shalt  }
0x86: {  	_ =	shalt  }
0x87: {  	_ =	shalt  }
.Lfunc_end0:
.L_simem_size_0:
called_computation.1_lowered:
.L_overlay_start_0:
0x88: {  	s2 =	sld [smem:$0x3FD9]  }
0x89: {  	s3 =	sld [smem:$0x3FFE];
	_ =	sdelay $0x1  }
0x8a: {  	s1 =	srdreg.scid  }
0x8b: {  	s0 =	sand.u32 $0x1, s1  }
0x8c: {  	s16 =	sshll.u32 s0, $0xA;
	s2 =	sadd.s32 s3, s2  }
0x8d: {  	s2 =	sadd.s32 s2, s16  }
0x8e: {  	[smem:$0x3FB6] =	sst s2  }
0x8f: {  	_ = 	snop  }
0x90: {  	(tm) =	ssettm $0x1  }
0x91: {  	s17 =	sld [smem:$0x3FFB];
	_ =	sdelay $0x3  }
0x92: {  	_ =	strace s17  }
0x93: {  	s2 =	sld [smem:$0x3FFC];
	_ =	sdelay $0x3  }
0x94: {  	_ =	strace s2  }
0x95: {  	s2 =	sld [smem:$0x3FFD];
	_ =	sdelay $0x3  }
0x96: {  	_ =	strace s2  }
0x97: {  	_ =	strace $0x8FFFFFFF  }
0x98: {  	s18 =	sld [smem:$0x3FDB];
	_ =	sdelay $0x1  }
0x99: {  	s19 =	simm.s32 $_scs_section_size  }
0x9a: {  	s4 =	simm.s32 $_size__tile_overlayer_lowered;
	s5 =	simm.s32 $_tile_overlayer_lowered  }
0x9b: {  	s22 =	simm.s32 $0x1BFF;
	s21 =	sshll.u32 s5, $0x1;
	s2 =	sadd.s32 s19, s18  }
0x9c: {  	s6 =	simm.s32 $0x0;
	s20 =	sshll.u32 s4, $0x1;
	s4 =	sadd.s32 s21, s2  }
0x9d: {  	[timem:s6], [sflag:s22] =	dma.local [hbm:s4], s20  }
0x9e: {  	_ =	swait.ge [sflag:s22], s20  }
0x9f: {  	s3 =	ssub.s32 $0x0, s20;
	[sflag:s22] =	ssyncset.done $0x0  }
0xa0: {  	[sflag:s22] =	ssyncadd.s32 s3;
	_ =	sdelay $0x1  }
0xa1: {  	s23 =	simm.s32 $0x1B8B  }
0xa2: {  	_ =	swait.ge [sflag:s23], $0x1  }
0xa3: {  	[sflag:s23] =	ssyncset.done $0x0  }
0xa4: {  	s25 =	simm.s32 $0x1B8E;
	s24 =	sld [smem:$0x3FFE];
	[sflag:s23] =	ssyncadd.s32 $0xFFFFFFFF  }
0xa5: {  	s26 =	simm.s32 $execute0_lowered;
	[smem:$0x3FD2] =	sst s25  }
0xa6: {  	s4 =	sshll.u32 s26, $0x1;
	_ =	strace $0x80000046;
	[dreg:$0x1] =	wrdreg $0xFFFFFFFF  }
0xa7: {  	s28 =	simm.s32 $_size_execute0_lowered;
	s2 =	sadd.s32 s2, s4;
	[dreg:$0x0] =	wrdreg $0x0  }
0xa8: {  	s4 =	sshll.u32 s28, $0x1;
	[dreg:$0x2] =	wrdreg s2  }
0xa9: {  	[dreg:$0x3] =	wrdreg s4  }
0xaa: {  	[dreg:$0x4] =	wrdreg $0xC0  }
0xab: {  	_ =	task [dreg:s6], $0x5FFFF  }
0xac: {  	[dreg:$0x1] =	wrdreg $0xFFFFFFFF  }
0xad: {  	[dreg:$0x0] =	wrdreg $0x60  }
0xae: {  	[dreg:$0x2] =	wrdreg s24  }
0xaf: {  	[dreg:$0x3] =	wrdreg $0x90000  }
0xb0: {  	[dreg:$0x4] =	wrdreg $0xA  }
0xb1: {  	_ =	task.clear_ibuf [dreg:s6], $0x5FFFF;
	_ =	strace $0x90000046  }
0xb2: {  	s29 =	simm.s32 $0xA;
	_ =	strace $0x80000048  }
0xb3: {  	_ =	swait.ge [sflag:s29], $0x1  }
0xb4: {  	[sflag:s29] =	ssyncadd.s32 $0xFFFFFFFF  }
0xb5: {  	_ =	strace $0x90000048  }
0xb6: {  	_ =	sfence  }
0xb7: {  	s30 =	sld [smem:$0x0];
	_ =	sdelay $0x2  }
0xb8: {  	s31 =	sshll.u32 s1, $0xD;
	s1 =	sshrl.u32 s1, $0x2  }
0xb9: {  	s3 =	sand.u32 $0x4000, s31;
	s1 =	sadd.s32 s1, s30  }
0xba: {  	s0 =	sor.u32 s3, s0;
	s1 =	sshll.u32 s1, $0x11  }
0xbb: {  	s0 =	sor.u32 s1, s0  }
0xbc: {  	s0 =	sadd.s32 $0x8F2B, s0  }
0xbd: {  	[sflag:s0] =	ssyncadd.remote.s32 $0x1  }
0xbe: {  	_ =	sfence.sel $0xFFFF  }
0xbf: {  	[dreg:$0x0] =	wrdreg $0xFFFFFFFF;
	(pc) =	sbr.abs _section_cstart, $3  }
0xc0: {  	[dreg:$0x1] =	wrdreg $0xFFFFFFFF  }
0xc1: {  	_ =	task.clear_ibuf [dreg:s6], $0x2FFFF;
	_ =	strace $0x9FFFFFFF  }
0xc2: {  	(tm) =	ssettm $0x7FFFFFFF  }
0xc3: {  	_ =	shalt  }
tec
execute0_lowered:
.L_overlay_start_1:
0x0: {  	(tag) =	ssettag $0x1  }
0x1: {  	s6 =	rddreg [dreg:$0x0];
	s0 =	stileid.u32  }
0x2: {  	s1 =	srdreg.scid;
	s2 =	rddreg [dreg:$0x1]  }
0x3: {  	s3 =	simm.s32 $0x0;
	s13 =	simm.s32 $0x80;
	s4 =	smul.u32 $0x500, s0  }
0x4: {  	s12 =	sand.u32 $0x1, s1;
	s1 =	rddreg [dreg:$0x2];
	s7 =	smul.u32 $0x13C00, s0  }
0x5: {  	s14 =	simm.s32 $0x0;
	[smem:$0x7FF] =	sst s3;
	s9 =	smul.u32 $0x4F000, s0  }
0x6: {  	s31 =	sshll.u32 s0, $0x6;
	s5 =	smul.u32 $0x13C000, s12;
	_ =	strace $0x80000047  }
0x7: {  	s10 =	ssub.s32 $0x2, s12;
	v0 =	vmov s12;
	s12 =	simm.s32 $0x5000;
	s8 =	sadd.s32 s4, s6  }
0x8: {  	s4 =	sadd.s32 $0x8800, s6;
	s26 =	sshrl.u32 s10, $0x1;
	s28 =	sshrl.u32 s9, $0x2  }
0x9: {  	s7 =	sadd.s32 s7, s5;
	s5 =	sadd.s32 $0xB000, s6;
	s29 =	ssub.s32 s10, s26  }
0xa: {  	s30 =	sadd.s32 s28, s2;
	s7 =	sshrl.u32 s7, $0x3;
	s9 =	smax.u32 s29, $0x1  }
0xb: {  	s10 =	sshrl.u32 s30, $0x3;
	s11 =	sadd.s32 s7, s6;
	s6 =	sor.u32 $0x1C01, s31  }
0xc: {  	s7 =	sadd.s32 $0x3800, s8;
	s8 =	sadd.s32 $0xB800, s11;
	s11 =	simm.s32 $0x1  }
.LBB2_1:
0xd: {  	[spmem:s10], [sflag:s6] =	dma.local [hbm:s4], $0x2780  }
0xe: {  	_ =	swait.ge [sflag:s11], $0x2780  }
0xf: {  	[sflag:s11] =	ssyncset.done $0x0  }
0x10: {  	[sflag:s11] =	ssyncadd.s32 $0xFFFFD880  }
0x11: {  	[tilespmem:s12], [sflag:$0x1] =	stream.linear.gather [hbm4b:s5+s3], $0x4000, $0x38;
	[tilespmem:$0x1CC00] =	vst v63  }
0x12: {  	_ =	swait.ge [sflag:s11], $0x4000  }
0x13: {  	[sflag:s11] =	ssyncset.done $0x0  }
0x14: {  	[sflag:s11] =	ssyncadd.s32 $0xFFFFC000  }
0x15: {  	[tilespmem:s3], [sflag:$0x1] =	stream.linear.gather [hbm4b:s7+s3], $0x2780, $0x38;
	[tilespmem:$0x1CC00] =	vst v63  }
0x16: {  	_ =	swait.ge [sflag:s11], $0x2780  }
0x17: {  	[sflag:s11] =	ssyncset.done $0x0  }
0x18: {  	s15 =	simm.s32 $0x0;
	[sflag:s11] =	ssyncadd.s32 $0xFFFFD880  }
0x19: {  	v1 =	vld [tilespmem:s15+$0x70]  }
0x1a: {  	v2 =	vld [tilespmem:s15+$0x0]  }
0x1b: {  	v3 =	vld [tilespmem:s15+$0x10]  }
0x1c: {  	v4 =	vld [tilespmem:s15+$0x20]  }
0x1d: {  	v5 =	vld [tilespmem:s15+$0x30]  }
0x1e: {  	v8 =	vld [tilespmem:s15+$0x40]  }
0x1f: {  	v9 =	vld [tilespmem:s15+$0x50];
	v6 =	vshrl.u32 v1, $0xE;
	v7 =	vshra.s32 v1, $0x1C;
	v1 =	vand.u32 $0x3F, v1  }
0x20: {  	v10 =	vshrl.u32 v2, $0xE;
	v11 =	vshra.s32 v2, $0x1C;
	v12 =	vand.u32 $0x3F, v2  }
0x21: {  	v13 =	vshrl.u32 v3, $0xE;
	v16 =	vshra.s32 v3, $0x1C;
	v17 =	vand.u32 $0x3F, v3  }
0x22: {  	v18 =	vshrl.u32 v4, $0xE;
	v19 =	vshra.s32 v4, $0x1C;
	v20 =	vand.u32 $0x3F, v4  }
0x23: {  	v21 =	vshrl.u32 v5, $0xE;
	v22 =	vshra.s32 v5, $0x1C;
	v23 =	vand.u32 $0x3F, v5  }
0x24: {  	v24 =	vshrl.u32 v8, $0xE;
	v25 =	vshra.s32 v8, $0x1C;
	v5 =	vshra.s32 v9, $0x1C  }
0x25: {  	v2 =	vand.u32 $0x3F, v9;
	v6 =	vand.u32 $0x3FFF, v6;
	vm0 =	veq.s32 v7, v0  }
0x26: {  	v1 =	vadd.s32 $0x2710, v1;
	v7 =	vshrl.u32 v9, $0xE;
	v9 =	vand.u32 $0x3FFF, v10  }
0x27: {  	v14 =	vadd.s32 $0x2710, v12;
	v10 =	vand.u32 $0x3FFF, v13;
	v15 =	vsel vm0, v6, v1;
	v1 =	vld [tilespmem:s15+$0x60]  }
0x28: {  	vm2 =	veq.s32 v16, v0;
	v13 =	vadd.s32 $0x2710, v17;
	vm1 =	veq.s32 v19, v0  }
0x29: {  	v12 =	vand.u32 $0x3FFF, v21;
	vm3 =	veq.s32 v22, v0;
	v16 =	vand.u32 $0x3FFF, v24  }
0x2a: {  	vm4 =	veq.s32 v25, v0;
	v6 =	vand.u32 $0x3F, v8;
	vm0 =	veq.s32 v11, v0  }
0x2b: {  	v8 =	vand.u32 $0x3FFF, v18;
	v11 =	vadd.s32 $0x2710, v20;
	[tilespmem:s15+$0x2870] =	vst v15;
	v15 =	vadd.s32 $0x2710, v23  }
0x2c: {  	s16 =	simm.s32 $0x80;
	s17 =	simm.s32 $0x400;
	v3 =	vshrl.u32 v1, $0xE;
	v4 =	vshra.s32 v1, $0x1C;
	v1 =	vand.u32 $0x3F, v1  }
.LBB2_2:
0x2d: {  	p0 =	sne.s32 s17, $0x9C00;
	v17 =	vld [tilespmem:s16+$0x70];
	v6 =	vadd.s32 $0x2710, v6;
	v7 =	vand.u32 $0x3FFF, v7;
	vm5 =	veq.s32 v5, v0  }
0x2e: {  	v2 =	vadd.s32 $0x2710, v2;
	v3 =	vand.u32 $0x3FFF, v3;
	vm6 =	veq.s32 v4, v0;
	v5 =	vld [tilespmem:s16+$0x0]  }
0x2f: {  	v9 =	vsel vm0, v9, v14;
	v10 =	vsel vm2, v10, v13;
	v1 =	vadd.s32 $0x2710, v1;
	v4 =	vld [tilespmem:s16+$0x10]  }
0x30: {  	v8 =	vsel vm1, v8, v11;
	v6 =	vsel vm4, v16, v6;
	v13 =	vld [tilespmem:s16+$0x20];
	[tilespmem:s15+$0x2800] =	vst v9;
	v9 =	vsel vm3, v12, v15  }
0x31: {  	v2 =	vsel vm5, v7, v2;
	v1 =	vsel vm6, v3, v1;
	v11 =	vld [tilespmem:s16+$0x30];
	[tilespmem:s15+$0x2810] =	vst v10  }
0x32: {  	v3 =	vld [tilespmem:s16+$0x40];
	v7 =	vshrl.u32 v17, $0xE;
	v10 =	vshra.s32 v17, $0x1C;
	v12 =	vand.u32 $0x3F, v17;
	[tilespmem:s15+$0x2820] =	vst v8  }
0x33: {  	v8 =	vld [tilespmem:s16+$0x50];
	v7 =	vand.u32 $0x3FFF, v7;
	vm0 =	veq.s32 v10, v0;
	v10 =	vadd.s32 $0x2710, v12;
	[tilespmem:s15+$0x2830] =	vst v9  }
0x34: {  	v9 =	vshrl.u32 v5, $0xE;
	v12 =	vshra.s32 v5, $0x1C;
	v14 =	vld [tilespmem:s16+$0x60];
	v7 =	vsel vm0, v7, v10;
	[tilespmem:s15+$0x2840] =	vst v6  }
0x35: {  	v10 =	vand.u32 $0x3F, v5;
	v15 =	vshrl.u32 v4, $0xE;
	v16 =	vshra.s32 v4, $0x1C;
	[tilespmem:s16+$0x2870] =	vst v7  }
0x36: {  	v17 =	vand.u32 $0x3F, v4;
	v18 =	vshrl.u32 v13, $0xE;
	v19 =	vshra.s32 v13, $0x1C;
	[tilespmem:s15+$0x2850] =	vst v2  }
0x37: {  	v20 =	vand.u32 $0x3F, v13;
	v21 =	vshrl.u32 v11, $0xE;
	v22 =	vshra.s32 v11, $0x1C;
	[tilespmem:s15+$0x2860] =	vst v1;
	s15 =	smov.u32 s16  }
0x38: {  	v23 =	vand.u32 $0x3F, v11;
	v24 =	vshrl.u32 v3, $0xE;
	v25 =	vshra.s32 v3, $0x1C  }
0x39: {  	v6 =	vand.u32 $0x3F, v3;
	v7 =	vshrl.u32 v8, $0xE;
	v5 =	vshra.s32 v8, $0x1C  }
0x3a: {  	v2 =	vand.u32 $0x3F, v8;
	v3 =	vshrl.u32 v14, $0xE;
	v4 =	vshra.s32 v14, $0x1C  }
.Ltmp0:
0x3b: {  	v9 =	vand.u32 $0x3FFF, v9;
	vm0 =	veq.s32 v12, v0;
	v1 =	vand.u32 $0x3F, v14;
	(pc) =	sbr.rel @p0 .LBB2_2-.Ltmp0, $4  }
0x3c: {  	vm2 =	veq.s32 v16, v0;
	v14 =	vadd.s32 $0x2710, v10;
	v10 =	vand.u32 $0x3FFF, v15  }
0x3d: {  	v13 =	vadd.s32 $0x2710, v17;
	vm1 =	veq.s32 v19, v0;
	v8 =	vand.u32 $0x3FFF, v18  }
0x3e: {  	v11 =	vadd.s32 $0x2710, v20;
	v12 =	vand.u32 $0x3FFF, v21;
	vm3 =	veq.s32 v22, v0  }
0x3f: {  	s16 =	sshra.s32 s17, $0x2;
	s17 =	sadd.s32 $0x200, s17;
	v16 =	vand.u32 $0x3FFF, v24;
	vm4 =	veq.s32 v25, v0;
	v15 =	vadd.s32 $0x2710, v23  }
0x40: {  	v17 =	vld [tilespmem:s16+$0x70]  }
0x41: {  	v18 =	vld [tilespmem:s16+$0x0];
	v6 =	vadd.s32 $0x2710, v6;
	v7 =	vand.u32 $0x3FFF, v7;
	v9 =	vsel vm0, v9, v14  }
0x42: {  	v19 =	vld [tilespmem:s16+$0x10];
	vm15 =	veq.s32 v5, v0;
	v2 =	vadd.s32 $0x2710, v2;
	v3 =	vand.u32 $0x3FFF, v3  }
0x43: {  	v36 =	vld [tilespmem:s16+$0x20];
	vm5 =	veq.s32 v4, v0;
	v37 =	vsel vm2, v10, v13;
	v1 =	vadd.s32 $0x2710, v1  }
0x44: {  	v8 =	vsel vm1, v8, v11;
	v39 =	vsel vm3, v12, v15;
	v6 =	vsel vm4, v16, v6  }
0x45: {  	v2 =	vsel vm15, v7, v2;
	v1 =	vsel vm5, v3, v1;
	v40 =	vshrl.u32 v17, $0xE  }
0x46: {  	v41 =	vshra.s32 v17, $0x1C;
	v42 =	vand.u32 $0x3F, v17;
	v44 =	vshrl.u32 v18, $0xE  }
0x47: {  	[tilespmem:s15+$0x2800] =	vst v9;
	v45 =	vshra.s32 v18, $0x1C;
	v46 =	vand.u32 $0x3F, v18;
	v48 =	vshrl.u32 v19, $0xE  }
0x48: {  	v38 =	vld [tilespmem:s16+$0x30];
	v49 =	vshra.s32 v19, $0x1C;
	v50 =	vand.u32 $0x3F, v19;
	v51 =	vshrl.u32 v36, $0xE  }
0x49: {  	[tilespmem:s15+$0x2810] =	vst v37;
	v52 =	vshra.s32 v36, $0x1C;
	v14 =	vand.u32 $0x3F, v36;
	v4 =	vand.u32 $0x3FFF, v40  }
0x4a: {  	v3 =	vld [tilespmem:s16+$0x40];
	vm8 =	veq.s32 v41, v0;
	v43 =	vadd.s32 $0x2710, v42;
	vm9 =	veq.s32 v45, v0  }
0x4b: {  	[tilespmem:s15+$0x2820] =	vst v8;
	vm10 =	veq.s32 v49, v0;
	v10 =	vand.u32 $0x3FFF, v44;
	v58 =	vadd.s32 $0x2710, v46  }
0x4c: {  	v8 =	vld [tilespmem:s16+$0x50];
	v59 =	vand.u32 $0x3FFF, v48;
	v60 =	vadd.s32 $0x2710, v50;
	vm11 =	veq.s32 v52, v0  }
0x4d: {  	[tilespmem:s15+$0x2830] =	vst v39;
	v14 =	vadd.s32 $0x2710, v14;
	v4 =	vsel vm8, v4, v43;
	v53 =	vshrl.u32 v38, $0xE  }
0x4e: {  	v47 =	vld [tilespmem:s16+$0x60];
	v54 =	vshra.s32 v38, $0x1C;
	v5 =	vand.u32 $0x3F, v38;
	v7 =	vsel vm10, v59, v60  }
0x4f: {  	[tilespmem:s15+$0x2840] =	vst v6;
	v20 =	vshrl.u32 v3, $0xE;
	v21 =	vshra.s32 v3, $0x1C;
	v3 =	vand.u32 $0x3F, v3  }
0x50: {  	[tilespmem:s16+$0x2870] =	vst v4;
	vm12 =	veq.s32 v54, v0;
	v4 =	vsel vm9, v10, v58;
	v5 =	vadd.s32 $0x2710, v5  }
0x51: {  	v22 =	vshrl.u32 v8, $0xE;
	v55 =	vshra.s32 v8, $0x1C;
	v8 =	vand.u32 $0x3F, v8;
	[tilespmem:s15+$0x2850] =	vst v2  }
0x52: {  	v2 =	vand.u32 $0x3FFF, v51;
	[tilespmem:s15+$0x2860] =	vst v1;
	v1 =	vand.u32 $0x3FFF, v53;
	v61 =	vand.u32 $0x3FFF, v20  }
0x53: {  	vm13 =	veq.s32 v21, v0;
	v3 =	vadd.s32 $0x2710, v3;
	v56 =	vshrl.u32 v47, $0xE;
	[tilespmem:s16+$0x2800] =	vst v4  }
0x54: {  	v57 =	vshra.s32 v47, $0x1C;
	v11 =	vand.u32 $0x3F, v47;
	v2 =	vsel vm11, v2, v14;
	[tilespmem:s16+$0x2810] =	vst v7  }
0x55: {  	v62 =	vand.u32 $0x3FFF, v22;
	vm14 =	veq.s32 v55, v0;
	v1 =	vsel vm12, v1, v5;
	[tilespmem:s16+$0x2820] =	vst v2  }
0x56: {  	v3 =	vsel vm13, v61, v3;
	v2 =	vadd.s32 $0x2710, v8;
	v63 =	vand.u32 $0x3FFF, v56;
	[tilespmem:s16+$0x2830] =	vst v1  }
0x57: {  	vm15 =	veq.s32 v57, v0;
	v1 =	vadd.s32 $0x2710, v11;
	[tilespmem:s16+$0x2840] =	vst v3;
	v2 =	vsel vm14, v62, v2  }
0x58: {  	v1 =	vsel vm15, v63, v1;
	[tilespmem:s16+$0x2850] =	vst v2  }
0x59: {  	[tilespmem:s16+$0x2860] =	vst v1  }
0x5a: {  	s31 =	simm.s32 $0x2800;
	[bflag:$0x0] =	sbarrier.arrive $0xFFFF  }
0x5b: {  	[spmem:s2] =	stream.indirect.scatter.add.f32 [tilespmem:s12], [sflag:$0x1], $0x80, s31, s13, $0xb8;
	[tilespmem:$0x1CC00] =	vst v63  }
0x5c: {  	s15 =	simm.s32 $0x200;
	_ =	swait.ge [sflag:s11], $0x4000  }
.LBB2_4:
0x5d: {  	s16 =	sshra.s32 s15, $0x2;
	[sflag:s11] =	ssyncset.done $0x0;
	p0 =	sne.s32 s15, $0x9C00  }
.Ltmp1:
0x5e: {  	s16 =	sadd.s32 $0x2800, s16;
	[sflag:s11] =	ssyncadd.s32 $0xFFFFC000;
	(pc) =	sbr.rel @p0 .LBB2_4-.Ltmp1, $3  }
0x5f: {  	[spmem:s2] =	stream.indirect.scatter.add.f32 [tilespmem:s12], [sflag:$0x1], $0x80, s16, s13, $0xb8;
	[tilespmem:$0x1CC00] =	vst v63  }
0x60: {  	s15 =	sadd.s32 $0x200, s15;
	_ =	sdelay $0x1  }
0x61: {  	_ =	swait.ge [sflag:s11], $0x4000  }
0x62: {  	[sflag:s11] =	ssyncset.done $0x0;
	s14 =	sadd.s32 $0x1, s14  }
0x63: {  	[sflag:s11] =	ssyncadd.s32 $0xFFFFC000;
	p0 =	sne.s32 s14, s9  }
.Ltmp2:
0x64: {  	[bflag:$0x0] =	sbarrier.arrive $0xFFFF;
	(pc) =	sbr.rel @p0 .LBB2_1-.Ltmp2, $4  }
0x65: {  	[hbm:s8], [sflag:s6] =	dma.local [spmem:s10], $0x2780  }
0x66: {  	_ =	swait.ge [sflag:s11], $0x2780  }
0x67: {  	[sflag:s11] =	ssyncset.done $0x0  }
0x68: {  	[sflag:s11] =	ssyncadd.s32 $0xFFFFD880  }
0x69: {  	_ =	sfence.sel $0x180000  }
0x6a: {  	[bflag:$0x0] =	sbarrier.arrive $0xFFFF  }
0x6b: {  	p0 =	sne.s32 s0, $0x0;
	_ =	strace $0x90000047  }
0x6c: {  	s0 =	sadd.s32 @!p0 $0x100000, s1;
	[bflag:$0x2] =	sbarrier.arrive $0xFFFF  }
0x6d: {  	[sflag:s0] =	ssyncadd.tile.s32 @!p0 $0x1;
	_ =	shalt  }
.Lfunc_end2:
_tile_overlayer_lowered:
.L_overlay_start_2:
0x6e: {  	(tag) =	ssettag $0x2  }
0x6f: {  	s0 =	rddreg [dreg:$0x0];
	s2 =	stileid.u32  }
0x70: {  	s1 =	rddreg [dreg:$0x1];
	p0 =	sne.s32 s2, $0x0  }
0x71: {  	s3 =	rddreg [dreg:$0x2];
	[bflag:$0x3] =	sbarrier.arrive $0xFFFF;
	s2 =	simm.s32 @!p0 $0x1C01  }
0x72: {  	[timem:s3], [sflag:s2] =	dma.local @!p0 [hbm:s0], s1  }
0x73: {  	s0 =	simm.s32 @!p0 $0x1  }
0x74: {  	_ =	swait.ge @!p0 [sflag:s0], s1  }
0x75: {  	s1 =	ssub.s32 @!p0 $0x0, s1;
	[sflag:s0] =	ssyncset.done @!p0 $0x0  }
0x76: {  	[sflag:s0] =	ssyncadd.s32 @!p0 s1  }
0x77: {  	[bflag:$0x3] =	sbarrier.arrive $0xFFFF  }
0x78: {  	_ =	shalt  }

// kernel: kernel.15.cloned.1.call-start
scs
__scs_entry_jumppad:
0x0: {  	(pc) =	sbr.rel $0x88, $3  }
0x1: {  	(tag) =	ssettag $0x0;
	lr =	simm.s32 $0x1  }
0x2: {  	[smem:$0x3F8F] =	sst lr;
	_ =	strace $0xD0000000  }
0x3: {  	_ = 	snop  }
0x4: {  	_ = 	snop  }
0x5: {  	_ = 	snop  }
0x6: {  	_ = 	snop  }
0x7: {  	_ = 	snop  }
__scs_overlays_trampoline_lowered:
0x8: {  	[smem:$0x3F9E] =	sst s0  }
0x9: {  	[smem:$0x3F9F] =	sst s1  }
0xa: {  	[smem:$0x3FA0] =	sst s2  }
0xb: {  	[smem:$0x3FA1] =	sst s3  }
0xc: {  	[smem:$0x3FA2] =	sst s4  }
0xd: {  	[smem:$0x3FA3] =	sst s5  }
0xe: {  	[smem:$0x3FA4] =	sst s6  }
0xf: {  	[smem:$0x3FA5] =	sst s7  }
0x10: {  	[smem:$0x3FA6] =	sst s8  }
0x11: {  	[smem:$0x3FA7] =	sst s9;
	s0 =	simm.s32 @!p0 $0x0  }
0x12: {  	s1 =	sld [smem:$0x3F8D];
	s0 =	simm.s32 @p0 $0x1  }
0x13: {  	[smem:$0x3FA8] =	sst s0;
	s0 =	simm.s32 @!p1 $0x0  }
0x14: {  	s2 =	sld [smem:$0x3F8C];
	s0 =	simm.s32 @p1 $0x1  }
0x15: {  	[smem:$0x3FA9] =	sst s0;
	s0 =	simm.s32 @!p2 $0x0  }
0x16: {  	s3 =	sld [smem:$0x3FDB];
	s0 =	simm.s32 @p2 $0x1  }
0x17: {  	s4 =	simm.s32 $0x1BF5;
	[smem:$0x3FAB] =	sst s0  }
0x18: {  	s0 =	sld [smem:$0x3F8E];
	_ =	swait.ge [sflag:s4], $0x0  }
0x19: {  	s7 =	sld [smem:$0x3F8F]  }
0x1a: {  	s8 =	sadd.s32 $0xFFFFE003, lr  }
0x1b: {  	s9 =	sadd.s32 $0xFFFFFEF7, lr;
	s5 =	simm.s32 $0xFFFFFFFF;
	p2 =	slt.u32 s8, $0xFFFFF086  }
0x1c: {  	p1 =	slt.u32 s9, $0xF7A;
	s5 =	simm.s32 @!p2 $0x0  }
0x1d: {  	s5 =	simm.s32 @p1 $0x1;
	p0 =	seq.s32 s7, s2  }
0x1e: {  	s7 =	smul.u32 @!p0 $0xF7A, s2;
	p2 =	seq.s32 @!p0 s5, $0x0  }
0x1f: {  	s9 =	smul.u32 $0xF7A, s1;
	s8 =	simm.s32 @!p0 $0x1BF5;
	p2 =	por !p2, p0  }
0x20: {  	[sflag:s8] =	ssyncset.s32 @!p0 $0xFFFFF086;
	s6 =	sadd.s32 @!p0 s3, s7;
	s7 =	simm.s32 @!p0 $0x108  }
0x21: {  	s3 =	sadd.s32 s3, s9;
	s6 =	sadd.s32 @!p0 $0x88, s6;
	s7 =	simm.s32 @p2 $0x1082  }
0x22: {  	[simem:s7], [sflag:s8] =	dma.local @!p0 [hbm:s6], $0xF7A  }
0x23: {  	s9 =	sor.u32 $0xD0000000, s2;
	s6 =	simm.s32 $0x108;
	_ =	swait.ge @!p0 [sflag:s8], $0x0  }
0x24: {  	s3 =	sadd.s32 $0x88, s3;
	s6 =	simm.s32 @!p1 $0x1082;
	[sflag:s4] =	ssyncset.s32 $0xFFFFF086  }
0x25: {  	[simem:s6], [sflag:s4] =	dma.local [hbm:s3], $0xF7A  }
0x26: {  	[smem:$0x3F8F] =	sst s1;
	(tag) =	ssettag s2;
	_ =	strace s9  }
0x27: {  	s1 =	sld [smem:$0x3F9F]  }
0x28: {  	s2 =	sld [smem:$0x3FA0]  }
0x29: {  	s4 =	sld [smem:$0x3FA2]  }
0x2a: {  	p0 =	seq.s32 s5, $0x0;
	s5 =	sld [smem:$0x3FA3]  }
0x2b: {  	s6 =	sld [smem:$0x3FA4]  }
0x2c: {  	s7 =	sld [smem:$0x3FA5]  }
0x2d: {  	s3 =	simm.s32 $0x108;
	s8 =	sld [smem:$0x3FA6]  }
0x2e: {  	s3 =	simm.s32 @!p0 $0x1082;
	s9 =	sld [smem:$0x3FA7]  }
0x2f: {  	lr =	sadd.s32 s0, s3;
	s0 =	sld [smem:$0x3F9E]  }
0x30: {  	s3 =	sld [smem:$0x3FA1]  }
0x31: {  	[smem:$0x3FAA] =	sst s10  }
0x32: {  	s10 =	sld [smem:$0x3FA8];
	_ =	sdelay $0x3  }
0x33: {  	p0 =	seq.s32 s10, $0x1;
	s10 =	sld [smem:$0x3FAA];
	_ =	sdelay $0x3  }
0x34: {  	[smem:$0x3FAA] =	sst s10  }
0x35: {  	s10 =	sld [smem:$0x3FA9];
	_ =	sdelay $0x3  }
0x36: {  	p1 =	seq.s32 s10, $0x1;
	s10 =	sld [smem:$0x3FAA];
	_ =	sdelay $0x3  }
0x37: {  	[smem:$0x3FAA] =	sst s10  }
0x38: {  	s10 =	sld [smem:$0x3FAB]  }
0x39: {  	_ = 	snop;
	(pc) =	sbr.ind lr, $3  }
0x3a: {  	_ = 	snop  }
0x3b: {  	_ = 	snop  }
0x3c: {  	p2 =	seq.s32 s10, $0x1;
	s10 =	sld [smem:$0x3FAA]  }
0x3d: {  	_ =	shalt  }
0x3e: {  	_ =	shalt  }
0x3f: {  	_ =	shalt  }
0x40: {  	_ =	shalt  }
0x41: {  	_ =	shalt  }
0x42: {  	_ =	shalt  }
0x43: {  	_ =	shalt  }
0x44: {  	_ =	shalt  }
0x45: {  	_ =	shalt  }
0x46: {  	_ =	shalt  }
0x47: {  	_ =	shalt  }
0x48: {  	_ =	shalt  }
0x49: {  	_ =	shalt  }
0x4a: {  	_ =	shalt  }
0x4b: {  	_ =	shalt  }
0x4c: {  	_ =	shalt  }
0x4d: {  	_ =	shalt  }
0x4e: {  	_ =	shalt  }
0x4f: {  	_ =	shalt  }
0x50: {  	_ =	shalt  }
0x51: {  	_ =	shalt  }
0x52: {  	_ =	shalt  }
0x53: {  	_ =	shalt  }
0x54: {  	_ =	shalt  }
0x55: {  	_ =	shalt  }
0x56: {  	_ =	shalt  }
0x57: {  	_ =	shalt  }
0x58: {  	_ =	shalt  }
0x59: {  	_ =	shalt  }
0x5a: {  	_ =	shalt  }
0x5b: {  	_ =	shalt  }
0x5c: {  	_ =	shalt  }
0x5d: {  	_ =	shalt  }
0x5e: {  	_ =	shalt  }
0x5f: {  	_ =	shalt  }
0x60: {  	_ =	shalt  }
0x61: {  	_ =	shalt  }
0x62: {  	_ =	shalt  }
0x63: {  	_ =	shalt  }
0x64: {  	_ =	shalt  }
0x65: {  	_ =	shalt  }
0x66: {  	_ =	shalt  }
0x67: {  	_ =	shalt  }
0x68: {  	_ =	shalt  }
0x69: {  	_ =	shalt  }
0x6a: {  	_ =	shalt  }
0x6b: {  	_ =	shalt  }
0x6c: {  	_ =	shalt  }
0x6d: {  	_ =	shalt  }
0x6e: {  	_ =	shalt  }
0x6f: {  	_ =	shalt  }
0x70: {  	_ =	shalt  }
0x71: {  	_ =	shalt  }
0x72: {  	_ =	shalt  }
0x73: {  	_ =	shalt  }
0x74: {  	_ =	shalt  }
0x75: {  	_ =	shalt  }
0x76: {  	_ =	shalt  }
0x77: {  	_ =	shalt  }
0x78: {  	_ =	shalt  }
0x79: {  	_ =	shalt  }
0x7a: {  	_ =	shalt  }
0x7b: {  	_ =	shalt  }
0x7c: {  	_ =	shalt  }
0x7d: {  	_ =	shalt  }
0x7e: {  	_ =	shalt  }
0x7f: {  	_ =	shalt  }
0x80: {  	_ =	shalt  }
0x81: {  	_ =	shalt  }
0x82: {  	_ =	shalt  }
0x83: {  	_ =	shalt  }
0x84: {  	_ =	shalt  }
0x85: {  	_ =	shalt  }
0x86: {  	_ =	shalt  }
0x87: {  	_ =	shalt  }
.Lfunc_end0:
.L_simem_size_0:
called_computation.2_lowered:
.L_overlay_start_0:
0x88: {  	s2 =	sld [smem:$0x3FD9]  }
0x89: {  	s3 =	sld [smem:$0x3FFE];
	_ =	sdelay $0x1  }
0x8a: {  	s1 =	srdreg.scid  }
0x8b: {  	s0 =	sand.u32 $0x1, s1  }
0x8c: {  	s17 =	sshll.u32 s0, $0xA;
	s2 =	sadd.s32 s3, s2  }
0x8d: {  	s2 =	sadd.s32 s2, s17  }
0x8e: {  	[smem:$0x3FB6] =	sst s2  }
0x8f: {  	_ = 	snop  }
0x90: {  	s4 =	sld [smem:$0x3FC4]  }
0x91: {  	s18 =	sld [smem:$0x3FD0];
	(tm) =	ssettm $0x1  }
0x92: {  	s19 =	sld [smem:$0x3FFB];
	_ =	sdelay $0x3  }
0x93: {  	_ =	strace s19  }
0x94: {  	s2 =	sld [smem:$0x3FFC];
	_ =	sdelay $0x3  }
0x95: {  	_ =	strace s2  }
0x96: {  	s2 =	sld [smem:$0x3FFD];
	_ =	sdelay $0x3  }
0x97: {  	_ =	strace s2  }
0x98: {  	_ =	strace $0x8FFFFFFF  }
0x99: {  	s20 =	sld [smem:$0x3FDB];
	_ =	sdelay $0x1  }
0x9a: {  	s5 =	simm.s32 $_scs_section_size  }
0x9b: {  	s6 =	simm.s32 $_size__tile_overlayer_lowered;
	s7 =	simm.s32 $_tile_overlayer_lowered  }
0x9c: {  	s8 =	simm.s32 $0x1BFF;
	s21 =	sshll.u32 s7, $0x1;
	s5 =	sadd.s32 s5, s20  }
0x9d: {  	s22 =	simm.s32 $0x0;
	s6 =	sshll.u32 s6, $0x1;
	s7 =	sadd.s32 s21, s5  }
0x9e: {  	[timem:s22], [sflag:s8] =	dma.local [hbm:s7], s6  }
0x9f: {  	_ =	swait.ge [sflag:s8], s6  }
0xa0: {  	s6 =	ssub.s32 $0x0, s6;
	[sflag:s8] =	ssyncset.done $0x0  }
0xa1: {  	[sflag:s8] =	ssyncadd.s32 s6;
	_ =	sdelay $0x1  }
0xa2: {  	s23 =	simm.s32 $0x1B8B  }
0xa3: {  	_ =	swait.ge [sflag:s23], $0x1  }
0xa4: {  	[sflag:s23] =	ssyncset.done $0x0  }
0xa5: {  	[sflag:s23] =	ssyncadd.s32 $0xFFFFFFFF  }
0xa6: {  	s6 =	sld [smem:$0x0]  }
0xa7: {  	s7 =	sand.u32 $0xFFFFFFFE, s1  }
0xa8: {  	p0 =	sne.s32 s1, s7  }
0xa9: {  	s7 =	sshll.u32 @p0 s7, $0xE  }
0xaa: {  	s7 =	sadd.s32 @p0 $0x11B8D, s7;
	s8 =	sshll.u32 @p0 s6, $0x11  }
0xab: {  	s7 =	sor.u32 @p0 s8, s7  }
0xac: {  	[sflag:s7] =	ssyncadd.remote.s32 @p0 $0x1;
	_ =	sdelay $0x1  }
0xad: {  	s7 =	simm.s32 @p0 $0x1B8D  }
0xae: {  	_ =	swait.eq @p0 [sflag:s7], $0x1  }
0xaf: {  	[sflag:s7] =	ssyncadd.s32 @p0 $0xFFFFFFFF  }
0xb0: {  	s8 =	sshll.u32 @!p0 s1, $0xE  }
0xb1: {  	s8 =	sor.u32 @!p0 $0x4000, s8;
	s7 =	simm.s32 @!p0 $0x1B8D  }
0xb2: {  	s6 =	sshll.u32 @!p0 s6, $0x11;
	s8 =	sadd.s32 @!p0 $0x11B8D, s8;
	_ =	swait.eq @!p0 [sflag:s7], $0x1  }
0xb3: {  	s6 =	sor.u32 @!p0 s6, s8;
	[sflag:s7] =	ssyncadd.s32 @!p0 $0xFFFFFFFF  }
0xb4: {  	s25 =	simm.s32 $0x1B8E;
	s24 =	sld [smem:$0x3FFE];
	[sflag:s6] =	ssyncadd.remote.s32 @!p0 $0x1  }
0xb5: {  	s26 =	simm.s32 $execute0_lowered;
	[smem:$0x3FD2] =	sst s25  }
0xb6: {  	s7 =	sshll.u32 s26, $0x1;
	_ =	strace $0x80000049;
	[dreg:$0x1] =	wrdreg $0xFFFFFFFF  }
0xb7: {  	s28 =	simm.s32 $_size_execute0_lowered;
	s5 =	sadd.s32 s5, s7;
	[dreg:$0x0] =	wrdreg $0x0  }
0xb8: {  	s7 =	sshll.u32 s28, $0x1;
	[dreg:$0x2] =	wrdreg s5  }
0xb9: {  	[dreg:$0x3] =	wrdreg s7  }
0xba: {  	[dreg:$0x4] =	wrdreg $0xC0  }
0xbb: {  	_ =	task [dreg:s22], $0x5FFFF  }
0xbc: {  	[dreg:$0x1] =	wrdreg $0xFFFFFFFF  }
0xbd: {  	[dreg:$0x0] =	wrdreg $0x60  }
0xbe: {  	[dreg:$0x2] =	wrdreg s4  }
0xbf: {  	[dreg:$0x3] =	wrdreg s24  }
0xc0: {  	[dreg:$0x4] =	wrdreg s18  }
0xc1: {  	[dreg:$0x5] =	wrdreg $0xAA000  }
0xc2: {  	[dreg:$0x6] =	wrdreg $0xB  }
0xc3: {  	_ =	task.clear_ibuf [dreg:s22], $0x7FFFF;
	_ =	strace $0x90000049  }
0xc4: {  	s29 =	simm.s32 $0xB;
	_ =	strace $0x8000004B  }
0xc5: {  	_ =	swait.ge [sflag:s29], $0x1  }
0xc6: {  	[sflag:s29] =	ssyncadd.s32 $0xFFFFFFFF  }
0xc7: {  	_ =	strace $0x9000004B  }
0xc8: {  	_ =	sfence  }
0xc9: {  	s30 =	sld [smem:$0x0];
	_ =	sdelay $0x2  }
0xca: {  	s31 =	sshll.u32 s1, $0xD;
	s1 =	sshrl.u32 s1, $0x2  }
0xcb: {  	s4 =	sand.u32 $0x4000, s31;
	s1 =	sadd.s32 s1, s30  }
0xcc: {  	s0 =	sor.u32 s4, s0;
	s1 =	sshll.u32 s1, $0x11  }
0xcd: {  	s0 =	sor.u32 s1, s0  }
0xce: {  	s0 =	sadd.s32 $0x8F2B, s0  }
0xcf: {  	[sflag:s0] =	ssyncadd.remote.s32 $0x1  }
0xd0: {  	_ =	sfence.sel $0xFFFF  }
0xd1: {  	[dreg:$0x0] =	wrdreg $0xFFFFFFFF;
	(pc) =	sbr.abs _section_cstart, $3  }
0xd2: {  	[dreg:$0x1] =	wrdreg $0xFFFFFFFF  }
0xd3: {  	_ =	task.clear_ibuf [dreg:s22], $0x2FFFF;
	_ =	strace $0x9FFFFFFF  }
0xd4: {  	(tm) =	ssettm $0x7FFFFFFF  }
0xd5: {  	_ =	shalt  }
tec
execute0_lowered:
.L_overlay_start_1:
0x0: {  	(tag) =	ssettag $0x1  }
0x1: {  	s1 =	rddreg [dreg:$0x0]  }
0x2: {  	s5 =	rddreg [dreg:$0x1]  }
0x3: {  	s8 =	rddreg [dreg:$0x2]  }
0x4: {  	s3 =	rddreg [dreg:$0x3]  }
0x5: {  	s0 =	rddreg [dreg:$0x4]  }
0x6: {  	s2 =	stileid.u32;
	s7 =	srdreg.scid;
	s4 =	simm.s32 $0x0  }
0x7: {  	s14 =	simm.s32 $0x2A00;
	s15 =	simm.s32 $0x2880;
	s16 =	simm.s32 $0x6A00  }
0x8: {  	s17 =	simm.s32 $0x1;
	s18 =	simm.s32 $0x2900;
	s6 =	smul.u32 $0x500, s2  }
0x9: {  	s20 =	simm.s32 $0x2980;
	s21 =	simm.s32 $0x0;
	s28 =	smul.u32 $0x4F000, s2  }
0xa: {  	s19 =	sand.u32 $0x1, s7;
	[smem:$0x7FF] =	sst s4;
	s12 =	smul.u32 $0x13C00, s2  }
0xb: {  	s30 =	sshll.u32 s2, $0x6;
	s9 =	ssub.s32 $0x2, s19;
	s10 =	smul.u32 $0x13C000, s19  }
0xc: {  	_ =	strace $0x8000004A;
	v0 =	vmov s19;
	s19 =	simm.s32 $0x2;
	s11 =	sshrl.u32 s9, $0x1  }
0xd: {  	s13 =	sadd.s32 s6, s5;
	s5 =	sadd.s32 $0x8800, s5;
	s29 =	sshrl.u32 s28, $0x2  }
0xe: {  	s6 =	sor.u32 $0x1C03, s30;
	s9 =	ssub.s32 s9, s11;
	s10 =	sadd.s32 s12, s10  }
0xf: {  	s31 =	sadd.s32 s29, s3;
	s7 =	sadd.s32 $0x3800, s13;
	s11 =	simm.s32 $0x3  }
0x10: {  	s12 =	simm.s32 $0x80;
	s13 =	simm.s32 $0x2800;
	s10 =	sshrl.u32 s10, $0x3  }
0x11: {  	s9 =	smax.u32 s9, $0x1;
	s8 =	sadd.s32 s8, s10;
	s10 =	sshrl.u32 s31, $0x3  }
.LBB2_1:
0x12: {  	[spmem:s10], [sflag:s6] =	dma.local [hbm:s5], $0x2780  }
0x13: {  	_ =	swait.ge [sflag:s11], $0x2780  }
0x14: {  	[sflag:s11] =	ssyncset.done $0x0  }
0x15: {  	[sflag:s11] =	ssyncadd.s32 $0xFFFFD880  }
0x16: {  	[tilespmem:s4], [sflag:$0x3] =	stream.linear.gather [hbm4b:s7+s4], $0x2780, $0x38;
	[tilespmem:$0x1E600] =	vst v63  }
0x17: {  	_ =	swait.ge [sflag:s11], $0x2780  }
0x18: {  	[sflag:s11] =	ssyncset.done $0x0  }
0x19: {  	[sflag:s11] =	ssyncadd.s32 $0xFFFFD880  }
0x1a: {  	[bflag:$0x0] =	sbarrier.arrive $0xFFFF  }
0x1b: {  	v1 =	vld [tilespmem:$0x0];
	_ =	sdelay $0x1  }
0x1c: {  	v2 =	vld [tilespmem:$0x10];
	_ =	sdelay $0x1  }
0x1d: {  	v3 =	vld [tilespmem:$0x20]  }
0x1e: {  	v4 =	vshrl.u32 v1, $0xE;
	v5 =	vshra.s32 v1, $0x1C  }
0x1f: {  	v55 =	vld [tilespmem:$0x30];
	v1 =	vand.u32 $0x3FFF, v1;
	v4 =	vand.u32 $0x3FFF, v4;
	vm0 =	veq.s32 v5, v0  }
0x20: {  	v56 =	vshrl.u32 v2, $0xE;
	v6 =	vshra.s32 v2, $0x1C;
	[tilespmem:$0x2800] =	vst v1;
	v1 =	vnsel vm0, $0x2710, v4  }
0x21: {  	v57 =	vld [tilespmem:$0x40];
	vm5 =	veq.s32 v6, v0;
	[tilespmem:$0x2900] =	vst v1;
	v1 =	vand.u32 $0x3FFF, v2;
	v2 =	vand.u32 $0x3FFF, v56  }
0x22: {  	v58 =	vshra.s32 v3, $0x1C;
	[tilespmem:$0x2810] =	vst v1;
	v1 =	vnsel vm5, $0x2710, v2;
	v2 =	vshrl.u32 v3, $0xE  }
0x23: {  	vm6 =	veq.s32 v58, v0;
	[tilespmem:$0x2910] =	vst v1;
	v1 =	vand.u32 $0x3FFF, v3;
	v2 =	vand.u32 $0x3FFF, v2;
	v3 =	vld [tilespmem:$0x50]  }
0x24: {  	v59 =	vshra.s32 v55, $0x1C;
	[tilespmem:$0x2820] =	vst v1;
	v1 =	vnsel vm6, $0x2710, v2;
	v2 =	vshrl.u32 v55, $0xE  }
0x25: {  	v60 =	vld [tilespmem:$0x60];
	vm7 =	veq.s32 v59, v0;
	[tilespmem:$0x2920] =	vst v1;
	v1 =	vand.u32 $0x3FFF, v55;
	v2 =	vand.u32 $0x3FFF, v2  }
0x26: {  	v61 =	vshra.s32 v57, $0x1C;
	[tilespmem:$0x2830] =	vst v1;
	v1 =	vnsel vm7, $0x2710, v2;
	v2 =	vshrl.u32 v57, $0xE  }
0x27: {  	v62 =	vld [tilespmem:$0x70];
	vm8 =	veq.s32 v61, v0;
	[tilespmem:$0x2930] =	vst v1;
	v1 =	vand.u32 $0x3FFF, v57;
	v2 =	vand.u32 $0x3FFF, v2  }
0x28: {  	[tilespmem:$0x2840] =	vst v1;
	v1 =	vnsel vm8, $0x2710, v2;
	v2 =	vshrl.u32 v3, $0xE;
	v63 =	vshra.s32 v3, $0x1C  }
0x29: {  	[tilespmem:$0x2940] =	vst v1;
	v1 =	vand.u32 $0x3FFF, v3;
	v2 =	vand.u32 $0x3FFF, v2;
	vm9 =	veq.s32 v63, v0  }
0x2a: {  	v3 =	vshra.s32 v60, $0x1C;
	[tilespmem:$0x2850] =	vst v1;
	v1 =	vnsel vm9, $0x2710, v2;
	v2 =	vshrl.u32 v60, $0xE  }
0x2b: {  	vm10 =	veq.s32 v3, v0;
	[tilespmem:$0x2950] =	vst v1;
	v1 =	vand.u32 $0x3FFF, v60;
	v2 =	vand.u32 $0x3FFF, v2  }
0x2c: {  	v3 =	vshra.s32 v62, $0x1C;
	[tilespmem:$0x2860] =	vst v1;
	v1 =	vnsel vm10, $0x2710, v2;
	v2 =	vshrl.u32 v62, $0xE  }
0x2d: {  	vm11 =	veq.s32 v3, v0;
	[tilespmem:$0x2960] =	vst v1;
	v1 =	vand.u32 $0x3FFF, v62;
	v2 =	vand.u32 $0x3FFF, v2  }
0x2e: {  	[tilespmem:$0x2870] =	vst v1;
	v1 =	vnsel vm11, $0x2710, v2  }
0x2f: {  	s22 =	simm.s32 $0x0;
	[tilespmem:$0x2970] =	vst v1  }
0x30: {  	[tilespmem:s14], [sflag:$0x1] =	stream.indirect.gather [hbm4b:s1+s12], $0x80, s13, s12, $0xb8;
	[tilespmem:$0x1E600] =	vst v63  }
0x31: {  	v1 =	vld [tilespmem:s22+$0x80];
	_ =	sdelay $0x4  }
0x32: {  	v2 =	vshrl.u32 v1, $0xE;
	v3 =	vshra.s32 v1, $0x1C  }
0x33: {  	v1 =	vand.u32 $0x3FFF, v1;
	v2 =	vand.u32 $0x3FFF, v2;
	vm12 =	veq.s32 v3, v0  }
0x34: {  	[tilespmem:$0x2880] =	vst v1;
	v1 =	vnsel vm12, $0x2710, v2  }
0x35: {  	[tilespmem:$0x2980] =	vst v1  }
0x36: {  	v1 =	vld [tilespmem:s22+$0x90];
	_ =	sdelay $0x4  }
0x37: {  	v2 =	vshrl.u32 v1, $0xE;
	v3 =	vshra.s32 v1, $0x1C  }
0x38: {  	v1 =	vand.u32 $0x3FFF, v1;
	v2 =	vand.u32 $0x3FFF, v2;
	vm13 =	veq.s32 v3, v0  }
0x39: {  	[tilespmem:$0x2890] =	vst v1;
	v1 =	vnsel vm13, $0x2710, v2  }
0x3a: {  	[tilespmem:$0x2990] =	vst v1  }
0x3b: {  	v1 =	vld [tilespmem:s22+$0xA0];
	_ =	sdelay $0x4  }
0x3c: {  	v2 =	vshrl.u32 v1, $0xE;
	v3 =	vshra.s32 v1, $0x1C  }
0x3d: {  	v1 =	vand.u32 $0x3FFF, v1;
	v2 =	vand.u32 $0x3FFF, v2;
	vm14 =	veq.s32 v3, v0  }
0x3e: {  	[tilespmem:$0x28A0] =	vst v1;
	v1 =	vnsel vm14, $0x2710, v2  }
0x3f: {  	[tilespmem:$0x29A0] =	vst v1  }
0x40: {  	v1 =	vld [tilespmem:s22+$0xB0];
	_ =	sdelay $0x4  }
0x41: {  	v2 =	vshrl.u32 v1, $0xE;
	v3 =	vshra.s32 v1, $0x1C  }
0x42: {  	v1 =	vand.u32 $0x3FFF, v1;
	v2 =	vand.u32 $0x3FFF, v2;
	vm15 =	veq.s32 v3, v0  }
0x43: {  	[tilespmem:$0x28B0] =	vst v1;
	v1 =	vnsel vm15, $0x2710, v2  }
0x44: {  	[tilespmem:$0x29B0] =	vst v1  }
0x45: {  	v1 =	vld [tilespmem:s22+$0xC0];
	_ =	sdelay $0x4  }
0x46: {  	v2 =	vshrl.u32 v1, $0xE;
	v3 =	vshra.s32 v1, $0x1C  }
0x47: {  	v1 =	vand.u32 $0x3FFF, v1;
	v2 =	vand.u32 $0x3FFF, v2;
	vm4 =	veq.s32 v3, v0  }
0x48: {  	[tilespmem:$0x28C0] =	vst v1;
	v1 =	vnsel vm4, $0x2710, v2  }
0x49: {  	[tilespmem:$0x29C0] =	vst v1  }
0x4a: {  	v1 =	vld [tilespmem:s22+$0xD0];
	_ =	sdelay $0x4  }
0x4b: {  	v2 =	vshrl.u32 v1, $0xE;
	v3 =	vshra.s32 v1, $0x1C  }
0x4c: {  	v1 =	vand.u32 $0x3FFF, v1;
	v2 =	vand.u32 $0x3FFF, v2;
	vm5 =	veq.s32 v3, v0  }
0x4d: {  	[tilespmem:$0x28D0] =	vst v1;
	v1 =	vnsel vm5, $0x2710, v2  }
0x4e: {  	[tilespmem:$0x29D0] =	vst v1  }
0x4f: {  	v1 =	vld [tilespmem:s22+$0xE0];
	_ =	sdelay $0x4  }
0x50: {  	v2 =	vshrl.u32 v1, $0xE;
	v3 =	vshra.s32 v1, $0x1C  }
0x51: {  	v1 =	vand.u32 $0x3FFF, v1;
	v2 =	vand.u32 $0x3FFF, v2;
	vm6 =	veq.s32 v3, v0  }
0x52: {  	[tilespmem:$0x28E0] =	vst v1;
	v1 =	vnsel vm6, $0x2710, v2  }
0x53: {  	[tilespmem:$0x29E0] =	vst v1  }
0x54: {  	v1 =	vld [tilespmem:s22+$0xF0];
	_ =	sdelay $0x4  }
0x55: {  	v2 =	vshrl.u32 v1, $0xE;
	v3 =	vshra.s32 v1, $0x1C  }
0x56: {  	v1 =	vand.u32 $0x3FFF, v1;
	v2 =	vand.u32 $0x3FFF, v2;
	vm7 =	veq.s32 v3, v0  }
0x57: {  	[tilespmem:$0x28F0] =	vst v1;
	v1 =	vnsel vm7, $0x2710, v2  }
0x58: {  	[tilespmem:$0x29F0] =	vst v1  }
0x59: {  	[tilespmem:s16], [sflag:$0x2] =	stream.indirect.gather [hbm4b:s1+s12], $0x80, s15, s12, $0xb8;
	[tilespmem:$0x1E600] =	vst v63  }
0x5a: {  	_ =	swait.ge [sflag:s17], $0x4000  }
0x5b: {  	[sflag:s17] =	ssyncset.done $0x0  }
0x5c: {  	[sflag:s17] =	ssyncadd.s32 $0xFFFFC000  }
0x5d: {  	[spmem:s3] =	stream.indirect.scatter.add.f32 [tilespmem:s14], [sflag:$0x3], $0x80, s18, s12, $0xb8;
	[tilespmem:$0x1E600] =	vst v63  }
0x5e: {  	_ =	swait.ge [sflag:s11], $0x4000  }
0x5f: {  	[sflag:s11] =	ssyncset.done $0x0  }
0x60: {  	[sflag:s11] =	ssyncadd.s32 $0xFFFFC000  }
0x61: {  	v1 =	vld [tilespmem:s22+$0x100];
	_ =	sdelay $0x4  }
0x62: {  	v2 =	vshrl.u32 v1, $0xE;
	v3 =	vshra.s32 v1, $0x1C  }
0x63: {  	v1 =	vand.u32 $0x3FFF, v1;
	v2 =	vand.u32 $0x3FFF, v2;
	vm8 =	veq.s32 v3, v0  }
0x64: {  	[tilespmem:$0x2800] =	vst v1;
	v1 =	vnsel vm8, $0x2710, v2  }
0x65: {  	[tilespmem:$0x2900] =	vst v1  }
0x66: {  	v1 =	vld [tilespmem:s22+$0x110];
	_ =	sdelay $0x4  }
0x67: {  	v2 =	vshrl.u32 v1, $0xE;
	v3 =	vshra.s32 v1, $0x1C  }
0x68: {  	v1 =	vand.u32 $0x3FFF, v1;
	v2 =	vand.u32 $0x3FFF, v2;
	vm9 =	veq.s32 v3, v0  }
0x69: {  	[tilespmem:$0x2810] =	vst v1;
	v1 =	vnsel vm9, $0x2710, v2  }
0x6a: {  	[tilespmem:$0x2910] =	vst v1  }
0x6b: {  	v1 =	vld [tilespmem:s22+$0x120];
	_ =	sdelay $0x4  }
0x6c: {  	v2 =	vshrl.u32 v1, $0xE;
	v3 =	vshra.s32 v1, $0x1C  }
0x6d: {  	v1 =	vand.u32 $0x3FFF, v1;
	v2 =	vand.u32 $0x3FFF, v2;
	vm10 =	veq.s32 v3, v0  }
0x6e: {  	[tilespmem:$0x2820] =	vst v1;
	v1 =	vnsel vm10, $0x2710, v2  }
0x6f: {  	[tilespmem:$0x2920] =	vst v1  }
0x70: {  	v1 =	vld [tilespmem:s22+$0x130];
	_ =	sdelay $0x4  }
0x71: {  	v2 =	vshrl.u32 v1, $0xE;
	v3 =	vshra.s32 v1, $0x1C  }
0x72: {  	v1 =	vand.u32 $0x3FFF, v1;
	v2 =	vand.u32 $0x3FFF, v2;
	vm11 =	veq.s32 v3, v0  }
0x73: {  	[tilespmem:$0x2830] =	vst v1;
	v1 =	vnsel vm11, $0x2710, v2  }
0x74: {  	[tilespmem:$0x2930] =	vst v1  }
0x75: {  	v1 =	vld [tilespmem:s22+$0x140];
	_ =	sdelay $0x4  }
0x76: {  	v2 =	vshrl.u32 v1, $0xE;
	v3 =	vshra.s32 v1, $0x1C  }
0x77: {  	v1 =	vand.u32 $0x3FFF, v1;
	v2 =	vand.u32 $0x3FFF, v2;
	vm12 =	veq.s32 v3, v0  }
0x78: {  	[tilespmem:$0x2840] =	vst v1;
	v1 =	vnsel vm12, $0x2710, v2  }
0x79: {  	[tilespmem:$0x2940] =	vst v1  }
0x7a: {  	v1 =	vld [tilespmem:s22+$0x150];
	_ =	sdelay $0x4  }
0x7b: {  	v2 =	vshrl.u32 v1, $0xE;
	v3 =	vshra.s32 v1, $0x1C  }
0x7c: {  	v1 =	vand.u32 $0x3FFF, v1;
	v2 =	vand.u32 $0x3FFF, v2;
	vm13 =	veq.s32 v3, v0  }
0x7d: {  	[tilespmem:$0x2850] =	vst v1;
	v1 =	vnsel vm13, $0x2710, v2  }
0x7e: {  	[tilespmem:$0x2950] =	vst v1  }
0x7f: {  	v1 =	vld [tilespmem:s22+$0x160];
	_ =	sdelay $0x4  }
0x80: {  	v2 =	vshrl.u32 v1, $0xE;
	v3 =	vshra.s32 v1, $0x1C  }
0x81: {  	v1 =	vand.u32 $0x3FFF, v1;
	v2 =	vand.u32 $0x3FFF, v2;
	vm14 =	veq.s32 v3, v0  }
0x82: {  	[tilespmem:$0x2860] =	vst v1;
	v1 =	vnsel vm14, $0x2710, v2  }
0x83: {  	[tilespmem:$0x2960] =	vst v1  }
0x84: {  	v1 =	vld [tilespmem:s22+$0x170];
	_ =	sdelay $0x4  }
0x85: {  	v2 =	vshrl.u32 v1, $0xE;
	v3 =	vshra.s32 v1, $0x1C  }
0x86: {  	v1 =	vand.u32 $0x3FFF, v1;
	v2 =	vand.u32 $0x3FFF, v2;
	vm15 =	veq.s32 v3, v0  }
0x87: {  	[tilespmem:$0x2870] =	vst v1;
	v1 =	vnsel vm15, $0x2710, v2  }
0x88: {  	[tilespmem:$0x2970] =	vst v1  }
0x89: {  	[tilespmem:s14], [sflag:$0x1] =	stream.indirect.gather [hbm4b:s1+s12], $0x80, s13, s12, $0xb8;
	[tilespmem:$0x1E600] =	vst v63  }
0x8a: {  	_ =	swait.ge [sflag:s19], $0x4000  }
0x8b: {  	[sflag:s19] =	ssyncset.done $0x0  }
0x8c: {  	[sflag:s19] =	ssyncadd.s32 $0xFFFFC000  }
0x8d: {  	[spmem:s3] =	stream.indirect.scatter.add.f32 [tilespmem:s16], [sflag:$0x3], $0x80, s20, s12, $0xb8;
	[tilespmem:$0x1E600] =	vst v63  }
0x8e: {  	_ =	swait.ge [sflag:s11], $0x4000  }
0x8f: {  	s25 =	simm.s32 $0x800;
	s22 =	simm.s32 $0x400;
	[sflag:s11] =	ssyncset.done $0x0  }
.LBB2_2:
0x90: {  	s24 =	sshra.s32 s22, $0x2  }
0x91: {  	[sflag:s11] =	ssyncadd.s32 $0xFFFFC000;
	s22 =	smov.u32 s25;
	s23 =	sadd.s32 $0x400, s25  }
0x92: {  	p0 =	sne.s32 s25, $0x9800;
	v1 =	vld [tilespmem:s24+$0x80];
	_ =	sdelay $0x4  }
0x93: {  	v2 =	vand.u32 $0x3FFF, v1;
	v3 =	vshrl.u32 v1, $0xE;
	v1 =	vshra.s32 v1, $0x1C  }
0x94: {  	v3 =	vand.u32 $0x3FFF, v3;
	vm0 =	veq.s32 v1, v0  }
0x95: {  	[tilespmem:$0x2880] =	vst v2;
	v1 =	vnsel vm0, $0x2710, v3  }
0x96: {  	[tilespmem:$0x2980] =	vst v1  }
0x97: {  	v1 =	vld [tilespmem:s24+$0x90];
	_ =	sdelay $0x4  }
0x98: {  	v2 =	vand.u32 $0x3FFF, v1;
	v3 =	vshrl.u32 v1, $0xE;
	v1 =	vshra.s32 v1, $0x1C  }
0x99: {  	v3 =	vand.u32 $0x3FFF, v3;
	vm0 =	veq.s32 v1, v0  }
0x9a: {  	[tilespmem:$0x2890] =	vst v2;
	v1 =	vnsel vm0, $0x2710, v3  }
0x9b: {  	[tilespmem:$0x2990] =	vst v1  }
0x9c: {  	v1 =	vld [tilespmem:s24+$0xA0];
	_ =	sdelay $0x4  }
0x9d: {  	v2 =	vand.u32 $0x3FFF, v1;
	v3 =	vshrl.u32 v1, $0xE;
	v1 =	vshra.s32 v1, $0x1C  }
0x9e: {  	v3 =	vand.u32 $0x3FFF, v3;
	vm0 =	veq.s32 v1, v0  }
0x9f: {  	[tilespmem:$0x28A0] =	vst v2;
	v1 =	vnsel vm0, $0x2710, v3  }
0xa0: {  	[tilespmem:$0x29A0] =	vst v1  }
0xa1: {  	v1 =	vld [tilespmem:s24+$0xB0];
	_ =	sdelay $0x4  }
0xa2: {  	v2 =	vand.u32 $0x3FFF, v1;
	v3 =	vshrl.u32 v1, $0xE;
	v1 =	vshra.s32 v1, $0x1C  }
0xa3: {  	v3 =	vand.u32 $0x3FFF, v3;
	vm0 =	veq.s32 v1, v0  }
0xa4: {  	[tilespmem:$0x28B0] =	vst v2;
	v1 =	vnsel vm0, $0x2710, v3  }
0xa5: {  	[tilespmem:$0x29B0] =	vst v1  }
0xa6: {  	v1 =	vld [tilespmem:s24+$0xC0];
	_ =	sdelay $0x4  }
0xa7: {  	v2 =	vand.u32 $0x3FFF, v1;
	v3 =	vshrl.u32 v1, $0xE;
	v1 =	vshra.s32 v1, $0x1C  }
0xa8: {  	[tilespmem:$0x28C0] =	vst v2;
	v2 =	vand.u32 $0x3FFF, v3;
	vm0 =	veq.s32 v1, v0  }
0xa9: {  	v1 =	vnsel vm0, $0x2710, v2  }
0xaa: {  	[tilespmem:$0x29C0] =	vst v1  }
0xab: {  	v1 =	vld [tilespmem:s24+$0xD0];
	_ =	sdelay $0x4  }
0xac: {  	v2 =	vand.u32 $0x3FFF, v1;
	v3 =	vshrl.u32 v1, $0xE;
	v1 =	vshra.s32 v1, $0x1C  }
0xad: {  	[tilespmem:$0x28D0] =	vst v2;
	v2 =	vand.u32 $0x3FFF, v3;
	vm0 =	veq.s32 v1, v0  }
0xae: {  	v1 =	vnsel vm0, $0x2710, v2  }
0xaf: {  	[tilespmem:$0x29D0] =	vst v1  }
0xb0: {  	v1 =	vld [tilespmem:s24+$0xE0];
	_ =	sdelay $0x4  }
0xb1: {  	v2 =	vand.u32 $0x3FFF, v1;
	v3 =	vshrl.u32 v1, $0xE;
	v1 =	vshra.s32 v1, $0x1C  }
0xb2: {  	[tilespmem:$0x28E0] =	vst v2;
	v2 =	vand.u32 $0x3FFF, v3;
	vm0 =	veq.s32 v1, v0  }
0xb3: {  	v1 =	vnsel vm0, $0x2710, v2  }
0xb4: {  	[tilespmem:$0x29E0] =	vst v1  }
0xb5: {  	v1 =	vld [tilespmem:s24+$0xF0];
	_ =	sdelay $0x4  }
0xb6: {  	v2 =	vand.u32 $0x3FFF, v1;
	v3 =	vshrl.u32 v1, $0xE;
	v1 =	vshra.s32 v1, $0x1C  }
0xb7: {  	[tilespmem:$0x28F0] =	vst v2;
	v2 =	vand.u32 $0x3FFF, v3;
	vm0 =	veq.s32 v1, v0  }
0xb8: {  	v1 =	vnsel vm0, $0x2710, v2  }
0xb9: {  	[tilespmem:$0x29F0] =	vst v1  }
0xba: {  	[tilespmem:s16], [sflag:$0x2] =	stream.indirect.gather [hbm4b:s1+s12], $0x80, s15, s12, $0xb8;
	[tilespmem:$0x1E600] =	vst v63  }
0xbb: {  	_ =	swait.ge [sflag:s17], $0x4000  }
0xbc: {  	[sflag:s17] =	ssyncset.done $0x0  }
0xbd: {  	[sflag:s17] =	ssyncadd.s32 $0xFFFFC000  }
0xbe: {  	[spmem:s3] =	stream.indirect.scatter.add.f32 [tilespmem:s14], [sflag:$0x3], $0x80, s18, s12, $0xb8;
	[tilespmem:$0x1E600] =	vst v63  }
0xbf: {  	_ =	swait.ge [sflag:s11], $0x4000  }
0xc0: {  	[sflag:s11] =	ssyncset.done $0x0  }
0xc1: {  	[sflag:s11] =	ssyncadd.s32 $0xFFFFC000  }
0xc2: {  	v1 =	vld [tilespmem:s24+$0x100];
	_ =	sdelay $0x4  }
0xc3: {  	v2 =	vand.u32 $0x3FFF, v1;
	v3 =	vshrl.u32 v1, $0xE;
	v1 =	vshra.s32 v1, $0x1C  }
0xc4: {  	v3 =	vand.u32 $0x3FFF, v3;
	vm0 =	veq.s32 v1, v0  }
0xc5: {  	[tilespmem:$0x2800] =	vst v2;
	v1 =	vnsel vm0, $0x2710, v3  }
0xc6: {  	[tilespmem:$0x2900] =	vst v1  }
0xc7: {  	v1 =	vld [tilespmem:s24+$0x110];
	_ =	sdelay $0x4  }
0xc8: {  	v2 =	vand.u32 $0x3FFF, v1;
	v3 =	vshrl.u32 v1, $0xE;
	v1 =	vshra.s32 v1, $0x1C  }
0xc9: {  	v3 =	vand.u32 $0x3FFF, v3;
	vm0 =	veq.s32 v1, v0  }
0xca: {  	[tilespmem:$0x2810] =	vst v2;
	v1 =	vnsel vm0, $0x2710, v3  }
0xcb: {  	[tilespmem:$0x2910] =	vst v1  }
0xcc: {  	v1 =	vld [tilespmem:s24+$0x120];
	_ =	sdelay $0x4  }
0xcd: {  	v2 =	vand.u32 $0x3FFF, v1;
	v3 =	vshrl.u32 v1, $0xE;
	v1 =	vshra.s32 v1, $0x1C  }
0xce: {  	[tilespmem:$0x2820] =	vst v2;
	v2 =	vand.u32 $0x3FFF, v3;
	vm0 =	veq.s32 v1, v0  }
0xcf: {  	v1 =	vnsel vm0, $0x2710, v2  }
0xd0: {  	[tilespmem:$0x2920] =	vst v1  }
0xd1: {  	v1 =	vld [tilespmem:s24+$0x130];
	_ =	sdelay $0x4  }
0xd2: {  	v2 =	vand.u32 $0x3FFF, v1;
	v3 =	vshrl.u32 v1, $0xE;
	v1 =	vshra.s32 v1, $0x1C  }
0xd3: {  	[tilespmem:$0x2830] =	vst v2;
	v2 =	vand.u32 $0x3FFF, v3;
	vm0 =	veq.s32 v1, v0  }
0xd4: {  	v1 =	vnsel vm0, $0x2710, v2  }
0xd5: {  	[tilespmem:$0x2930] =	vst v1  }
0xd6: {  	v1 =	vld [tilespmem:s24+$0x140];
	_ =	sdelay $0x4  }
0xd7: {  	v2 =	vand.u32 $0x3FFF, v1;
	v3 =	vshrl.u32 v1, $0xE;
	v1 =	vshra.s32 v1, $0x1C  }
0xd8: {  	[tilespmem:$0x2840] =	vst v2;
	v2 =	vand.u32 $0x3FFF, v3;
	vm0 =	veq.s32 v1, v0  }
0xd9: {  	v1 =	vnsel vm0, $0x2710, v2  }
0xda: {  	[tilespmem:$0x2940] =	vst v1  }
0xdb: {  	v1 =	vld [tilespmem:s24+$0x150];
	_ =	sdelay $0x4  }
0xdc: {  	v2 =	vand.u32 $0x3FFF, v1;
	v3 =	vshrl.u32 v1, $0xE;
	v1 =	vshra.s32 v1, $0x1C  }
0xdd: {  	[tilespmem:$0x2850] =	vst v2;
	v2 =	vand.u32 $0x3FFF, v3;
	vm0 =	veq.s32 v1, v0  }
0xde: {  	v1 =	vnsel vm0, $0x2710, v2  }
0xdf: {  	[tilespmem:$0x2950] =	vst v1  }
0xe0: {  	v1 =	vld [tilespmem:s24+$0x160];
	_ =	sdelay $0x4  }
0xe1: {  	v2 =	vand.u32 $0x3FFF, v1;
	v3 =	vshrl.u32 v1, $0xE;
	v1 =	vshra.s32 v1, $0x1C  }
0xe2: {  	[tilespmem:$0x2860] =	vst v2;
	v2 =	vand.u32 $0x3FFF, v3;
	vm0 =	veq.s32 v1, v0  }
0xe3: {  	v1 =	vnsel vm0, $0x2710, v2  }
0xe4: {  	[tilespmem:$0x2960] =	vst v1  }
0xe5: {  	v1 =	vld [tilespmem:s24+$0x170];
	_ =	sdelay $0x4  }
0xe6: {  	v2 =	vand.u32 $0x3FFF, v1;
	v3 =	vshrl.u32 v1, $0xE;
	v1 =	vshra.s32 v1, $0x1C  }
0xe7: {  	[tilespmem:$0x2870] =	vst v2;
	v2 =	vand.u32 $0x3FFF, v3;
	vm0 =	veq.s32 v1, v0  }
0xe8: {  	v1 =	vnsel vm0, $0x2710, v2  }
0xe9: {  	[tilespmem:$0x2970] =	vst v1  }
0xea: {  	[tilespmem:s14], [sflag:$0x1] =	stream.indirect.gather [hbm4b:s1+s12], $0x80, s13, s12, $0xb8;
	[tilespmem:$0x1E600] =	vst v63  }
0xeb: {  	_ =	swait.ge [sflag:s19], $0x4000  }
.Ltmp0:
0xec: {  	[sflag:s19] =	ssyncset.done $0x0;
	(pc) =	sbr.rel @p0 .LBB2_2-.Ltmp0, $4  }
0xed: {  	[sflag:s19] =	ssyncadd.s32 $0xFFFFC000  }
0xee: {  	[spmem:s3] =	stream.indirect.scatter.add.f32 [tilespmem:s16], [sflag:$0x3], $0x80, s20, s12, $0xb8;
	[tilespmem:$0x1E600] =	vst v63  }
0xef: {  	_ =	swait.ge [sflag:s11], $0x4000  }
0xf0: {  	s25 =	smov.u32 s23;
	[sflag:s11] =	ssyncset.done $0x0  }
0xf1: {  	s22 =	sshra.s32 s22, $0x2;
	[sflag:s11] =	ssyncadd.s32 $0xFFFFC000  }
0xf2: {  	v1 =	vld [tilespmem:s22+$0x80];
	_ =	sdelay $0x4  }
0xf3: {  	v2 =	vshrl.u32 v1, $0xE;
	v3 =	vshra.s32 v1, $0x1C  }
0xf4: {  	v1 =	vand.u32 $0x3FFF, v1;
	v2 =	vand.u32 $0x3FFF, v2;
	vm0 =	veq.s32 v3, v0  }
0xf5: {  	[tilespmem:$0x2880] =	vst v1;
	v1 =	vnsel vm0, $0x2710, v2  }
0xf6: {  	[tilespmem:$0x2980] =	vst v1  }
0xf7: {  	v1 =	vld [tilespmem:s22+$0x90];
	_ =	sdelay $0x4  }
0xf8: {  	v2 =	vshrl.u32 v1, $0xE;
	v3 =	vshra.s32 v1, $0x1C  }
0xf9: {  	v1 =	vand.u32 $0x3FFF, v1;
	v2 =	vand.u32 $0x3FFF, v2;
	vm13 =	veq.s32 v3, v0  }
0xfa: {  	[tilespmem:$0x2890] =	vst v1;
	v1 =	vnsel vm13, $0x2710, v2  }
0xfb: {  	[tilespmem:$0x2990] =	vst v1  }
0xfc: {  	v1 =	vld [tilespmem:s22+$0xA0];
	_ =	sdelay $0x4  }
0xfd: {  	v2 =	vshrl.u32 v1, $0xE;
	v3 =	vshra.s32 v1, $0x1C  }
0xfe: {  	v1 =	vand.u32 $0x3FFF, v1;
	v2 =	vand.u32 $0x3FFF, v2;
	vm14 =	veq.s32 v3, v0  }
0xff: {  	[tilespmem:$0x28A0] =	vst v1;
	v1 =	vnsel vm14, $0x2710, v2  }
0x100: {  	[tilespmem:$0x29A0] =	vst v1  }
0x101: {  	v1 =	vld [tilespmem:s22+$0xB0];
	_ =	sdelay $0x4  }
0x102: {  	v2 =	vshrl.u32 v1, $0xE;
	v3 =	vshra.s32 v1, $0x1C  }
0x103: {  	v1 =	vand.u32 $0x3FFF, v1;
	v2 =	vand.u32 $0x3FFF, v2;
	vm15 =	veq.s32 v3, v0  }
0x104: {  	[tilespmem:$0x28B0] =	vst v1;
	v1 =	vnsel vm15, $0x2710, v2  }
0x105: {  	[tilespmem:$0x29B0] =	vst v1  }
0x106: {  	v1 =	vld [tilespmem:s22+$0xC0];
	_ =	sdelay $0x4  }
0x107: {  	v2 =	vshrl.u32 v1, $0xE;
	v3 =	vshra.s32 v1, $0x1C  }
0x108: {  	v1 =	vand.u32 $0x3FFF, v1;
	v2 =	vand.u32 $0x3FFF, v2;
	vm4 =	veq.s32 v3, v0  }
0x109: {  	[tilespmem:$0x28C0] =	vst v1;
	v1 =	vnsel vm4, $0x2710, v2  }
0x10a: {  	[tilespmem:$0x29C0] =	vst v1  }
0x10b: {  	v1 =	vld [tilespmem:s22+$0xD0];
	_ =	sdelay $0x4  }
0x10c: {  	v2 =	vshrl.u32 v1, $0xE;
	v3 =	vshra.s32 v1, $0x1C  }
0x10d: {  	v1 =	vand.u32 $0x3FFF, v1;
	v2 =	vand.u32 $0x3FFF, v2;
	vm5 =	veq.s32 v3, v0  }
0x10e: {  	[tilespmem:$0x28D0] =	vst v1;
	v1 =	vnsel vm5, $0x2710, v2  }
0x10f: {  	[tilespmem:$0x29D0] =	vst v1  }
0x110: {  	v1 =	vld [tilespmem:s22+$0xE0];
	_ =	sdelay $0x4  }
0x111: {  	v2 =	vshrl.u32 v1, $0xE;
	v3 =	vshra.s32 v1, $0x1C  }
0x112: {  	v1 =	vand.u32 $0x3FFF, v1;
	v2 =	vand.u32 $0x3FFF, v2;
	vm6 =	veq.s32 v3, v0  }
0x113: {  	[tilespmem:$0x28E0] =	vst v1;
	v1 =	vnsel vm6, $0x2710, v2  }
0x114: {  	[tilespmem:$0x29E0] =	vst v1  }
0x115: {  	v1 =	vld [tilespmem:s22+$0xF0];
	_ =	sdelay $0x4  }
0x116: {  	v2 =	vshrl.u32 v1, $0xE;
	v3 =	vshra.s32 v1, $0x1C  }
0x117: {  	v1 =	vand.u32 $0x3FFF, v1;
	v2 =	vand.u32 $0x3FFF, v2;
	vm7 =	veq.s32 v3, v0  }
0x118: {  	[tilespmem:$0x28F0] =	vst v1;
	v1 =	vnsel vm7, $0x2710, v2  }
0x119: {  	[tilespmem:$0x29F0] =	vst v1  }
0x11a: {  	[tilespmem:s16], [sflag:$0x2] =	stream.indirect.gather [hbm4b:s1+s12], $0x80, s15, s12, $0xb8;
	[tilespmem:$0x1E600] =	vst v63  }
0x11b: {  	_ =	swait.ge [sflag:s17], $0x4000  }
0x11c: {  	[sflag:s17] =	ssyncset.done $0x0  }
0x11d: {  	[sflag:s17] =	ssyncadd.s32 $0xFFFFC000  }
0x11e: {  	[spmem:s3] =	stream.indirect.scatter.add.f32 [tilespmem:s14], [sflag:$0x3], $0x80, s18, s12, $0xb8;
	[tilespmem:$0x1E600] =	vst v63  }
0x11f: {  	_ =	swait.ge [sflag:s11], $0x4000  }
0x120: {  	[sflag:s11] =	ssyncset.done $0x0  }
0x121: {  	[sflag:s11] =	ssyncadd.s32 $0xFFFFC000  }
0x122: {  	v1 =	vld [tilespmem:s22+$0x100];
	_ =	sdelay $0x4  }
0x123: {  	v2 =	vshrl.u32 v1, $0xE;
	v3 =	vshra.s32 v1, $0x1C  }
0x124: {  	v1 =	vand.u32 $0x3FFF, v1;
	v2 =	vand.u32 $0x3FFF, v2;
	vm8 =	veq.s32 v3, v0  }
0x125: {  	[tilespmem:$0x2800] =	vst v1;
	v1 =	vnsel vm8, $0x2710, v2  }
0x126: {  	[tilespmem:$0x2900] =	vst v1  }
0x127: {  	v1 =	vld [tilespmem:s22+$0x110];
	_ =	sdelay $0x4  }
0x128: {  	v2 =	vshrl.u32 v1, $0xE;
	v3 =	vshra.s32 v1, $0x1C  }
0x129: {  	v1 =	vand.u32 $0x3FFF, v1;
	v2 =	vand.u32 $0x3FFF, v2;
	vm9 =	veq.s32 v3, v0  }
0x12a: {  	[tilespmem:$0x2810] =	vst v1;
	v1 =	vnsel vm9, $0x2710, v2  }
0x12b: {  	[tilespmem:$0x2910] =	vst v1  }
0x12c: {  	v1 =	vld [tilespmem:s22+$0x120];
	_ =	sdelay $0x4  }
0x12d: {  	v2 =	vshrl.u32 v1, $0xE;
	v3 =	vshra.s32 v1, $0x1C  }
0x12e: {  	v1 =	vand.u32 $0x3FFF, v1;
	v2 =	vand.u32 $0x3FFF, v2;
	vm10 =	veq.s32 v3, v0  }
0x12f: {  	[tilespmem:$0x2820] =	vst v1;
	v1 =	vnsel vm10, $0x2710, v2  }
0x130: {  	[tilespmem:$0x2920] =	vst v1  }
0x131: {  	v1 =	vld [tilespmem:s22+$0x130];
	_ =	sdelay $0x4  }
0x132: {  	v2 =	vshrl.u32 v1, $0xE;
	v3 =	vshra.s32 v1, $0x1C  }
0x133: {  	v1 =	vand.u32 $0x3FFF, v1;
	v2 =	vand.u32 $0x3FFF, v2;
	vm11 =	veq.s32 v3, v0  }
0x134: {  	[tilespmem:$0x2830] =	vst v1;
	v1 =	vnsel vm11, $0x2710, v2  }
0x135: {  	[tilespmem:$0x2930] =	vst v1  }
0x136: {  	v1 =	vld [tilespmem:s22+$0x140];
	_ =	sdelay $0x4  }
0x137: {  	v2 =	vshrl.u32 v1, $0xE;
	v3 =	vshra.s32 v1, $0x1C  }
0x138: {  	v1 =	vand.u32 $0x3FFF, v1;
	v2 =	vand.u32 $0x3FFF, v2;
	vm12 =	veq.s32 v3, v0  }
0x139: {  	[tilespmem:$0x2840] =	vst v1;
	v1 =	vnsel vm12, $0x2710, v2  }
0x13a: {  	[tilespmem:$0x2940] =	vst v1  }
0x13b: {  	v1 =	vld [tilespmem:s22+$0x150];
	_ =	sdelay $0x4  }
0x13c: {  	v2 =	vshrl.u32 v1, $0xE;
	v3 =	vshra.s32 v1, $0x1C  }
0x13d: {  	v1 =	vand.u32 $0x3FFF, v1;
	v2 =	vand.u32 $0x3FFF, v2;
	vm13 =	veq.s32 v3, v0  }
0x13e: {  	[tilespmem:$0x2850] =	vst v1;
	v1 =	vnsel vm13, $0x2710, v2  }
0x13f: {  	[tilespmem:$0x2950] =	vst v1  }
0x140: {  	v1 =	vld [tilespmem:s22+$0x160];
	_ =	sdelay $0x4  }
0x141: {  	v2 =	vshrl.u32 v1, $0xE;
	v3 =	vshra.s32 v1, $0x1C  }
0x142: {  	v1 =	vand.u32 $0x3FFF, v1;
	v2 =	vand.u32 $0x3FFF, v2;
	vm14 =	veq.s32 v3, v0  }
0x143: {  	[tilespmem:$0x2860] =	vst v1;
	v1 =	vnsel vm14, $0x2710, v2  }
0x144: {  	[tilespmem:$0x2960] =	vst v1  }
0x145: {  	v1 =	vld [tilespmem:s22+$0x170];
	_ =	sdelay $0x4  }
0x146: {  	v2 =	vshrl.u32 v1, $0xE;
	v3 =	vshra.s32 v1, $0x1C  }
0x147: {  	v1 =	vand.u32 $0x3FFF, v1;
	v2 =	vand.u32 $0x3FFF, v2;
	vm15 =	veq.s32 v3, v0  }
0x148: {  	[tilespmem:$0x2870] =	vst v1;
	v1 =	vnsel vm15, $0x2710, v2  }
0x149: {  	[tilespmem:$0x2970] =	vst v1  }
0x14a: {  	[tilespmem:s14], [sflag:$0x1] =	stream.indirect.gather [hbm4b:s1+s12], $0x80, s13, s12, $0xb8;
	[tilespmem:$0x1E600] =	vst v63  }
0x14b: {  	_ =	swait.ge [sflag:s19], $0x4000  }
0x14c: {  	[sflag:s19] =	ssyncset.done $0x0  }
0x14d: {  	[sflag:s19] =	ssyncadd.s32 $0xFFFFC000  }
0x14e: {  	[spmem:s3] =	stream.indirect.scatter.add.f32 [tilespmem:s16], [sflag:$0x3], $0x80, s20, s12, $0xb8;
	[tilespmem:$0x1E600] =	vst v63  }
0x14f: {  	_ =	swait.ge [sflag:s11], $0x4000  }
0x150: {  	[sflag:s11] =	ssyncset.done $0x0  }
0x151: {  	[sflag:s11] =	ssyncadd.s32 $0xFFFFC000  }
0x152: {  	_ =	swait.ge [sflag:s17], $0x4000  }
0x153: {  	[sflag:s17] =	ssyncset.done $0x0  }
0x154: {  	[sflag:s17] =	ssyncadd.s32 $0xFFFFC000  }
0x155: {  	[spmem:s3] =	stream.indirect.scatter.add.f32 [tilespmem:s14], [sflag:$0x3], $0x80, s18, s12, $0xb8;
	[tilespmem:$0x1E600] =	vst v63  }
0x156: {  	_ =	swait.ge [sflag:s11], $0x4000  }
0x157: {  	s21 =	sadd.s32 $0x1, s21;
	[sflag:s11] =	ssyncset.done $0x0  }
0x158: {  	p0 =	sne.s32 s21, s9;
	[sflag:s11] =	ssyncadd.s32 $0xFFFFC000  }
.Ltmp1:
0x159: {  	[bflag:$0x0] =	sbarrier.arrive $0xFFFF;
	(pc) =	sbr.rel @p0 .LBB2_1-.Ltmp1, $4  }
0x15a: {  	[hbm:s8], [sflag:s6] =	dma.local [spmem:s10], $0x2780  }
0x15b: {  	_ =	swait.ge [sflag:s11], $0x2780  }
0x15c: {  	[sflag:s11] =	ssyncset.done $0x0  }
0x15d: {  	[sflag:s11] =	ssyncadd.s32 $0xFFFFD880  }
0x15e: {  	_ =	sfence.sel $0x180000  }
0x15f: {  	[bflag:$0x0] =	sbarrier.arrive $0xFFFF  }
0x160: {  	p0 =	sne.s32 s2, $0x0;
	_ =	strace $0x9000004A  }
0x161: {  	s0 =	sadd.s32 @!p0 $0x100000, s0;
	[bflag:$0x2] =	sbarrier.arrive $0xFFFF  }
0x162: {  	[sflag:s0] =	ssyncadd.tile.s32 @!p0 $0x1;
	_ =	shalt  }
.Lfunc_end2:
_tile_overlayer_lowered:
.L_overlay_start_2:
0x163: {  	(tag) =	ssettag $0x2  }
0x164: {  	s0 =	rddreg [dreg:$0x0];
	s2 =	stileid.u32  }
0x165: {  	s1 =	rddreg [dreg:$0x1];
	p0 =	sne.s32 s2, $0x0  }
0x166: {  	s3 =	rddreg [dreg:$0x2];
	[bflag:$0x3] =	sbarrier.arrive $0xFFFF;
	s2 =	simm.s32 @!p0 $0x1C03  }
0x167: {  	[timem:s3], [sflag:s2] =	dma.local @!p0 [hbm:s0], s1  }
0x168: {  	s0 =	simm.s32 @!p0 $0x3  }
0x169: {  	_ =	swait.ge @!p0 [sflag:s0], s1  }
0x16a: {  	s1 =	ssub.s32 @!p0 $0x0, s1;
	[sflag:s0] =	ssyncset.done @!p0 $0x0  }
0x16b: {  	[sflag:s0] =	ssyncadd.s32 @!p0 s1  }
0x16c: {  	[bflag:$0x3] =	sbarrier.arrive $0xFFFF  }
0x16d: {  	_ =	shalt  }

// kernel: kernel.18.cloned.1.call-start
scs
__scs_entry_jumppad:
0x0: {  	(pc) =	sbr.rel $0x88, $3  }
0x1: {  	(tag) =	ssettag $0x0;
	lr =	simm.s32 $0x1  }
0x2: {  	[smem:$0x3F8F] =	sst lr;
	_ =	strace $0xD0000000  }
0x3: {  	_ = 	snop  }
0x4: {  	_ = 	snop  }
0x5: {  	_ = 	snop  }
0x6: {  	_ = 	snop  }
0x7: {  	_ = 	snop  }
__scs_overlays_trampoline_lowered:
0x8: {  	[smem:$0x3F9E] =	sst s0  }
0x9: {  	[smem:$0x3F9F] =	sst s1  }
0xa: {  	[smem:$0x3FA0] =	sst s2  }
0xb: {  	[smem:$0x3FA1] =	sst s3  }
0xc: {  	[smem:$0x3FA2] =	sst s4  }
0xd: {  	[smem:$0x3FA3] =	sst s5  }
0xe: {  	[smem:$0x3FA4] =	sst s6  }
0xf: {  	[smem:$0x3FA5] =	sst s7  }
0x10: {  	[smem:$0x3FA6] =	sst s8  }
0x11: {  	[smem:$0x3FA7] =	sst s9;
	s0 =	simm.s32 @!p0 $0x0  }
0x12: {  	s1 =	sld [smem:$0x3F8D];
	s0 =	simm.s32 @p0 $0x1  }
0x13: {  	[smem:$0x3FA8] =	sst s0;
	s0 =	simm.s32 @!p1 $0x0  }
0x14: {  	s2 =	sld [smem:$0x3F8C];
	s0 =	simm.s32 @p1 $0x1  }
0x15: {  	[smem:$0x3FA9] =	sst s0;
	s0 =	simm.s32 @!p2 $0x0  }
0x16: {  	s3 =	sld [smem:$0x3FDB];
	s0 =	simm.s32 @p2 $0x1  }
0x17: {  	s4 =	simm.s32 $0x1BF5;
	[smem:$0x3FAB] =	sst s0  }
0x18: {  	s0 =	sld [smem:$0x3F8E];
	_ =	swait.ge [sflag:s4], $0x0  }
0x19: {  	s7 =	sld [smem:$0x3F8F]  }
0x1a: {  	s8 =	sadd.s32 $0xFFFFE003, lr  }
0x1b: {  	s9 =	sadd.s32 $0xFFFFFEF7, lr;
	s5 =	simm.s32 $0xFFFFFFFF;
	p2 =	slt.u32 s8, $0xFFFFF086  }
0x1c: {  	p1 =	slt.u32 s9, $0xF7A;
	s5 =	simm.s32 @!p2 $0x0  }
0x1d: {  	s5 =	simm.s32 @p1 $0x1;
	p0 =	seq.s32 s7, s2  }
0x1e: {  	s7 =	smul.u32 @!p0 $0xF7A, s2;
	p2 =	seq.s32 @!p0 s5, $0x0  }
0x1f: {  	s9 =	smul.u32 $0xF7A, s1;
	s8 =	simm.s32 @!p0 $0x1BF5;
	p2 =	por !p2, p0  }
0x20: {  	[sflag:s8] =	ssyncset.s32 @!p0 $0xFFFFF086;
	s6 =	sadd.s32 @!p0 s3, s7;
	s7 =	simm.s32 @!p0 $0x108  }
0x21: {  	s3 =	sadd.s32 s3, s9;
	s6 =	sadd.s32 @!p0 $0x88, s6;
	s7 =	simm.s32 @p2 $0x1082  }
0x22: {  	[simem:s7], [sflag:s8] =	dma.local @!p0 [hbm:s6], $0xF7A  }
0x23: {  	s9 =	sor.u32 $0xD0000000, s2;
	s6 =	simm.s32 $0x108;
	_ =	swait.ge @!p0 [sflag:s8], $0x0  }
0x24: {  	s3 =	sadd.s32 $0x88, s3;
	s6 =	simm.s32 @!p1 $0x1082;
	[sflag:s4] =	ssyncset.s32 $0xFFFFF086  }
0x25: {  	[simem:s6], [sflag:s4] =	dma.local [hbm:s3], $0xF7A  }
0x26: {  	[smem:$0x3F8F] =	sst s1;
	(tag) =	ssettag s2;
	_ =	strace s9  }
0x27: {  	s1 =	sld [smem:$0x3F9F]  }
0x28: {  	s2 =	sld [smem:$0x3FA0]  }
0x29: {  	s4 =	sld [smem:$0x3FA2]  }
0x2a: {  	p0 =	seq.s32 s5, $0x0;
	s5 =	sld [smem:$0x3FA3]  }
0x2b: {  	s6 =	sld [smem:$0x3FA4]  }
0x2c: {  	s7 =	sld [smem:$0x3FA5]  }
0x2d: {  	s3 =	simm.s32 $0x108;
	s8 =	sld [smem:$0x3FA6]  }
0x2e: {  	s3 =	simm.s32 @!p0 $0x1082;
	s9 =	sld [smem:$0x3FA7]  }
0x2f: {  	lr =	sadd.s32 s0, s3;
	s0 =	sld [smem:$0x3F9E]  }
0x30: {  	s3 =	sld [smem:$0x3FA1]  }
0x31: {  	[smem:$0x3FAA] =	sst s10  }
0x32: {  	s10 =	sld [smem:$0x3FA8];
	_ =	sdelay $0x3  }
0x33: {  	p0 =	seq.s32 s10, $0x1;
	s10 =	sld [smem:$0x3FAA];
	_ =	sdelay $0x3  }
0x34: {  	[smem:$0x3FAA] =	sst s10  }
0x35: {  	s10 =	sld [smem:$0x3FA9];
	_ =	sdelay $0x3  }
0x36: {  	p1 =	seq.s32 s10, $0x1;
	s10 =	sld [smem:$0x3FAA];
	_ =	sdelay $0x3  }
0x37: {  	[smem:$0x3FAA] =	sst s10  }
0x38: {  	s10 =	sld [smem:$0x3FAB]  }
0x39: {  	_ = 	snop;
	(pc) =	sbr.ind lr, $3  }
0x3a: {  	_ = 	snop  }
0x3b: {  	_ = 	snop  }
0x3c: {  	p2 =	seq.s32 s10, $0x1;
	s10 =	sld [smem:$0x3FAA]  }
0x3d: {  	_ =	shalt  }
0x3e: {  	_ =	shalt  }
0x3f: {  	_ =	shalt  }
0x40: {  	_ =	shalt  }
0x41: {  	_ =	shalt  }
0x42: {  	_ =	shalt  }
0x43: {  	_ =	shalt  }
0x44: {  	_ =	shalt  }
0x45: {  	_ =	shalt  }
0x46: {  	_ =	shalt  }
0x47: {  	_ =	shalt  }
0x48: {  	_ =	shalt  }
0x49: {  	_ =	shalt  }
0x4a: {  	_ =	shalt  }
0x4b: {  	_ =	shalt  }
0x4c: {  	_ =	shalt  }
0x4d: {  	_ =	shalt  }
0x4e: {  	_ =	shalt  }
0x4f: {  	_ =	shalt  }
0x50: {  	_ =	shalt  }
0x51: {  	_ =	shalt  }
0x52: {  	_ =	shalt  }
0x53: {  	_ =	shalt  }
0x54: {  	_ =	shalt  }
0x55: {  	_ =	shalt  }
0x56: {  	_ =	shalt  }
0x57: {  	_ =	shalt  }
0x58: {  	_ =	shalt  }
0x59: {  	_ =	shalt  }
0x5a: {  	_ =	shalt  }
0x5b: {  	_ =	shalt  }
0x5c: {  	_ =	shalt  }
0x5d: {  	_ =	shalt  }
0x5e: {  	_ =	shalt  }
0x5f: {  	_ =	shalt  }
0x60: {  	_ =	shalt  }
0x61: {  	_ =	shalt  }
0x62: {  	_ =	shalt  }
0x63: {  	_ =	shalt  }
0x64: {  	_ =	shalt  }
0x65: {  	_ =	shalt  }
0x66: {  	_ =	shalt  }
0x67: {  	_ =	shalt  }
0x68: {  	_ =	shalt  }
0x69: {  	_ =	shalt  }
0x6a: {  	_ =	shalt  }
0x6b: {  	_ =	shalt  }
0x6c: {  	_ =	shalt  }
0x6d: {  	_ =	shalt  }
0x6e: {  	_ =	shalt  }
0x6f: {  	_ =	shalt  }
0x70: {  	_ =	shalt  }
0x71: {  	_ =	shalt  }
0x72: {  	_ =	shalt  }
0x73: {  	_ =	shalt  }
0x74: {  	_ =	shalt  }
0x75: {  	_ =	shalt  }
0x76: {  	_ =	shalt  }
0x77: {  	_ =	shalt  }
0x78: {  	_ =	shalt  }
0x79: {  	_ =	shalt  }
0x7a: {  	_ =	shalt  }
0x7b: {  	_ =	shalt  }
0x7c: {  	_ =	shalt  }
0x7d: {  	_ =	shalt  }
0x7e: {  	_ =	shalt  }
0x7f: {  	_ =	shalt  }
0x80: {  	_ =	shalt  }
0x81: {  	_ =	shalt  }
0x82: {  	_ =	shalt  }
0x83: {  	_ =	shalt  }
0x84: {  	_ =	shalt  }
0x85: {  	_ =	shalt  }
0x86: {  	_ =	shalt  }
0x87: {  	_ =	shalt  }
.Lfunc_end0:
.L_simem_size_0:
called_computation.3_lowered:
.L_overlay_start_0:
0x88: {  	s2 =	sld [smem:$0x3FD9]  }
0x89: {  	s3 =	sld [smem:$0x3FFE];
	_ =	sdelay $0x1  }
0x8a: {  	s1 =	srdreg.scid  }
0x8b: {  	s0 =	sand.u32 $0x1, s1  }
0x8c: {  	s17 =	sshll.u32 s0, $0xA;
	s2 =	sadd.s32 s3, s2  }
0x8d: {  	s2 =	sadd.s32 s2, s17  }
0x8e: {  	[smem:$0x3FB6] =	sst s2  }
0x8f: {  	_ = 	snop  }
0x90: {  	s18 =	sld [smem:$0x3FD0];
	(tm) =	ssettm $0x1  }
0x91: {  	s19 =	sld [smem:$0x3FFB];
	_ =	sdelay $0x3  }
0x92: {  	_ =	strace s19  }
0x93: {  	s2 =	sld [smem:$0x3FFC];
	_ =	sdelay $0x3  }
0x94: {  	_ =	strace s2  }
0x95: {  	s2 =	sld [smem:$0x3FFD];
	_ =	sdelay $0x3  }
0x96: {  	_ =	strace s2  }
0x97: {  	_ =	strace $0x8FFFFFFF  }
0x98: {  	s20 =	sld [smem:$0x3FDB];
	_ =	sdelay $0x1  }
0x99: {  	s4 =	simm.s32 $_scs_section_size  }
0x9a: {  	s5 =	simm.s32 $_size__tile_overlayer_lowered;
	s6 =	simm.s32 $_tile_overlayer_lowered  }
0x9b: {  	s7 =	simm.s32 $0x1BFF;
	s21 =	sshll.u32 s6, $0x1;
	s4 =	sadd.s32 s4, s20  }
0x9c: {  	s22 =	simm.s32 $0x0;
	s5 =	sshll.u32 s5, $0x1;
	s6 =	sadd.s32 s21, s4  }
0x9d: {  	[timem:s22], [sflag:s7] =	dma.local [hbm:s6], s5  }
0x9e: {  	_ =	swait.ge [sflag:s7], s5  }
0x9f: {  	s5 =	ssub.s32 $0x0, s5;
	[sflag:s7] =	ssyncset.done $0x0  }
0xa0: {  	[sflag:s7] =	ssyncadd.s32 s5;
	_ =	sdelay $0x1  }
0xa1: {  	s23 =	simm.s32 $0x1B8B  }
0xa2: {  	_ =	swait.ge [sflag:s23], $0x1  }
0xa3: {  	[sflag:s23] =	ssyncset.done $0x0  }
0xa4: {  	[sflag:s23] =	ssyncadd.s32 $0xFFFFFFFF  }
0xa5: {  	s5 =	sld [smem:$0x0]  }
0xa6: {  	s6 =	sand.u32 $0xFFFFFFFE, s1  }
0xa7: {  	p0 =	sne.s32 s1, s6  }
0xa8: {  	s6 =	sshll.u32 @p0 s6, $0xE  }
0xa9: {  	s6 =	sadd.s32 @p0 $0x11B8D, s6;
	s7 =	sshll.u32 @p0 s5, $0x11  }
0xaa: {  	s6 =	sor.u32 @p0 s7, s6  }
0xab: {  	[sflag:s6] =	ssyncadd.remote.s32 @p0 $0x1;
	_ =	sdelay $0x1  }
0xac: {  	s6 =	simm.s32 @p0 $0x1B8D  }
0xad: {  	_ =	swait.eq @p0 [sflag:s6], $0x1  }
0xae: {  	[sflag:s6] =	ssyncadd.s32 @p0 $0xFFFFFFFF  }
0xaf: {  	s7 =	sshll.u32 @!p0 s1, $0xE  }
0xb0: {  	s7 =	sor.u32 @!p0 $0x4000, s7;
	s6 =	simm.s32 @!p0 $0x1B8D  }
0xb1: {  	s5 =	sshll.u32 @!p0 s5, $0x11;
	s7 =	sadd.s32 @!p0 $0x11B8D, s7;
	_ =	swait.eq @!p0 [sflag:s6], $0x1  }
0xb2: {  	s5 =	sor.u32 @!p0 s5, s7;
	[sflag:s6] =	ssyncadd.s32 @!p0 $0xFFFFFFFF  }
0xb3: {  	s25 =	simm.s32 $0x1B8E;
	s24 =	sld [smem:$0x3FFE];
	[sflag:s5] =	ssyncadd.remote.s32 @!p0 $0x1  }
0xb4: {  	s26 =	simm.s32 $execute0_lowered;
	[smem:$0x3FD2] =	sst s25  }
0xb5: {  	s6 =	sshll.u32 s26, $0x1;
	_ =	strace $0x8000004F;
	[dreg:$0x1] =	wrdreg $0xFFFFFFFF  }
0xb6: {  	s28 =	simm.s32 $_size_execute0_lowered;
	s4 =	sadd.s32 s4, s6;
	[dreg:$0x0] =	wrdreg $0x0  }
0xb7: {  	s6 =	sshll.u32 s28, $0x1;
	[dreg:$0x2] =	wrdreg s4  }
0xb8: {  	[dreg:$0x3] =	wrdreg s6  }
0xb9: {  	[dreg:$0x4] =	wrdreg $0xC0  }
0xba: {  	_ =	task [dreg:s22], $0x5FFFF  }
0xbb: {  	[dreg:$0x1] =	wrdreg $0xFFFFFFFF  }
0xbc: {  	[dreg:$0x0] =	wrdreg $0x60  }
0xbd: {  	[dreg:$0x2] =	wrdreg s24  }
0xbe: {  	[dreg:$0x3] =	wrdreg s18  }
0xbf: {  	[dreg:$0x4] =	wrdreg $0xAA000  }
0xc0: {  	[dreg:$0x5] =	wrdreg $0xA  }
0xc1: {  	_ =	task.clear_ibuf [dreg:s22], $0x6FFFF;
	_ =	strace $0x9000004F  }
0xc2: {  	s29 =	simm.s32 $0xA;
	_ =	strace $0x80000051  }
0xc3: {  	_ =	swait.ge [sflag:s29], $0x1  }
0xc4: {  	[sflag:s29] =	ssyncadd.s32 $0xFFFFFFFF  }
0xc5: {  	_ =	strace $0x90000051  }
0xc6: {  	_ =	sfence  }
0xc7: {  	s30 =	sld [smem:$0x0];
	_ =	sdelay $0x2  }
0xc8: {  	s31 =	sshll.u32 s1, $0xD;
	s1 =	sshrl.u32 s1, $0x2  }
0xc9: {  	s4 =	sand.u32 $0x4000, s31;
	s1 =	sadd.s32 s1, s30  }
0xca: {  	s0 =	sor.u32 s4, s0;
	s1 =	sshll.u32 s1, $0x11  }
0xcb: {  	s0 =	sor.u32 s1, s0  }
0xcc: {  	s0 =	sadd.s32 $0x8F2B, s0  }
0xcd: {  	[sflag:s0] =	ssyncadd.remote.s32 $0x1  }
0xce: {  	_ =	sfence.sel $0xFFFF  }
0xcf: {  	[dreg:$0x0] =	wrdreg $0xFFFFFFFF;
	(pc) =	sbr.abs _section_cstart, $3  }
0xd0: {  	[dreg:$0x1] =	wrdreg $0xFFFFFFFF  }
0xd1: {  	_ =	task.clear_ibuf [dreg:s22], $0x2FFFF;
	_ =	strace $0x9FFFFFFF  }
0xd2: {  	(tm) =	ssettm $0x7FFFFFFF  }
0xd3: {  	_ =	shalt  }
tec
execute0_lowered:
.L_overlay_start_1:
0x0: {  	(tag) =	ssettag $0x1  }
0x1: {  	s5 =	rddreg [dreg:$0x0]  }
0x2: {  	s8 =	rddreg [dreg:$0x1]  }
0x3: {  	s2 =	rddreg [dreg:$0x2]  }
0x4: {  	s0 =	rddreg [dreg:$0x3];
	s1 =	stileid.u32  }
0x5: {  	s3 =	simm.s32 $0x0;
	s4 =	srdreg.scid;
	s14 =	simm.s32 $0x2A00  }
0x6: {  	s15 =	simm.s32 $0x2880;
	s16 =	simm.s32 $0x6A00;
	s17 =	simm.s32 $0x1  }
0x7: {  	s18 =	simm.s32 $0x2900;
	s20 =	simm.s32 $0x2980;
	s6 =	smul.u32 $0x500, s1  }
0x8: {  	s21 =	simm.s32 $0x0;
	[smem:$0x7FF] =	sst s3;
	s7 =	smul.u32 $0x4F000, s1  }
0x9: {  	s19 =	sand.u32 $0x1, s4;
	s4 =	sadd.s32 $0xB000, s5;
	s12 =	smul.u32 $0x13C00, s1  }
0xa: {  	s30 =	sshll.u32 s1, $0x6;
	_ =	strace $0x80000050;
	s9 =	ssub.s32 $0x2, s19  }
0xb: {  	s10 =	smul.u32 $0x13C000, s19;
	v0 =	vmov s19;
	s19 =	simm.s32 $0x2;
	s11 =	sshrl.u32 s9, $0x1  }
0xc: {  	s13 =	sadd.s32 s6, s5;
	s5 =	sadd.s32 $0x8800, s5;
	s29 =	sshrl.u32 s7, $0x2  }
0xd: {  	s6 =	sor.u32 $0x1C03, s30;
	s9 =	ssub.s32 s9, s11;
	s10 =	sadd.s32 s12, s10  }
0xe: {  	s31 =	sadd.s32 s29, s2;
	s7 =	sadd.s32 $0x3800, s13;
	s11 =	simm.s32 $0x3  }
0xf: {  	s12 =	simm.s32 $0x80;
	s13 =	simm.s32 $0x2800;
	s10 =	sshrl.u32 s10, $0x3  }
0x10: {  	s9 =	smax.u32 s9, $0x1;
	s8 =	sadd.s32 s8, s10;
	s10 =	sshrl.u32 s31, $0x3  }
.LBB2_1:
0x11: {  	[spmem:s10], [sflag:s6] =	dma.local [hbm:s5], $0x2780  }
0x12: {  	_ =	swait.ge [sflag:s11], $0x2780  }
0x13: {  	[sflag:s11] =	ssyncset.done $0x0  }
0x14: {  	[sflag:s11] =	ssyncadd.s32 $0xFFFFD880  }
0x15: {  	[tilespmem:s3], [sflag:$0x3] =	stream.linear.gather [hbm4b:s7+s3], $0x2780, $0x38;
	[tilespmem:$0x1E600] =	vst v63  }
0x16: {  	_ =	swait.ge [sflag:s11], $0x2780  }
0x17: {  	[sflag:s11] =	ssyncset.done $0x0  }
0x18: {  	[sflag:s11] =	ssyncadd.s32 $0xFFFFD880  }
0x19: {  	[bflag:$0x0] =	sbarrier.arrive $0xFFFF  }
0x1a: {  	v1 =	vld [tilespmem:$0x0];
	_ =	sdelay $0x1  }
0x1b: {  	v2 =	vld [tilespmem:$0x10];
	_ =	sdelay $0x1  }
0x1c: {  	v3 =	vld [tilespmem:$0x20]  }
0x1d: {  	v4 =	vshrl.u32 v1, $0xE;
	v5 =	vshra.s32 v1, $0x1C  }
0x1e: {  	v55 =	vld [tilespmem:$0x30];
	v1 =	vand.u32 $0x3FFF, v1;
	v4 =	vand.u32 $0x3FFF, v4;
	vm0 =	veq.s32 v5, v0  }
0x1f: {  	v56 =	vshrl.u32 v2, $0xE;
	v6 =	vshra.s32 v2, $0x1C;
	[tilespmem:$0x2800] =	vst v1;
	v1 =	vnsel vm0, $0x2710, v4  }
0x20: {  	v57 =	vld [tilespmem:$0x40];
	vm5 =	veq.s32 v6, v0;
	[tilespmem:$0x2900] =	vst v1;
	v1 =	vand.u32 $0x3FFF, v2;
	v2 =	vand.u32 $0x3FFF, v56  }
0x21: {  	v58 =	vshra.s32 v3, $0x1C;
	[tilespmem:$0x2810] =	vst v1;
	v1 =	vnsel vm5, $0x2710, v2;
	v2 =	vshrl.u32 v3, $0xE  }
0x22: {  	vm6 =	veq.s32 v58, v0;
	[tilespmem:$0x2910] =	vst v1;
	v1 =	vand.u32 $0x3FFF, v3;
	v2 =	vand.u32 $0x3FFF, v2;
	v3 =	vld [tilespmem:$0x50]  }
0x23: {  	v59 =	vshra.s32 v55, $0x1C;
	[tilespmem:$0x2820] =	vst v1;
	v1 =	vnsel vm6, $0x2710, v2;
	v2 =	vshrl.u32 v55, $0xE  }
0x24: {  	v60 =	vld [tilespmem:$0x60];
	vm7 =	veq.s32 v59, v0;
	[tilespmem:$0x2920] =	vst v1;
	v1 =	vand.u32 $0x3FFF, v55;
	v2 =	vand.u32 $0x3FFF, v2  }
0x25: {  	v61 =	vshra.s32 v57, $0x1C;
	[tilespmem:$0x2830] =	vst v1;
	v1 =	vnsel vm7, $0x2710, v2;
	v2 =	vshrl.u32 v57, $0xE  }
0x26: {  	v62 =	vld [tilespmem:$0x70];
	vm8 =	veq.s32 v61, v0;
	[tilespmem:$0x2930] =	vst v1;
	v1 =	vand.u32 $0x3FFF, v57;
	v2 =	vand.u32 $0x3FFF, v2  }
0x27: {  	[tilespmem:$0x2840] =	vst v1;
	v1 =	vnsel vm8, $0x2710, v2;
	v2 =	vshrl.u32 v3, $0xE;
	v63 =	vshra.s32 v3, $0x1C  }
0x28: {  	[tilespmem:$0x2940] =	vst v1;
	v1 =	vand.u32 $0x3FFF, v3;
	v2 =	vand.u32 $0x3FFF, v2;
	vm9 =	veq.s32 v63, v0  }
0x29: {  	v3 =	vshra.s32 v60, $0x1C;
	[tilespmem:$0x2850] =	vst v1;
	v1 =	vnsel vm9, $0x2710, v2;
	v2 =	vshrl.u32 v60, $0xE  }
0x2a: {  	vm10 =	veq.s32 v3, v0;
	[tilespmem:$0x2950] =	vst v1;
	v1 =	vand.u32 $0x3FFF, v60;
	v2 =	vand.u32 $0x3FFF, v2  }
0x2b: {  	v3 =	vshra.s32 v62, $0x1C;
	[tilespmem:$0x2860] =	vst v1;
	v1 =	vnsel vm10, $0x2710, v2;
	v2 =	vshrl.u32 v62, $0xE  }
0x2c: {  	vm11 =	veq.s32 v3, v0;
	[tilespmem:$0x2960] =	vst v1;
	v1 =	vand.u32 $0x3FFF, v62;
	v2 =	vand.u32 $0x3FFF, v2  }
0x2d: {  	[tilespmem:$0x2870] =	vst v1;
	v1 =	vnsel vm11, $0x2710, v2  }
0x2e: {  	s22 =	simm.s32 $0x0;
	[tilespmem:$0x2970] =	vst v1  }
0x2f: {  	[tilespmem:s14], [sflag:$0x1] =	stream.indirect.gather [hbm4b:s4+s12], $0x80, s13, s12, $0xb8;
	[tilespmem:$0x1E600] =	vst v63  }
0x30: {  	v1 =	vld [tilespmem:s22+$0x80];
	_ =	sdelay $0x4  }
0x31: {  	v2 =	vshrl.u32 v1, $0xE;
	v3 =	vshra.s32 v1, $0x1C  }
0x32: {  	v1 =	vand.u32 $0x3FFF, v1;
	v2 =	vand.u32 $0x3FFF, v2;
	vm12 =	veq.s32 v3, v0  }
0x33: {  	[tilespmem:$0x2880] =	vst v1;
	v1 =	vnsel vm12, $0x2710, v2  }
0x34: {  	[tilespmem:$0x2980] =	vst v1  }
0x35: {  	v1 =	vld [tilespmem:s22+$0x90];
	_ =	sdelay $0x4  }
0x36: {  	v2 =	vshrl.u32 v1, $0xE;
	v3 =	vshra.s32 v1, $0x1C  }
0x37: {  	v1 =	vand.u32 $0x3FFF, v1;
	v2 =	vand.u32 $0x3FFF, v2;
	vm13 =	veq.s32 v3, v0  }
0x38: {  	[tilespmem:$0x2890] =	vst v1;
	v1 =	vnsel vm13, $0x2710, v2  }
0x39: {  	[tilespmem:$0x2990] =	vst v1  }
0x3a: {  	v1 =	vld [tilespmem:s22+$0xA0];
	_ =	sdelay $0x4  }
0x3b: {  	v2 =	vshrl.u32 v1, $0xE;
	v3 =	vshra.s32 v1, $0x1C  }
0x3c: {  	v1 =	vand.u32 $0x3FFF, v1;
	v2 =	vand.u32 $0x3FFF, v2;
	vm14 =	veq.s32 v3, v0  }
0x3d: {  	[tilespmem:$0x28A0] =	vst v1;
	v1 =	vnsel vm14, $0x2710, v2  }
0x3e: {  	[tilespmem:$0x29A0] =	vst v1  }
0x3f: {  	v1 =	vld [tilespmem:s22+$0xB0];
	_ =	sdelay $0x4  }
0x40: {  	v2 =	vshrl.u32 v1, $0xE;
	v3 =	vshra.s32 v1, $0x1C  }
0x41: {  	v1 =	vand.u32 $0x3FFF, v1;
	v2 =	vand.u32 $0x3FFF, v2;
	vm15 =	veq.s32 v3, v0  }
0x42: {  	[tilespmem:$0x28B0] =	vst v1;
	v1 =	vnsel vm15, $0x2710, v2  }
0x43: {  	[tilespmem:$0x29B0] =	vst v1  }
0x44: {  	v1 =	vld [tilespmem:s22+$0xC0];
	_ =	sdelay $0x4  }
0x45: {  	v2 =	vshrl.u32 v1, $0xE;
	v3 =	vshra.s32 v1, $0x1C  }
0x46: {  	v1 =	vand.u32 $0x3FFF, v1;
	v2 =	vand.u32 $0x3FFF, v2;
	vm4 =	veq.s32 v3, v0  }
0x47: {  	[tilespmem:$0x28C0] =	vst v1;
	v1 =	vnsel vm4, $0x2710, v2  }
0x48: {  	[tilespmem:$0x29C0] =	vst v1  }
0x49: {  	v1 =	vld [tilespmem:s22+$0xD0];
	_ =	sdelay $0x4  }
0x4a: {  	v2 =	vshrl.u32 v1, $0xE;
	v3 =	vshra.s32 v1, $0x1C  }
0x4b: {  	v1 =	vand.u32 $0x3FFF, v1;
	v2 =	vand.u32 $0x3FFF, v2;
	vm5 =	veq.s32 v3, v0  }
0x4c: {  	[tilespmem:$0x28D0] =	vst v1;
	v1 =	vnsel vm5, $0x2710, v2  }
0x4d: {  	[tilespmem:$0x29D0] =	vst v1  }
0x4e: {  	v1 =	vld [tilespmem:s22+$0xE0];
	_ =	sdelay $0x4  }
0x4f: {  	v2 =	vshrl.u32 v1, $0xE;
	v3 =	vshra.s32 v1, $0x1C  }
0x50: {  	v1 =	vand.u32 $0x3FFF, v1;
	v2 =	vand.u32 $0x3FFF, v2;
	vm6 =	veq.s32 v3, v0  }
0x51: {  	[tilespmem:$0x28E0] =	vst v1;
	v1 =	vnsel vm6, $0x2710, v2  }
0x52: {  	[tilespmem:$0x29E0] =	vst v1  }
0x53: {  	v1 =	vld [tilespmem:s22+$0xF0];
	_ =	sdelay $0x4  }
0x54: {  	v2 =	vshrl.u32 v1, $0xE;
	v3 =	vshra.s32 v1, $0x1C  }
0x55: {  	v1 =	vand.u32 $0x3FFF, v1;
	v2 =	vand.u32 $0x3FFF, v2;
	vm7 =	veq.s32 v3, v0  }
0x56: {  	[tilespmem:$0x28F0] =	vst v1;
	v1 =	vnsel vm7, $0x2710, v2  }
0x57: {  	[tilespmem:$0x29F0] =	vst v1  }
0x58: {  	[tilespmem:s16], [sflag:$0x2] =	stream.indirect.gather [hbm4b:s4+s12], $0x80, s15, s12, $0xb8;
	[tilespmem:$0x1E600] =	vst v63  }
0x59: {  	_ =	swait.ge [sflag:s17], $0x4000  }
0x5a: {  	[sflag:s17] =	ssyncset.done $0x0  }
0x5b: {  	[sflag:s17] =	ssyncadd.s32 $0xFFFFC000  }
0x5c: {  	[spmem:s2] =	stream.indirect.scatter.add.f32 [tilespmem:s14], [sflag:$0x3], $0x80, s18, s12, $0xb8;
	[tilespmem:$0x1E600] =	vst v63  }
0x5d: {  	_ =	swait.ge [sflag:s11], $0x4000  }
0x5e: {  	[sflag:s11] =	ssyncset.done $0x0  }
0x5f: {  	[sflag:s11] =	ssyncadd.s32 $0xFFFFC000  }
0x60: {  	v1 =	vld [tilespmem:s22+$0x100];
	_ =	sdelay $0x4  }
0x61: {  	v2 =	vshrl.u32 v1, $0xE;
	v3 =	vshra.s32 v1, $0x1C  }
0x62: {  	v1 =	vand.u32 $0x3FFF, v1;
	v2 =	vand.u32 $0x3FFF, v2;
	vm8 =	veq.s32 v3, v0  }
0x63: {  	[tilespmem:$0x2800] =	vst v1;
	v1 =	vnsel vm8, $0x2710, v2  }
0x64: {  	[tilespmem:$0x2900] =	vst v1  }
0x65: {  	v1 =	vld [tilespmem:s22+$0x110];
	_ =	sdelay $0x4  }
0x66: {  	v2 =	vshrl.u32 v1, $0xE;
	v3 =	vshra.s32 v1, $0x1C  }
0x67: {  	v1 =	vand.u32 $0x3FFF, v1;
	v2 =	vand.u32 $0x3FFF, v2;
	vm9 =	veq.s32 v3, v0  }
0x68: {  	[tilespmem:$0x2810] =	vst v1;
	v1 =	vnsel vm9, $0x2710, v2  }
0x69: {  	[tilespmem:$0x2910] =	vst v1  }
0x6a: {  	v1 =	vld [tilespmem:s22+$0x120];
	_ =	sdelay $0x4  }
0x6b: {  	v2 =	vshrl.u32 v1, $0xE;
	v3 =	vshra.s32 v1, $0x1C  }
0x6c: {  	v1 =	vand.u32 $0x3FFF, v1;
	v2 =	vand.u32 $0x3FFF, v2;
	vm10 =	veq.s32 v3, v0  }
0x6d: {  	[tilespmem:$0x2820] =	vst v1;
	v1 =	vnsel vm10, $0x2710, v2  }
0x6e: {  	[tilespmem:$0x2920] =	vst v1  }
0x6f: {  	v1 =	vld [tilespmem:s22+$0x130];
	_ =	sdelay $0x4  }
0x70: {  	v2 =	vshrl.u32 v1, $0xE;
	v3 =	vshra.s32 v1, $0x1C  }
0x71: {  	v1 =	vand.u32 $0x3FFF, v1;
	v2 =	vand.u32 $0x3FFF, v2;
	vm11 =	veq.s32 v3, v0  }
0x72: {  	[tilespmem:$0x2830] =	vst v1;
	v1 =	vnsel vm11, $0x2710, v2  }
0x73: {  	[tilespmem:$0x2930] =	vst v1  }
0x74: {  	v1 =	vld [tilespmem:s22+$0x140];
	_ =	sdelay $0x4  }
0x75: {  	v2 =	vshrl.u32 v1, $0xE;
	v3 =	vshra.s32 v1, $0x1C  }
0x76: {  	v1 =	vand.u32 $0x3FFF, v1;
	v2 =	vand.u32 $0x3FFF, v2;
	vm12 =	veq.s32 v3, v0  }
0x77: {  	[tilespmem:$0x2840] =	vst v1;
	v1 =	vnsel vm12, $0x2710, v2  }
0x78: {  	[tilespmem:$0x2940] =	vst v1  }
0x79: {  	v1 =	vld [tilespmem:s22+$0x150];
	_ =	sdelay $0x4  }
0x7a: {  	v2 =	vshrl.u32 v1, $0xE;
	v3 =	vshra.s32 v1, $0x1C  }
0x7b: {  	v1 =	vand.u32 $0x3FFF, v1;
	v2 =	vand.u32 $0x3FFF, v2;
	vm13 =	veq.s32 v3, v0  }
0x7c: {  	[tilespmem:$0x2850] =	vst v1;
	v1 =	vnsel vm13, $0x2710, v2  }
0x7d: {  	[tilespmem:$0x2950] =	vst v1  }
0x7e: {  	v1 =	vld [tilespmem:s22+$0x160];
	_ =	sdelay $0x4  }
0x7f: {  	v2 =	vshrl.u32 v1, $0xE;
	v3 =	vshra.s32 v1, $0x1C  }
0x80: {  	v1 =	vand.u32 $0x3FFF, v1;
	v2 =	vand.u32 $0x3FFF, v2;
	vm14 =	veq.s32 v3, v0  }
0x81: {  	[tilespmem:$0x2860] =	vst v1;
	v1 =	vnsel vm14, $0x2710, v2  }
0x82: {  	[tilespmem:$0x2960] =	vst v1  }
0x83: {  	v1 =	vld [tilespmem:s22+$0x170];
	_ =	sdelay $0x4  }
0x84: {  	v2 =	vshrl.u32 v1, $0xE;
	v3 =	vshra.s32 v1, $0x1C  }
0x85: {  	v1 =	vand.u32 $0x3FFF, v1;
	v2 =	vand.u32 $0x3FFF, v2;
	vm15 =	veq.s32 v3, v0  }
0x86: {  	[tilespmem:$0x2870] =	vst v1;
	v1 =	vnsel vm15, $0x2710, v2  }
0x87: {  	[tilespmem:$0x2970] =	vst v1  }
0x88: {  	[tilespmem:s14], [sflag:$0x1] =	stream.indirect.gather [hbm4b:s4+s12], $0x80, s13, s12, $0xb8;
	[tilespmem:$0x1E600] =	vst v63  }
0x89: {  	_ =	swait.ge [sflag:s19], $0x4000  }
0x8a: {  	[sflag:s19] =	ssyncset.done $0x0  }
0x8b: {  	[sflag:s19] =	ssyncadd.s32 $0xFFFFC000  }
0x8c: {  	[spmem:s2] =	stream.indirect.scatter.add.f32 [tilespmem:s16], [sflag:$0x3], $0x80, s20, s12, $0xb8;
	[tilespmem:$0x1E600] =	vst v63  }
0x8d: {  	_ =	swait.ge [sflag:s11], $0x4000  }
0x8e: {  	s25 =	simm.s32 $0x800;
	s22 =	simm.s32 $0x400;
	[sflag:s11] =	ssyncset.done $0x0  }
.LBB2_2:
0x8f: {  	s24 =	sshra.s32 s22, $0x2  }
0x90: {  	[sflag:s11] =	ssyncadd.s32 $0xFFFFC000;
	s22 =	smov.u32 s25;
	s23 =	sadd.s32 $0x400, s25  }
0x91: {  	p0 =	sne.s32 s25, $0x9800;
	v1 =	vld [tilespmem:s24+$0x80];
	_ =	sdelay $0x4  }
0x92: {  	v2 =	vand.u32 $0x3FFF, v1;
	v3 =	vshrl.u32 v1, $0xE;
	v1 =	vshra.s32 v1, $0x1C  }
0x93: {  	v3 =	vand.u32 $0x3FFF, v3;
	vm0 =	veq.s32 v1, v0  }
0x94: {  	[tilespmem:$0x2880] =	vst v2;
	v1 =	vnsel vm0, $0x2710, v3  }
0x95: {  	[tilespmem:$0x2980] =	vst v1  }
0x96: {  	v1 =	vld [tilespmem:s24+$0x90];
	_ =	sdelay $0x4  }
0x97: {  	v2 =	vand.u32 $0x3FFF, v1;
	v3 =	vshrl.u32 v1, $0xE;
	v1 =	vshra.s32 v1, $0x1C  }
0x98: {  	v3 =	vand.u32 $0x3FFF, v3;
	vm0 =	veq.s32 v1, v0  }
0x99: {  	[tilespmem:$0x2890] =	vst v2;
	v1 =	vnsel vm0, $0x2710, v3  }
0x9a: {  	[tilespmem:$0x2990] =	vst v1  }
0x9b: {  	v1 =	vld [tilespmem:s24+$0xA0];
	_ =	sdelay $0x4  }
0x9c: {  	v2 =	vand.u32 $0x3FFF, v1;
	v3 =	vshrl.u32 v1, $0xE;
	v1 =	vshra.s32 v1, $0x1C  }
0x9d: {  	v3 =	vand.u32 $0x3FFF, v3;
	vm0 =	veq.s32 v1, v0  }
0x9e: {  	[tilespmem:$0x28A0] =	vst v2;
	v1 =	vnsel vm0, $0x2710, v3  }
0x9f: {  	[tilespmem:$0x29A0] =	vst v1  }
0xa0: {  	v1 =	vld [tilespmem:s24+$0xB0];
	_ =	sdelay $0x4  }
0xa1: {  	v2 =	vand.u32 $0x3FFF, v1;
	v3 =	vshrl.u32 v1, $0xE;
	v1 =	vshra.s32 v1, $0x1C  }
0xa2: {  	v3 =	vand.u32 $0x3FFF, v3;
	vm0 =	veq.s32 v1, v0  }
0xa3: {  	[tilespmem:$0x28B0] =	vst v2;
	v1 =	vnsel vm0, $0x2710, v3  }
0xa4: {  	[tilespmem:$0x29B0] =	vst v1  }
0xa5: {  	v1 =	vld [tilespmem:s24+$0xC0];
	_ =	sdelay $0x4  }
0xa6: {  	v2 =	vand.u32 $0x3FFF, v1;
	v3 =	vshrl.u32 v1, $0xE;
	v1 =	vshra.s32 v1, $0x1C  }
0xa7: {  	[tilespmem:$0x28C0] =	vst v2;
	v2 =	vand.u32 $0x3FFF, v3;
	vm0 =	veq.s32 v1, v0  }
0xa8: {  	v1 =	vnsel vm0, $0x2710, v2  }
0xa9: {  	[tilespmem:$0x29C0] =	vst v1  }
0xaa: {  	v1 =	vld [tilespmem:s24+$0xD0];
	_ =	sdelay $0x4  }
0xab: {  	v2 =	vand.u32 $0x3FFF, v1;
	v3 =	vshrl.u32 v1, $0xE;
	v1 =	vshra.s32 v1, $0x1C  }
0xac: {  	[tilespmem:$0x28D0] =	vst v2;
	v2 =	vand.u32 $0x3FFF, v3;
	vm0 =	veq.s32 v1, v0  }
0xad: {  	v1 =	vnsel vm0, $0x2710, v2  }
0xae: {  	[tilespmem:$0x29D0] =	vst v1  }
0xaf: {  	v1 =	vld [tilespmem:s24+$0xE0];
	_ =	sdelay $0x4  }
0xb0: {  	v2 =	vand.u32 $0x3FFF, v1;
	v3 =	vshrl.u32 v1, $0xE;
	v1 =	vshra.s32 v1, $0x1C  }
0xb1: {  	[tilespmem:$0x28E0] =	vst v2;
	v2 =	vand.u32 $0x3FFF, v3;
	vm0 =	veq.s32 v1, v0  }
0xb2: {  	v1 =	vnsel vm0, $0x2710, v2  }
0xb3: {  	[tilespmem:$0x29E0] =	vst v1  }
0xb4: {  	v1 =	vld [tilespmem:s24+$0xF0];
	_ =	sdelay $0x4  }
0xb5: {  	v2 =	vand.u32 $0x3FFF, v1;
	v3 =	vshrl.u32 v1, $0xE;
	v1 =	vshra.s32 v1, $0x1C  }
0xb6: {  	[tilespmem:$0x28F0] =	vst v2;
	v2 =	vand.u32 $0x3FFF, v3;
	vm0 =	veq.s32 v1, v0  }
0xb7: {  	v1 =	vnsel vm0, $0x2710, v2  }
0xb8: {  	[tilespmem:$0x29F0] =	vst v1  }
0xb9: {  	[tilespmem:s16], [sflag:$0x2] =	stream.indirect.gather [hbm4b:s4+s12], $0x80, s15, s12, $0xb8;
	[tilespmem:$0x1E600] =	vst v63  }
0xba: {  	_ =	swait.ge [sflag:s17], $0x4000  }
0xbb: {  	[sflag:s17] =	ssyncset.done $0x0  }
0xbc: {  	[sflag:s17] =	ssyncadd.s32 $0xFFFFC000  }
0xbd: {  	[spmem:s2] =	stream.indirect.scatter.add.f32 [tilespmem:s14], [sflag:$0x3], $0x80, s18, s12, $0xb8;
	[tilespmem:$0x1E600] =	vst v63  }
0xbe: {  	_ =	swait.ge [sflag:s11], $0x4000  }
0xbf: {  	[sflag:s11] =	ssyncset.done $0x0  }
0xc0: {  	[sflag:s11] =	ssyncadd.s32 $0xFFFFC000  }
0xc1: {  	v1 =	vld [tilespmem:s24+$0x100];
	_ =	sdelay $0x4  }
0xc2: {  	v2 =	vand.u32 $0x3FFF, v1;
	v3 =	vshrl.u32 v1, $0xE;
	v1 =	vshra.s32 v1, $0x1C  }
0xc3: {  	v3 =	vand.u32 $0x3FFF, v3;
	vm0 =	veq.s32 v1, v0  }
0xc4: {  	[tilespmem:$0x2800] =	vst v2;
	v1 =	vnsel vm0, $0x2710, v3  }
0xc5: {  	[tilespmem:$0x2900] =	vst v1  }
0xc6: {  	v1 =	vld [tilespmem:s24+$0x110];
	_ =	sdelay $0x4  }
0xc7: {  	v2 =	vand.u32 $0x3FFF, v1;
	v3 =	vshrl.u32 v1, $0xE;
	v1 =	vshra.s32 v1, $0x1C  }
0xc8: {  	v3 =	vand.u32 $0x3FFF, v3;
	vm0 =	veq.s32 v1, v0  }
0xc9: {  	[tilespmem:$0x2810] =	vst v2;
	v1 =	vnsel vm0, $0x2710, v3  }
0xca: {  	[tilespmem:$0x2910] =	vst v1  }
0xcb: {  	v1 =	vld [tilespmem:s24+$0x120];
	_ =	sdelay $0x4  }
0xcc: {  	v2 =	vand.u32 $0x3FFF, v1;
	v3 =	vshrl.u32 v1, $0xE;
	v1 =	vshra.s32 v1, $0x1C  }
0xcd: {  	[tilespmem:$0x2820] =	vst v2;
	v2 =	vand.u32 $0x3FFF, v3;
	vm0 =	veq.s32 v1, v0  }
0xce: {  	v1 =	vnsel vm0, $0x2710, v2  }
0xcf: {  	[tilespmem:$0x2920] =	vst v1  }
0xd0: {  	v1 =	vld [tilespmem:s24+$0x130];
	_ =	sdelay $0x4  }
0xd1: {  	v2 =	vand.u32 $0x3FFF, v1;
	v3 =	vshrl.u32 v1, $0xE;
	v1 =	vshra.s32 v1, $0x1C  }
0xd2: {  	[tilespmem:$0x2830] =	vst v2;
	v2 =	vand.u32 $0x3FFF, v3;
	vm0 =	veq.s32 v1, v0  }
0xd3: {  	v1 =	vnsel vm0, $0x2710, v2  }
0xd4: {  	[tilespmem:$0x2930] =	vst v1  }
0xd5: {  	v1 =	vld [tilespmem:s24+$0x140];
	_ =	sdelay $0x4  }
0xd6: {  	v2 =	vand.u32 $0x3FFF, v1;
	v3 =	vshrl.u32 v1, $0xE;
	v1 =	vshra.s32 v1, $0x1C  }
0xd7: {  	[tilespmem:$0x2840] =	vst v2;
	v2 =	vand.u32 $0x3FFF, v3;
	vm0 =	veq.s32 v1, v0  }
0xd8: {  	v1 =	vnsel vm0, $0x2710, v2  }
0xd9: {  	[tilespmem:$0x2940] =	vst v1  }
0xda: {  	v1 =	vld [tilespmem:s24+$0x150];
	_ =	sdelay $0x4  }
0xdb: {  	v2 =	vand.u32 $0x3FFF, v1;
	v3 =	vshrl.u32 v1, $0xE;
	v1 =	vshra.s32 v1, $0x1C  }
0xdc: {  	[tilespmem:$0x2850] =	vst v2;
	v2 =	vand.u32 $0x3FFF, v3;
	vm0 =	veq.s32 v1, v0  }
0xdd: {  	v1 =	vnsel vm0, $0x2710, v2  }
0xde: {  	[tilespmem:$0x2950] =	vst v1  }
0xdf: {  	v1 =	vld [tilespmem:s24+$0x160];
	_ =	sdelay $0x4  }
0xe0: {  	v2 =	vand.u32 $0x3FFF, v1;
	v3 =	vshrl.u32 v1, $0xE;
	v1 =	vshra.s32 v1, $0x1C  }
0xe1: {  	[tilespmem:$0x2860] =	vst v2;
	v2 =	vand.u32 $0x3FFF, v3;
	vm0 =	veq.s32 v1, v0  }
0xe2: {  	v1 =	vnsel vm0, $0x2710, v2  }
0xe3: {  	[tilespmem:$0x2960] =	vst v1  }
0xe4: {  	v1 =	vld [tilespmem:s24+$0x170];
	_ =	sdelay $0x4  }
0xe5: {  	v2 =	vand.u32 $0x3FFF, v1;
	v3 =	vshrl.u32 v1, $0xE;
	v1 =	vshra.s32 v1, $0x1C  }
0xe6: {  	[tilespmem:$0x2870] =	vst v2;
	v2 =	vand.u32 $0x3FFF, v3;
	vm0 =	veq.s32 v1, v0  }
0xe7: {  	v1 =	vnsel vm0, $0x2710, v2  }
0xe8: {  	[tilespmem:$0x2970] =	vst v1  }
0xe9: {  	[tilespmem:s14], [sflag:$0x1] =	stream.indirect.gather [hbm4b:s4+s12], $0x80, s13, s12, $0xb8;
	[tilespmem:$0x1E600] =	vst v63  }
0xea: {  	_ =	swait.ge [sflag:s19], $0x4000  }
.Ltmp0:
0xeb: {  	[sflag:s19] =	ssyncset.done $0x0;
	(pc) =	sbr.rel @p0 .LBB2_2-.Ltmp0, $4  }
0xec: {  	[sflag:s19] =	ssyncadd.s32 $0xFFFFC000  }
0xed: {  	[spmem:s2] =	stream.indirect.scatter.add.f32 [tilespmem:s16], [sflag:$0x3], $0x80, s20, s12, $0xb8;
	[tilespmem:$0x1E600] =	vst v63  }
0xee: {  	_ =	swait.ge [sflag:s11], $0x4000  }
0xef: {  	s25 =	smov.u32 s23;
	[sflag:s11] =	ssyncset.done $0x0  }
0xf0: {  	s22 =	sshra.s32 s22, $0x2;
	[sflag:s11] =	ssyncadd.s32 $0xFFFFC000  }
0xf1: {  	v1 =	vld [tilespmem:s22+$0x80];
	_ =	sdelay $0x4  }
0xf2: {  	v2 =	vshrl.u32 v1, $0xE;
	v3 =	vshra.s32 v1, $0x1C  }
0xf3: {  	v1 =	vand.u32 $0x3FFF, v1;
	v2 =	vand.u32 $0x3FFF, v2;
	vm0 =	veq.s32 v3, v0  }
0xf4: {  	[tilespmem:$0x2880] =	vst v1;
	v1 =	vnsel vm0, $0x2710, v2  }
0xf5: {  	[tilespmem:$0x2980] =	vst v1  }
0xf6: {  	v1 =	vld [tilespmem:s22+$0x90];
	_ =	sdelay $0x4  }
0xf7: {  	v2 =	vshrl.u32 v1, $0xE;
	v3 =	vshra.s32 v1, $0x1C  }
0xf8: {  	v1 =	vand.u32 $0x3FFF, v1;
	v2 =	vand.u32 $0x3FFF, v2;
	vm13 =	veq.s32 v3, v0  }
0xf9: {  	[tilespmem:$0x2890] =	vst v1;
	v1 =	vnsel vm13, $0x2710, v2  }
0xfa: {  	[tilespmem:$0x2990] =	vst v1  }
0xfb: {  	v1 =	vld [tilespmem:s22+$0xA0];
	_ =	sdelay $0x4  }
0xfc: {  	v2 =	vshrl.u32 v1, $0xE;
	v3 =	vshra.s32 v1, $0x1C  }
0xfd: {  	v1 =	vand.u32 $0x3FFF, v1;
	v2 =	vand.u32 $0x3FFF, v2;
	vm14 =	veq.s32 v3, v0  }
0xfe: {  	[tilespmem:$0x28A0] =	vst v1;
	v1 =	vnsel vm14, $0x2710, v2  }
0xff: {  	[tilespmem:$0x29A0] =	vst v1  }
0x100: {  	v1 =	vld [tilespmem:s22+$0xB0];
	_ =	sdelay $0x4  }
0x101: {  	v2 =	vshrl.u32 v1, $0xE;
	v3 =	vshra.s32 v1, $0x1C  }
0x102: {  	v1 =	vand.u32 $0x3FFF, v1;
	v2 =	vand.u32 $0x3FFF, v2;
	vm15 =	veq.s32 v3, v0  }
0x103: {  	[tilespmem:$0x28B0] =	vst v1;
	v1 =	vnsel vm15, $0x2710, v2  }
0x104: {  	[tilespmem:$0x29B0] =	vst v1  }
0x105: {  	v1 =	vld [tilespmem:s22+$0xC0];
	_ =	sdelay $0x4  }
0x106: {  	v2 =	vshrl.u32 v1, $0xE;
	v3 =	vshra.s32 v1, $0x1C  }
0x107: {  	v1 =	vand.u32 $0x3FFF, v1;
	v2 =	vand.u32 $0x3FFF, v2;
	vm4 =	veq.s32 v3, v0  }
0x108: {  	[tilespmem:$0x28C0] =	vst v1;
	v1 =	vnsel vm4, $0x2710, v2  }
0x109: {  	[tilespmem:$0x29C0] =	vst v1  }
0x10a: {  	v1 =	vld [tilespmem:s22+$0xD0];
	_ =	sdelay $0x4  }
0x10b: {  	v2 =	vshrl.u32 v1, $0xE;
	v3 =	vshra.s32 v1, $0x1C  }
0x10c: {  	v1 =	vand.u32 $0x3FFF, v1;
	v2 =	vand.u32 $0x3FFF, v2;
	vm5 =	veq.s32 v3, v0  }
0x10d: {  	[tilespmem:$0x28D0] =	vst v1;
	v1 =	vnsel vm5, $0x2710, v2  }
0x10e: {  	[tilespmem:$0x29D0] =	vst v1  }
0x10f: {  	v1 =	vld [tilespmem:s22+$0xE0];
	_ =	sdelay $0x4  }
0x110: {  	v2 =	vshrl.u32 v1, $0xE;
	v3 =	vshra.s32 v1, $0x1C  }
0x111: {  	v1 =	vand.u32 $0x3FFF, v1;
	v2 =	vand.u32 $0x3FFF, v2;
	vm6 =	veq.s32 v3, v0  }
0x112: {  	[tilespmem:$0x28E0] =	vst v1;
	v1 =	vnsel vm6, $0x2710, v2  }
0x113: {  	[tilespmem:$0x29E0] =	vst v1  }
0x114: {  	v1 =	vld [tilespmem:s22+$0xF0];
	_ =	sdelay $0x4  }
0x115: {  	v2 =	vshrl.u32 v1, $0xE;
	v3 =	vshra.s32 v1, $0x1C  }
0x116: {  	v1 =	vand.u32 $0x3FFF, v1;
	v2 =	vand.u32 $0x3FFF, v2;
	vm7 =	veq.s32 v3, v0  }
0x117: {  	[tilespmem:$0x28F0] =	vst v1;
	v1 =	vnsel vm7, $0x2710, v2  }
0x118: {  	[tilespmem:$0x29F0] =	vst v1  }
0x119: {  	[tilespmem:s16], [sflag:$0x2] =	stream.indirect.gather [hbm4b:s4+s12], $0x80, s15, s12, $0xb8;
	[tilespmem:$0x1E600] =	vst v63  }
0x11a: {  	_ =	swait.ge [sflag:s17], $0x4000  }
0x11b: {  	[sflag:s17] =	ssyncset.done $0x0  }
0x11c: {  	[sflag:s17] =	ssyncadd.s32 $0xFFFFC000  }
0x11d: {  	[spmem:s2] =	stream.indirect.scatter.add.f32 [tilespmem:s14], [sflag:$0x3], $0x80, s18, s12, $0xb8;
	[tilespmem:$0x1E600] =	vst v63  }
0x11e: {  	_ =	swait.ge [sflag:s11], $0x4000  }
0x11f: {  	[sflag:s11] =	ssyncset.done $0x0  }
0x120: {  	[sflag:s11] =	ssyncadd.s32 $0xFFFFC000  }
0x121: {  	v1 =	vld [tilespmem:s22+$0x100];
	_ =	sdelay $0x4  }
0x122: {  	v2 =	vshrl.u32 v1, $0xE;
	v3 =	vshra.s32 v1, $0x1C  }
0x123: {  	v1 =	vand.u32 $0x3FFF, v1;
	v2 =	vand.u32 $0x3FFF, v2;
	vm8 =	veq.s32 v3, v0  }
0x124: {  	[tilespmem:$0x2800] =	vst v1;
	v1 =	vnsel vm8, $0x2710, v2  }
0x125: {  	[tilespmem:$0x2900] =	vst v1  }
0x126: {  	v1 =	vld [tilespmem:s22+$0x110];
	_ =	sdelay $0x4  }
0x127: {  	v2 =	vshrl.u32 v1, $0xE;
	v3 =	vshra.s32 v1, $0x1C  }
0x128: {  	v1 =	vand.u32 $0x3FFF, v1;
	v2 =	vand.u32 $0x3FFF, v2;
	vm9 =	veq.s32 v3, v0  }
0x129: {  	[tilespmem:$0x2810] =	vst v1;
	v1 =	vnsel vm9, $0x2710, v2  }
0x12a: {  	[tilespmem:$0x2910] =	vst v1  }
0x12b: {  	v1 =	vld [tilespmem:s22+$0x120];
	_ =	sdelay $0x4  }
0x12c: {  	v2 =	vshrl.u32 v1, $0xE;
	v3 =	vshra.s32 v1, $0x1C  }
0x12d: {  	v1 =	vand.u32 $0x3FFF, v1;
	v2 =	vand.u32 $0x3FFF, v2;
	vm10 =	veq.s32 v3, v0  }
0x12e: {  	[tilespmem:$0x2820] =	vst v1;
	v1 =	vnsel vm10, $0x2710, v2  }
0x12f: {  	[tilespmem:$0x2920] =	vst v1  }
0x130: {  	v1 =	vld [tilespmem:s22+$0x130];
	_ =	sdelay $0x4  }
0x131: {  	v2 =	vshrl.u32 v1, $0xE;
	v3 =	vshra.s32 v1, $0x1C  }
0x132: {  	v1 =	vand.u32 $0x3FFF, v1;
	v2 =	vand.u32 $0x3FFF, v2;
	vm11 =	veq.s32 v3, v0  }
0x133: {  	[tilespmem:$0x2830] =	vst v1;
	v1 =	vnsel vm11, $0x2710, v2  }
0x134: {  	[tilespmem:$0x2930] =	vst v1  }
0x135: {  	v1 =	vld [tilespmem:s22+$0x140];
	_ =	sdelay $0x4  }
0x136: {  	v2 =	vshrl.u32 v1, $0xE;
	v3 =	vshra.s32 v1, $0x1C  }
0x137: {  	v1 =	vand.u32 $0x3FFF, v1;
	v2 =	vand.u32 $0x3FFF, v2;
	vm12 =	veq.s32 v3, v0  }
0x138: {  	[tilespmem:$0x2840] =	vst v1;
	v1 =	vnsel vm12, $0x2710, v2  }
0x139: {  	[tilespmem:$0x2940] =	vst v1  }
0x13a: {  	v1 =	vld [tilespmem:s22+$0x150];
	_ =	sdelay $0x4  }
0x13b: {  	v2 =	vshrl.u32 v1, $0xE;
	v3 =	vshra.s32 v1, $0x1C  }
0x13c: {  	v1 =	vand.u32 $0x3FFF, v1;
	v2 =	vand.u32 $0x3FFF, v2;
	vm13 =	veq.s32 v3, v0  }
0x13d: {  	[tilespmem:$0x2850] =	vst v1;
	v1 =	vnsel vm13, $0x2710, v2  }
0x13e: {  	[tilespmem:$0x2950] =	vst v1  }
0x13f: {  	v1 =	vld [tilespmem:s22+$0x160];
	_ =	sdelay $0x4  }
0x140: {  	v2 =	vshrl.u32 v1, $0xE;
	v3 =	vshra.s32 v1, $0x1C  }
0x141: {  	v1 =	vand.u32 $0x3FFF, v1;
	v2 =	vand.u32 $0x3FFF, v2;
	vm14 =	veq.s32 v3, v0  }
0x142: {  	[tilespmem:$0x2860] =	vst v1;
	v1 =	vnsel vm14, $0x2710, v2  }
0x143: {  	[tilespmem:$0x2960] =	vst v1  }
0x144: {  	v1 =	vld [tilespmem:s22+$0x170];
	_ =	sdelay $0x4  }
0x145: {  	v2 =	vshrl.u32 v1, $0xE;
	v3 =	vshra.s32 v1, $0x1C  }
0x146: {  	v1 =	vand.u32 $0x3FFF, v1;
	v2 =	vand.u32 $0x3FFF, v2;
	vm15 =	veq.s32 v3, v0  }
0x147: {  	[tilespmem:$0x2870] =	vst v1;
	v1 =	vnsel vm15, $0x2710, v2  }
0x148: {  	[tilespmem:$0x2970] =	vst v1  }
0x149: {  	[tilespmem:s14], [sflag:$0x1] =	stream.indirect.gather [hbm4b:s4+s12], $0x80, s13, s12, $0xb8;
	[tilespmem:$0x1E600] =	vst v63  }
0x14a: {  	_ =	swait.ge [sflag:s19], $0x4000  }
0x14b: {  	[sflag:s19] =	ssyncset.done $0x0  }
0x14c: {  	[sflag:s19] =	ssyncadd.s32 $0xFFFFC000  }
0x14d: {  	[spmem:s2] =	stream.indirect.scatter.add.f32 [tilespmem:s16], [sflag:$0x3], $0x80, s20, s12, $0xb8;
	[tilespmem:$0x1E600] =	vst v63  }
0x14e: {  	_ =	swait.ge [sflag:s11], $0x4000  }
0x14f: {  	[sflag:s11] =	ssyncset.done $0x0  }
0x150: {  	[sflag:s11] =	ssyncadd.s32 $0xFFFFC000  }
0x151: {  	_ =	swait.ge [sflag:s17], $0x4000  }
0x152: {  	[sflag:s17] =	ssyncset.done $0x0  }
0x153: {  	[sflag:s17] =	ssyncadd.s32 $0xFFFFC000  }
0x154: {  	[spmem:s2] =	stream.indirect.scatter.add.f32 [tilespmem:s14], [sflag:$0x3], $0x80, s18, s12, $0xb8;
	[tilespmem:$0x1E600] =	vst v63  }
0x155: {  	_ =	swait.ge [sflag:s11], $0x4000  }
0x156: {  	s21 =	sadd.s32 $0x1, s21;
	[sflag:s11] =	ssyncset.done $0x0  }
0x157: {  	p0 =	sne.s32 s21, s9;
	[sflag:s11] =	ssyncadd.s32 $0xFFFFC000  }
.Ltmp1:
0x158: {  	[bflag:$0x0] =	sbarrier.arrive $0xFFFF;
	(pc) =	sbr.rel @p0 .LBB2_1-.Ltmp1, $4  }
0x159: {  	[hbm:s8], [sflag:s6] =	dma.local [spmem:s10], $0x2780  }
0x15a: {  	_ =	swait.ge [sflag:s11], $0x2780  }
0x15b: {  	[sflag:s11] =	ssyncset.done $0x0  }
0x15c: {  	[sflag:s11] =	ssyncadd.s32 $0xFFFFD880  }
0x15d: {  	_ =	sfence.sel $0x180000  }
0x15e: {  	[bflag:$0x0] =	sbarrier.arrive $0xFFFF  }
0x15f: {  	p0 =	sne.s32 s1, $0x0;
	_ =	strace $0x90000050  }
0x160: {  	s0 =	sadd.s32 @!p0 $0x100000, s0;
	[bflag:$0x2] =	sbarrier.arrive $0xFFFF  }
0x161: {  	[sflag:s0] =	ssyncadd.tile.s32 @!p0 $0x1;
	_ =	shalt  }
.Lfunc_end2:
_tile_overlayer_lowered:
.L_overlay_start_2:
0x162: {  	(tag) =	ssettag $0x2  }
0x163: {  	s0 =	rddreg [dreg:$0x0];
	s2 =	stileid.u32  }
0x164: {  	s1 =	rddreg [dreg:$0x1];
	p0 =	sne.s32 s2, $0x0  }
0x165: {  	s3 =	rddreg [dreg:$0x2];
	[bflag:$0x3] =	sbarrier.arrive $0xFFFF;
	s2 =	simm.s32 @!p0 $0x1C03  }
0x166: {  	[timem:s3], [sflag:s2] =	dma.local @!p0 [hbm:s0], s1  }
0x167: {  	s0 =	simm.s32 @!p0 $0x3  }
0x168: {  	_ =	swait.ge @!p0 [sflag:s0], s1  }
0x169: {  	s1 =	ssub.s32 @!p0 $0x0, s1;
	[sflag:s0] =	ssyncset.done @!p0 $0x0  }
0x16a: {  	[sflag:s0] =	ssyncadd.s32 @!p0 s1  }
0x16b: {  	[bflag:$0x3] =	sbarrier.arrive $0xFFFF  }
0x16c: {  	_ =	shalt  }

// kernel: kernel.9.cloned.1.call-start
scs
__scs_entry_jumppad:
0x0: {  	(pc) =	sbr.rel $0x88, $3  }
0x1: {  	(tag) =	ssettag $0x0;
	lr =	simm.s32 $0x1  }
0x2: {  	[smem:$0x3F8F] =	sst lr;
	_ =	strace $0xD0000000  }
0x3: {  	_ = 	snop  }
0x4: {  	_ = 	snop  }
0x5: {  	_ = 	snop  }
0x6: {  	_ = 	snop  }
0x7: {  	_ = 	snop  }
__scs_overlays_trampoline_lowered:
0x8: {  	[smem:$0x3F9E] =	sst s0  }
0x9: {  	[smem:$0x3F9F] =	sst s1  }
0xa: {  	[smem:$0x3FA0] =	sst s2  }
0xb: {  	[smem:$0x3FA1] =	sst s3  }
0xc: {  	[smem:$0x3FA2] =	sst s4  }
0xd: {  	[smem:$0x3FA3] =	sst s5  }
0xe: {  	[smem:$0x3FA4] =	sst s6  }
0xf: {  	[smem:$0x3FA5] =	sst s7  }
0x10: {  	[smem:$0x3FA6] =	sst s8  }
0x11: {  	[smem:$0x3FA7] =	sst s9;
	s0 =	simm.s32 @!p0 $0x0  }
0x12: {  	s1 =	sld [smem:$0x3F8D];
	s0 =	simm.s32 @p0 $0x1  }
0x13: {  	[smem:$0x3FA8] =	sst s0;
	s0 =	simm.s32 @!p1 $0x0  }
0x14: {  	s2 =	sld [smem:$0x3F8C];
	s0 =	simm.s32 @p1 $0x1  }
0x15: {  	[smem:$0x3FA9] =	sst s0;
	s0 =	simm.s32 @!p2 $0x0  }
0x16: {  	s3 =	sld [smem:$0x3FDB];
	s0 =	simm.s32 @p2 $0x1  }
0x17: {  	s4 =	simm.s32 $0x1BF5;
	[smem:$0x3FAB] =	sst s0  }
0x18: {  	s0 =	sld [smem:$0x3F8E];
	_ =	swait.ge [sflag:s4], $0x0  }
0x19: {  	s7 =	sld [smem:$0x3F8F]  }
0x1a: {  	s8 =	sadd.s32 $0xFFFFE003, lr  }
0x1b: {  	s9 =	sadd.s32 $0xFFFFFEF7, lr;
	s5 =	simm.s32 $0xFFFFFFFF;
	p2 =	slt.u32 s8, $0xFFFFF086  }
0x1c: {  	p1 =	slt.u32 s9, $0xF7A;
	s5 =	simm.s32 @!p2 $0x0  }
0x1d: {  	s5 =	simm.s32 @p1 $0x1;
	p0 =	seq.s32 s7, s2  }
0x1e: {  	s7 =	smul.u32 @!p0 $0xF7A, s2;
	p2 =	seq.s32 @!p0 s5, $0x0  }
0x1f: {  	s9 =	smul.u32 $0xF7A, s1;
	s8 =	simm.s32 @!p0 $0x1BF5;
	p2 =	por !p2, p0  }
0x20: {  	[sflag:s8] =	ssyncset.s32 @!p0 $0xFFFFF086;
	s6 =	sadd.s32 @!p0 s3, s7;
	s7 =	simm.s32 @!p0 $0x108  }
0x21: {  	s3 =	sadd.s32 s3, s9;
	s6 =	sadd.s32 @!p0 $0x88, s6;
	s7 =	simm.s32 @p2 $0x1082  }
0x22: {  	[simem:s7], [sflag:s8] =	dma.local @!p0 [hbm:s6], $0xF7A  }
0x23: {  	s9 =	sor.u32 $0xD0000000, s2;
	s6 =	simm.s32 $0x108;
	_ =	swait.ge @!p0 [sflag:s8], $0x0  }
0x24: {  	s3 =	sadd.s32 $0x88, s3;
	s6 =	simm.s32 @!p1 $0x1082;
	[sflag:s4] =	ssyncset.s32 $0xFFFFF086  }
0x25: {  	[simem:s6], [sflag:s4] =	dma.local [hbm:s3], $0xF7A  }
0x26: {  	[smem:$0x3F8F] =	sst s1;
	(tag) =	ssettag s2;
	_ =	strace s9  }
0x27: {  	s1 =	sld [smem:$0x3F9F]  }
0x28: {  	s2 =	sld [smem:$0x3FA0]  }
0x29: {  	s4 =	sld [smem:$0x3FA2]  }
0x2a: {  	p0 =	seq.s32 s5, $0x0;
	s5 =	sld [smem:$0x3FA3]  }
0x2b: {  	s6 =	sld [smem:$0x3FA4]  }
0x2c: {  	s7 =	sld [smem:$0x3FA5]  }
0x2d: {  	s3 =	simm.s32 $0x108;
	s8 =	sld [smem:$0x3FA6]  }
0x2e: {  	s3 =	simm.s32 @!p0 $0x1082;
	s9 =	sld [smem:$0x3FA7]  }
0x2f: {  	lr =	sadd.s32 s0, s3;
	s0 =	sld [smem:$0x3F9E]  }
0x30: {  	s3 =	sld [smem:$0x3FA1]  }
0x31: {  	[smem:$0x3FAA] =	sst s10  }
0x32: {  	s10 =	sld [smem:$0x3FA8];
	_ =	sdelay $0x3  }
0x33: {  	p0 =	seq.s32 s10, $0x1;
	s10 =	sld [smem:$0x3FAA];
	_ =	sdelay $0x3  }
0x34: {  	[smem:$0x3FAA] =	sst s10  }
0x35: {  	s10 =	sld [smem:$0x3FA9];
	_ =	sdelay $0x3  }
0x36: {  	p1 =	seq.s32 s10, $0x1;
	s10 =	sld [smem:$0x3FAA];
	_ =	sdelay $0x3  }
0x37: {  	[smem:$0x3FAA] =	sst s10  }
0x38: {  	s10 =	sld [smem:$0x3FAB]  }
0x39: {  	_ = 	snop;
	(pc) =	sbr.ind lr, $3  }
0x3a: {  	_ = 	snop  }
0x3b: {  	_ = 	snop  }
0x3c: {  	p2 =	seq.s32 s10, $0x1;
	s10 =	sld [smem:$0x3FAA]  }
0x3d: {  	_ =	shalt  }
0x3e: {  	_ =	shalt  }
0x3f: {  	_ =	shalt  }
0x40: {  	_ =	shalt  }
0x41: {  	_ =	shalt  }
0x42: {  	_ =	shalt  }
0x43: {  	_ =	shalt  }
0x44: {  	_ =	shalt  }
0x45: {  	_ =	shalt  }
0x46: {  	_ =	shalt  }
0x47: {  	_ =	shalt  }
0x48: {  	_ =	shalt  }
0x49: {  	_ =	shalt  }
0x4a: {  	_ =	shalt  }
0x4b: {  	_ =	shalt  }
0x4c: {  	_ =	shalt  }
0x4d: {  	_ =	shalt  }
0x4e: {  	_ =	shalt  }
0x4f: {  	_ =	shalt  }
0x50: {  	_ =	shalt  }
0x51: {  	_ =	shalt  }
0x52: {  	_ =	shalt  }
0x53: {  	_ =	shalt  }
0x54: {  	_ =	shalt  }
0x55: {  	_ =	shalt  }
0x56: {  	_ =	shalt  }
0x57: {  	_ =	shalt  }
0x58: {  	_ =	shalt  }
0x59: {  	_ =	shalt  }
0x5a: {  	_ =	shalt  }
0x5b: {  	_ =	shalt  }
0x5c: {  	_ =	shalt  }
0x5d: {  	_ =	shalt  }
0x5e: {  	_ =	shalt  }
0x5f: {  	_ =	shalt  }
0x60: {  	_ =	shalt  }
0x61: {  	_ =	shalt  }
0x62: {  	_ =	shalt  }
0x63: {  	_ =	shalt  }
0x64: {  	_ =	shalt  }
0x65: {  	_ =	shalt  }
0x66: {  	_ =	shalt  }
0x67: {  	_ =	shalt  }
0x68: {  	_ =	shalt  }
0x69: {  	_ =	shalt  }
0x6a: {  	_ =	shalt  }
0x6b: {  	_ =	shalt  }
0x6c: {  	_ =	shalt  }
0x6d: {  	_ =	shalt  }
0x6e: {  	_ =	shalt  }
0x6f: {  	_ =	shalt  }
0x70: {  	_ =	shalt  }
0x71: {  	_ =	shalt  }
0x72: {  	_ =	shalt  }
0x73: {  	_ =	shalt  }
0x74: {  	_ =	shalt  }
0x75: {  	_ =	shalt  }
0x76: {  	_ =	shalt  }
0x77: {  	_ =	shalt  }
0x78: {  	_ =	shalt  }
0x79: {  	_ =	shalt  }
0x7a: {  	_ =	shalt  }
0x7b: {  	_ =	shalt  }
0x7c: {  	_ =	shalt  }
0x7d: {  	_ =	shalt  }
0x7e: {  	_ =	shalt  }
0x7f: {  	_ =	shalt  }
0x80: {  	_ =	shalt  }
0x81: {  	_ =	shalt  }
0x82: {  	_ =	shalt  }
0x83: {  	_ =	shalt  }
0x84: {  	_ =	shalt  }
0x85: {  	_ =	shalt  }
0x86: {  	_ =	shalt  }
0x87: {  	_ =	shalt  }
.Lfunc_end0:
.L_simem_size_0:
called_computation_lowered:
.L_overlay_start_0:
0x88: {  	s2 =	sld [smem:$0x3FD9]  }
0x89: {  	s3 =	sld [smem:$0x3FFE];
	_ =	sdelay $0x1  }
0x8a: {  	s1 =	srdreg.scid  }
0x8b: {  	s0 =	sand.u32 $0x1, s1  }
0x8c: {  	s17 =	sshll.u32 s0, $0xA;
	s2 =	sadd.s32 s3, s2  }
0x8d: {  	s2 =	sadd.s32 s2, s17  }
0x8e: {  	[smem:$0x3FB6] =	sst s2  }
0x8f: {  	_ = 	snop  }
0x90: {  	s18 =	sld [smem:$0x3FC5];
	(tm) =	ssettm $0x1  }
0x91: {  	s19 =	sld [smem:$0x3FFB];
	_ =	sdelay $0x3  }
0x92: {  	_ =	strace s19  }
0x93: {  	s2 =	sld [smem:$0x3FFC];
	_ =	sdelay $0x3  }
0x94: {  	_ =	strace s2  }
0x95: {  	s2 =	sld [smem:$0x3FFD];
	_ =	sdelay $0x3  }
0x96: {  	_ =	strace s2  }
0x97: {  	_ =	strace $0x8FFFFFFF  }
0x98: {  	s20 =	sld [smem:$0x3FDB];
	_ =	sdelay $0x1  }
0x99: {  	s4 =	simm.s32 $_scs_section_size  }
0x9a: {  	s5 =	simm.s32 $_size__tile_overlayer_lowered;
	s6 =	simm.s32 $_tile_overlayer_lowered  }
0x9b: {  	s7 =	simm.s32 $0x1BFF;
	s21 =	sshll.u32 s6, $0x1;
	s4 =	sadd.s32 s4, s20  }
0x9c: {  	s22 =	simm.s32 $0x0;
	s5 =	sshll.u32 s5, $0x1;
	s6 =	sadd.s32 s21, s4  }
0x9d: {  	[timem:s22], [sflag:s7] =	dma.local [hbm:s6], s5  }
0x9e: {  	_ =	swait.ge [sflag:s7], s5  }
0x9f: {  	s5 =	ssub.s32 $0x0, s5;
	[sflag:s7] =	ssyncset.done $0x0  }
0xa0: {  	[sflag:s7] =	ssyncadd.s32 s5;
	_ =	sdelay $0x1  }
0xa1: {  	s23 =	simm.s32 $0x1B8B  }
0xa2: {  	_ =	swait.ge [sflag:s23], $0x1  }
0xa3: {  	[sflag:s23] =	ssyncset.done $0x0  }
0xa4: {  	[sflag:s23] =	ssyncadd.s32 $0xFFFFFFFF  }
0xa5: {  	s5 =	sld [smem:$0x0]  }
0xa6: {  	s6 =	sand.u32 $0xFFFFFFFE, s1  }
0xa7: {  	p0 =	sne.s32 s1, s6  }
0xa8: {  	s6 =	sshll.u32 @p0 s6, $0xE  }
0xa9: {  	s6 =	sadd.s32 @p0 $0x11B8D, s6;
	s7 =	sshll.u32 @p0 s5, $0x11  }
0xaa: {  	s6 =	sor.u32 @p0 s7, s6  }
0xab: {  	[sflag:s6] =	ssyncadd.remote.s32 @p0 $0x1;
	_ =	sdelay $0x1  }
0xac: {  	s6 =	simm.s32 @p0 $0x1B8D  }
0xad: {  	_ =	swait.eq @p0 [sflag:s6], $0x1  }
0xae: {  	[sflag:s6] =	ssyncadd.s32 @p0 $0xFFFFFFFF  }
0xaf: {  	s7 =	sshll.u32 @!p0 s1, $0xE  }
0xb0: {  	s7 =	sor.u32 @!p0 $0x4000, s7;
	s6 =	simm.s32 @!p0 $0x1B8D  }
0xb1: {  	s5 =	sshll.u32 @!p0 s5, $0x11;
	s7 =	sadd.s32 @!p0 $0x11B8D, s7;
	_ =	swait.eq @!p0 [sflag:s6], $0x1  }
0xb2: {  	s5 =	sor.u32 @!p0 s5, s7;
	[sflag:s6] =	ssyncadd.s32 @!p0 $0xFFFFFFFF  }
0xb3: {  	s25 =	simm.s32 $0x1B8E;
	s24 =	sld [smem:$0x3FFE];
	[sflag:s5] =	ssyncadd.remote.s32 @!p0 $0x1  }
0xb4: {  	s26 =	simm.s32 $execute0_lowered;
	[smem:$0x3FD2] =	sst s25  }
0xb5: {  	s6 =	sshll.u32 s26, $0x1;
	_ =	strace $0x8000004C;
	[dreg:$0x1] =	wrdreg $0xFFFFFFFF  }
0xb6: {  	s28 =	simm.s32 $_size_execute0_lowered;
	s4 =	sadd.s32 s4, s6;
	[dreg:$0x0] =	wrdreg $0x0  }
0xb7: {  	s6 =	sshll.u32 s28, $0x1;
	[dreg:$0x2] =	wrdreg s4  }
0xb8: {  	[dreg:$0x3] =	wrdreg s6  }
0xb9: {  	[dreg:$0x4] =	wrdreg $0xC0  }
0xba: {  	_ =	task [dreg:s22], $0x5FFFF  }
0xbb: {  	[dreg:$0x1] =	wrdreg $0xFFFFFFFF  }
0xbc: {  	[dreg:$0x0] =	wrdreg $0x60  }
0xbd: {  	[dreg:$0x2] =	wrdreg s18  }
0xbe: {  	[dreg:$0x3] =	wrdreg s24  }
0xbf: {  	[dreg:$0x4] =	wrdreg $0x9  }
0xc0: {  	_ =	task.clear_ibuf [dreg:s22], $0x5FFFF;
	_ =	strace $0x9000004C  }
0xc1: {  	s29 =	simm.s32 $0x9;
	_ =	strace $0x8000004E  }
0xc2: {  	_ =	swait.ge [sflag:s29], $0x1  }
0xc3: {  	[sflag:s29] =	ssyncadd.s32 $0xFFFFFFFF  }
0xc4: {  	_ =	strace $0x9000004E  }
0xc5: {  	_ =	sfence  }
0xc6: {  	s30 =	sld [smem:$0x0];
	_ =	sdelay $0x2  }
0xc7: {  	s31 =	sshll.u32 s1, $0xD;
	s1 =	sshrl.u32 s1, $0x2  }
0xc8: {  	s4 =	sand.u32 $0x4000, s31;
	s1 =	sadd.s32 s1, s30  }
0xc9: {  	s0 =	sor.u32 s4, s0;
	s1 =	sshll.u32 s1, $0x11  }
0xca: {  	s0 =	sor.u32 s1, s0  }
0xcb: {  	s0 =	sadd.s32 $0x8F2B, s0  }
0xcc: {  	[sflag:s0] =	ssyncadd.remote.s32 $0x1  }
0xcd: {  	_ =	sfence.sel $0xFFFF  }
0xce: {  	[dreg:$0x0] =	wrdreg $0xFFFFFFFF;
	(pc) =	sbr.abs _section_cstart, $3  }
0xcf: {  	[dreg:$0x1] =	wrdreg $0xFFFFFFFF  }
0xd0: {  	_ =	task.clear_ibuf [dreg:s22], $0x2FFFF;
	_ =	strace $0x9FFFFFFF  }
0xd1: {  	(tm) =	ssettm $0x7FFFFFFF  }
tec
execute0_lowered:
.L_overlay_start_1:
0x0: {  	(tag) =	ssettag $0x1  }
0x1: {  	s1 =	srdreg.scid;
	s2 =	rddreg [dreg:$0x0]  }
0x2: {  	s0 =	stileid.u32;
	s4 =	rddreg [dreg:$0x1];
	s3 =	simm.s32 $0x0  }
0x3: {  	s14 =	simm.s32 $0x1C00;
	s15 =	simm.s32 $0x5C00;
	s16 =	simm.s32 $0x100  }
0x4: {  	s17 =	simm.s32 $0x9C00;
	s18 =	simm.s32 $0x180;
	s19 =	simm.s32 $0xDC00  }
0x5: {  	s20 =	simm.s32 $0x200;
	s21 =	simm.s32 $0x11C00;
	s22 =	simm.s32 $0x1  }
0x6: {  	s23 =	simm.s32 $0x2;
	s24 =	simm.s32 $0x3;
	s25 =	simm.s32 $0x4  }
0x7: {  	s28 =	simm.s32 $0x0;
	s6 =	sand.u32 $0x1, s1;
	s26 =	sshll.u32 s0, $0x1  }
0x8: {  	[smem:$0x7FF] =	sst s3;
	s9 =	sadd.s32 $0x61800, s4;
	s30 =	smul.u32 $0x32000, s0  }
0x9: {  	s5 =	sor.u32 s6, s26;
	_ =	strace $0x8000004D;
	s12 =	smul.u32 $0x19000, s6  }
0xa: {  	s8 =	ssub.s32 $0x2, s6;
	s26 =	simm.s32 $0x5;
	s7 =	smul.u32 $0x380, s5  }
0xb: {  	s5 =	smul.u32 $0xC8000, s5;
	s29 =	sshrl.u32 s8, $0x1;
	s13 =	sadd.s32 s30, s9  }
0xc: {  	s10 =	ssub.s32 s8, s29;
	s31 =	sadd.s32 s12, s13;
	s12 =	simm.s32 $0x6  }
0xd: {  	s13 =	simm.s32 $0x80;
	s7 =	sadd.s32 s7, s4;
	s5 =	sshrl.u32 s5, $0x3  }
0xe: {  	s10 =	smax.u32 s10, $0x1;
	s11 =	sadd.s32 s9, s5;
	s4 =	sadd.s32 $0x5A800, s7  }
0xf: {  	s5 =	sadd.s32 $0x16800, s11;
	s6 =	sadd.s32 $0x17000, s11;
	s7 =	sadd.s32 $0x17800, s11  }
0x10: {  	s8 =	sadd.s32 $0x18000, s11;
	s9 =	sadd.s32 $0x18800, s11;
	s11 =	sadd.s32 $0x2000, s31  }
.LBB2_1:
0x11: {  	[tilespmem:s3], [sflag:$0x6] =	stream.linear.gather [hbm4b:s4+s3], $0x1900, $0x38;
	[tilespmem:$0x15C00] =	vst v63  }
0x12: {  	_ =	swait.ge [sflag:s12], $0x1900  }
0x13: {  	[sflag:s12] =	ssyncset.done $0x0  }
0x14: {  	[sflag:s12] =	ssyncadd.s32 $0xFFFFE700  }
0x15: {  	[tilespmem:s14], [sflag:$0x1] =	stream.indirect.gather [hbm4b:s2+s13], $0x80, s3, s13, $0xb8;
	[tilespmem:$0x15C00] =	vst v63  }
0x16: {  	_ = 	snop  }
0x17: {  	[tilespmem:s15], [sflag:$0x2] =	stream.indirect.gather [hbm4b:s2+s13], $0x80, s13, s13, $0xb8;
	[tilespmem:$0x15C00] =	vst v63  }
0x18: {  	_ = 	snop  }
0x19: {  	[tilespmem:s17], [sflag:$0x3] =	stream.indirect.gather [hbm4b:s2+s13], $0x80, s16, s13, $0xb8;
	[tilespmem:$0x15C00] =	vst v63  }
0x1a: {  	_ = 	snop  }
0x1b: {  	[tilespmem:s19], [sflag:$0x4] =	stream.indirect.gather [hbm4b:s2+s13], $0x80, s18, s13, $0xb8;
	[tilespmem:$0x15C00] =	vst v63  }
0x1c: {  	_ = 	snop  }
0x1d: {  	[tilespmem:s21], [sflag:$0x5] =	stream.indirect.gather [hbm4b:s2+s13], $0x80, s20, s13, $0xb8;
	[tilespmem:$0x15C00] =	vst v63  }
0x1e: {  	_ =	swait.ge [sflag:s22], $0x4000  }
0x1f: {  	[sflag:s22] =	ssyncset.done $0x0  }
0x20: {  	s29 =	sadd.s32 $0xFFFFE000, s11;
	[sflag:s22] =	ssyncadd.s32 $0xFFFFC000  }
0x21: {  	[hbm4b:s29+s3] =	stream.linear.scatter [tilespmem:s14], [sflag:$0x6], $0x4000, $0x38;
	[tilespmem:$0x15C00] =	vst v63  }
0x22: {  	_ =	swait.ge [sflag:s12], $0x4000  }
0x23: {  	[sflag:s12] =	ssyncset.done $0x0  }
0x24: {  	s29 =	simm.s32 $0x280;
	[sflag:s12] =	ssyncadd.s32 $0xFFFFC000  }
0x25: {  	[tilespmem:s14], [sflag:$0x1] =	stream.indirect.gather [hbm4b:s2+s13], $0x80, s29, s13, $0xb8;
	[tilespmem:$0x15C00] =	vst v63  }
0x26: {  	_ =	swait.ge [sflag:s23], $0x4000  }
0x27: {  	[sflag:s23] =	ssyncset.done $0x0  }
0x28: {  	s29 =	sadd.s32 $0xFFFFE800, s11;
	[sflag:s23] =	ssyncadd.s32 $0xFFFFC000  }
0x29: {  	[hbm4b:s29+s3] =	stream.linear.scatter [tilespmem:s15], [sflag:$0x6], $0x4000, $0x38;
	[tilespmem:$0x15C00] =	vst v63  }
0x2a: {  	_ =	swait.ge [sflag:s12], $0x4000  }
0x2b: {  	[sflag:s12] =	ssyncset.done $0x0  }
0x2c: {  	s29 =	simm.s32 $0x300;
	[sflag:s12] =	ssyncadd.s32 $0xFFFFC000  }
0x2d: {  	[tilespmem:s15], [sflag:$0x2] =	stream.indirect.gather [hbm4b:s2+s13], $0x80, s29, s13, $0xb8;
	[tilespmem:$0x15C00] =	vst v63  }
0x2e: {  	_ =	swait.ge [sflag:s24], $0x4000  }
0x2f: {  	[sflag:s24] =	ssyncset.done $0x0  }
0x30: {  	s29 =	sadd.s32 $0xFFFFF000, s11;
	[sflag:s24] =	ssyncadd.s32 $0xFFFFC000  }
0x31: {  	[hbm4b:s29+s3] =	stream.linear.scatter [tilespmem:s17], [sflag:$0x6], $0x4000, $0x38;
	[tilespmem:$0x15C00] =	vst v63  }
0x32: {  	_ =	swait.ge [sflag:s12], $0x4000  }
0x33: {  	[sflag:s12] =	ssyncset.done $0x0  }
0x34: {  	s29 =	simm.s32 $0x380;
	[sflag:s12] =	ssyncadd.s32 $0xFFFFC000  }
0x35: {  	[tilespmem:s17], [sflag:$0x3] =	stream.indirect.gather [hbm4b:s2+s13], $0x80, s29, s13, $0xb8;
	[tilespmem:$0x15C00] =	vst v63  }
0x36: {  	_ =	swait.ge [sflag:s25], $0x4000  }
0x37: {  	[sflag:s25] =	ssyncset.done $0x0  }
0x38: {  	s29 =	sadd.s32 $0xFFFFF800, s11;
	[sflag:s25] =	ssyncadd.s32 $0xFFFFC000  }
0x39: {  	[hbm4b:s29+s3] =	stream.linear.scatter [tilespmem:s19], [sflag:$0x6], $0x4000, $0x38;
	[tilespmem:$0x15C00] =	vst v63  }
0x3a: {  	_ =	swait.ge [sflag:s12], $0x4000  }
0x3b: {  	[sflag:s12] =	ssyncset.done $0x0  }
0x3c: {  	s29 =	simm.s32 $0x400;
	[sflag:s12] =	ssyncadd.s32 $0xFFFFC000  }
0x3d: {  	[tilespmem:s19], [sflag:$0x4] =	stream.indirect.gather [hbm4b:s2+s13], $0x80, s29, s13, $0xb8;
	[tilespmem:$0x15C00] =	vst v63  }
0x3e: {  	_ =	swait.ge [sflag:s26], $0x4000  }
0x3f: {  	[sflag:s26] =	ssyncset.done $0x0  }
0x40: {  	[sflag:s26] =	ssyncadd.s32 $0xFFFFC000  }
0x41: {  	[hbm4b:s11+s3] =	stream.linear.scatter [tilespmem:s21], [sflag:$0x6], $0x4000, $0x38;
	[tilespmem:$0x15C00] =	vst v63  }
0x42: {  	_ =	swait.ge [sflag:s12], $0x4000  }
0x43: {  	s31 =	simm.s32 $0x480;
	[sflag:s12] =	ssyncset.done $0x0  }
0x44: {  	s30 =	sadd.s32 $0x2800, s11;
	s29 =	simm.s32 $0xA00;
	[sflag:s12] =	ssyncadd.s32 $0xFFFFC000  }
.LBB2_2:
0x45: {  	[tilespmem:s21], [sflag:$0x5] =	stream.indirect.gather [hbm4b:s2+s13], $0x80, s31, s13, $0xb8;
	[tilespmem:$0x15C00] =	vst v63  }
0x46: {  	s31 =	smov.u32 s29  }
0x47: {  	p0 =	sne.s32 s29, $0x5000;
	s29 =	sadd.s32 $0xA00, s29;
	_ =	swait.ge [sflag:s22], $0x4000  }
0x48: {  	[sflag:s22] =	ssyncset.done $0x0  }
0x49: {  	s1 =	sadd.s32 $0xFFFFE000, s30;
	[sflag:s22] =	ssyncadd.s32 $0xFFFFC000  }
0x4a: {  	[hbm4b:s1+s3] =	stream.linear.scatter [tilespmem:s14], [sflag:$0x6], $0x4000, $0x38;
	[tilespmem:$0x15C00] =	vst v63  }
0x4b: {  	_ =	swait.ge [sflag:s12], $0x4000  }
0x4c: {  	s31 =	sshra.s32 s31, $0x2;
	[sflag:s12] =	ssyncset.done $0x0  }
0x4d: {  	s1 =	sadd.s32 $0x280, s31;
	[sflag:s12] =	ssyncadd.s32 $0xFFFFC000  }
0x4e: {  	[tilespmem:s14], [sflag:$0x1] =	stream.indirect.gather [hbm4b:s2+s13], $0x80, s1, s13, $0xb8;
	[tilespmem:$0x15C00] =	vst v63  }
0x4f: {  	_ =	swait.ge [sflag:s23], $0x4000  }
0x50: {  	[sflag:s23] =	ssyncset.done $0x0  }
0x51: {  	s1 =	sadd.s32 $0xFFFFE800, s30;
	[sflag:s23] =	ssyncadd.s32 $0xFFFFC000  }
0x52: {  	[hbm4b:s1+s3] =	stream.linear.scatter [tilespmem:s15], [sflag:$0x6], $0x4000, $0x38;
	[tilespmem:$0x15C00] =	vst v63  }
0x53: {  	_ =	swait.ge [sflag:s12], $0x4000  }
0x54: {  	[sflag:s12] =	ssyncset.done $0x0  }
0x55: {  	s1 =	sadd.s32 $0x300, s31;
	[sflag:s12] =	ssyncadd.s32 $0xFFFFC000  }
0x56: {  	[tilespmem:s15], [sflag:$0x2] =	stream.indirect.gather [hbm4b:s2+s13], $0x80, s1, s13, $0xb8;
	[tilespmem:$0x15C00] =	vst v63  }
0x57: {  	_ =	swait.ge [sflag:s24], $0x4000  }
0x58: {  	[sflag:s24] =	ssyncset.done $0x0  }
0x59: {  	s1 =	sadd.s32 $0xFFFFF000, s30;
	[sflag:s24] =	ssyncadd.s32 $0xFFFFC000  }
0x5a: {  	[hbm4b:s1+s3] =	stream.linear.scatter [tilespmem:s17], [sflag:$0x6], $0x4000, $0x38;
	[tilespmem:$0x15C00] =	vst v63  }
0x5b: {  	_ =	swait.ge [sflag:s12], $0x4000  }
0x5c: {  	[sflag:s12] =	ssyncset.done $0x0  }
0x5d: {  	s1 =	sadd.s32 $0x380, s31;
	[sflag:s12] =	ssyncadd.s32 $0xFFFFC000  }
0x5e: {  	[tilespmem:s17], [sflag:$0x3] =	stream.indirect.gather [hbm4b:s2+s13], $0x80, s1, s13, $0xb8;
	[tilespmem:$0x15C00] =	vst v63  }
0x5f: {  	_ =	swait.ge [sflag:s25], $0x4000  }
0x60: {  	[sflag:s25] =	ssyncset.done $0x0  }
0x61: {  	s1 =	sadd.s32 $0xFFFFF800, s30;
	[sflag:s25] =	ssyncadd.s32 $0xFFFFC000  }
0x62: {  	[hbm4b:s1+s3] =	stream.linear.scatter [tilespmem:s19], [sflag:$0x6], $0x4000, $0x38;
	[tilespmem:$0x15C00] =	vst v63  }
0x63: {  	_ =	swait.ge [sflag:s12], $0x4000  }
0x64: {  	[sflag:s12] =	ssyncset.done $0x0  }
0x65: {  	s1 =	sadd.s32 $0x400, s31;
	[sflag:s12] =	ssyncadd.s32 $0xFFFFC000  }
0x66: {  	[tilespmem:s19], [sflag:$0x4] =	stream.indirect.gather [hbm4b:s2+s13], $0x80, s1, s13, $0xb8;
	[tilespmem:$0x15C00] =	vst v63  }
0x67: {  	_ =	swait.ge [sflag:s26], $0x4000  }
0x68: {  	[sflag:s26] =	ssyncset.done $0x0  }
.Ltmp0:
0x69: {  	[sflag:s26] =	ssyncadd.s32 $0xFFFFC000;
	(pc) =	sbr.rel @p0 .LBB2_2-.Ltmp0, $4  }
0x6a: {  	[hbm4b:s30+s3] =	stream.linear.scatter [tilespmem:s21], [sflag:$0x6], $0x4000, $0x38;
	[tilespmem:$0x15C00] =	vst v63  }
0x6b: {  	_ =	swait.ge [sflag:s12], $0x4000  }
0x6c: {  	[sflag:s12] =	ssyncset.done $0x0  }
0x6d: {  	s31 =	sadd.s32 $0x480, s31;
	s30 =	sadd.s32 $0x2800, s30;
	[sflag:s12] =	ssyncadd.s32 $0xFFFFC000  }
0x6e: {  	[tilespmem:s21], [sflag:$0x5] =	stream.indirect.gather [hbm4b:s2+s13], $0x80, s31, s13, $0xb8;
	[tilespmem:$0x15C00] =	vst v63  }
0x6f: {  	_ =	swait.ge [sflag:s22], $0x4000  }
0x70: {  	[sflag:s22] =	ssyncset.done $0x0  }
0x71: {  	[sflag:s22] =	ssyncadd.s32 $0xFFFFC000  }
0x72: {  	[hbm4b:s5+s3] =	stream.linear.scatter [tilespmem:s14], [sflag:$0x6], $0x4000, $0x38;
	[tilespmem:$0x15C00] =	vst v63  }
0x73: {  	_ =	swait.ge [sflag:s12], $0x4000  }
0x74: {  	[sflag:s12] =	ssyncset.done $0x0  }
0x75: {  	[sflag:s12] =	ssyncadd.s32 $0xFFFFC000  }
0x76: {  	_ =	swait.ge [sflag:s23], $0x4000  }
0x77: {  	[sflag:s23] =	ssyncset.done $0x0  }
0x78: {  	[sflag:s23] =	ssyncadd.s32 $0xFFFFC000  }
0x79: {  	[hbm4b:s6+s3] =	stream.linear.scatter [tilespmem:s15], [sflag:$0x6], $0x4000, $0x38;
	[tilespmem:$0x15C00] =	vst v63  }
0x7a: {  	_ =	swait.ge [sflag:s12], $0x4000  }
0x7b: {  	[sflag:s12] =	ssyncset.done $0x0  }
0x7c: {  	[sflag:s12] =	ssyncadd.s32 $0xFFFFC000  }
0x7d: {  	_ =	swait.ge [sflag:s24], $0x4000  }
0x7e: {  	[sflag:s24] =	ssyncset.done $0x0  }
0x7f: {  	[sflag:s24] =	ssyncadd.s32 $0xFFFFC000  }
0x80: {  	[hbm4b:s7+s3] =	stream.linear.scatter [tilespmem:s17], [sflag:$0x6], $0x4000, $0x38;
	[tilespmem:$0x15C00] =	vst v63  }
0x81: {  	_ =	swait.ge [sflag:s12], $0x4000  }
0x82: {  	[sflag:s12] =	ssyncset.done $0x0  }
0x83: {  	[sflag:s12] =	ssyncadd.s32 $0xFFFFC000  }
0x84: {  	_ =	swait.ge [sflag:s25], $0x4000  }
0x85: {  	[sflag:s25] =	ssyncset.done $0x0  }
0x86: {  	[sflag:s25] =	ssyncadd.s32 $0xFFFFC000  }
0x87: {  	[hbm4b:s8+s3] =	stream.linear.scatter [tilespmem:s19], [sflag:$0x6], $0x4000, $0x38;
	[tilespmem:$0x15C00] =	vst v63  }
0x88: {  	_ =	swait.ge [sflag:s12], $0x4000  }
0x89: {  	[sflag:s12] =	ssyncset.done $0x0  }
0x8a: {  	[sflag:s12] =	ssyncadd.s32 $0xFFFFC000  }
0x8b: {  	s28 =	sadd.s32 $0x1, s28;
	_ =	swait.ge [sflag:s26], $0x4000  }
0x8c: {  	p0 =	sne.s32 s28, s10;
	[sflag:s26] =	ssyncset.done $0x0  }
.Ltmp1:
0x8d: {  	[sflag:s26] =	ssyncadd.s32 $0xFFFFC000;
	(pc) =	sbr.rel @p0 .LBB2_1-.Ltmp1, $4  }
0x8e: {  	[hbm4b:s9+s3] =	stream.linear.scatter [tilespmem:s21], [sflag:$0x6], $0x4000, $0x38;
	[tilespmem:$0x15C00] =	vst v63  }
0x8f: {  	_ =	swait.ge [sflag:s12], $0x4000  }
0x90: {  	[sflag:s12] =	ssyncset.done $0x0  }
0x91: {  	[sflag:s12] =	ssyncadd.s32 $0xFFFFC000  }
0x92: {  	_ =	sfence.sel $0x180000  }
0x93: {  	[bflag:$0x0] =	sbarrier.arrive $0xFFFF  }
0x94: {  	_ =	strace $0x9000004D  }
0x95: {  	[bflag:$0x2] =	sbarrier.arrive $0xFFFF  }
0x96: {  	p0 =	sne.s32 s0, $0x0;
	s0 =	rddreg [dreg:$0x2]  }
0x97: {  	s0 =	sadd.s32 @!p0 $0x100000, s0  }
0x98: {  	[sflag:s0] =	ssyncadd.tile.s32 @!p0 $0x1;
	_ =	shalt  }
.Lfunc_end2:
_tile_overlayer_lowered:
.L_overlay_start_2:
0x99: {  	(tag) =	ssettag $0x2  }
0x9a: {  	s0 =	rddreg [dreg:$0x0];
	s2 =	stileid.u32  }
0x9b: {  	s1 =	rddreg [dreg:$0x1];
	p0 =	sne.s32 s2, $0x0  }
0x9c: {  	s3 =	rddreg [dreg:$0x2];
	[bflag:$0x3] =	sbarrier.arrive $0xFFFF;
	s2 =	simm.s32 @!p0 $0x1C06  }
0x9d: {  	[timem:s3], [sflag:s2] =	dma.local @!p0 [hbm:s0], s1  }
0x9e: {  	s0 =	simm.s32 @!p0 $0x6  }
0x9f: {  	_ =	swait.ge @!p0 [sflag:s0], s1  }
0xa0: {  	s1 =	ssub.s32 @!p0 $0x0, s1;
	[sflag:s0] =	ssyncset.done @!p0 $0x0  }
0xa1: {  	[sflag:s0] =	ssyncadd.s32 @!p0 s1  }
0xa2: {  	[bflag:$0x3] =	sbarrier.arrive $0xFFFF  }
0xa3: {  	_ =	shalt  }

</sc_bundles>
